<compile_context>
chip_gen: v7x
topology: tpu7x:2x2x1
jax: 0.10.2.dev20260603
libtpu: 0.0.44.dev20260713+nightly
codegen_flags: <defaults>
</compile_context>

<pallas_src>
import functools
import math

import jax
import jax.numpy as jnp
from jax import lax
from jax.experimental import pallas as pl
from jax.experimental.pallas import tpu as pltpu
from jax.experimental.pallas import tpu_sc as plsc

D_MODEL = 64
SCALE = math.sqrt(D_MODEL)

NUM_WORKERS = 32
BLK = 128
LANES = 16
PAIR = 2 * D_MODEL
NBUF = 4


def _make_kernel(seq, batch):
    n_blocks_total = seq * (batch // BLK)
    npw = n_blocks_total // NUM_WORKERS
    bch = batch // BLK
    mesh = plsc.VectorSubcoreMesh(core_axis_name="c", subcore_axis_name="s")

    @functools.partial(
        pl.kernel,
        out_type=jax.ShapeDtypeStruct((seq, D_MODEL, batch), jnp.float32),
        mesh=mesh,
        scratch_types=[
            pltpu.VMEM((NBUF, BLK), jnp.int32),
            pltpu.VMEM((NBUF, BLK), jnp.int32),
            pltpu.VMEM((NBUF, BLK, PAIR), jnp.float32),
            pltpu.VMEM((NBUF, D_MODEL, BLK), jnp.float32),
            pltpu.SemaphoreType.DMA,
            pltpu.SemaphoreType.DMA,
            pltpu.SemaphoreType.DMA,
        ],
        compiler_params=pltpu.CompilerParams(
            use_tc_tiling_on_sc=True, needs_layout_passes=False),
    )
    def emb(xp_hbm, xo_hbm, tab2_hbm, out_hbm, idx_v, off_v, pair_v, out_v,
            isem, gsem, ssem):
        cid = lax.axis_index("c")
        sid = lax.axis_index("s")
        wid = sid * 2 + cid
        iota = lax.iota(jnp.int32, LANES)

        def coords(t):
            blk = wid * npw + t
            return blk // bch, (blk % bch) * BLK

        def idx_start(t, b):
            s, b0 = coords(t)
            pltpu.async_copy(xp_hbm.at[s, pl.ds(b0, BLK)], idx_v.at[b], isem)
            pltpu.async_copy(xo_hbm.at[s, pl.ds(b0, BLK)], off_v.at[b], isem)

        def idx_wait(t, b):
            s, b0 = coords(t)
            pltpu.make_async_copy(
                xp_hbm.at[s, pl.ds(b0, BLK)], idx_v.at[b], isem).wait()
            pltpu.make_async_copy(
                xo_hbm.at[s, pl.ds(b0, BLK)], off_v.at[b], isem).wait()

        def gat_start(b):
            pltpu.async_copy(tab2_hbm.at[idx_v.at[b]], pair_v.at[b], gsem)

        def gat_wait(b):
            pltpu.make_async_copy(
                tab2_hbm.at[idx_v.at[b]], pair_v.at[b], gsem).wait()

        def st_start(t, b):
            s, b0 = coords(t)
            pltpu.async_copy(
                out_v.at[b], out_hbm.at[s, :, pl.ds(b0, BLK)], ssem)

        def st_wait(t, b):
            s, b0 = coords(t)
            pltpu.make_async_copy(
                out_v.at[b], out_hbm.at[s, :, pl.ds(b0, BLK)], ssem).wait()

        def compute(b):
            def r_body(r8, c):
                r0 = r8 * LANES
                rows = r0 + iota
                offs = off_v[b, pl.ds(r0, LANES)]
                for d0 in range(0, D_MODEL, LANES):
                    for k in range(LANES):
                        dperm = d0 + ((iota + k) & (LANES - 1))
                        vals = plsc.load_gather(
                            pair_v.at[b], [rows, offs + dperm])
                        plsc.store_scatter(
                            out_v.at[b], [dperm, rows], vals * SCALE)
                return c

            lax.fori_loop(0, BLK // LANES, r_body, 0)

        for t in range(NBUF):
            idx_start(t, t)
        for t in range(NBUF - 1):
            idx_wait(t, t)
            gat_start(t)

        def step(t, carry):
            b = t % NBUF
            gat_wait(b)
            @pl.when(t + NBUF - 1 < npw)
            def _():
                bn = (t + NBUF - 1) % NBUF
                idx_wait(t + NBUF - 1, bn)
                gat_start(bn)
            @pl.when(t >= NBUF)
            def _():
                st_wait(t - NBUF, b)
            compute(b)
            @pl.when(t + NBUF < npw)
            def _():
                idx_start(t + NBUF, b)
            st_start(t, b)
            return carry

        lax.fori_loop(0, npw, step, 0)
        for t in range(npw - NBUF, npw):
            st_wait(t, t % NBUF)

    return emb


def kernel(x, table):
    b, s = x.shape
    xt = jnp.transpose(x)
    xp = jnp.right_shift(xt, 1)
    xo = (xt & 1) * D_MODEL
    tab2 = table.reshape(table.shape[0] // 2, PAIR)
    outp = _make_kernel(s, b)(xp, xo, tab2)
    return jnp.transpose(outp, (2, 0, 1))

# --- scband reference (transcript-rebuilt; emitter-appended) ---
"""Pipeline reference for scband-embedding-60078002536461 (READ-ONLY COPY).

The authoritative reference and input builder live on the scoring server;
editing this copy changes nothing except your own understanding.
"""

import jax, jax.numpy as jnp
import numpy as np
import math

VOCAB = 1000000
D_MODEL = 64

def setup_inputs(seed: int = 0) -> dict:
    key = jax.random.key(seed)
    k1, k2 = jax.random.split(key)
    x = jax.random.randint(k1, (4096, 200), 0, VOCAB, dtype=jnp.int32)
    table = jax.random.normal(k2, (VOCAB, D_MODEL), dtype=jnp.float32)
    # padding_idx=0 -> padding row is zeros
    table = table.at[0].set(0.0)
    return {"x": x, "table": table}

def reference(x, table):
    # Embedding lookup (gather) scaled by sqrt(d_model)
    out = jnp.take(table, x, axis=0) * math.sqrt(D_MODEL)
    return out

if __name__ == "__main__":
    import jax
    _d = setup_inputs()
    print(jax.jit(kernel)(*tuple(_d.values())))

</pallas_src>

<mosaic_0001>
#map = affine_map<(d0, d1) -> (0, 0)>
#map1 = affine_map<(d0, d1) -> (0, 0, 0)>
module attributes {stable_mosaic.version = 14 : i64} {
  func.func @emb(%arg0: i32, %arg1: i32, %arg2: memref<200x4096xi32, #tpu.memory_space<hbm>>, %arg3: memref<200x4096xi32, #tpu.memory_space<hbm>>, %arg4: memref<500000x128xf32, #tpu.memory_space<hbm>>, %arg5: memref<200x64x4096xf32, #tpu.memory_space<hbm>>, %arg6: memref<4x128xi32, #tpu.memory_space<vmem>>, %arg7: memref<4x128xi32, #tpu.memory_space<vmem>>, %arg8: memref<4x128x128xf32, #tpu.memory_space<vmem>>, %arg9: memref<4x64x128xf32, #tpu.memory_space<vmem>>, %arg10: memref<!tpu.dma_semaphore, #tpu.memory_space<semaphore_mem>>, %arg11: memref<!tpu.dma_semaphore, #tpu.memory_space<semaphore_mem>>, %arg12: memref<!tpu.dma_semaphore, #tpu.memory_space<semaphore_mem>>) attributes {dimension_semantics = [#tpu.dimension_semantics<core_parallel>, #tpu.dimension_semantics<subcore_parallel>], iteration_bounds = array<i64: 2, 16>, scalar_prefetch = 0 : i64, scratch_operands = 7 : i64, tpu.core_type = #tpu.core_type<sc_vector_subcore>, window_params = [{transform_indices = #map}, {transform_indices = #map}, {transform_indices = #map}, {transform_indices = #map1}]} {
    %mul3A = arith.constant 2 : i32
    %mul3A_0 = arith.muli %arg1, %mul3A : i32
    %add3A = arith.addi %mul3A_0, %arg0 : i32
    %iota3A = tpu.iota {dimensions = array<i32: 0>} : vector<16xi32>
    %mul3A_1 = arith.constant 200 : i32
    %mul3A_2 = arith.muli %add3A, %mul3A_1 : i32
    %add3A_3 = arith.constant 0 : i32
    %add3A_4 = arith.addi %mul3A_2, %add3A_3 : i32
    %jit3A = arith.constant 32 : i32
    %div3A = arith.divsi %add3A_4, %jit3A : i32
    %sign3A = arith.constant 0 : i32
    %sign3A_5 = arith.cmpi sgt, %add3A_4, %sign3A : i32
    %sign3A_6 = arith.extui %sign3A_5 : i1 to i32
    %sign3A_7 = arith.constant 0 : i32
    %sign3A_8 = arith.cmpi slt, %add3A_4, %sign3A_7 : i32
    %sign3A_9 = arith.extui %sign3A_8 : i1 to i32
    %sign3A_10 = arith.subi %sign3A_6, %sign3A_9 : i32
    %sign3A_11 = arith.constant 0 : i32
    %sign3A_12 = arith.cmpi sgt, %jit3A, %sign3A_11 : i32
    %sign3A_13 = arith.extui %sign3A_12 : i1 to i32
    %sign3A_14 = arith.constant 0 : i32
    %sign3A_15 = arith.cmpi slt, %jit3A, %sign3A_14 : i32
    %sign3A_16 = arith.extui %sign3A_15 : i1 to i32
    %sign3A_17 = arith.subi %sign3A_13, %sign3A_16 : i32
    %ne3A = arith.cmpi ne, %sign3A_10, %sign3A_17 : i32
    %rem3A = arith.remsi %add3A_4, %jit3A : i32
    %ne3A_18 = arith.constant 0 : i32
    %ne3A_19 = arith.cmpi ne, %rem3A, %ne3A_18 : i32
    %and3A = arith.andi %ne3A, %ne3A_19 : i1
    %sub3A = arith.constant 1 : i32
    %sub3A_20 = arith.subi %div3A, %sub3A : i32
    %select_n3A = arith.select %and3A, %sub3A_20, %div3A : i32
    %jit3A_21 = arith.constant 32 : i32
    %eq3A = arith.constant 0 : i32
    %eq3A_22 = arith.cmpi eq, %jit3A_21, %eq3A : i32
    %jit3A_23 = arith.constant 1 : i32
    %select_n3A_24 = arith.select %eq3A_22, %jit3A_23, %jit3A_21 : i32
    %rem3A_25 = arith.remsi %add3A_4, %select_n3A_24 : i32
    %ne3A_26 = arith.constant 0 : i32
    %ne3A_27 = arith.cmpi ne, %rem3A_25, %ne3A_26 : i32
    %lt3A = arith.constant 0 : i32
    %lt3A_28 = arith.cmpi slt, %rem3A_25, %lt3A : i32
    %lt3A_29 = arith.constant 0 : i32
    %lt3A_30 = arith.cmpi slt, %select_n3A_24, %lt3A_29 : i32
    %ne3A_31 = arith.xori %lt3A_28, %lt3A_30 : i1
    %and3A_32 = arith.andi %ne3A_31, %ne3A_27 : i1
    %add3A_33 = arith.addi %rem3A_25, %select_n3A_24 : i32
    %select_n3A_34 = arith.select %and3A_32, %add3A_33, %rem3A_25 : i32
    %mul3A_35 = arith.constant 128 : i32
    %mul3A_36 = arith.muli %select_n3A_34, %mul3A_35 : i32
    %dma_start3A = arith.constant 0 : i32
    %dma_start3A_37 = arith.constant 0 : i32
    %dma_start3A_38 = tpu.memref_slice %arg6[%dma_start3A, %dma_start3A_37] : memref<4x128xi32, #tpu.memory_space<vmem>> -> memref<1x128xi32, #tpu.memory_space<vmem>>
    %dma_start3A_39 = tpu.memref_squeeze %dma_start3A_38 : memref<1x128xi32, #tpu.memory_space<vmem>> -> memref<128xi32, #tpu.memory_space<vmem>>
    %dma_start3A_40 = tpu.memref_slice %arg2[%select_n3A, %mul3A_36] : memref<200x4096xi32, #tpu.memory_space<hbm>> -> memref<1x128xi32, #tpu.memory_space<hbm>>
    %dma_start3A_41 = tpu.memref_squeeze %dma_start3A_40 : memref<1x128xi32, #tpu.memory_space<hbm>> -> memref<128xi32, #tpu.memory_space<hbm>>
    %dma_start3A_42 = arith.constant 0 : i32
    %dma_start3A_43 = tpu.memref_slice %arg6[%dma_start3A, %dma_start3A_42] : memref<4x128xi32, #tpu.memory_space<vmem>> -> memref<1x128xi32, #tpu.memory_space<vmem>>
    %dma_start3A_44 = tpu.memref_squeeze %dma_start3A_43 : memref<1x128xi32, #tpu.memory_space<vmem>> -> memref<128xi32, #tpu.memory_space<vmem>>
    %dma_start3A_45 = tpu.memref_slice %arg2[%select_n3A, %mul3A_36] : memref<200x4096xi32, #tpu.memory_space<hbm>> -> memref<1x128xi32, #tpu.memory_space<hbm>>
    %dma_start3A_46 = tpu.memref_squeeze %dma_start3A_45 : memref<1x128xi32, #tpu.memory_space<hbm>> -> memref<128xi32, #tpu.memory_space<hbm>>
    tpu.enqueue_dma source(%dma_start3A_46 : memref<128xi32, #tpu.memory_space<hbm>>) target(%dma_start3A_44 : memref<128xi32, #tpu.memory_space<vmem>>) target_semaphore(%arg10 : memref<!tpu.dma_semaphore, #tpu.memory_space<semaphore_mem>>)
    %dma_start3A_47 = arith.constant 0 : i32
    %dma_start3A_48 = arith.constant 0 : i32
    %dma_start3A_49 = tpu.memref_slice %arg7[%dma_start3A_47, %dma_start3A_48] : memref<4x128xi32, #tpu.memory_space<vmem>> -> memref<1x128xi32, #tpu.memory_space<vmem>>
    %dma_start3A_50 = tpu.memref_squeeze %dma_start3A_49 : memref<1x128xi32, #tpu.memory_space<vmem>> -> memref<128xi32, #tpu.memory_space<vmem>>
    %dma_start3A_51 = tpu.memref_slice %arg3[%select_n3A, %mul3A_36] : memref<200x4096xi32, #tpu.memory_space<hbm>> -> memref<1x128xi32, #tpu.memory_space<hbm>>
    %dma_start3A_52 = tpu.memref_squeeze %dma_start3A_51 : memref<1x128xi32, #tpu.memory_space<hbm>> -> memref<128xi32, #tpu.memory_space<hbm>>
    %dma_start3A_53 = arith.constant 0 : i32
    %dma_start3A_54 = tpu.memref_slice %arg7[%dma_start3A_47, %dma_start3A_53] : memref<4x128xi32, #tpu.memory_space<vmem>> -> memref<1x128xi32, #tpu.memory_space<vmem>>
    %dma_start3A_55 = tpu.memref_squeeze %dma_start3A_54 : memref<1x128xi32, #tpu.memory_space<vmem>> -> memref<128xi32, #tpu.memory_space<vmem>>
    %dma_start3A_56 = tpu.memref_slice %arg3[%select_n3A, %mul3A_36] : memref<200x4096xi32, #tpu.memory_space<hbm>> -> memref<1x128xi32, #tpu.memory_space<hbm>>
    %dma_start3A_57 = tpu.memref_squeeze %dma_start3A_56 : memref<1x128xi32, #tpu.memory_space<hbm>> -> memref<128xi32, #tpu.memory_space<hbm>>
    tpu.enqueue_dma source(%dma_start3A_57 : memref<128xi32, #tpu.memory_space<hbm>>) target(%dma_start3A_55 : memref<128xi32, #tpu.memory_space<vmem>>) target_semaphore(%arg10 : memref<!tpu.dma_semaphore, #tpu.memory_space<semaphore_mem>>)
    %mul3A_58 = arith.constant 200 : i32
    %mul3A_59 = arith.muli %add3A, %mul3A_58 : i32
    %add3A_60 = arith.constant 1 : i32
    %add3A_61 = arith.addi %mul3A_59, %add3A_60 : i32
    %jit3A_62 = arith.constant 32 : i32
    %div3A_63 = arith.divsi %add3A_61, %jit3A_62 : i32
    %sign3A_64 = arith.constant 0 : i32
    %sign3A_65 = arith.cmpi sgt, %add3A_61, %sign3A_64 : i32
    %sign3A_66 = arith.extui %sign3A_65 : i1 to i32
    %sign3A_67 = arith.constant 0 : i32
    %sign3A_68 = arith.cmpi slt, %add3A_61, %sign3A_67 : i32
    %sign3A_69 = arith.extui %sign3A_68 : i1 to i32
    %sign3A_70 = arith.subi %sign3A_66, %sign3A_69 : i32
    %sign3A_71 = arith.constant 0 : i32
    %sign3A_72 = arith.cmpi sgt, %jit3A_62, %sign3A_71 : i32
    %sign3A_73 = arith.extui %sign3A_72 : i1 to i32
    %sign3A_74 = arith.constant 0 : i32
    %sign3A_75 = arith.cmpi slt, %jit3A_62, %sign3A_74 : i32
    %sign3A_76 = arith.extui %sign3A_75 : i1 to i32
    %sign3A_77 = arith.subi %sign3A_73, %sign3A_76 : i32
    %ne3A_78 = arith.cmpi ne, %sign3A_70, %sign3A_77 : i32
    %rem3A_79 = arith.remsi %add3A_61, %jit3A_62 : i32
    %ne3A_80 = arith.constant 0 : i32
    %ne3A_81 = arith.cmpi ne, %rem3A_79, %ne3A_80 : i32
    %and3A_82 = arith.andi %ne3A_78, %ne3A_81 : i1
    %sub3A_83 = arith.constant 1 : i32
    %sub3A_84 = arith.subi %div3A_63, %sub3A_83 : i32
    %select_n3A_85 = arith.select %and3A_82, %sub3A_84, %div3A_63 : i32
    %jit3A_86 = arith.constant 32 : i32
    %eq3A_87 = arith.constant 0 : i32
    %eq3A_88 = arith.cmpi eq, %jit3A_86, %eq3A_87 : i32
    %jit3A_89 = arith.constant 1 : i32
    %select_n3A_90 = arith.select %eq3A_88, %jit3A_89, %jit3A_86 : i32
    %rem3A_91 = arith.remsi %add3A_61, %select_n3A_90 : i32
    %ne3A_92 = arith.constant 0 : i32
    %ne3A_93 = arith.cmpi ne, %rem3A_91, %ne3A_92 : i32
    %lt3A_94 = arith.constant 0 : i32
    %lt3A_95 = arith.cmpi slt, %rem3A_91, %lt3A_94 : i32
    %lt3A_96 = arith.constant 0 : i32
    %lt3A_97 = arith.cmpi slt, %select_n3A_90, %lt3A_96 : i32
    %ne3A_98 = arith.xori %lt3A_95, %lt3A_97 : i1
    %and3A_99 = arith.andi %ne3A_98, %ne3A_93 : i1
    %add3A_100 = arith.addi %rem3A_91, %select_n3A_90 : i32
    %select_n3A_101 = arith.select %and3A_99, %add3A_100, %rem3A_91 : i32
    %mul3A_102 = arith.constant 128 : i32
    %mul3A_103 = arith.muli %select_n3A_101, %mul3A_102 : i32
    %dma_start3A_104 = arith.constant 1 : i32
    %dma_start3A_105 = arith.constant 0 : i32
    %dma_start3A_106 = tpu.memref_slice %arg6[%dma_start3A_104, %dma_start3A_105] : memref<4x128xi32, #tpu.memory_space<vmem>> -> memref<1x128xi32, #tpu.memory_space<vmem>>
    %dma_start3A_107 = tpu.memref_squeeze %dma_start3A_106 : memref<1x128xi32, #tpu.memory_space<vmem>> -> memref<128xi32, #tpu.memory_space<vmem>>
    %dma_start3A_108 = tpu.memref_slice %arg2[%select_n3A_85, %mul3A_103] : memref<200x4096xi32, #tpu.memory_space<hbm>> -> memref<1x128xi32, #tpu.memory_space<hbm>>
    %dma_start3A_109 = tpu.memref_squeeze %dma_start3A_108 : memref<1x128xi32, #tpu.memory_space<hbm>> -> memref<128xi32, #tpu.memory_space<hbm>>
    %dma_start3A_110 = arith.constant 0 : i32
    %dma_start3A_111 = tpu.memref_slice %arg6[%dma_start3A_104, %dma_start3A_110] : memref<4x128xi32, #tpu.memory_space<vmem>> -> memref<1x128xi32, #tpu.memory_space<vmem>>
    %dma_start3A_112 = tpu.memref_squeeze %dma_start3A_111 : memref<1x128xi32, #tpu.memory_space<vmem>> -> memref<128xi32, #tpu.memory_space<vmem>>
    %dma_start3A_113 = tpu.memref_slice %arg2[%select_n3A_85, %mul3A_103] : memref<200x4096xi32, #tpu.memory_space<hbm>> -> memref<1x128xi32, #tpu.memory_space<hbm>>
    %dma_start3A_114 = tpu.memref_squeeze %dma_start3A_113 : memref<1x128xi32, #tpu.memory_space<hbm>> -> memref<128xi32, #tpu.memory_space<hbm>>
    tpu.enqueue_dma source(%dma_start3A_114 : memref<128xi32, #tpu.memory_space<hbm>>) target(%dma_start3A_112 : memref<128xi32, #tpu.memory_space<vmem>>) target_semaphore(%arg10 : memref<!tpu.dma_semaphore, #tpu.memory_space<semaphore_mem>>)
    %dma_start3A_115 = arith.constant 1 : i32
    %dma_start3A_116 = arith.constant 0 : i32
    %dma_start3A_117 = tpu.memref_slice %arg7[%dma_start3A_115, %dma_start3A_116] : memref<4x128xi32, #tpu.memory_space<vmem>> -> memref<1x128xi32, #tpu.memory_space<vmem>>
    %dma_start3A_118 = tpu.memref_squeeze %dma_start3A_117 : memref<1x128xi32, #tpu.memory_space<vmem>> -> memref<128xi32, #tpu.memory_space<vmem>>
    %dma_start3A_119 = tpu.memref_slice %arg3[%select_n3A_85, %mul3A_103] : memref<200x4096xi32, #tpu.memory_space<hbm>> -> memref<1x128xi32, #tpu.memory_space<hbm>>
    %dma_start3A_120 = tpu.memref_squeeze %dma_start3A_119 : memref<1x128xi32, #tpu.memory_space<hbm>> -> memref<128xi32, #tpu.memory_space<hbm>>
    %dma_start3A_121 = arith.constant 0 : i32
    %dma_start3A_122 = tpu.memref_slice %arg7[%dma_start3A_115, %dma_start3A_121] : memref<4x128xi32, #tpu.memory_space<vmem>> -> memref<1x128xi32, #tpu.memory_space<vmem>>
    %dma_start3A_123 = tpu.memref_squeeze %dma_start3A_122 : memref<1x128xi32, #tpu.memory_space<vmem>> -> memref<128xi32, #tpu.memory_space<vmem>>
    %dma_start3A_124 = tpu.memref_slice %arg3[%select_n3A_85, %mul3A_103] : memref<200x4096xi32, #tpu.memory_space<hbm>> -> memref<1x128xi32, #tpu.memory_space<hbm>>
    %dma_start3A_125 = tpu.memref_squeeze %dma_start3A_124 : memref<1x128xi32, #tpu.memory_space<hbm>> -> memref<128xi32, #tpu.memory_space<hbm>>
    tpu.enqueue_dma source(%dma_start3A_125 : memref<128xi32, #tpu.memory_space<hbm>>) target(%dma_start3A_123 : memref<128xi32, #tpu.memory_space<vmem>>) target_semaphore(%arg10 : memref<!tpu.dma_semaphore, #tpu.memory_space<semaphore_mem>>)
    %mul3A_126 = arith.constant 200 : i32
    %mul3A_127 = arith.muli %add3A, %mul3A_126 : i32
    %add3A_128 = arith.constant 2 : i32
    %add3A_129 = arith.addi %mul3A_127, %add3A_128 : i32
    %jit3A_130 = arith.constant 32 : i32
    %div3A_131 = arith.divsi %add3A_129, %jit3A_130 : i32
    %sign3A_132 = arith.constant 0 : i32
    %sign3A_133 = arith.cmpi sgt, %add3A_129, %sign3A_132 : i32
    %sign3A_134 = arith.extui %sign3A_133 : i1 to i32
    %sign3A_135 = arith.constant 0 : i32
    %sign3A_136 = arith.cmpi slt, %add3A_129, %sign3A_135 : i32
    %sign3A_137 = arith.extui %sign3A_136 : i1 to i32
    %sign3A_138 = arith.subi %sign3A_134, %sign3A_137 : i32
    %sign3A_139 = arith.constant 0 : i32
    %sign3A_140 = arith.cmpi sgt, %jit3A_130, %sign3A_139 : i32
    %sign3A_141 = arith.extui %sign3A_140 : i1 to i32
    %sign3A_142 = arith.constant 0 : i32
    %sign3A_143 = arith.cmpi slt, %jit3A_130, %sign3A_142 : i32
    %sign3A_144 = arith.extui %sign3A_143 : i1 to i32
    %sign3A_145 = arith.subi %sign3A_141, %sign3A_144 : i32
    %ne3A_146 = arith.cmpi ne, %sign3A_138, %sign3A_145 : i32
    %rem3A_147 = arith.remsi %add3A_129, %jit3A_130 : i32
    %ne3A_148 = arith.constant 0 : i32
    %ne3A_149 = arith.cmpi ne, %rem3A_147, %ne3A_148 : i32
    %and3A_150 = arith.andi %ne3A_146, %ne3A_149 : i1
    %sub3A_151 = arith.constant 1 : i32
    %sub3A_152 = arith.subi %div3A_131, %sub3A_151 : i32
    %select_n3A_153 = arith.select %and3A_150, %sub3A_152, %div3A_131 : i32
    %jit3A_154 = arith.constant 32 : i32
    %eq3A_155 = arith.constant 0 : i32
    %eq3A_156 = arith.cmpi eq, %jit3A_154, %eq3A_155 : i32
    %jit3A_157 = arith.constant 1 : i32
    %select_n3A_158 = arith.select %eq3A_156, %jit3A_157, %jit3A_154 : i32
    %rem3A_159 = arith.remsi %add3A_129, %select_n3A_158 : i32
    %ne3A_160 = arith.constant 0 : i32
    %ne3A_161 = arith.cmpi ne, %rem3A_159, %ne3A_160 : i32
    %lt3A_162 = arith.constant 0 : i32
    %lt3A_163 = arith.cmpi slt, %rem3A_159, %lt3A_162 : i32
    %lt3A_164 = arith.constant 0 : i32
    %lt3A_165 = arith.cmpi slt, %select_n3A_158, %lt3A_164 : i32
    %ne3A_166 = arith.xori %lt3A_163, %lt3A_165 : i1
    %and3A_167 = arith.andi %ne3A_166, %ne3A_161 : i1
    %add3A_168 = arith.addi %rem3A_159, %select_n3A_158 : i32
    %select_n3A_169 = arith.select %and3A_167, %add3A_168, %rem3A_159 : i32
    %mul3A_170 = arith.constant 128 : i32
    %mul3A_171 = arith.muli %select_n3A_169, %mul3A_170 : i32
    %dma_start3A_172 = arith.constant 2 : i32
    %dma_start3A_173 = arith.constant 0 : i32
    %dma_start3A_174 = tpu.memref_slice %arg6[%dma_start3A_172, %dma_start3A_173] : memref<4x128xi32, #tpu.memory_space<vmem>> -> memref<1x128xi32, #tpu.memory_space<vmem>>
    %dma_start3A_175 = tpu.memref_squeeze %dma_start3A_174 : memref<1x128xi32, #tpu.memory_space<vmem>> -> memref<128xi32, #tpu.memory_space<vmem>>
    %dma_start3A_176 = tpu.memref_slice %arg2[%select_n3A_153, %mul3A_171] : memref<200x4096xi32, #tpu.memory_space<hbm>> -> memref<1x128xi32, #tpu.memory_space<hbm>>
    %dma_start3A_177 = tpu.memref_squeeze %dma_start3A_176 : memref<1x128xi32, #tpu.memory_space<hbm>> -> memref<128xi32, #tpu.memory_space<hbm>>
    %dma_start3A_178 = arith.constant 0 : i32
    %dma_start3A_179 = tpu.memref_slice %arg6[%dma_start3A_172, %dma_start3A_178] : memref<4x128xi32, #tpu.memory_space<vmem>> -> memref<1x128xi32, #tpu.memory_space<vmem>>
    %dma_start3A_180 = tpu.memref_squeeze %dma_start3A_179 : memref<1x128xi32, #tpu.memory_space<vmem>> -> memref<128xi32, #tpu.memory_space<vmem>>
    %dma_start3A_181 = tpu.memref_slice %arg2[%select_n3A_153, %mul3A_171] : memref<200x4096xi32, #tpu.memory_space<hbm>> -> memref<1x128xi32, #tpu.memory_space<hbm>>
    %dma_start3A_182 = tpu.memref_squeeze %dma_start3A_181 : memref<1x128xi32, #tpu.memory_space<hbm>> -> memref<128xi32, #tpu.memory_space<hbm>>
    tpu.enqueue_dma source(%dma_start3A_182 : memref<128xi32, #tpu.memory_space<hbm>>) target(%dma_start3A_180 : memref<128xi32, #tpu.memory_space<vmem>>) target_semaphore(%arg10 : memref<!tpu.dma_semaphore, #tpu.memory_space<semaphore_mem>>)
    %dma_start3A_183 = arith.constant 2 : i32
    %dma_start3A_184 = arith.constant 0 : i32
    %dma_start3A_185 = tpu.memref_slice %arg7[%dma_start3A_183, %dma_start3A_184] : memref<4x128xi32, #tpu.memory_space<vmem>> -> memref<1x128xi32, #tpu.memory_space<vmem>>
    %dma_start3A_186 = tpu.memref_squeeze %dma_start3A_185 : memref<1x128xi32, #tpu.memory_space<vmem>> -> memref<128xi32, #tpu.memory_space<vmem>>
    %dma_start3A_187 = tpu.memref_slice %arg3[%select_n3A_153, %mul3A_171] : memref<200x4096xi32, #tpu.memory_space<hbm>> -> memref<1x128xi32, #tpu.memory_space<hbm>>
    %dma_start3A_188 = tpu.memref_squeeze %dma_start3A_187 : memref<1x128xi32, #tpu.memory_space<hbm>> -> memref<128xi32, #tpu.memory_space<hbm>>
    %dma_start3A_189 = arith.constant 0 : i32
    %dma_start3A_190 = tpu.memref_slice %arg7[%dma_start3A_183, %dma_start3A_189] : memref<4x128xi32, #tpu.memory_space<vmem>> -> memref<1x128xi32, #tpu.memory_space<vmem>>
    %dma_start3A_191 = tpu.memref_squeeze %dma_start3A_190 : memref<1x128xi32, #tpu.memory_space<vmem>> -> memref<128xi32, #tpu.memory_space<vmem>>
    %dma_start3A_192 = tpu.memref_slice %arg3[%select_n3A_153, %mul3A_171] : memref<200x4096xi32, #tpu.memory_space<hbm>> -> memref<1x128xi32, #tpu.memory_space<hbm>>
    %dma_start3A_193 = tpu.memref_squeeze %dma_start3A_192 : memref<1x128xi32, #tpu.memory_space<hbm>> -> memref<128xi32, #tpu.memory_space<hbm>>
    tpu.enqueue_dma source(%dma_start3A_193 : memref<128xi32, #tpu.memory_space<hbm>>) target(%dma_start3A_191 : memref<128xi32, #tpu.memory_space<vmem>>) target_semaphore(%arg10 : memref<!tpu.dma_semaphore, #tpu.memory_space<semaphore_mem>>)
    %mul3A_194 = arith.constant 200 : i32
    %mul3A_195 = arith.muli %add3A, %mul3A_194 : i32
    %add3A_196 = arith.constant 3 : i32
    %add3A_197 = arith.addi %mul3A_195, %add3A_196 : i32
    %jit3A_198 = arith.constant 32 : i32
    %div3A_199 = arith.divsi %add3A_197, %jit3A_198 : i32
    %sign3A_200 = arith.constant 0 : i32
    %sign3A_201 = arith.cmpi sgt, %add3A_197, %sign3A_200 : i32
    %sign3A_202 = arith.extui %sign3A_201 : i1 to i32
    %sign3A_203 = arith.constant 0 : i32
    %sign3A_204 = arith.cmpi slt, %add3A_197, %sign3A_203 : i32
    %sign3A_205 = arith.extui %sign3A_204 : i1 to i32
    %sign3A_206 = arith.subi %sign3A_202, %sign3A_205 : i32
    %sign3A_207 = arith.constant 0 : i32
    %sign3A_208 = arith.cmpi sgt, %jit3A_198, %sign3A_207 : i32
    %sign3A_209 = arith.extui %sign3A_208 : i1 to i32
    %sign3A_210 = arith.constant 0 : i32
    %sign3A_211 = arith.cmpi slt, %jit3A_198, %sign3A_210 : i32
    %sign3A_212 = arith.extui %sign3A_211 : i1 to i32
    %sign3A_213 = arith.subi %sign3A_209, %sign3A_212 : i32
    %ne3A_214 = arith.cmpi ne, %sign3A_206, %sign3A_213 : i32
    %rem3A_215 = arith.remsi %add3A_197, %jit3A_198 : i32
    %ne3A_216 = arith.constant 0 : i32
    %ne3A_217 = arith.cmpi ne, %rem3A_215, %ne3A_216 : i32
    %and3A_218 = arith.andi %ne3A_214, %ne3A_217 : i1
    %sub3A_219 = arith.constant 1 : i32
    %sub3A_220 = arith.subi %div3A_199, %sub3A_219 : i32
    %select_n3A_221 = arith.select %and3A_218, %sub3A_220, %div3A_199 : i32
    %jit3A_222 = arith.constant 32 : i32
    %eq3A_223 = arith.constant 0 : i32
    %eq3A_224 = arith.cmpi eq, %jit3A_222, %eq3A_223 : i32
    %jit3A_225 = arith.constant 1 : i32
    %select_n3A_226 = arith.select %eq3A_224, %jit3A_225, %jit3A_222 : i32
    %rem3A_227 = arith.remsi %add3A_197, %select_n3A_226 : i32
    %ne3A_228 = arith.constant 0 : i32
    %ne3A_229 = arith.cmpi ne, %rem3A_227, %ne3A_228 : i32
    %lt3A_230 = arith.constant 0 : i32
    %lt3A_231 = arith.cmpi slt, %rem3A_227, %lt3A_230 : i32
    %lt3A_232 = arith.constant 0 : i32
    %lt3A_233 = arith.cmpi slt, %select_n3A_226, %lt3A_232 : i32
    %ne3A_234 = arith.xori %lt3A_231, %lt3A_233 : i1
    %and3A_235 = arith.andi %ne3A_234, %ne3A_229 : i1
    %add3A_236 = arith.addi %rem3A_227, %select_n3A_226 : i32
    %select_n3A_237 = arith.select %and3A_235, %add3A_236, %rem3A_227 : i32
    %mul3A_238 = arith.constant 128 : i32
    %mul3A_239 = arith.muli %select_n3A_237, %mul3A_238 : i32
    %dma_start3A_240 = arith.constant 3 : i32
    %dma_start3A_241 = arith.constant 0 : i32
    %dma_start3A_242 = tpu.memref_slice %arg6[%dma_start3A_240, %dma_start3A_241] : memref<4x128xi32, #tpu.memory_space<vmem>> -> memref<1x128xi32, #tpu.memory_space<vmem>>
    %dma_start3A_243 = tpu.memref_squeeze %dma_start3A_242 : memref<1x128xi32, #tpu.memory_space<vmem>> -> memref<128xi32, #tpu.memory_space<vmem>>
    %dma_start3A_244 = tpu.memref_slice %arg2[%select_n3A_221, %mul3A_239] : memref<200x4096xi32, #tpu.memory_space<hbm>> -> memref<1x128xi32, #tpu.memory_space<hbm>>
    %dma_start3A_245 = tpu.memref_squeeze %dma_start3A_244 : memref<1x128xi32, #tpu.memory_space<hbm>> -> memref<128xi32, #tpu.memory_space<hbm>>
    %dma_start3A_246 = arith.constant 0 : i32
    %dma_start3A_247 = tpu.memref_slice %arg6[%dma_start3A_240, %dma_start3A_246] : memref<4x128xi32, #tpu.memory_space<vmem>> -> memref<1x128xi32, #tpu.memory_space<vmem>>
    %dma_start3A_248 = tpu.memref_squeeze %dma_start3A_247 : memref<1x128xi32, #tpu.memory_space<vmem>> -> memref<128xi32, #tpu.memory_space<vmem>>
    %dma_start3A_249 = tpu.memref_slice %arg2[%select_n3A_221, %mul3A_239] : memref<200x4096xi32, #tpu.memory_space<hbm>> -> memref<1x128xi32, #tpu.memory_space<hbm>>
    %dma_start3A_250 = tpu.memref_squeeze %dma_start3A_249 : memref<1x128xi32, #tpu.memory_space<hbm>> -> memref<128xi32, #tpu.memory_space<hbm>>
    tpu.enqueue_dma source(%dma_start3A_250 : memref<128xi32, #tpu.memory_space<hbm>>) target(%dma_start3A_248 : memref<128xi32, #tpu.memory_space<vmem>>) target_semaphore(%arg10 : memref<!tpu.dma_semaphore, #tpu.memory_space<semaphore_mem>>)
    %dma_start3A_251 = arith.constant 3 : i32
    %dma_start3A_252 = arith.constant 0 : i32
    %dma_start3A_253 = tpu.memref_slice %arg7[%dma_start3A_251, %dma_start3A_252] : memref<4x128xi32, #tpu.memory_space<vmem>> -> memref<1x128xi32, #tpu.memory_space<vmem>>
    %dma_start3A_254 = tpu.memref_squeeze %dma_start3A_253 : memref<1x128xi32, #tpu.memory_space<vmem>> -> memref<128xi32, #tpu.memory_space<vmem>>
    %dma_start3A_255 = tpu.memref_slice %arg3[%select_n3A_221, %mul3A_239] : memref<200x4096xi32, #tpu.memory_space<hbm>> -> memref<1x128xi32, #tpu.memory_space<hbm>>
    %dma_start3A_256 = tpu.memref_squeeze %dma_start3A_255 : memref<1x128xi32, #tpu.memory_space<hbm>> -> memref<128xi32, #tpu.memory_space<hbm>>
    %dma_start3A_257 = arith.constant 0 : i32
    %dma_start3A_258 = tpu.memref_slice %arg7[%dma_start3A_251, %dma_start3A_257] : memref<4x128xi32, #tpu.memory_space<vmem>> -> memref<1x128xi32, #tpu.memory_space<vmem>>
    %dma_start3A_259 = tpu.memref_squeeze %dma_start3A_258 : memref<1x128xi32, #tpu.memory_space<vmem>> -> memref<128xi32, #tpu.memory_space<vmem>>
    %dma_start3A_260 = tpu.memref_slice %arg3[%select_n3A_221, %mul3A_239] : memref<200x4096xi32, #tpu.memory_space<hbm>> -> memref<1x128xi32, #tpu.memory_space<hbm>>
    %dma_start3A_261 = tpu.memref_squeeze %dma_start3A_260 : memref<1x128xi32, #tpu.memory_space<hbm>> -> memref<128xi32, #tpu.memory_space<hbm>>
    tpu.enqueue_dma source(%dma_start3A_261 : memref<128xi32, #tpu.memory_space<hbm>>) target(%dma_start3A_259 : memref<128xi32, #tpu.memory_space<vmem>>) target_semaphore(%arg10 : memref<!tpu.dma_semaphore, #tpu.memory_space<semaphore_mem>>)
    %mul3A_262 = arith.constant 200 : i32
    %mul3A_263 = arith.muli %add3A, %mul3A_262 : i32
    %add3A_264 = arith.constant 0 : i32
    %add3A_265 = arith.addi %mul3A_263, %add3A_264 : i32
    %jit3A_266 = arith.constant 32 : i32
    %div3A_267 = arith.divsi %add3A_265, %jit3A_266 : i32
    %sign3A_268 = arith.constant 0 : i32
    %sign3A_269 = arith.cmpi sgt, %add3A_265, %sign3A_268 : i32
    %sign3A_270 = arith.extui %sign3A_269 : i1 to i32
    %sign3A_271 = arith.constant 0 : i32
    %sign3A_272 = arith.cmpi slt, %add3A_265, %sign3A_271 : i32
    %sign3A_273 = arith.extui %sign3A_272 : i1 to i32
    %sign3A_274 = arith.subi %sign3A_270, %sign3A_273 : i32
    %sign3A_275 = arith.constant 0 : i32
    %sign3A_276 = arith.cmpi sgt, %jit3A_266, %sign3A_275 : i32
    %sign3A_277 = arith.extui %sign3A_276 : i1 to i32
    %sign3A_278 = arith.constant 0 : i32
    %sign3A_279 = arith.cmpi slt, %jit3A_266, %sign3A_278 : i32
    %sign3A_280 = arith.extui %sign3A_279 : i1 to i32
    %sign3A_281 = arith.subi %sign3A_277, %sign3A_280 : i32
    %ne3A_282 = arith.cmpi ne, %sign3A_274, %sign3A_281 : i32
    %rem3A_283 = arith.remsi %add3A_265, %jit3A_266 : i32
    %ne3A_284 = arith.constant 0 : i32
    %ne3A_285 = arith.cmpi ne, %rem3A_283, %ne3A_284 : i32
    %and3A_286 = arith.andi %ne3A_282, %ne3A_285 : i1
    %sub3A_287 = arith.constant 1 : i32
    %sub3A_288 = arith.subi %div3A_267, %sub3A_287 : i32
    %select_n3A_289 = arith.select %and3A_286, %sub3A_288, %div3A_267 : i32
    %jit3A_290 = arith.constant 32 : i32
    %eq3A_291 = arith.constant 0 : i32
    %eq3A_292 = arith.cmpi eq, %jit3A_290, %eq3A_291 : i32
    %jit3A_293 = arith.constant 1 : i32
    %select_n3A_294 = arith.select %eq3A_292, %jit3A_293, %jit3A_290 : i32
    %rem3A_295 = arith.remsi %add3A_265, %select_n3A_294 : i32
    %ne3A_296 = arith.constant 0 : i32
    %ne3A_297 = arith.cmpi ne, %rem3A_295, %ne3A_296 : i32
    %lt3A_298 = arith.constant 0 : i32
    %lt3A_299 = arith.cmpi slt, %rem3A_295, %lt3A_298 : i32
    %lt3A_300 = arith.constant 0 : i32
    %lt3A_301 = arith.cmpi slt, %select_n3A_294, %lt3A_300 : i32
    %ne3A_302 = arith.xori %lt3A_299, %lt3A_301 : i1
    %and3A_303 = arith.andi %ne3A_302, %ne3A_297 : i1
    %add3A_304 = arith.addi %rem3A_295, %select_n3A_294 : i32
    %select_n3A_305 = arith.select %and3A_303, %add3A_304, %rem3A_295 : i32
    %mul3A_306 = arith.constant 128 : i32
    %mul3A_307 = arith.muli %select_n3A_305, %mul3A_306 : i32
    %dma_wait3A = arith.constant 0 : i32
    %dma_wait3A_308 = arith.constant 0 : i32
    %dma_wait3A_309 = tpu.memref_slice %arg6[%dma_wait3A, %dma_wait3A_308] : memref<4x128xi32, #tpu.memory_space<vmem>> -> memref<1x128xi32, #tpu.memory_space<vmem>>
    %dma_wait3A_310 = tpu.memref_squeeze %dma_wait3A_309 : memref<1x128xi32, #tpu.memory_space<vmem>> -> memref<128xi32, #tpu.memory_space<vmem>>
    %dma_wait3A_311 = tpu.memref_slice %arg2[%select_n3A_289, %mul3A_307] : memref<200x4096xi32, #tpu.memory_space<hbm>> -> memref<1x128xi32, #tpu.memory_space<hbm>>
    %dma_wait3A_312 = tpu.memref_squeeze %dma_wait3A_311 : memref<1x128xi32, #tpu.memory_space<hbm>> -> memref<128xi32, #tpu.memory_space<hbm>>
    %dma_wait3A_313 = arith.constant 0 : i32
    %dma_wait3A_314 = tpu.memref_slice %arg6[%dma_wait3A, %dma_wait3A_313] : memref<4x128xi32, #tpu.memory_space<vmem>> -> memref<1x128xi32, #tpu.memory_space<vmem>>
    %dma_wait3A_315 = tpu.memref_squeeze %dma_wait3A_314 : memref<1x128xi32, #tpu.memory_space<vmem>> -> memref<128xi32, #tpu.memory_space<vmem>>
    %dma_wait3A_316 = tpu.memref_slice %arg2[%select_n3A_289, %mul3A_307] : memref<200x4096xi32, #tpu.memory_space<hbm>> -> memref<1x128xi32, #tpu.memory_space<hbm>>
    %dma_wait3A_317 = tpu.memref_squeeze %dma_wait3A_316 : memref<1x128xi32, #tpu.memory_space<hbm>> -> memref<128xi32, #tpu.memory_space<hbm>>
    tpu.wait_dma2 semaphore(%arg10 : memref<!tpu.dma_semaphore, #tpu.memory_space<semaphore_mem>>) src(%dma_wait3A_317 : memref<128xi32, #tpu.memory_space<hbm>>) dst(%dma_wait3A_315 : memref<128xi32, #tpu.memory_space<vmem>>)
    %dma_wait3A_318 = arith.constant 0 : i32
    %dma_wait3A_319 = arith.constant 0 : i32
    %dma_wait3A_320 = tpu.memref_slice %arg7[%dma_wait3A_318, %dma_wait3A_319] : memref<4x128xi32, #tpu.memory_space<vmem>> -> memref<1x128xi32, #tpu.memory_space<vmem>>
    %dma_wait3A_321 = tpu.memref_squeeze %dma_wait3A_320 : memref<1x128xi32, #tpu.memory_space<vmem>> -> memref<128xi32, #tpu.memory_space<vmem>>
    %dma_wait3A_322 = tpu.memref_slice %arg3[%select_n3A_289, %mul3A_307] : memref<200x4096xi32, #tpu.memory_space<hbm>> -> memref<1x128xi32, #tpu.memory_space<hbm>>
    %dma_wait3A_323 = tpu.memref_squeeze %dma_wait3A_322 : memref<1x128xi32, #tpu.memory_space<hbm>> -> memref<128xi32, #tpu.memory_space<hbm>>
    %dma_wait3A_324 = arith.constant 0 : i32
    %dma_wait3A_325 = tpu.memref_slice %arg7[%dma_wait3A_318, %dma_wait3A_324] : memref<4x128xi32, #tpu.memory_space<vmem>> -> memref<1x128xi32, #tpu.memory_space<vmem>>
    %dma_wait3A_326 = tpu.memref_squeeze %dma_wait3A_325 : memref<1x128xi32, #tpu.memory_space<vmem>> -> memref<128xi32, #tpu.memory_space<vmem>>
    %dma_wait3A_327 = tpu.memref_slice %arg3[%select_n3A_289, %mul3A_307] : memref<200x4096xi32, #tpu.memory_space<hbm>> -> memref<1x128xi32, #tpu.memory_space<hbm>>
    %dma_wait3A_328 = tpu.memref_squeeze %dma_wait3A_327 : memref<1x128xi32, #tpu.memory_space<hbm>> -> memref<128xi32, #tpu.memory_space<hbm>>
    tpu.wait_dma2 semaphore(%arg10 : memref<!tpu.dma_semaphore, #tpu.memory_space<semaphore_mem>>) src(%dma_wait3A_328 : memref<128xi32, #tpu.memory_space<hbm>>) dst(%dma_wait3A_326 : memref<128xi32, #tpu.memory_space<vmem>>)
    %dma_start3A_329 = arith.constant 0 : i32
    %dma_start3A_330 = arith.constant 0 : i32
    %dma_start3A_331 = arith.constant 0 : i32
    %dma_start3A_332 = arith.constant 0 : i32
    %dma_start3A_333 = tpu.memref_slice %arg8[%dma_start3A_330, %dma_start3A_331, %dma_start3A_332] : memref<4x128x128xf32, #tpu.memory_space<vmem>> -> memref<1x128x128xf32, #tpu.memory_space<vmem>>
    %dma_start3A_334 = tpu.memref_squeeze %dma_start3A_333 : memref<1x128x128xf32, #tpu.memory_space<vmem>> -> memref<128x128xf32, #tpu.memory_space<vmem>>
    %dma_start3A_335 = arith.constant 0 : i32
    %dma_start3A_336 = tpu.memref_slice %arg6[%dma_start3A_329, %dma_start3A_335] : memref<4x128xi32, #tpu.memory_space<vmem>> -> memref<1x128xi32, #tpu.memory_space<vmem>>
    %dma_start3A_337 = tpu.memref_squeeze %dma_start3A_336 : memref<1x128xi32, #tpu.memory_space<vmem>> -> memref<128xi32, #tpu.memory_space<vmem>>
    %dma_start3A_338 = arith.constant 0 : i32
    %dma_start3A_339 = arith.constant 0 : i32
    %dma_start3A_340 = tpu.memref_slice %arg4[%dma_start3A_338, %dma_start3A_339] : memref<500000x128xf32, #tpu.memory_space<hbm>> -> memref<500000x128xf32, #tpu.memory_space<hbm>>
    tpu.enqueue_indirect_dma source(%dma_start3A_340 : memref<500000x128xf32, #tpu.memory_space<hbm>>) target(%dma_start3A_334 : memref<128x128xf32, #tpu.memory_space<vmem>>) offsets(%dma_start3A_337 : memref<128xi32, #tpu.memory_space<vmem>>) semaphore(%arg11 : memref<!tpu.dma_semaphore, #tpu.memory_space<semaphore_mem>>)
    %mul3A_341 = arith.constant 200 : i32
    %mul3A_342 = arith.muli %add3A, %mul3A_341 : i32
    %add3A_343 = arith.constant 1 : i32
    %add3A_344 = arith.addi %mul3A_342, %add3A_343 : i32
    %jit3A_345 = arith.constant 32 : i32
    %div3A_346 = arith.divsi %add3A_344, %jit3A_345 : i32
    %sign3A_347 = arith.constant 0 : i32
    %sign3A_348 = arith.cmpi sgt, %add3A_344, %sign3A_347 : i32
    %sign3A_349 = arith.extui %sign3A_348 : i1 to i32
    %sign3A_350 = arith.constant 0 : i32
    %sign3A_351 = arith.cmpi slt, %add3A_344, %sign3A_350 : i32
    %sign3A_352 = arith.extui %sign3A_351 : i1 to i32
    %sign3A_353 = arith.subi %sign3A_349, %sign3A_352 : i32
    %sign3A_354 = arith.constant 0 : i32
    %sign3A_355 = arith.cmpi sgt, %jit3A_345, %sign3A_354 : i32
    %sign3A_356 = arith.extui %sign3A_355 : i1 to i32
    %sign3A_357 = arith.constant 0 : i32
    %sign3A_358 = arith.cmpi slt, %jit3A_345, %sign3A_357 : i32
    %sign3A_359 = arith.extui %sign3A_358 : i1 to i32
    %sign3A_360 = arith.subi %sign3A_356, %sign3A_359 : i32
    %ne3A_361 = arith.cmpi ne, %sign3A_353, %sign3A_360 : i32
    %rem3A_362 = arith.remsi %add3A_344, %jit3A_345 : i32
    %ne3A_363 = arith.constant 0 : i32
    %ne3A_364 = arith.cmpi ne, %rem3A_362, %ne3A_363 : i32
    %and3A_365 = arith.andi %ne3A_361, %ne3A_364 : i1
    %sub3A_366 = arith.constant 1 : i32
    %sub3A_367 = arith.subi %div3A_346, %sub3A_366 : i32
    %select_n3A_368 = arith.select %and3A_365, %sub3A_367, %div3A_346 : i32
    %jit3A_369 = arith.constant 32 : i32
    %eq3A_370 = arith.constant 0 : i32
    %eq3A_371 = arith.cmpi eq, %jit3A_369, %eq3A_370 : i32
    %jit3A_372 = arith.constant 1 : i32
    %select_n3A_373 = arith.select %eq3A_371, %jit3A_372, %jit3A_369 : i32
    %rem3A_374 = arith.remsi %add3A_344, %select_n3A_373 : i32
    %ne3A_375 = arith.constant 0 : i32
    %ne3A_376 = arith.cmpi ne, %rem3A_374, %ne3A_375 : i32
    %lt3A_377 = arith.constant 0 : i32
    %lt3A_378 = arith.cmpi slt, %rem3A_374, %lt3A_377 : i32
    %lt3A_379 = arith.constant 0 : i32
    %lt3A_380 = arith.cmpi slt, %select_n3A_373, %lt3A_379 : i32
    %ne3A_381 = arith.xori %lt3A_378, %lt3A_380 : i1
    %and3A_382 = arith.andi %ne3A_381, %ne3A_376 : i1
    %add3A_383 = arith.addi %rem3A_374, %select_n3A_373 : i32
    %select_n3A_384 = arith.select %and3A_382, %add3A_383, %rem3A_374 : i32
    %mul3A_385 = arith.constant 128 : i32
    %mul3A_386 = arith.muli %select_n3A_384, %mul3A_385 : i32
    %dma_wait3A_387 = arith.constant 1 : i32
    %dma_wait3A_388 = arith.constant 0 : i32
    %dma_wait3A_389 = tpu.memref_slice %arg6[%dma_wait3A_387, %dma_wait3A_388] : memref<4x128xi32, #tpu.memory_space<vmem>> -> memref<1x128xi32, #tpu.memory_space<vmem>>
    %dma_wait3A_390 = tpu.memref_squeeze %dma_wait3A_389 : memref<1x128xi32, #tpu.memory_space<vmem>> -> memref<128xi32, #tpu.memory_space<vmem>>
    %dma_wait3A_391 = tpu.memref_slice %arg2[%select_n3A_368, %mul3A_386] : memref<200x4096xi32, #tpu.memory_space<hbm>> -> memref<1x128xi32, #tpu.memory_space<hbm>>
    %dma_wait3A_392 = tpu.memref_squeeze %dma_wait3A_391 : memref<1x128xi32, #tpu.memory_space<hbm>> -> memref<128xi32, #tpu.memory_space<hbm>>
    %dma_wait3A_393 = arith.constant 0 : i32
    %dma_wait3A_394 = tpu.memref_slice %arg6[%dma_wait3A_387, %dma_wait3A_393] : memref<4x128xi32, #tpu.memory_space<vmem>> -> memref<1x128xi32, #tpu.memory_space<vmem>>
    %dma_wait3A_395 = tpu.memref_squeeze %dma_wait3A_394 : memref<1x128xi32, #tpu.memory_space<vmem>> -> memref<128xi32, #tpu.memory_space<vmem>>
    %dma_wait3A_396 = tpu.memref_slice %arg2[%select_n3A_368, %mul3A_386] : memref<200x4096xi32, #tpu.memory_space<hbm>> -> memref<1x128xi32, #tpu.memory_space<hbm>>
    %dma_wait3A_397 = tpu.memref_squeeze %dma_wait3A_396 : memref<1x128xi32, #tpu.memory_space<hbm>> -> memref<128xi32, #tpu.memory_space<hbm>>
    tpu.wait_dma2 semaphore(%arg10 : memref<!tpu.dma_semaphore, #tpu.memory_space<semaphore_mem>>) src(%dma_wait3A_397 : memref<128xi32, #tpu.memory_space<hbm>>) dst(%dma_wait3A_395 : memref<128xi32, #tpu.memory_space<vmem>>)
    %dma_wait3A_398 = arith.constant 1 : i32
    %dma_wait3A_399 = arith.constant 0 : i32
    %dma_wait3A_400 = tpu.memref_slice %arg7[%dma_wait3A_398, %dma_wait3A_399] : memref<4x128xi32, #tpu.memory_space<vmem>> -> memref<1x128xi32, #tpu.memory_space<vmem>>
    %dma_wait3A_401 = tpu.memref_squeeze %dma_wait3A_400 : memref<1x128xi32, #tpu.memory_space<vmem>> -> memref<128xi32, #tpu.memory_space<vmem>>
    %dma_wait3A_402 = tpu.memref_slice %arg3[%select_n3A_368, %mul3A_386] : memref<200x4096xi32, #tpu.memory_space<hbm>> -> memref<1x128xi32, #tpu.memory_space<hbm>>
    %dma_wait3A_403 = tpu.memref_squeeze %dma_wait3A_402 : memref<1x128xi32, #tpu.memory_space<hbm>> -> memref<128xi32, #tpu.memory_space<hbm>>
    %dma_wait3A_404 = arith.constant 0 : i32
    %dma_wait3A_405 = tpu.memref_slice %arg7[%dma_wait3A_398, %dma_wait3A_404] : memref<4x128xi32, #tpu.memory_space<vmem>> -> memref<1x128xi32, #tpu.memory_space<vmem>>
    %dma_wait3A_406 = tpu.memref_squeeze %dma_wait3A_405 : memref<1x128xi32, #tpu.memory_space<vmem>> -> memref<128xi32, #tpu.memory_space<vmem>>
    %dma_wait3A_407 = tpu.memref_slice %arg3[%select_n3A_368, %mul3A_386] : memref<200x4096xi32, #tpu.memory_space<hbm>> -> memref<1x128xi32, #tpu.memory_space<hbm>>
    %dma_wait3A_408 = tpu.memref_squeeze %dma_wait3A_407 : memref<1x128xi32, #tpu.memory_space<hbm>> -> memref<128xi32, #tpu.memory_space<hbm>>
    tpu.wait_dma2 semaphore(%arg10 : memref<!tpu.dma_semaphore, #tpu.memory_space<semaphore_mem>>) src(%dma_wait3A_408 : memref<128xi32, #tpu.memory_space<hbm>>) dst(%dma_wait3A_406 : memref<128xi32, #tpu.memory_space<vmem>>)
    %dma_start3A_409 = arith.constant 1 : i32
    %dma_start3A_410 = arith.constant 1 : i32
    %dma_start3A_411 = arith.constant 0 : i32
    %dma_start3A_412 = arith.constant 0 : i32
    %dma_start3A_413 = tpu.memref_slice %arg8[%dma_start3A_410, %dma_start3A_411, %dma_start3A_412] : memref<4x128x128xf32, #tpu.memory_space<vmem>> -> memref<1x128x128xf32, #tpu.memory_space<vmem>>
    %dma_start3A_414 = tpu.memref_squeeze %dma_start3A_413 : memref<1x128x128xf32, #tpu.memory_space<vmem>> -> memref<128x128xf32, #tpu.memory_space<vmem>>
    %dma_start3A_415 = arith.constant 0 : i32
    %dma_start3A_416 = tpu.memref_slice %arg6[%dma_start3A_409, %dma_start3A_415] : memref<4x128xi32, #tpu.memory_space<vmem>> -> memref<1x128xi32, #tpu.memory_space<vmem>>
    %dma_start3A_417 = tpu.memref_squeeze %dma_start3A_416 : memref<1x128xi32, #tpu.memory_space<vmem>> -> memref<128xi32, #tpu.memory_space<vmem>>
    %dma_start3A_418 = arith.constant 0 : i32
    %dma_start3A_419 = arith.constant 0 : i32
    %dma_start3A_420 = tpu.memref_slice %arg4[%dma_start3A_418, %dma_start3A_419] : memref<500000x128xf32, #tpu.memory_space<hbm>> -> memref<500000x128xf32, #tpu.memory_space<hbm>>
    tpu.enqueue_indirect_dma source(%dma_start3A_420 : memref<500000x128xf32, #tpu.memory_space<hbm>>) target(%dma_start3A_414 : memref<128x128xf32, #tpu.memory_space<vmem>>) offsets(%dma_start3A_417 : memref<128xi32, #tpu.memory_space<vmem>>) semaphore(%arg11 : memref<!tpu.dma_semaphore, #tpu.memory_space<semaphore_mem>>)
    %mul3A_421 = arith.constant 200 : i32
    %mul3A_422 = arith.muli %add3A, %mul3A_421 : i32
    %add3A_423 = arith.constant 2 : i32
    %add3A_424 = arith.addi %mul3A_422, %add3A_423 : i32
    %jit3A_425 = arith.constant 32 : i32
    %div3A_426 = arith.divsi %add3A_424, %jit3A_425 : i32
    %sign3A_427 = arith.constant 0 : i32
    %sign3A_428 = arith.cmpi sgt, %add3A_424, %sign3A_427 : i32
    %sign3A_429 = arith.extui %sign3A_428 : i1 to i32
    %sign3A_430 = arith.constant 0 : i32
    %sign3A_431 = arith.cmpi slt, %add3A_424, %sign3A_430 : i32
    %sign3A_432 = arith.extui %sign3A_431 : i1 to i32
    %sign3A_433 = arith.subi %sign3A_429, %sign3A_432 : i32
    %sign3A_434 = arith.constant 0 : i32
    %sign3A_435 = arith.cmpi sgt, %jit3A_425, %sign3A_434 : i32
    %sign3A_436 = arith.extui %sign3A_435 : i1 to i32
    %sign3A_437 = arith.constant 0 : i32
    %sign3A_438 = arith.cmpi slt, %jit3A_425, %sign3A_437 : i32
    %sign3A_439 = arith.extui %sign3A_438 : i1 to i32
    %sign3A_440 = arith.subi %sign3A_436, %sign3A_439 : i32
    %ne3A_441 = arith.cmpi ne, %sign3A_433, %sign3A_440 : i32
    %rem3A_442 = arith.remsi %add3A_424, %jit3A_425 : i32
    %ne3A_443 = arith.constant 0 : i32
    %ne3A_444 = arith.cmpi ne, %rem3A_442, %ne3A_443 : i32
    %and3A_445 = arith.andi %ne3A_441, %ne3A_444 : i1
    %sub3A_446 = arith.constant 1 : i32
    %sub3A_447 = arith.subi %div3A_426, %sub3A_446 : i32
    %select_n3A_448 = arith.select %and3A_445, %sub3A_447, %div3A_426 : i32
    %jit3A_449 = arith.constant 32 : i32
    %eq3A_450 = arith.constant 0 : i32
    %eq3A_451 = arith.cmpi eq, %jit3A_449, %eq3A_450 : i32
    %jit3A_452 = arith.constant 1 : i32
    %select_n3A_453 = arith.select %eq3A_451, %jit3A_452, %jit3A_449 : i32
    %rem3A_454 = arith.remsi %add3A_424, %select_n3A_453 : i32
    %ne3A_455 = arith.constant 0 : i32
    %ne3A_456 = arith.cmpi ne, %rem3A_454, %ne3A_455 : i32
    %lt3A_457 = arith.constant 0 : i32
    %lt3A_458 = arith.cmpi slt, %rem3A_454, %lt3A_457 : i32
    %lt3A_459 = arith.constant 0 : i32
    %lt3A_460 = arith.cmpi slt, %select_n3A_453, %lt3A_459 : i32
    %ne3A_461 = arith.xori %lt3A_458, %lt3A_460 : i1
    %and3A_462 = arith.andi %ne3A_461, %ne3A_456 : i1
    %add3A_463 = arith.addi %rem3A_454, %select_n3A_453 : i32
    %select_n3A_464 = arith.select %and3A_462, %add3A_463, %rem3A_454 : i32
    %mul3A_465 = arith.constant 128 : i32
    %mul3A_466 = arith.muli %select_n3A_464, %mul3A_465 : i32
    %dma_wait3A_467 = arith.constant 2 : i32
    %dma_wait3A_468 = arith.constant 0 : i32
    %dma_wait3A_469 = tpu.memref_slice %arg6[%dma_wait3A_467, %dma_wait3A_468] : memref<4x128xi32, #tpu.memory_space<vmem>> -> memref<1x128xi32, #tpu.memory_space<vmem>>
    %dma_wait3A_470 = tpu.memref_squeeze %dma_wait3A_469 : memref<1x128xi32, #tpu.memory_space<vmem>> -> memref<128xi32, #tpu.memory_space<vmem>>
    %dma_wait3A_471 = tpu.memref_slice %arg2[%select_n3A_448, %mul3A_466] : memref<200x4096xi32, #tpu.memory_space<hbm>> -> memref<1x128xi32, #tpu.memory_space<hbm>>
    %dma_wait3A_472 = tpu.memref_squeeze %dma_wait3A_471 : memref<1x128xi32, #tpu.memory_space<hbm>> -> memref<128xi32, #tpu.memory_space<hbm>>
    %dma_wait3A_473 = arith.constant 0 : i32
    %dma_wait3A_474 = tpu.memref_slice %arg6[%dma_wait3A_467, %dma_wait3A_473] : memref<4x128xi32, #tpu.memory_space<vmem>> -> memref<1x128xi32, #tpu.memory_space<vmem>>
    %dma_wait3A_475 = tpu.memref_squeeze %dma_wait3A_474 : memref<1x128xi32, #tpu.memory_space<vmem>> -> memref<128xi32, #tpu.memory_space<vmem>>
    %dma_wait3A_476 = tpu.memref_slice %arg2[%select_n3A_448, %mul3A_466] : memref<200x4096xi32, #tpu.memory_space<hbm>> -> memref<1x128xi32, #tpu.memory_space<hbm>>
    %dma_wait3A_477 = tpu.memref_squeeze %dma_wait3A_476 : memref<1x128xi32, #tpu.memory_space<hbm>> -> memref<128xi32, #tpu.memory_space<hbm>>
    tpu.wait_dma2 semaphore(%arg10 : memref<!tpu.dma_semaphore, #tpu.memory_space<semaphore_mem>>) src(%dma_wait3A_477 : memref<128xi32, #tpu.memory_space<hbm>>) dst(%dma_wait3A_475 : memref<128xi32, #tpu.memory_space<vmem>>)
    %dma_wait3A_478 = arith.constant 2 : i32
    %dma_wait3A_479 = arith.constant 0 : i32
    %dma_wait3A_480 = tpu.memref_slice %arg7[%dma_wait3A_478, %dma_wait3A_479] : memref<4x128xi32, #tpu.memory_space<vmem>> -> memref<1x128xi32, #tpu.memory_space<vmem>>
    %dma_wait3A_481 = tpu.memref_squeeze %dma_wait3A_480 : memref<1x128xi32, #tpu.memory_space<vmem>> -> memref<128xi32, #tpu.memory_space<vmem>>
    %dma_wait3A_482 = tpu.memref_slice %arg3[%select_n3A_448, %mul3A_466] : memref<200x4096xi32, #tpu.memory_space<hbm>> -> memref<1x128xi32, #tpu.memory_space<hbm>>
    %dma_wait3A_483 = tpu.memref_squeeze %dma_wait3A_482 : memref<1x128xi32, #tpu.memory_space<hbm>> -> memref<128xi32, #tpu.memory_space<hbm>>
    %dma_wait3A_484 = arith.constant 0 : i32
    %dma_wait3A_485 = tpu.memref_slice %arg7[%dma_wait3A_478, %dma_wait3A_484] : memref<4x128xi32, #tpu.memory_space<vmem>> -> memref<1x128xi32, #tpu.memory_space<vmem>>
    %dma_wait3A_486 = tpu.memref_squeeze %dma_wait3A_485 : memref<1x128xi32, #tpu.memory_space<vmem>> -> memref<128xi32, #tpu.memory_space<vmem>>
    %dma_wait3A_487 = tpu.memref_slice %arg3[%select_n3A_448, %mul3A_466] : memref<200x4096xi32, #tpu.memory_space<hbm>> -> memref<1x128xi32, #tpu.memory_space<hbm>>
    %dma_wait3A_488 = tpu.memref_squeeze %dma_wait3A_487 : memref<1x128xi32, #tpu.memory_space<hbm>> -> memref<128xi32, #tpu.memory_space<hbm>>
    tpu.wait_dma2 semaphore(%arg10 : memref<!tpu.dma_semaphore, #tpu.memory_space<semaphore_mem>>) src(%dma_wait3A_488 : memref<128xi32, #tpu.memory_space<hbm>>) dst(%dma_wait3A_486 : memref<128xi32, #tpu.memory_space<vmem>>)
    %dma_start3A_489 = arith.constant 2 : i32
    %dma_start3A_490 = arith.constant 2 : i32
    %dma_start3A_491 = arith.constant 0 : i32
    %dma_start3A_492 = arith.constant 0 : i32
    %dma_start3A_493 = tpu.memref_slice %arg8[%dma_start3A_490, %dma_start3A_491, %dma_start3A_492] : memref<4x128x128xf32, #tpu.memory_space<vmem>> -> memref<1x128x128xf32, #tpu.memory_space<vmem>>
    %dma_start3A_494 = tpu.memref_squeeze %dma_start3A_493 : memref<1x128x128xf32, #tpu.memory_space<vmem>> -> memref<128x128xf32, #tpu.memory_space<vmem>>
    %dma_start3A_495 = arith.constant 0 : i32
    %dma_start3A_496 = tpu.memref_slice %arg6[%dma_start3A_489, %dma_start3A_495] : memref<4x128xi32, #tpu.memory_space<vmem>> -> memref<1x128xi32, #tpu.memory_space<vmem>>
    %dma_start3A_497 = tpu.memref_squeeze %dma_start3A_496 : memref<1x128xi32, #tpu.memory_space<vmem>> -> memref<128xi32, #tpu.memory_space<vmem>>
    %dma_start3A_498 = arith.constant 0 : i32
    %dma_start3A_499 = arith.constant 0 : i32
    %dma_start3A_500 = tpu.memref_slice %arg4[%dma_start3A_498, %dma_start3A_499] : memref<500000x128xf32, #tpu.memory_space<hbm>> -> memref<500000x128xf32, #tpu.memory_space<hbm>>
    tpu.enqueue_indirect_dma source(%dma_start3A_500 : memref<500000x128xf32, #tpu.memory_space<hbm>>) target(%dma_start3A_494 : memref<128x128xf32, #tpu.memory_space<vmem>>) offsets(%dma_start3A_497 : memref<128xi32, #tpu.memory_space<vmem>>) semaphore(%arg11 : memref<!tpu.dma_semaphore, #tpu.memory_space<semaphore_mem>>)
    %scan3A = arith.constant 0 : i32
    %scan3A_501 = arith.constant 0 : i32
    %scan3A_502 = arith.constant 200 : i32
    %scan3A_503 = arith.addi %scan3A_501, %scan3A_502 : i32
    %scan3A_504 = arith.constant 1 : i32
    scf.for %scan3A_750 = %scan3A_501 to %scan3A_503 step %scan3A_504  : i32 {
      %jit3A_751 = arith.constant 4 : i32
      %eq3A_752 = arith.constant 0 : i32
      %eq3A_753 = arith.cmpi eq, %jit3A_751, %eq3A_752 : i32
      %jit3A_754 = arith.constant 1 : i32
      %select_n3A_755 = arith.select %eq3A_753, %jit3A_754, %jit3A_751 : i32
      %rem3A_756 = arith.remsi %scan3A_750, %select_n3A_755 : i32
      %ne3A_757 = arith.constant 0 : i32
      %ne3A_758 = arith.cmpi ne, %rem3A_756, %ne3A_757 : i32
      %lt3A_759 = arith.constant 0 : i32
      %lt3A_760 = arith.cmpi slt, %rem3A_756, %lt3A_759 : i32
      %lt3A_761 = arith.constant 0 : i32
      %lt3A_762 = arith.cmpi slt, %select_n3A_755, %lt3A_761 : i32
      %ne3A_763 = arith.xori %lt3A_760, %lt3A_762 : i1
      %and3A_764 = arith.andi %ne3A_763, %ne3A_758 : i1
      %add3A_765 = arith.addi %rem3A_756, %select_n3A_755 : i32
      %select_n3A_766 = arith.select %and3A_764, %add3A_765, %rem3A_756 : i32
      %dma_wait3A_767 = arith.constant 0 : i32
      %dma_wait3A_768 = arith.constant 0 : i32
      %dma_wait3A_769 = tpu.memref_slice %arg8[%select_n3A_766, %dma_wait3A_767, %dma_wait3A_768] : memref<4x128x128xf32, #tpu.memory_space<vmem>> -> memref<1x128x128xf32, #tpu.memory_space<vmem>>
      %dma_wait3A_770 = tpu.memref_squeeze %dma_wait3A_769 : memref<1x128x128xf32, #tpu.memory_space<vmem>> -> memref<128x128xf32, #tpu.memory_space<vmem>>
      %dma_wait3A_771 = arith.constant 0 : i32
      %dma_wait3A_772 = tpu.memref_slice %arg6[%select_n3A_766, %dma_wait3A_771] : memref<4x128xi32, #tpu.memory_space<vmem>> -> memref<1x128xi32, #tpu.memory_space<vmem>>
      %dma_wait3A_773 = tpu.memref_squeeze %dma_wait3A_772 : memref<1x128xi32, #tpu.memory_space<vmem>> -> memref<128xi32, #tpu.memory_space<vmem>>
      %dma_wait3A_774 = arith.constant 0 : i32
      %dma_wait3A_775 = arith.constant 0 : i32
      %dma_wait3A_776 = tpu.memref_slice %arg4[%dma_wait3A_774, %dma_wait3A_775] : memref<500000x128xf32, #tpu.memory_space<hbm>> -> memref<500000x128xf32, #tpu.memory_space<hbm>>
      tpu.wait_indirect_dma semaphore(%arg11 : memref<!tpu.dma_semaphore, #tpu.memory_space<semaphore_mem>>) src(%dma_wait3A_776 : memref<500000x128xf32, #tpu.memory_space<hbm>>) dst(%dma_wait3A_770 : memref<128x128xf32, #tpu.memory_space<vmem>>)
      %add3A_777 = arith.constant 4 : i32
      %add3A_778 = arith.addi %scan3A_750, %add3A_777 : i32
      %sub3A_779 = arith.constant 1 : i32
      %sub3A_780 = arith.subi %add3A_778, %sub3A_779 : i32
      %lt3A_781 = arith.constant 200 : i32
      %lt3A_782 = arith.cmpi slt, %sub3A_780, %lt3A_781 : i32
      %convert_element_type3A = arith.extui %lt3A_782 : i1 to i32
      %cond3A = arith.constant 0 : i32
      %cond3A_783 = arith.cmpi ne, %convert_element_type3A, %cond3A : i32
      scf.if %cond3A_783 {
        %add3A_860 = arith.constant 4 : i32
        %add3A_861 = arith.addi %scan3A_750, %add3A_860 : i32
        %sub3A_862 = arith.constant 1 : i32
        %sub3A_863 = arith.subi %add3A_861, %sub3A_862 : i32
        %jit3A_864 = arith.constant 4 : i32
        %eq3A_865 = arith.constant 0 : i32
        %eq3A_866 = arith.cmpi eq, %jit3A_864, %eq3A_865 : i32
        %jit3A_867 = arith.constant 1 : i32
        %select_n3A_868 = arith.select %eq3A_866, %jit3A_867, %jit3A_864 : i32
        %rem3A_869 = arith.remsi %sub3A_863, %select_n3A_868 : i32
        %ne3A_870 = arith.constant 0 : i32
        %ne3A_871 = arith.cmpi ne, %rem3A_869, %ne3A_870 : i32
        %lt3A_872 = arith.constant 0 : i32
        %lt3A_873 = arith.cmpi slt, %rem3A_869, %lt3A_872 : i32
        %lt3A_874 = arith.constant 0 : i32
        %lt3A_875 = arith.cmpi slt, %select_n3A_868, %lt3A_874 : i32
        %ne3A_876 = arith.xori %lt3A_873, %lt3A_875 : i1
        %and3A_877 = arith.andi %ne3A_876, %ne3A_871 : i1
        %add3A_878 = arith.addi %rem3A_869, %select_n3A_868 : i32
        %select_n3A_879 = arith.select %and3A_877, %add3A_878, %rem3A_869 : i32
        %add3A_880 = arith.constant 4 : i32
        %add3A_881 = arith.addi %scan3A_750, %add3A_880 : i32
        %sub3A_882 = arith.constant 1 : i32
        %sub3A_883 = arith.subi %add3A_881, %sub3A_882 : i32
        %mul3A_884 = arith.constant 200 : i32
        %mul3A_885 = arith.muli %add3A, %mul3A_884 : i32
        %add3A_886 = arith.addi %mul3A_885, %sub3A_883 : i32
        %jit3A_887 = arith.constant 32 : i32
        %div3A_888 = arith.divsi %add3A_886, %jit3A_887 : i32
        %sign3A_889 = arith.constant 0 : i32
        %sign3A_890 = arith.cmpi sgt, %add3A_886, %sign3A_889 : i32
        %sign3A_891 = arith.extui %sign3A_890 : i1 to i32
        %sign3A_892 = arith.constant 0 : i32
        %sign3A_893 = arith.cmpi slt, %add3A_886, %sign3A_892 : i32
        %sign3A_894 = arith.extui %sign3A_893 : i1 to i32
        %sign3A_895 = arith.subi %sign3A_891, %sign3A_894 : i32
        %sign3A_896 = arith.constant 0 : i32
        %sign3A_897 = arith.cmpi sgt, %jit3A_887, %sign3A_896 : i32
        %sign3A_898 = arith.extui %sign3A_897 : i1 to i32
        %sign3A_899 = arith.constant 0 : i32
        %sign3A_900 = arith.cmpi slt, %jit3A_887, %sign3A_899 : i32
        %sign3A_901 = arith.extui %sign3A_900 : i1 to i32
        %sign3A_902 = arith.subi %sign3A_898, %sign3A_901 : i32
        %ne3A_903 = arith.cmpi ne, %sign3A_895, %sign3A_902 : i32
        %rem3A_904 = arith.remsi %add3A_886, %jit3A_887 : i32
        %ne3A_905 = arith.constant 0 : i32
        %ne3A_906 = arith.cmpi ne, %rem3A_904, %ne3A_905 : i32
        %and3A_907 = arith.andi %ne3A_903, %ne3A_906 : i1
        %sub3A_908 = arith.constant 1 : i32
        %sub3A_909 = arith.subi %div3A_888, %sub3A_908 : i32
        %select_n3A_910 = arith.select %and3A_907, %sub3A_909, %div3A_888 : i32
        %jit3A_911 = arith.constant 32 : i32
        %eq3A_912 = arith.constant 0 : i32
        %eq3A_913 = arith.cmpi eq, %jit3A_911, %eq3A_912 : i32
        %jit3A_914 = arith.constant 1 : i32
        %select_n3A_915 = arith.select %eq3A_913, %jit3A_914, %jit3A_911 : i32
        %rem3A_916 = arith.remsi %add3A_886, %select_n3A_915 : i32
        %ne3A_917 = arith.constant 0 : i32
        %ne3A_918 = arith.cmpi ne, %rem3A_916, %ne3A_917 : i32
        %lt3A_919 = arith.constant 0 : i32
        %lt3A_920 = arith.cmpi slt, %rem3A_916, %lt3A_919 : i32
        %lt3A_921 = arith.constant 0 : i32
        %lt3A_922 = arith.cmpi slt, %select_n3A_915, %lt3A_921 : i32
        %ne3A_923 = arith.xori %lt3A_920, %lt3A_922 : i1
        %and3A_924 = arith.andi %ne3A_923, %ne3A_918 : i1
        %add3A_925 = arith.addi %rem3A_916, %select_n3A_915 : i32
        %select_n3A_926 = arith.select %and3A_924, %add3A_925, %rem3A_916 : i32
        %mul3A_927 = arith.constant 128 : i32
        %mul3A_928 = arith.muli %select_n3A_926, %mul3A_927 : i32
        %dma_wait3A_929 = arith.constant 0 : i32
        %dma_wait3A_930 = tpu.memref_slice %arg6[%select_n3A_879, %dma_wait3A_929] : memref<4x128xi32, #tpu.memory_space<vmem>> -> memref<1x128xi32, #tpu.memory_space<vmem>>
        %dma_wait3A_931 = tpu.memref_squeeze %dma_wait3A_930 : memref<1x128xi32, #tpu.memory_space<vmem>> -> memref<128xi32, #tpu.memory_space<vmem>>
        %dma_wait3A_932 = tpu.memref_slice %arg2[%select_n3A_910, %mul3A_928] : memref<200x4096xi32, #tpu.memory_space<hbm>> -> memref<1x128xi32, #tpu.memory_space<hbm>>
        %dma_wait3A_933 = tpu.memref_squeeze %dma_wait3A_932 : memref<1x128xi32, #tpu.memory_space<hbm>> -> memref<128xi32, #tpu.memory_space<hbm>>
        %dma_wait3A_934 = arith.constant 0 : i32
        %dma_wait3A_935 = tpu.memref_slice %arg6[%select_n3A_879, %dma_wait3A_934] : memref<4x128xi32, #tpu.memory_space<vmem>> -> memref<1x128xi32, #tpu.memory_space<vmem>>
        %dma_wait3A_936 = tpu.memref_squeeze %dma_wait3A_935 : memref<1x128xi32, #tpu.memory_space<vmem>> -> memref<128xi32, #tpu.memory_space<vmem>>
        %dma_wait3A_937 = tpu.memref_slice %arg2[%select_n3A_910, %mul3A_928] : memref<200x4096xi32, #tpu.memory_space<hbm>> -> memref<1x128xi32, #tpu.memory_space<hbm>>
        %dma_wait3A_938 = tpu.memref_squeeze %dma_wait3A_937 : memref<1x128xi32, #tpu.memory_space<hbm>> -> memref<128xi32, #tpu.memory_space<hbm>>
        tpu.wait_dma2 semaphore(%arg10 : memref<!tpu.dma_semaphore, #tpu.memory_space<semaphore_mem>>) src(%dma_wait3A_938 : memref<128xi32, #tpu.memory_space<hbm>>) dst(%dma_wait3A_936 : memref<128xi32, #tpu.memory_space<vmem>>)
        %dma_wait3A_939 = arith.constant 0 : i32
        %dma_wait3A_940 = tpu.memref_slice %arg7[%select_n3A_879, %dma_wait3A_939] : memref<4x128xi32, #tpu.memory_space<vmem>> -> memref<1x128xi32, #tpu.memory_space<vmem>>
        %dma_wait3A_941 = tpu.memref_squeeze %dma_wait3A_940 : memref<1x128xi32, #tpu.memory_space<vmem>> -> memref<128xi32, #tpu.memory_space<vmem>>
        %dma_wait3A_942 = tpu.memref_slice %arg3[%select_n3A_910, %mul3A_928] : memref<200x4096xi32, #tpu.memory_space<hbm>> -> memref<1x128xi32, #tpu.memory_space<hbm>>
        %dma_wait3A_943 = tpu.memref_squeeze %dma_wait3A_942 : memref<1x128xi32, #tpu.memory_space<hbm>> -> memref<128xi32, #tpu.memory_space<hbm>>
        %dma_wait3A_944 = arith.constant 0 : i32
        %dma_wait3A_945 = tpu.memref_slice %arg7[%select_n3A_879, %dma_wait3A_944] : memref<4x128xi32, #tpu.memory_space<vmem>> -> memref<1x128xi32, #tpu.memory_space<vmem>>
        %dma_wait3A_946 = tpu.memref_squeeze %dma_wait3A_945 : memref<1x128xi32, #tpu.memory_space<vmem>> -> memref<128xi32, #tpu.memory_space<vmem>>
        %dma_wait3A_947 = tpu.memref_slice %arg3[%select_n3A_910, %mul3A_928] : memref<200x4096xi32, #tpu.memory_space<hbm>> -> memref<1x128xi32, #tpu.memory_space<hbm>>
        %dma_wait3A_948 = tpu.memref_squeeze %dma_wait3A_947 : memref<1x128xi32, #tpu.memory_space<hbm>> -> memref<128xi32, #tpu.memory_space<hbm>>
        tpu.wait_dma2 semaphore(%arg10 : memref<!tpu.dma_semaphore, #tpu.memory_space<semaphore_mem>>) src(%dma_wait3A_948 : memref<128xi32, #tpu.memory_space<hbm>>) dst(%dma_wait3A_946 : memref<128xi32, #tpu.memory_space<vmem>>)
        %dma_start3A_949 = arith.constant 0 : i32
        %dma_start3A_950 = arith.constant 0 : i32
        %dma_start3A_951 = tpu.memref_slice %arg8[%select_n3A_879, %dma_start3A_949, %dma_start3A_950] : memref<4x128x128xf32, #tpu.memory_space<vmem>> -> memref<1x128x128xf32, #tpu.memory_space<vmem>>
        %dma_start3A_952 = tpu.memref_squeeze %dma_start3A_951 : memref<1x128x128xf32, #tpu.memory_space<vmem>> -> memref<128x128xf32, #tpu.memory_space<vmem>>
        %dma_start3A_953 = arith.constant 0 : i32
        %dma_start3A_954 = tpu.memref_slice %arg6[%select_n3A_879, %dma_start3A_953] : memref<4x128xi32, #tpu.memory_space<vmem>> -> memref<1x128xi32, #tpu.memory_space<vmem>>
        %dma_start3A_955 = tpu.memref_squeeze %dma_start3A_954 : memref<1x128xi32, #tpu.memory_space<vmem>> -> memref<128xi32, #tpu.memory_space<vmem>>
        %dma_start3A_956 = arith.constant 0 : i32
        %dma_start3A_957 = arith.constant 0 : i32
        %dma_start3A_958 = tpu.memref_slice %arg4[%dma_start3A_956, %dma_start3A_957] : memref<500000x128xf32, #tpu.memory_space<hbm>> -> memref<500000x128xf32, #tpu.memory_space<hbm>>
        tpu.enqueue_indirect_dma source(%dma_start3A_958 : memref<500000x128xf32, #tpu.memory_space<hbm>>) target(%dma_start3A_952 : memref<128x128xf32, #tpu.memory_space<vmem>>) offsets(%dma_start3A_955 : memref<128xi32, #tpu.memory_space<vmem>>) semaphore(%arg11 : memref<!tpu.dma_semaphore, #tpu.memory_space<semaphore_mem>>)
      } else {
      }
      %ge3A = arith.constant 4 : i32
      %ge3A_784 = arith.cmpi sge, %scan3A_750, %ge3A : i32
      %convert_element_type3A_785 = arith.extui %ge3A_784 : i1 to i32
      %cond3A_786 = arith.constant 0 : i32
      %cond3A_787 = arith.cmpi ne, %convert_element_type3A_785, %cond3A_786 : i32
      scf.if %cond3A_787 {
        %sub3A_860 = arith.constant 4 : i32
        %sub3A_861 = arith.subi %scan3A_750, %sub3A_860 : i32
        %mul3A_862 = arith.constant 200 : i32
        %mul3A_863 = arith.muli %add3A, %mul3A_862 : i32
        %add3A_864 = arith.addi %mul3A_863, %sub3A_861 : i32
        %jit3A_865 = arith.constant 32 : i32
        %div3A_866 = arith.divsi %add3A_864, %jit3A_865 : i32
        %sign3A_867 = arith.constant 0 : i32
        %sign3A_868 = arith.cmpi sgt, %add3A_864, %sign3A_867 : i32
        %sign3A_869 = arith.extui %sign3A_868 : i1 to i32
        %sign3A_870 = arith.constant 0 : i32
        %sign3A_871 = arith.cmpi slt, %add3A_864, %sign3A_870 : i32
        %sign3A_872 = arith.extui %sign3A_871 : i1 to i32
        %sign3A_873 = arith.subi %sign3A_869, %sign3A_872 : i32
        %sign3A_874 = arith.constant 0 : i32
        %sign3A_875 = arith.cmpi sgt, %jit3A_865, %sign3A_874 : i32
        %sign3A_876 = arith.extui %sign3A_875 : i1 to i32
        %sign3A_877 = arith.constant 0 : i32
        %sign3A_878 = arith.cmpi slt, %jit3A_865, %sign3A_877 : i32
        %sign3A_879 = arith.extui %sign3A_878 : i1 to i32
        %sign3A_880 = arith.subi %sign3A_876, %sign3A_879 : i32
        %ne3A_881 = arith.cmpi ne, %sign3A_873, %sign3A_880 : i32
        %rem3A_882 = arith.remsi %add3A_864, %jit3A_865 : i32
        %ne3A_883 = arith.constant 0 : i32
        %ne3A_884 = arith.cmpi ne, %rem3A_882, %ne3A_883 : i32
        %and3A_885 = arith.andi %ne3A_881, %ne3A_884 : i1
        %sub3A_886 = arith.constant 1 : i32
        %sub3A_887 = arith.subi %div3A_866, %sub3A_886 : i32
        %select_n3A_888 = arith.select %and3A_885, %sub3A_887, %div3A_866 : i32
        %jit3A_889 = arith.constant 32 : i32
        %eq3A_890 = arith.constant 0 : i32
        %eq3A_891 = arith.cmpi eq, %jit3A_889, %eq3A_890 : i32
        %jit3A_892 = arith.constant 1 : i32
        %select_n3A_893 = arith.select %eq3A_891, %jit3A_892, %jit3A_889 : i32
        %rem3A_894 = arith.remsi %add3A_864, %select_n3A_893 : i32
        %ne3A_895 = arith.constant 0 : i32
        %ne3A_896 = arith.cmpi ne, %rem3A_894, %ne3A_895 : i32
        %lt3A_897 = arith.constant 0 : i32
        %lt3A_898 = arith.cmpi slt, %rem3A_894, %lt3A_897 : i32
        %lt3A_899 = arith.constant 0 : i32
        %lt3A_900 = arith.cmpi slt, %select_n3A_893, %lt3A_899 : i32
        %ne3A_901 = arith.xori %lt3A_898, %lt3A_900 : i1
        %and3A_902 = arith.andi %ne3A_901, %ne3A_896 : i1
        %add3A_903 = arith.addi %rem3A_894, %select_n3A_893 : i32
        %select_n3A_904 = arith.select %and3A_902, %add3A_903, %rem3A_894 : i32
        %mul3A_905 = arith.constant 128 : i32
        %mul3A_906 = arith.muli %select_n3A_904, %mul3A_905 : i32
        %dma_wait3A_907 = arith.constant 0 : i32
        %dma_wait3A_908 = arith.constant 0 : i32
        %dma_wait3A_909 = tpu.memref_slice %arg9[%select_n3A_766, %dma_wait3A_907, %dma_wait3A_908] : memref<4x64x128xf32, #tpu.memory_space<vmem>> -> memref<1x64x128xf32, #tpu.memory_space<vmem>>
        %dma_wait3A_910 = tpu.memref_squeeze %dma_wait3A_909 : memref<1x64x128xf32, #tpu.memory_space<vmem>> -> memref<64x128xf32, #tpu.memory_space<vmem>>
        %dma_wait3A_911 = arith.constant 0 : i32
        %dma_wait3A_912 = tpu.memref_slice %arg5[%select_n3A_888, %dma_wait3A_911, %mul3A_906] : memref<200x64x4096xf32, #tpu.memory_space<hbm>> -> memref<1x64x128xf32, #tpu.memory_space<hbm>>
        %dma_wait3A_913 = tpu.memref_squeeze %dma_wait3A_912 : memref<1x64x128xf32, #tpu.memory_space<hbm>> -> memref<64x128xf32, #tpu.memory_space<hbm>>
        %dma_wait3A_914 = arith.constant 0 : i32
        %dma_wait3A_915 = tpu.memref_slice %arg5[%select_n3A_888, %dma_wait3A_914, %mul3A_906] : memref<200x64x4096xf32, #tpu.memory_space<hbm>> -> memref<1x64x128xf32, #tpu.memory_space<hbm>>
        %dma_wait3A_916 = tpu.memref_squeeze %dma_wait3A_915 : memref<1x64x128xf32, #tpu.memory_space<hbm>> -> memref<64x128xf32, #tpu.memory_space<hbm>>
        %dma_wait3A_917 = arith.constant 0 : i32
        %dma_wait3A_918 = arith.constant 0 : i32
        %dma_wait3A_919 = tpu.memref_slice %arg9[%select_n3A_766, %dma_wait3A_917, %dma_wait3A_918] : memref<4x64x128xf32, #tpu.memory_space<vmem>> -> memref<1x64x128xf32, #tpu.memory_space<vmem>>
        %dma_wait3A_920 = tpu.memref_squeeze %dma_wait3A_919 : memref<1x64x128xf32, #tpu.memory_space<vmem>> -> memref<64x128xf32, #tpu.memory_space<vmem>>
        tpu.wait_dma2 semaphore(%arg12 : memref<!tpu.dma_semaphore, #tpu.memory_space<semaphore_mem>>) src(%dma_wait3A_920 : memref<64x128xf32, #tpu.memory_space<vmem>>) dst(%dma_wait3A_916 : memref<64x128xf32, #tpu.memory_space<hbm>>)
      } else {
      }
      %scan3A_788 = arith.constant 0 : i32
      %scan3A_789 = arith.constant 0 : i32
      %scan3A_790 = arith.constant 8 : i32
      %scan3A_791 = arith.addi %scan3A_789, %scan3A_790 : i32
      %scan3A_792 = arith.constant 1 : i32
      scf.for %scan3A_860 = %scan3A_789 to %scan3A_791 step %scan3A_792  : i32 {
        %mul3A_861 = arith.constant 16 : i32
        %mul3A_862 = arith.muli %scan3A_860, %mul3A_861 : i32
        %add3A_863 = vector.broadcast %mul3A_862 : i32 to vector<16xi32>
        %add3A_864 = arith.addi %add3A_863, %iota3A : vector<16xi32>
        %get3A = arith.index_cast %select_n3A_766 : i32 to index
        %get3A_865 = arith.index_cast %mul3A_862 : i32 to index
        %get3A_866 = tpu.vector_load %arg7[%get3A, %get3A_865] {strides = array<i32>} : memref<4x128xi32, #tpu.memory_space<vmem>>, vector<16xi32>,
        %add3A_867 = arith.constant 0 : i32
        %add3A_868 = vector.broadcast %add3A_867 : i32 to vector<16xi32>
        %add3A_869 = arith.addi %iota3A, %add3A_868 : vector<16xi32>
        %and3A_870 = arith.constant 15 : i32
        %and3A_871 = vector.broadcast %and3A_870 : i32 to vector<16xi32>
        %and3A_872 = arith.andi %add3A_869, %and3A_871 : vector<16xi32>
        %add3A_873 = arith.constant 0 : i32
        %add3A_874 = vector.broadcast %add3A_873 : i32 to vector<16xi32>
        %add3A_875 = arith.addi %add3A_874, %and3A_872 : vector<16xi32>
        %add3A_876 = arith.addi %get3A_866, %add3A_875 : vector<16xi32>
        %gather3A = arith.constant 0 : i32
        %gather3A_877 = arith.constant 0 : i32
        %gather3A_878 = tpu.memref_slice %arg8[%select_n3A_766, %gather3A, %gather3A_877] : memref<4x128x128xf32, #tpu.memory_space<vmem>> -> memref<1x128x128xf32, #tpu.memory_space<vmem>>
        %gather3A_879 = tpu.memref_squeeze %gather3A_878 : memref<1x128x128xf32, #tpu.memory_space<vmem>> -> memref<128x128xf32, #tpu.memory_space<vmem>>
        %gather3A_880 = tpu.vector_load_idx %gather3A_879[%add3A_864, %add3A_876] : memref<128x128xf32, #tpu.memory_space<vmem>>[vector<16xi32>, vector<16xi32>], vector<16xf32>,
        %mul3A_881 = arith.constant 8.000000e+00 : f32
        %mul3A_882 = vector.broadcast %mul3A_881 : f32 to vector<16xf32>
        %mul3A_883 = arith.mulf %gather3A_880, %mul3A_882 : vector<16xf32>
        %scatter3A = arith.constant 0 : i32
        %scatter3A_884 = arith.constant 0 : i32
        %scatter3A_885 = tpu.memref_slice %arg9[%select_n3A_766, %scatter3A, %scatter3A_884] : memref<4x64x128xf32, #tpu.memory_space<vmem>> -> memref<1x64x128xf32, #tpu.memory_space<vmem>>
        %scatter3A_886 = tpu.memref_squeeze %scatter3A_885 : memref<1x64x128xf32, #tpu.memory_space<vmem>> -> memref<64x128xf32, #tpu.memory_space<vmem>>
        tpu.vector_store_idx %scatter3A_886[%add3A_875, %add3A_864], %mul3A_883 : memref<64x128xf32, #tpu.memory_space<vmem>>[vector<16xi32>, vector<16xi32>], vector<16xf32>,
        %add3A_887 = arith.constant 1 : i32
        %add3A_888 = vector.broadcast %add3A_887 : i32 to vector<16xi32>
        %add3A_889 = arith.addi %iota3A, %add3A_888 : vector<16xi32>
        %and3A_890 = arith.constant 15 : i32
        %and3A_891 = vector.broadcast %and3A_890 : i32 to vector<16xi32>
        %and3A_892 = arith.andi %add3A_889, %and3A_891 : vector<16xi32>
        %add3A_893 = arith.constant 0 : i32
        %add3A_894 = vector.broadcast %add3A_893 : i32 to vector<16xi32>
        %add3A_895 = arith.addi %add3A_894, %and3A_892 : vector<16xi32>
        %add3A_896 = arith.addi %get3A_866, %add3A_895 : vector<16xi32>
        %gather3A_897 = arith.constant 0 : i32
        %gather3A_898 = arith.constant 0 : i32
        %gather3A_899 = tpu.memref_slice %arg8[%select_n3A_766, %gather3A_897, %gather3A_898] : memref<4x128x128xf32, #tpu.memory_space<vmem>> -> memref<1x128x128xf32, #tpu.memory_space<vmem>>
        %gather3A_900 = tpu.memref_squeeze %gather3A_899 : memref<1x128x128xf32, #tpu.memory_space<vmem>> -> memref<128x128xf32, #tpu.memory_space<vmem>>
        %gather3A_901 = tpu.vector_load_idx %gather3A_900[%add3A_864, %add3A_896] : memref<128x128xf32, #tpu.memory_space<vmem>>[vector<16xi32>, vector<16xi32>], vector<16xf32>,
        %mul3A_902 = arith.constant 8.000000e+00 : f32
        %mul3A_903 = vector.broadcast %mul3A_902 : f32 to vector<16xf32>
        %mul3A_904 = arith.mulf %gather3A_901, %mul3A_903 : vector<16xf32>
        %scatter3A_905 = arith.constant 0 : i32
        %scatter3A_906 = arith.constant 0 : i32
        %scatter3A_907 = tpu.memref_slice %arg9[%select_n3A_766, %scatter3A_905, %scatter3A_906] : memref<4x64x128xf32, #tpu.memory_space<vmem>> -> memref<1x64x128xf32, #tpu.memory_space<vmem>>
        %scatter3A_908 = tpu.memref_squeeze %scatter3A_907 : memref<1x64x128xf32, #tpu.memory_space<vmem>> -> memref<64x128xf32, #tpu.memory_space<vmem>>
        tpu.vector_store_idx %scatter3A_908[%add3A_895, %add3A_864], %mul3A_904 : memref<64x128xf32, #tpu.memory_space<vmem>>[vector<16xi32>, vector<16xi32>], vector<16xf32>,
        %add3A_909 = arith.constant 2 : i32
        %add3A_910 = vector.broadcast %add3A_909 : i32 to vector<16xi32>
        %add3A_911 = arith.addi %iota3A, %add3A_910 : vector<16xi32>
        %and3A_912 = arith.constant 15 : i32
        %and3A_913 = vector.broadcast %and3A_912 : i32 to vector<16xi32>
        %and3A_914 = arith.andi %add3A_911, %and3A_913 : vector<16xi32>
        %add3A_915 = arith.constant 0 : i32
        %add3A_916 = vector.broadcast %add3A_915 : i32 to vector<16xi32>
        %add3A_917 = arith.addi %add3A_916, %and3A_914 : vector<16xi32>
        %add3A_918 = arith.addi %get3A_866, %add3A_917 : vector<16xi32>
        %gather3A_919 = arith.constant 0 : i32
        %gather3A_920 = arith.constant 0 : i32
        %gather3A_921 = tpu.memref_slice %arg8[%select_n3A_766, %gather3A_919, %gather3A_920] : memref<4x128x128xf32, #tpu.memory_space<vmem>> -> memref<1x128x128xf32, #tpu.memory_space<vmem>>
        %gather3A_922 = tpu.memref_squeeze %gather3A_921 : memref<1x128x128xf32, #tpu.memory_space<vmem>> -> memref<128x128xf32, #tpu.memory_space<vmem>>
        %gather3A_923 = tpu.vector_load_idx %gather3A_922[%add3A_864, %add3A_918] : memref<128x128xf32, #tpu.memory_space<vmem>>[vector<16xi32>, vector<16xi32>], vector<16xf32>,
        %mul3A_924 = arith.constant 8.000000e+00 : f32
        %mul3A_925 = vector.broadcast %mul3A_924 : f32 to vector<16xf32>
        %mul3A_926 = arith.mulf %gather3A_923, %mul3A_925 : vector<16xf32>
        %scatter3A_927 = arith.constant 0 : i32
        %scatter3A_928 = arith.constant 0 : i32
        %scatter3A_929 = tpu.memref_slice %arg9[%select_n3A_766, %scatter3A_927, %scatter3A_928] : memref<4x64x128xf32, #tpu.memory_space<vmem>> -> memref<1x64x128xf32, #tpu.memory_space<vmem>>
        %scatter3A_930 = tpu.memref_squeeze %scatter3A_929 : memref<1x64x128xf32, #tpu.memory_space<vmem>> -> memref<64x128xf32, #tpu.memory_space<vmem>>
        tpu.vector_store_idx %scatter3A_930[%add3A_917, %add3A_864], %mul3A_926 : memref<64x128xf32, #tpu.memory_space<vmem>>[vector<16xi32>, vector<16xi32>], vector<16xf32>,
        %add3A_931 = arith.constant 3 : i32
        %add3A_932 = vector.broadcast %add3A_931 : i32 to vector<16xi32>
        %add3A_933 = arith.addi %iota3A, %add3A_932 : vector<16xi32>
        %and3A_934 = arith.constant 15 : i32
        %and3A_935 = vector.broadcast %and3A_934 : i32 to vector<16xi32>
        %and3A_936 = arith.andi %add3A_933, %and3A_935 : vector<16xi32>
        %add3A_937 = arith.constant 0 : i32
        %add3A_938 = vector.broadcast %add3A_937 : i32 to vector<16xi32>
        %add3A_939 = arith.addi %add3A_938, %and3A_936 : vector<16xi32>
        %add3A_940 = arith.addi %get3A_866, %add3A_939 : vector<16xi32>
        %gather3A_941 = arith.constant 0 : i32
        %gather3A_942 = arith.constant 0 : i32
        %gather3A_943 = tpu.memref_slice %arg8[%select_n3A_766, %gather3A_941, %gather3A_942] : memref<4x128x128xf32, #tpu.memory_space<vmem>> -> memref<1x128x128xf32, #tpu.memory_space<vmem>>
        %gather3A_944 = tpu.memref_squeeze %gather3A_943 : memref<1x128x128xf32, #tpu.memory_space<vmem>> -> memref<128x128xf32, #tpu.memory_space<vmem>>
        %gather3A_945 = tpu.vector_load_idx %gather3A_944[%add3A_864, %add3A_940] : memref<128x128xf32, #tpu.memory_space<vmem>>[vector<16xi32>, vector<16xi32>], vector<16xf32>,
        %mul3A_946 = arith.constant 8.000000e+00 : f32
        %mul3A_947 = vector.broadcast %mul3A_946 : f32 to vector<16xf32>
        %mul3A_948 = arith.mulf %gather3A_945, %mul3A_947 : vector<16xf32>
        %scatter3A_949 = arith.constant 0 : i32
        %scatter3A_950 = arith.constant 0 : i32
        %scatter3A_951 = tpu.memref_slice %arg9[%select_n3A_766, %scatter3A_949, %scatter3A_950] : memref<4x64x128xf32, #tpu.memory_space<vmem>> -> memref<1x64x128xf32, #tpu.memory_space<vmem>>
        %scatter3A_952 = tpu.memref_squeeze %scatter3A_951 : memref<1x64x128xf32, #tpu.memory_space<vmem>> -> memref<64x128xf32, #tpu.memory_space<vmem>>
        tpu.vector_store_idx %scatter3A_952[%add3A_939, %add3A_864], %mul3A_948 : memref<64x128xf32, #tpu.memory_space<vmem>>[vector<16xi32>, vector<16xi32>], vector<16xf32>,
        %add3A_953 = arith.constant 4 : i32
        %add3A_954 = vector.broadcast %add3A_953 : i32 to vector<16xi32>
        %add3A_955 = arith.addi %iota3A, %add3A_954 : vector<16xi32>
        %and3A_956 = arith.constant 15 : i32
        %and3A_957 = vector.broadcast %and3A_956 : i32 to vector<16xi32>
        %and3A_958 = arith.andi %add3A_955, %and3A_957 : vector<16xi32>
        %add3A_959 = arith.constant 0 : i32
        %add3A_960 = vector.broadcast %add3A_959 : i32 to vector<16xi32>
        %add3A_961 = arith.addi %add3A_960, %and3A_958 : vector<16xi32>
        %add3A_962 = arith.addi %get3A_866, %add3A_961 : vector<16xi32>
        %gather3A_963 = arith.constant 0 : i32
        %gather3A_964 = arith.constant 0 : i32
        %gather3A_965 = tpu.memref_slice %arg8[%select_n3A_766, %gather3A_963, %gather3A_964] : memref<4x128x128xf32, #tpu.memory_space<vmem>> -> memref<1x128x128xf32, #tpu.memory_space<vmem>>
        %gather3A_966 = tpu.memref_squeeze %gather3A_965 : memref<1x128x128xf32, #tpu.memory_space<vmem>> -> memref<128x128xf32, #tpu.memory_space<vmem>>
        %gather3A_967 = tpu.vector_load_idx %gather3A_966[%add3A_864, %add3A_962] : memref<128x128xf32, #tpu.memory_space<vmem>>[vector<16xi32>, vector<16xi32>], vector<16xf32>,
        %mul3A_968 = arith.constant 8.000000e+00 : f32
        %mul3A_969 = vector.broadcast %mul3A_968 : f32 to vector<16xf32>
        %mul3A_970 = arith.mulf %gather3A_967, %mul3A_969 : vector<16xf32>
        %scatter3A_971 = arith.constant 0 : i32
        %scatter3A_972 = arith.constant 0 : i32
        %scatter3A_973 = tpu.memref_slice %arg9[%select_n3A_766, %scatter3A_971, %scatter3A_972] : memref<4x64x128xf32, #tpu.memory_space<vmem>> -> memref<1x64x128xf32, #tpu.memory_space<vmem>>
        %scatter3A_974 = tpu.memref_squeeze %scatter3A_973 : memref<1x64x128xf32, #tpu.memory_space<vmem>> -> memref<64x128xf32, #tpu.memory_space<vmem>>
        tpu.vector_store_idx %scatter3A_974[%add3A_961, %add3A_864], %mul3A_970 : memref<64x128xf32, #tpu.memory_space<vmem>>[vector<16xi32>, vector<16xi32>], vector<16xf32>,
        %add3A_975 = arith.constant 5 : i32
        %add3A_976 = vector.broadcast %add3A_975 : i32 to vector<16xi32>
        %add3A_977 = arith.addi %iota3A, %add3A_976 : vector<16xi32>
        %and3A_978 = arith.constant 15 : i32
        %and3A_979 = vector.broadcast %and3A_978 : i32 to vector<16xi32>
        %and3A_980 = arith.andi %add3A_977, %and3A_979 : vector<16xi32>
        %add3A_981 = arith.constant 0 : i32
        %add3A_982 = vector.broadcast %add3A_981 : i32 to vector<16xi32>
        %add3A_983 = arith.addi %add3A_982, %and3A_980 : vector<16xi32>
        %add3A_984 = arith.addi %get3A_866, %add3A_983 : vector<16xi32>
        %gather3A_985 = arith.constant 0 : i32
        %gather3A_986 = arith.constant 0 : i32
        %gather3A_987 = tpu.memref_slice %arg8[%select_n3A_766, %gather3A_985, %gather3A_986] : memref<4x128x128xf32, #tpu.memory_space<vmem>> -> memref<1x128x128xf32, #tpu.memory_space<vmem>>
        %gather3A_988 = tpu.memref_squeeze %gather3A_987 : memref<1x128x128xf32, #tpu.memory_space<vmem>> -> memref<128x128xf32, #tpu.memory_space<vmem>>
        %gather3A_989 = tpu.vector_load_idx %gather3A_988[%add3A_864, %add3A_984] : memref<128x128xf32, #tpu.memory_space<vmem>>[vector<16xi32>, vector<16xi32>], vector<16xf32>,
        %mul3A_990 = arith.constant 8.000000e+00 : f32
        %mul3A_991 = vector.broadcast %mul3A_990 : f32 to vector<16xf32>
        %mul3A_992 = arith.mulf %gather3A_989, %mul3A_991 : vector<16xf32>
        %scatter3A_993 = arith.constant 0 : i32
        %scatter3A_994 = arith.constant 0 : i32
        %scatter3A_995 = tpu.memref_slice %arg9[%select_n3A_766, %scatter3A_993, %scatter3A_994] : memref<4x64x128xf32, #tpu.memory_space<vmem>> -> memref<1x64x128xf32, #tpu.memory_space<vmem>>
        %scatter3A_996 = tpu.memref_squeeze %scatter3A_995 : memref<1x64x128xf32, #tpu.memory_space<vmem>> -> memref<64x128xf32, #tpu.memory_space<vmem>>
        tpu.vector_store_idx %scatter3A_996[%add3A_983, %add3A_864], %mul3A_992 : memref<64x128xf32, #tpu.memory_space<vmem>>[vector<16xi32>, vector<16xi32>], vector<16xf32>,
        %add3A_997 = arith.constant 6 : i32
        %add3A_998 = vector.broadcast %add3A_997 : i32 to vector<16xi32>
        %add3A_999 = arith.addi %iota3A, %add3A_998 : vector<16xi32>
        %and3A_1000 = arith.constant 15 : i32
        %and3A_1001 = vector.broadcast %and3A_1000 : i32 to vector<16xi32>
        %and3A_1002 = arith.andi %add3A_999, %and3A_1001 : vector<16xi32>
        %add3A_1003 = arith.constant 0 : i32
        %add3A_1004 = vector.broadcast %add3A_1003 : i32 to vector<16xi32>
        %add3A_1005 = arith.addi %add3A_1004, %and3A_1002 : vector<16xi32>
        %add3A_1006 = arith.addi %get3A_866, %add3A_1005 : vector<16xi32>
        %gather3A_1007 = arith.constant 0 : i32
        %gather3A_1008 = arith.constant 0 : i32
        %gather3A_1009 = tpu.memref_slice %arg8[%select_n3A_766, %gather3A_1007, %gather3A_1008] : memref<4x128x128xf32, #tpu.memory_space<vmem>> -> memref<1x128x128xf32, #tpu.memory_space<vmem>>
        %gather3A_1010 = tpu.memref_squeeze %gather3A_1009 : memref<1x128x128xf32, #tpu.memory_space<vmem>> -> memref<128x128xf32, #tpu.memory_space<vmem>>
        %gather3A_1011 = tpu.vector_load_idx %gather3A_1010[%add3A_864, %add3A_1006] : memref<128x128xf32, #tpu.memory_space<vmem>>[vector<16xi32>, vector<16xi32>], vector<16xf32>,
        %mul3A_1012 = arith.constant 8.000000e+00 : f32
        %mul3A_1013 = vector.broadcast %mul3A_1012 : f32 to vector<16xf32>
        %mul3A_1014 = arith.mulf %gather3A_1011, %mul3A_1013 : vector<16xf32>
        %scatter3A_1015 = arith.constant 0 : i32
        %scatter3A_1016 = arith.constant 0 : i32
        %scatter3A_1017 = tpu.memref_slice %arg9[%select_n3A_766, %scatter3A_1015, %scatter3A_1016] : memref<4x64x128xf32, #tpu.memory_space<vmem>> -> memref<1x64x128xf32, #tpu.memory_space<vmem>>
        %scatter3A_1018 = tpu.memref_squeeze %scatter3A_1017 : memref<1x64x128xf32, #tpu.memory_space<vmem>> -> memref<64x128xf32, #tpu.memory_space<vmem>>
        tpu.vector_store_idx %scatter3A_1018[%add3A_1005, %add3A_864], %mul3A_1014 : memref<64x128xf32, #tpu.memory_space<vmem>>[vector<16xi32>, vector<16xi32>], vector<16xf32>,
        %add3A_1019 = arith.constant 7 : i32
        %add3A_1020 = vector.broadcast %add3A_1019 : i32 to vector<16xi32>
        %add3A_1021 = arith.addi %iota3A, %add3A_1020 : vector<16xi32>
        %and3A_1022 = arith.constant 15 : i32
        %and3A_1023 = vector.broadcast %and3A_1022 : i32 to vector<16xi32>
        %and3A_1024 = arith.andi %add3A_1021, %and3A_1023 : vector<16xi32>
        %add3A_1025 = arith.constant 0 : i32
        %add3A_1026 = vector.broadcast %add3A_1025 : i32 to vector<16xi32>
        %add3A_1027 = arith.addi %add3A_1026, %and3A_1024 : vector<16xi32>
        %add3A_1028 = arith.addi %get3A_866, %add3A_1027 : vector<16xi32>
        %gather3A_1029 = arith.constant 0 : i32
        %gather3A_1030 = arith.constant 0 : i32
        %gather3A_1031 = tpu.memref_slice %arg8[%select_n3A_766, %gather3A_1029, %gather3A_1030] : memref<4x128x128xf32, #tpu.memory_space<vmem>> -> memref<1x128x128xf32, #tpu.memory_space<vmem>>
        %gather3A_1032 = tpu.memref_squeeze %gather3A_1031 : memref<1x128x128xf32, #tpu.memory_space<vmem>> -> memref<128x128xf32, #tpu.memory_space<vmem>>
        %gather3A_1033 = tpu.vector_load_idx %gather3A_1032[%add3A_864, %add3A_1028] : memref<128x128xf32, #tpu.memory_space<vmem>>[vector<16xi32>, vector<16xi32>], vector<16xf32>,
        %mul3A_1034 = arith.constant 8.000000e+00 : f32
        %mul3A_1035 = vector.broadcast %mul3A_1034 : f32 to vector<16xf32>
        %mul3A_1036 = arith.mulf %gather3A_1033, %mul3A_1035 : vector<16xf32>
        %scatter3A_1037 = arith.constant 0 : i32
        %scatter3A_1038 = arith.constant 0 : i32
        %scatter3A_1039 = tpu.memref_slice %arg9[%select_n3A_766, %scatter3A_1037, %scatter3A_1038] : memref<4x64x128xf32, #tpu.memory_space<vmem>> -> memref<1x64x128xf32, #tpu.memory_space<vmem>>
        %scatter3A_1040 = tpu.memref_squeeze %scatter3A_1039 : memref<1x64x128xf32, #tpu.memory_space<vmem>> -> memref<64x128xf32, #tpu.memory_space<vmem>>
        tpu.vector_store_idx %scatter3A_1040[%add3A_1027, %add3A_864], %mul3A_1036 : memref<64x128xf32, #tpu.memory_space<vmem>>[vector<16xi32>, vector<16xi32>], vector<16xf32>,
        %add3A_1041 = arith.constant 8 : i32
        %add3A_1042 = vector.broadcast %add3A_1041 : i32 to vector<16xi32>
        %add3A_1043 = arith.addi %iota3A, %add3A_1042 : vector<16xi32>
        %and3A_1044 = arith.constant 15 : i32
        %and3A_1045 = vector.broadcast %and3A_1044 : i32 to vector<16xi32>
        %and3A_1046 = arith.andi %add3A_1043, %and3A_1045 : vector<16xi32>
        %add3A_1047 = arith.constant 0 : i32
        %add3A_1048 = vector.broadcast %add3A_1047 : i32 to vector<16xi32>
        %add3A_1049 = arith.addi %add3A_1048, %and3A_1046 : vector<16xi32>
        %add3A_1050 = arith.addi %get3A_866, %add3A_1049 : vector<16xi32>
        %gather3A_1051 = arith.constant 0 : i32
        %gather3A_1052 = arith.constant 0 : i32
        %gather3A_1053 = tpu.memref_slice %arg8[%select_n3A_766, %gather3A_1051, %gather3A_1052] : memref<4x128x128xf32, #tpu.memory_space<vmem>> -> memref<1x128x128xf32, #tpu.memory_space<vmem>>
        %gather3A_1054 = tpu.memref_squeeze %gather3A_1053 : memref<1x128x128xf32, #tpu.memory_space<vmem>> -> memref<128x128xf32, #tpu.memory_space<vmem>>
        %gather3A_1055 = tpu.vector_load_idx %gather3A_1054[%add3A_864, %add3A_1050] : memref<128x128xf32, #tpu.memory_space<vmem>>[vector<16xi32>, vector<16xi32>], vector<16xf32>,
        %mul3A_1056 = arith.constant 8.000000e+00 : f32
        %mul3A_1057 = vector.broadcast %mul3A_1056 : f32 to vector<16xf32>
        %mul3A_1058 = arith.mulf %gather3A_1055, %mul3A_1057 : vector<16xf32>
        %scatter3A_1059 = arith.constant 0 : i32
        %scatter3A_1060 = arith.constant 0 : i32
        %scatter3A_1061 = tpu.memref_slice %arg9[%select_n3A_766, %scatter3A_1059, %scatter3A_1060] : memref<4x64x128xf32, #tpu.memory_space<vmem>> -> memref<1x64x128xf32, #tpu.memory_space<vmem>>
        %scatter3A_1062 = tpu.memref_squeeze %scatter3A_1061 : memref<1x64x128xf32, #tpu.memory_space<vmem>> -> memref<64x128xf32, #tpu.memory_space<vmem>>
        tpu.vector_store_idx %scatter3A_1062[%add3A_1049, %add3A_864], %mul3A_1058 : memref<64x128xf32, #tpu.memory_space<vmem>>[vector<16xi32>, vector<16xi32>], vector<16xf32>,
        %add3A_1063 = arith.constant 9 : i32
        %add3A_1064 = vector.broadcast %add3A_1063 : i32 to vector<16xi32>
        %add3A_1065 = arith.addi %iota3A, %add3A_1064 : vector<16xi32>
        %and3A_1066 = arith.constant 15 : i32
        %and3A_1067 = vector.broadcast %and3A_1066 : i32 to vector<16xi32>
        %and3A_1068 = arith.andi %add3A_1065, %and3A_1067 : vector<16xi32>
        %add3A_1069 = arith.constant 0 : i32
        %add3A_1070 = vector.broadcast %add3A_1069 : i32 to vector<16xi32>
        %add3A_1071 = arith.addi %add3A_1070, %and3A_1068 : vector<16xi32>
        %add3A_1072 = arith.addi %get3A_866, %add3A_1071 : vector<16xi32>
        %gather3A_1073 = arith.constant 0 : i32
        %gather3A_1074 = arith.constant 0 : i32
        %gather3A_1075 = tpu.memref_slice %arg8[%select_n3A_766, %gather3A_1073, %gather3A_1074] : memref<4x128x128xf32, #tpu.memory_space<vmem>> -> memref<1x128x128xf32, #tpu.memory_space<vmem>>
        %gather3A_1076 = tpu.memref_squeeze %gather3A_1075 : memref<1x128x128xf32, #tpu.memory_space<vmem>> -> memref<128x128xf32, #tpu.memory_space<vmem>>
        %gather3A_1077 = tpu.vector_load_idx %gather3A_1076[%add3A_864, %add3A_1072] : memref<128x128xf32, #tpu.memory_space<vmem>>[vector<16xi32>, vector<16xi32>], vector<16xf32>,
        %mul3A_1078 = arith.constant 8.000000e+00 : f32
        %mul3A_1079 = vector.broadcast %mul3A_1078 : f32 to vector<16xf32>
        %mul3A_1080 = arith.mulf %gather3A_1077, %mul3A_1079 : vector<16xf32>
        %scatter3A_1081 = arith.constant 0 : i32
        %scatter3A_1082 = arith.constant 0 : i32
        %scatter3A_1083 = tpu.memref_slice %arg9[%select_n3A_766, %scatter3A_1081, %scatter3A_1082] : memref<4x64x128xf32, #tpu.memory_space<vmem>> -> memref<1x64x128xf32, #tpu.memory_space<vmem>>
        %scatter3A_1084 = tpu.memref_squeeze %scatter3A_1083 : memref<1x64x128xf32, #tpu.memory_space<vmem>> -> memref<64x128xf32, #tpu.memory_space<vmem>>
        tpu.vector_store_idx %scatter3A_1084[%add3A_1071, %add3A_864], %mul3A_1080 : memref<64x128xf32, #tpu.memory_space<vmem>>[vector<16xi32>, vector<16xi32>], vector<16xf32>,
        %add3A_1085 = arith.constant 10 : i32
        %add3A_1086 = vector.broadcast %add3A_1085 : i32 to vector<16xi32>
        %add3A_1087 = arith.addi %iota3A, %add3A_1086 : vector<16xi32>
        %and3A_1088 = arith.constant 15 : i32
        %and3A_1089 = vector.broadcast %and3A_1088 : i32 to vector<16xi32>
        %and3A_1090 = arith.andi %add3A_1087, %and3A_1089 : vector<16xi32>
        %add3A_1091 = arith.constant 0 : i32
        %add3A_1092 = vector.broadcast %add3A_1091 : i32 to vector<16xi32>
        %add3A_1093 = arith.addi %add3A_1092, %and3A_1090 : vector<16xi32>
        %add3A_1094 = arith.addi %get3A_866, %add3A_1093 : vector<16xi32>
        %gather3A_1095 = arith.constant 0 : i32
        %gather3A_1096 = arith.constant 0 : i32
        %gather3A_1097 = tpu.memref_slice %arg8[%select_n3A_766, %gather3A_1095, %gather3A_1096] : memref<4x128x128xf32, #tpu.memory_space<vmem>> -> memref<1x128x128xf32, #tpu.memory_space<vmem>>
        %gather3A_1098 = tpu.memref_squeeze %gather3A_1097 : memref<1x128x128xf32, #tpu.memory_space<vmem>> -> memref<128x128xf32, #tpu.memory_space<vmem>>
        %gather3A_1099 = tpu.vector_load_idx %gather3A_1098[%add3A_864, %add3A_1094] : memref<128x128xf32, #tpu.memory_space<vmem>>[vector<16xi32>, vector<16xi32>], vector<16xf32>,
        %mul3A_1100 = arith.constant 8.000000e+00 : f32
        %mul3A_1101 = vector.broadcast %mul3A_1100 : f32 to vector<16xf32>
        %mul3A_1102 = arith.mulf %gather3A_1099, %mul3A_1101 : vector<16xf32>
        %scatter3A_1103 = arith.constant 0 : i32
        %scatter3A_1104 = arith.constant 0 : i32
        %scatter3A_1105 = tpu.memref_slice %arg9[%select_n3A_766, %scatter3A_1103, %scatter3A_1104] : memref<4x64x128xf32, #tpu.memory_space<vmem>> -> memref<1x64x128xf32, #tpu.memory_space<vmem>>
        %scatter3A_1106 = tpu.memref_squeeze %scatter3A_1105 : memref<1x64x128xf32, #tpu.memory_space<vmem>> -> memref<64x128xf32, #tpu.memory_space<vmem>>
        tpu.vector_store_idx %scatter3A_1106[%add3A_1093, %add3A_864], %mul3A_1102 : memref<64x128xf32, #tpu.memory_space<vmem>>[vector<16xi32>, vector<16xi32>], vector<16xf32>,
        %add3A_1107 = arith.constant 11 : i32
        %add3A_1108 = vector.broadcast %add3A_1107 : i32 to vector<16xi32>
        %add3A_1109 = arith.addi %iota3A, %add3A_1108 : vector<16xi32>
        %and3A_1110 = arith.constant 15 : i32
        %and3A_1111 = vector.broadcast %and3A_1110 : i32 to vector<16xi32>
        %and3A_1112 = arith.andi %add3A_1109, %and3A_1111 : vector<16xi32>
        %add3A_1113 = arith.constant 0 : i32
        %add3A_1114 = vector.broadcast %add3A_1113 : i32 to vector<16xi32>
        %add3A_1115 = arith.addi %add3A_1114, %and3A_1112 : vector<16xi32>
        %add3A_1116 = arith.addi %get3A_866, %add3A_1115 : vector<16xi32>
        %gather3A_1117 = arith.constant 0 : i32
        %gather3A_1118 = arith.constant 0 : i32
        %gather3A_1119 = tpu.memref_slice %arg8[%select_n3A_766, %gather3A_1117, %gather3A_1118] : memref<4x128x128xf32, #tpu.memory_space<vmem>> -> memref<1x128x128xf32, #tpu.memory_space<vmem>>
        %gather3A_1120 = tpu.memref_squeeze %gather3A_1119 : memref<1x128x128xf32, #tpu.memory_space<vmem>> -> memref<128x128xf32, #tpu.memory_space<vmem>>
        %gather3A_1121 = tpu.vector_load_idx %gather3A_1120[%add3A_864, %add3A_1116] : memref<128x128xf32, #tpu.memory_space<vmem>>[vector<16xi32>, vector<16xi32>], vector<16xf32>,
        %mul3A_1122 = arith.constant 8.000000e+00 : f32
        %mul3A_1123 = vector.broadcast %mul3A_1122 : f32 to vector<16xf32>
        %mul3A_1124 = arith.mulf %gather3A_1121, %mul3A_1123 : vector<16xf32>
        %scatter3A_1125 = arith.constant 0 : i32
        %scatter3A_1126 = arith.constant 0 : i32
        %scatter3A_1127 = tpu.memref_slice %arg9[%select_n3A_766, %scatter3A_1125, %scatter3A_1126] : memref<4x64x128xf32, #tpu.memory_space<vmem>> -> memref<1x64x128xf32, #tpu.memory_space<vmem>>
        %scatter3A_1128 = tpu.memref_squeeze %scatter3A_1127 : memref<1x64x128xf32, #tpu.memory_space<vmem>> -> memref<64x128xf32, #tpu.memory_space<vmem>>
        tpu.vector_store_idx %scatter3A_1128[%add3A_1115, %add3A_864], %mul3A_1124 : memref<64x128xf32, #tpu.memory_space<vmem>>[vector<16xi32>, vector<16xi32>], vector<16xf32>,
        %add3A_1129 = arith.constant 12 : i32
        %add3A_1130 = vector.broadcast %add3A_1129 : i32 to vector<16xi32>
        %add3A_1131 = arith.addi %iota3A, %add3A_1130 : vector<16xi32>
        %and3A_1132 = arith.constant 15 : i32
        %and3A_1133 = vector.broadcast %and3A_1132 : i32 to vector<16xi32>
        %and3A_1134 = arith.andi %add3A_1131, %and3A_1133 : vector<16xi32>
        %add3A_1135 = arith.constant 0 : i32
        %add3A_1136 = vector.broadcast %add3A_1135 : i32 to vector<16xi32>
        %add3A_1137 = arith.addi %add3A_1136, %and3A_1134 : vector<16xi32>
        %add3A_1138 = arith.addi %get3A_866, %add3A_1137 : vector<16xi32>
        %gather3A_1139 = arith.constant 0 : i32
        %gather3A_1140 = arith.constant 0 : i32
        %gather3A_1141 = tpu.memref_slice %arg8[%select_n3A_766, %gather3A_1139, %gather3A_1140] : memref<4x128x128xf32, #tpu.memory_space<vmem>> -> memref<1x128x128xf32, #tpu.memory_space<vmem>>
        %gather3A_1142 = tpu.memref_squeeze %gather3A_1141 : memref<1x128x128xf32, #tpu.memory_space<vmem>> -> memref<128x128xf32, #tpu.memory_space<vmem>>
        %gather3A_1143 = tpu.vector_load_idx %gather3A_1142[%add3A_864, %add3A_1138] : memref<128x128xf32, #tpu.memory_space<vmem>>[vector<16xi32>, vector<16xi32>], vector<16xf32>,
        %mul3A_1144 = arith.constant 8.000000e+00 : f32
        %mul3A_1145 = vector.broadcast %mul3A_1144 : f32 to vector<16xf32>
        %mul3A_1146 = arith.mulf %gather3A_1143, %mul3A_1145 : vector<16xf32>
        %scatter3A_1147 = arith.constant 0 : i32
        %scatter3A_1148 = arith.constant 0 : i32
        %scatter3A_1149 = tpu.memref_slice %arg9[%select_n3A_766, %scatter3A_1147, %scatter3A_1148] : memref<4x64x128xf32, #tpu.memory_space<vmem>> -> memref<1x64x128xf32, #tpu.memory_space<vmem>>
        %scatter3A_1150 = tpu.memref_squeeze %scatter3A_1149 : memref<1x64x128xf32, #tpu.memory_space<vmem>> -> memref<64x128xf32, #tpu.memory_space<vmem>>
        tpu.vector_store_idx %scatter3A_1150[%add3A_1137, %add3A_864], %mul3A_1146 : memref<64x128xf32, #tpu.memory_space<vmem>>[vector<16xi32>, vector<16xi32>], vector<16xf32>,
        %add3A_1151 = arith.constant 13 : i32
        %add3A_1152 = vector.broadcast %add3A_1151 : i32 to vector<16xi32>
        %add3A_1153 = arith.addi %iota3A, %add3A_1152 : vector<16xi32>
        %and3A_1154 = arith.constant 15 : i32
        %and3A_1155 = vector.broadcast %and3A_1154 : i32 to vector<16xi32>
        %and3A_1156 = arith.andi %add3A_1153, %and3A_1155 : vector<16xi32>
        %add3A_1157 = arith.constant 0 : i32
        %add3A_1158 = vector.broadcast %add3A_1157 : i32 to vector<16xi32>
        %add3A_1159 = arith.addi %add3A_1158, %and3A_1156 : vector<16xi32>
        %add3A_1160 = arith.addi %get3A_866, %add3A_1159 : vector<16xi32>
        %gather3A_1161 = arith.constant 0 : i32
        %gather3A_1162 = arith.constant 0 : i32
        %gather3A_1163 = tpu.memref_slice %arg8[%select_n3A_766, %gather3A_1161, %gather3A_1162] : memref<4x128x128xf32, #tpu.memory_space<vmem>> -> memref<1x128x128xf32, #tpu.memory_space<vmem>>
        %gather3A_1164 = tpu.memref_squeeze %gather3A_1163 : memref<1x128x128xf32, #tpu.memory_space<vmem>> -> memref<128x128xf32, #tpu.memory_space<vmem>>
        %gather3A_1165 = tpu.vector_load_idx %gather3A_1164[%add3A_864, %add3A_1160] : memref<128x128xf32, #tpu.memory_space<vmem>>[vector<16xi32>, vector<16xi32>], vector<16xf32>,
        %mul3A_1166 = arith.constant 8.000000e+00 : f32
        %mul3A_1167 = vector.broadcast %mul3A_1166 : f32 to vector<16xf32>
        %mul3A_1168 = arith.mulf %gather3A_1165, %mul3A_1167 : vector<16xf32>
        %scatter3A_1169 = arith.constant 0 : i32
        %scatter3A_1170 = arith.constant 0 : i32
        %scatter3A_1171 = tpu.memref_slice %arg9[%select_n3A_766, %scatter3A_1169, %scatter3A_1170] : memref<4x64x128xf32, #tpu.memory_space<vmem>> -> memref<1x64x128xf32, #tpu.memory_space<vmem>>
        %scatter3A_1172 = tpu.memref_squeeze %scatter3A_1171 : memref<1x64x128xf32, #tpu.memory_space<vmem>> -> memref<64x128xf32, #tpu.memory_space<vmem>>
        tpu.vector_store_idx %scatter3A_1172[%add3A_1159, %add3A_864], %mul3A_1168 : memref<64x128xf32, #tpu.memory_space<vmem>>[vector<16xi32>, vector<16xi32>], vector<16xf32>,
        %add3A_1173 = arith.constant 14 : i32
        %add3A_1174 = vector.broadcast %add3A_1173 : i32 to vector<16xi32>
        %add3A_1175 = arith.addi %iota3A, %add3A_1174 : vector<16xi32>
        %and3A_1176 = arith.constant 15 : i32
        %and3A_1177 = vector.broadcast %and3A_1176 : i32 to vector<16xi32>
        %and3A_1178 = arith.andi %add3A_1175, %and3A_1177 : vector<16xi32>
        %add3A_1179 = arith.constant 0 : i32
        %add3A_1180 = vector.broadcast %add3A_1179 : i32 to vector<16xi32>
        %add3A_1181 = arith.addi %add3A_1180, %and3A_1178 : vector<16xi32>
        %add3A_1182 = arith.addi %get3A_866, %add3A_1181 : vector<16xi32>
        %gather3A_1183 = arith.constant 0 : i32
        %gather3A_1184 = arith.constant 0 : i32
        %gather3A_1185 = tpu.memref_slice %arg8[%select_n3A_766, %gather3A_1183, %gather3A_1184] : memref<4x128x128xf32, #tpu.memory_space<vmem>> -> memref<1x128x128xf32, #tpu.memory_space<vmem>>
        %gather3A_1186 = tpu.memref_squeeze %gather3A_1185 : memref<1x128x128xf32, #tpu.memory_space<vmem>> -> memref<128x128xf32, #tpu.memory_space<vmem>>
        %gather3A_1187 = tpu.vector_load_idx %gather3A_1186[%add3A_864, %add3A_1182] : memref<128x128xf32, #tpu.memory_space<vmem>>[vector<16xi32>, vector<16xi32>], vector<16xf32>,
        %mul3A_1188 = arith.constant 8.000000e+00 : f32
        %mul3A_1189 = vector.broadcast %mul3A_1188 : f32 to vector<16xf32>
        %mul3A_1190 = arith.mulf %gather3A_1187, %mul3A_1189 : vector<16xf32>
        %scatter3A_1191 = arith.constant 0 : i32
        %scatter3A_1192 = arith.constant 0 : i32
        %scatter3A_1193 = tpu.memref_slice %arg9[%select_n3A_766, %scatter3A_1191, %scatter3A_1192] : memref<4x64x128xf32, #tpu.memory_space<vmem>> -> memref<1x64x128xf32, #tpu.memory_space<vmem>>
        %scatter3A_1194 = tpu.memref_squeeze %scatter3A_1193 : memref<1x64x128xf32, #tpu.memory_space<vmem>> -> memref<64x128xf32, #tpu.memory_space<vmem>>
        tpu.vector_store_idx %scatter3A_1194[%add3A_1181, %add3A_864], %mul3A_1190 : memref<64x128xf32, #tpu.memory_space<vmem>>[vector<16xi32>, vector<16xi32>], vector<16xf32>,
        %add3A_1195 = arith.constant 15 : i32
        %add3A_1196 = vector.broadcast %add3A_1195 : i32 to vector<16xi32>
        %add3A_1197 = arith.addi %iota3A, %add3A_1196 : vector<16xi32>
        %and3A_1198 = arith.constant 15 : i32
        %and3A_1199 = vector.broadcast %and3A_1198 : i32 to vector<16xi32>
        %and3A_1200 = arith.andi %add3A_1197, %and3A_1199 : vector<16xi32>
        %add3A_1201 = arith.constant 0 : i32
        %add3A_1202 = vector.broadcast %add3A_1201 : i32 to vector<16xi32>
        %add3A_1203 = arith.addi %add3A_1202, %and3A_1200 : vector<16xi32>
        %add3A_1204 = arith.addi %get3A_866, %add3A_1203 : vector<16xi32>
        %gather3A_1205 = arith.constant 0 : i32
        %gather3A_1206 = arith.constant 0 : i32
        %gather3A_1207 = tpu.memref_slice %arg8[%select_n3A_766, %gather3A_1205, %gather3A_1206] : memref<4x128x128xf32, #tpu.memory_space<vmem>> -> memref<1x128x128xf32, #tpu.memory_space<vmem>>
        %gather3A_1208 = tpu.memref_squeeze %gather3A_1207 : memref<1x128x128xf32, #tpu.memory_space<vmem>> -> memref<128x128xf32, #tpu.memory_space<vmem>>
        %gather3A_1209 = tpu.vector_load_idx %gather3A_1208[%add3A_864, %add3A_1204] : memref<128x128xf32, #tpu.memory_space<vmem>>[vector<16xi32>, vector<16xi32>], vector<16xf32>,
        %mul3A_1210 = arith.constant 8.000000e+00 : f32
        %mul3A_1211 = vector.broadcast %mul3A_1210 : f32 to vector<16xf32>
        %mul3A_1212 = arith.mulf %gather3A_1209, %mul3A_1211 : vector<16xf32>
        %scatter3A_1213 = arith.constant 0 : i32
        %scatter3A_1214 = arith.constant 0 : i32
        %scatter3A_1215 = tpu.memref_slice %arg9[%select_n3A_766, %scatter3A_1213, %scatter3A_1214] : memref<4x64x128xf32, #tpu.memory_space<vmem>> -> memref<1x64x128xf32, #tpu.memory_space<vmem>>
        %scatter3A_1216 = tpu.memref_squeeze %scatter3A_1215 : memref<1x64x128xf32, #tpu.memory_space<vmem>> -> memref<64x128xf32, #tpu.memory_space<vmem>>
        tpu.vector_store_idx %scatter3A_1216[%add3A_1203, %add3A_864], %mul3A_1212 : memref<64x128xf32, #tpu.memory_space<vmem>>[vector<16xi32>, vector<16xi32>], vector<16xf32>,
        %add3A_1217 = arith.constant 0 : i32
        %add3A_1218 = vector.broadcast %add3A_1217 : i32 to vector<16xi32>
        %add3A_1219 = arith.addi %iota3A, %add3A_1218 : vector<16xi32>
        %and3A_1220 = arith.constant 15 : i32
        %and3A_1221 = vector.broadcast %and3A_1220 : i32 to vector<16xi32>
        %and3A_1222 = arith.andi %add3A_1219, %and3A_1221 : vector<16xi32>
        %add3A_1223 = arith.constant 16 : i32
        %add3A_1224 = vector.broadcast %add3A_1223 : i32 to vector<16xi32>
        %add3A_1225 = arith.addi %add3A_1224, %and3A_1222 : vector<16xi32>
        %add3A_1226 = arith.addi %get3A_866, %add3A_1225 : vector<16xi32>
        %gather3A_1227 = arith.constant 0 : i32
        %gather3A_1228 = arith.constant 0 : i32
        %gather3A_1229 = tpu.memref_slice %arg8[%select_n3A_766, %gather3A_1227, %gather3A_1228] : memref<4x128x128xf32, #tpu.memory_space<vmem>> -> memref<1x128x128xf32, #tpu.memory_space<vmem>>
        %gather3A_1230 = tpu.memref_squeeze %gather3A_1229 : memref<1x128x128xf32, #tpu.memory_space<vmem>> -> memref<128x128xf32, #tpu.memory_space<vmem>>
        %gather3A_1231 = tpu.vector_load_idx %gather3A_1230[%add3A_864, %add3A_1226] : memref<128x128xf32, #tpu.memory_space<vmem>>[vector<16xi32>, vector<16xi32>], vector<16xf32>,
        %mul3A_1232 = arith.constant 8.000000e+00 : f32
        %mul3A_1233 = vector.broadcast %mul3A_1232 : f32 to vector<16xf32>
        %mul3A_1234 = arith.mulf %gather3A_1231, %mul3A_1233 : vector<16xf32>
        %scatter3A_1235 = arith.constant 0 : i32
        %scatter3A_1236 = arith.constant 0 : i32
        %scatter3A_1237 = tpu.memref_slice %arg9[%select_n3A_766, %scatter3A_1235, %scatter3A_1236] : memref<4x64x128xf32, #tpu.memory_space<vmem>> -> memref<1x64x128xf32, #tpu.memory_space<vmem>>
        %scatter3A_1238 = tpu.memref_squeeze %scatter3A_1237 : memref<1x64x128xf32, #tpu.memory_space<vmem>> -> memref<64x128xf32, #tpu.memory_space<vmem>>
        tpu.vector_store_idx %scatter3A_1238[%add3A_1225, %add3A_864], %mul3A_1234 : memref<64x128xf32, #tpu.memory_space<vmem>>[vector<16xi32>, vector<16xi32>], vector<16xf32>,
        %add3A_1239 = arith.constant 1 : i32
        %add3A_1240 = vector.broadcast %add3A_1239 : i32 to vector<16xi32>
        %add3A_1241 = arith.addi %iota3A, %add3A_1240 : vector<16xi32>
        %and3A_1242 = arith.constant 15 : i32
        %and3A_1243 = vector.broadcast %and3A_1242 : i32 to vector<16xi32>
        %and3A_1244 = arith.andi %add3A_1241, %and3A_1243 : vector<16xi32>
        %add3A_1245 = arith.constant 16 : i32
        %add3A_1246 = vector.broadcast %add3A_1245 : i32 to vector<16xi32>
        %add3A_1247 = arith.addi %add3A_1246, %and3A_1244 : vector<16xi32>
        %add3A_1248 = arith.addi %get3A_866, %add3A_1247 : vector<16xi32>
        %gather3A_1249 = arith.constant 0 : i32
        %gather3A_1250 = arith.constant 0 : i32
        %gather3A_1251 = tpu.memref_slice %arg8[%select_n3A_766, %gather3A_1249, %gather3A_1250] : memref<4x128x128xf32, #tpu.memory_space<vmem>> -> memref<1x128x128xf32, #tpu.memory_space<vmem>>
        %gather3A_1252 = tpu.memref_squeeze %gather3A_1251 : memref<1x128x128xf32, #tpu.memory_space<vmem>> -> memref<128x128xf32, #tpu.memory_space<vmem>>
        %gather3A_1253 = tpu.vector_load_idx %gather3A_1252[%add3A_864, %add3A_1248] : memref<128x128xf32, #tpu.memory_space<vmem>>[vector<16xi32>, vector<16xi32>], vector<16xf32>,
        %mul3A_1254 = arith.constant 8.000000e+00 : f32
        %mul3A_1255 = vector.broadcast %mul3A_1254 : f32 to vector<16xf32>
        %mul3A_1256 = arith.mulf %gather3A_1253, %mul3A_1255 : vector<16xf32>
        %scatter3A_1257 = arith.constant 0 : i32
        %scatter3A_1258 = arith.constant 0 : i32
        %scatter3A_1259 = tpu.memref_slice %arg9[%select_n3A_766, %scatter3A_1257, %scatter3A_1258] : memref<4x64x128xf32, #tpu.memory_space<vmem>> -> memref<1x64x128xf32, #tpu.memory_space<vmem>>
        %scatter3A_1260 = tpu.memref_squeeze %scatter3A_1259 : memref<1x64x128xf32, #tpu.memory_space<vmem>> -> memref<64x128xf32, #tpu.memory_space<vmem>>
        tpu.vector_store_idx %scatter3A_1260[%add3A_1247, %add3A_864], %mul3A_1256 : memref<64x128xf32, #tpu.memory_space<vmem>>[vector<16xi32>, vector<16xi32>], vector<16xf32>,
        %add3A_1261 = arith.constant 2 : i32
        %add3A_1262 = vector.broadcast %add3A_1261 : i32 to vector<16xi32>
        %add3A_1263 = arith.addi %iota3A, %add3A_1262 : vector<16xi32>
        %and3A_1264 = arith.constant 15 : i32
        %and3A_1265 = vector.broadcast %and3A_1264 : i32 to vector<16xi32>
        %and3A_1266 = arith.andi %add3A_1263, %and3A_1265 : vector<16xi32>
        %add3A_1267 = arith.constant 16 : i32
        %add3A_1268 = vector.broadcast %add3A_1267 : i32 to vector<16xi32>
        %add3A_1269 = arith.addi %add3A_1268, %and3A_1266 : vector<16xi32>
        %add3A_1270 = arith.addi %get3A_866, %add3A_1269 : vector<16xi32>
        %gather3A_1271 = arith.constant 0 : i32
        %gather3A_1272 = arith.constant 0 : i32
        %gather3A_1273 = tpu.memref_slice %arg8[%select_n3A_766, %gather3A_1271, %gather3A_1272] : memref<4x128x128xf32, #tpu.memory_space<vmem>> -> memref<1x128x128xf32, #tpu.memory_space<vmem>>
        %gather3A_1274 = tpu.memref_squeeze %gather3A_1273 : memref<1x128x128xf32, #tpu.memory_space<vmem>> -> memref<128x128xf32, #tpu.memory_space<vmem>>
        %gather3A_1275 = tpu.vector_load_idx %gather3A_1274[%add3A_864, %add3A_1270] : memref<128x128xf32, #tpu.memory_space<vmem>>[vector<16xi32>, vector<16xi32>], vector<16xf32>,
        %mul3A_1276 = arith.constant 8.000000e+00 : f32
        %mul3A_1277 = vector.broadcast %mul3A_1276 : f32 to vector<16xf32>
        %mul3A_1278 = arith.mulf %gather3A_1275, %mul3A_1277 : vector<16xf32>
        %scatter3A_1279 = arith.constant 0 : i32
        %scatter3A_1280 = arith.constant 0 : i32
        %scatter3A_1281 = tpu.memref_slice %arg9[%select_n3A_766, %scatter3A_1279, %scatter3A_1280] : memref<4x64x128xf32, #tpu.memory_space<vmem>> -> memref<1x64x128xf32, #tpu.memory_space<vmem>>
        %scatter3A_1282 = tpu.memref_squeeze %scatter3A_1281 : memref<1x64x128xf32, #tpu.memory_space<vmem>> -> memref<64x128xf32, #tpu.memory_space<vmem>>
        tpu.vector_store_idx %scatter3A_1282[%add3A_1269, %add3A_864], %mul3A_1278 : memref<64x128xf32, #tpu.memory_space<vmem>>[vector<16xi32>, vector<16xi32>], vector<16xf32>,
        %add3A_1283 = arith.constant 3 : i32
        %add3A_1284 = vector.broadcast %add3A_1283 : i32 to vector<16xi32>
        %add3A_1285 = arith.addi %iota3A, %add3A_1284 : vector<16xi32>
        %and3A_1286 = arith.constant 15 : i32
        %and3A_1287 = vector.broadcast %and3A_1286 : i32 to vector<16xi32>
        %and3A_1288 = arith.andi %add3A_1285, %and3A_1287 : vector<16xi32>
        %add3A_1289 = arith.constant 16 : i32
        %add3A_1290 = vector.broadcast %add3A_1289 : i32 to vector<16xi32>
        %add3A_1291 = arith.addi %add3A_1290, %and3A_1288 : vector<16xi32>
        %add3A_1292 = arith.addi %get3A_866, %add3A_1291 : vector<16xi32>
        %gather3A_1293 = arith.constant 0 : i32
        %gather3A_1294 = arith.constant 0 : i32
        %gather3A_1295 = tpu.memref_slice %arg8[%select_n3A_766, %gather3A_1293, %gather3A_1294] : memref<4x128x128xf32, #tpu.memory_space<vmem>> -> memref<1x128x128xf32, #tpu.memory_space<vmem>>
        %gather3A_1296 = tpu.memref_squeeze %gather3A_1295 : memref<1x128x128xf32, #tpu.memory_space<vmem>> -> memref<128x128xf32, #tpu.memory_space<vmem>>
        %gather3A_1297 = tpu.vector_load_idx %gather3A_1296[%add3A_864, %add3A_1292] : memref<128x128xf32, #tpu.memory_space<vmem>>[vector<16xi32>, vector<16xi32>], vector<16xf32>,
        %mul3A_1298 = arith.constant 8.000000e+00 : f32
        %mul3A_1299 = vector.broadcast %mul3A_1298 : f32 to vector<16xf32>
        %mul3A_1300 = arith.mulf %gather3A_1297, %mul3A_1299 : vector<16xf32>
        %scatter3A_1301 = arith.constant 0 : i32
        %scatter3A_1302 = arith.constant 0 : i32
        %scatter3A_1303 = tpu.memref_slice %arg9[%select_n3A_766, %scatter3A_1301, %scatter3A_1302] : memref<4x64x128xf32, #tpu.memory_space<vmem>> -> memref<1x64x128xf32, #tpu.memory_space<vmem>>
        %scatter3A_1304 = tpu.memref_squeeze %scatter3A_1303 : memref<1x64x128xf32, #tpu.memory_space<vmem>> -> memref<64x128xf32, #tpu.memory_space<vmem>>
        tpu.vector_store_idx %scatter3A_1304[%add3A_1291, %add3A_864], %mul3A_1300 : memref<64x128xf32, #tpu.memory_space<vmem>>[vector<16xi32>, vector<16xi32>], vector<16xf32>,
        %add3A_1305 = arith.constant 4 : i32
        %add3A_1306 = vector.broadcast %add3A_1305 : i32 to vector<16xi32>
        %add3A_1307 = arith.addi %iota3A, %add3A_1306 : vector<16xi32>
        %and3A_1308 = arith.constant 15 : i32
        %and3A_1309 = vector.broadcast %and3A_1308 : i32 to vector<16xi32>
        %and3A_1310 = arith.andi %add3A_1307, %and3A_1309 : vector<16xi32>
        %add3A_1311 = arith.constant 16 : i32
        %add3A_1312 = vector.broadcast %add3A_1311 : i32 to vector<16xi32>
        %add3A_1313 = arith.addi %add3A_1312, %and3A_1310 : vector<16xi32>
        %add3A_1314 = arith.addi %get3A_866, %add3A_1313 : vector<16xi32>
        %gather3A_1315 = arith.constant 0 : i32
        %gather3A_1316 = arith.constant 0 : i32
        %gather3A_1317 = tpu.memref_slice %arg8[%select_n3A_766, %gather3A_1315, %gather3A_1316] : memref<4x128x128xf32, #tpu.memory_space<vmem>> -> memref<1x128x128xf32, #tpu.memory_space<vmem>>
        %gather3A_1318 = tpu.memref_squeeze %gather3A_1317 : memref<1x128x128xf32, #tpu.memory_space<vmem>> -> memref<128x128xf32, #tpu.memory_space<vmem>>
        %gather3A_1319 = tpu.vector_load_idx %gather3A_1318[%add3A_864, %add3A_1314] : memref<128x128xf32, #tpu.memory_space<vmem>>[vector<16xi32>, vector<16xi32>], vector<16xf32>,
        %mul3A_1320 = arith.constant 8.000000e+00 : f32
        %mul3A_1321 = vector.broadcast %mul3A_1320 : f32 to vector<16xf32>
        %mul3A_1322 = arith.mulf %gather3A_1319, %mul3A_1321 : vector<16xf32>
        %scatter3A_1323 = arith.constant 0 : i32
        %scatter3A_1324 = arith.constant 0 : i32
        %scatter3A_1325 = tpu.memref_slice %arg9[%select_n3A_766, %scatter3A_1323, %scatter3A_1324] : memref<4x64x128xf32, #tpu.memory_space<vmem>> -> memref<1x64x128xf32, #tpu.memory_space<vmem>>
        %scatter3A_1326 = tpu.memref_squeeze %scatter3A_1325 : memref<1x64x128xf32, #tpu.memory_space<vmem>> -> memref<64x128xf32, #tpu.memory_space<vmem>>
        tpu.vector_store_idx %scatter3A_1326[%add3A_1313, %add3A_864], %mul3A_1322 : memref<64x128xf32, #tpu.memory_space<vmem>>[vector<16xi32>, vector<16xi32>], vector<16xf32>,
        %add3A_1327 = arith.constant 5 : i32
        %add3A_1328 = vector.broadcast %add3A_1327 : i32 to vector<16xi32>
        %add3A_1329 = arith.addi %iota3A, %add3A_1328 : vector<16xi32>
        %and3A_1330 = arith.constant 15 : i32
        %and3A_1331 = vector.broadcast %and3A_1330 : i32 to vector<16xi32>
        %and3A_1332 = arith.andi %add3A_1329, %and3A_1331 : vector<16xi32>
        %add3A_1333 = arith.constant 16 : i32
        %add3A_1334 = vector.broadcast %add3A_1333 : i32 to vector<16xi32>
        %add3A_1335 = arith.addi %add3A_1334, %and3A_1332 : vector<16xi32>
        %add3A_1336 = arith.addi %get3A_866, %add3A_1335 : vector<16xi32>
        %gather3A_1337 = arith.constant 0 : i32
        %gather3A_1338 = arith.constant 0 : i32
        %gather3A_1339 = tpu.memref_slice %arg8[%select_n3A_766, %gather3A_1337, %gather3A_1338] : memref<4x128x128xf32, #tpu.memory_space<vmem>> -> memref<1x128x128xf32, #tpu.memory_space<vmem>>
        %gather3A_1340 = tpu.memref_squeeze %gather3A_1339 : memref<1x128x128xf32, #tpu.memory_space<vmem>> -> memref<128x128xf32, #tpu.memory_space<vmem>>
        %gather3A_1341 = tpu.vector_load_idx %gather3A_1340[%add3A_864, %add3A_1336] : memref<128x128xf32, #tpu.memory_space<vmem>>[vector<16xi32>, vector<16xi32>], vector<16xf32>,
        %mul3A_1342 = arith.constant 8.000000e+00 : f32
        %mul3A_1343 = vector.broadcast %mul3A_1342 : f32 to vector<16xf32>
        %mul3A_1344 = arith.mulf %gather3A_1341, %mul3A_1343 : vector<16xf32>
        %scatter3A_1345 = arith.constant 0 : i32
        %scatter3A_1346 = arith.constant 0 : i32
        %scatter3A_1347 = tpu.memref_slice %arg9[%select_n3A_766, %scatter3A_1345, %scatter3A_1346] : memref<4x64x128xf32, #tpu.memory_space<vmem>> -> memref<1x64x128xf32, #tpu.memory_space<vmem>>
        %scatter3A_1348 = tpu.memref_squeeze %scatter3A_1347 : memref<1x64x128xf32, #tpu.memory_space<vmem>> -> memref<64x128xf32, #tpu.memory_space<vmem>>
        tpu.vector_store_idx %scatter3A_1348[%add3A_1335, %add3A_864], %mul3A_1344 : memref<64x128xf32, #tpu.memory_space<vmem>>[vector<16xi32>, vector<16xi32>], vector<16xf32>,
        %add3A_1349 = arith.constant 6 : i32
        %add3A_1350 = vector.broadcast %add3A_1349 : i32 to vector<16xi32>
        %add3A_1351 = arith.addi %iota3A, %add3A_1350 : vector<16xi32>
        %and3A_1352 = arith.constant 15 : i32
        %and3A_1353 = vector.broadcast %and3A_1352 : i32 to vector<16xi32>
        %and3A_1354 = arith.andi %add3A_1351, %and3A_1353 : vector<16xi32>
        %add3A_1355 = arith.constant 16 : i32
        %add3A_1356 = vector.broadcast %add3A_1355 : i32 to vector<16xi32>
        %add3A_1357 = arith.addi %add3A_1356, %and3A_1354 : vector<16xi32>
        %add3A_1358 = arith.addi %get3A_866, %add3A_1357 : vector<16xi32>
        %gather3A_1359 = arith.constant 0 : i32
        %gather3A_1360 = arith.constant 0 : i32
        %gather3A_1361 = tpu.memref_slice %arg8[%select_n3A_766, %gather3A_1359, %gather3A_1360] : memref<4x128x128xf32, #tpu.memory_space<vmem>> -> memref<1x128x128xf32, #tpu.memory_space<vmem>>
        %gather3A_1362 = tpu.memref_squeeze %gather3A_1361 : memref<1x128x128xf32, #tpu.memory_space<vmem>> -> memref<128x128xf32, #tpu.memory_space<vmem>>
        %gather3A_1363 = tpu.vector_load_idx %gather3A_1362[%add3A_864, %add3A_1358] : memref<128x128xf32, #tpu.memory_space<vmem>>[vector<16xi32>, vector<16xi32>], vector<16xf32>,
        %mul3A_1364 = arith.constant 8.000000e+00 : f32
        %mul3A_1365 = vector.broadcast %mul3A_1364 : f32 to vector<16xf32>
        %mul3A_1366 = arith.mulf %gather3A_1363, %mul3A_1365 : vector<16xf32>
        %scatter3A_1367 = arith.constant 0 : i32
        %scatter3A_1368 = arith.constant 0 : i32
        %scatter3A_1369 = tpu.memref_slice %arg9[%select_n3A_766, %scatter3A_1367, %scatter3A_1368] : memref<4x64x128xf32, #tpu.memory_space<vmem>> -> memref<1x64x128xf32, #tpu.memory_space<vmem>>
        %scatter3A_1370 = tpu.memref_squeeze %scatter3A_1369 : memref<1x64x128xf32, #tpu.memory_space<vmem>> -> memref<64x128xf32, #tpu.memory_space<vmem>>
        tpu.vector_store_idx %scatter3A_1370[%add3A_1357, %add3A_864], %mul3A_1366 : memref<64x128xf32, #tpu.memory_space<vmem>>[vector<16xi32>, vector<16xi32>], vector<16xf32>,
        %add3A_1371 = arith.constant 7 : i32
        %add3A_1372 = vector.broadcast %add3A_1371 : i32 to vector<16xi32>
        %add3A_1373 = arith.addi %iota3A, %add3A_1372 : vector<16xi32>
        %and3A_1374 = arith.constant 15 : i32
        %and3A_1375 = vector.broadcast %and3A_1374 : i32 to vector<16xi32>
        %and3A_1376 = arith.andi %add3A_1373, %and3A_1375 : vector<16xi32>
        %add3A_1377 = arith.constant 16 : i32
        %add3A_1378 = vector.broadcast %add3A_1377 : i32 to vector<16xi32>
        %add3A_1379 = arith.addi %add3A_1378, %and3A_1376 : vector<16xi32>
        %add3A_1380 = arith.addi %get3A_866, %add3A_1379 : vector<16xi32>
        %gather3A_1381 = arith.constant 0 : i32
        %gather3A_1382 = arith.constant 0 : i32
        %gather3A_1383 = tpu.memref_slice %arg8[%select_n3A_766, %gather3A_1381, %gather3A_1382] : memref<4x128x128xf32, #tpu.memory_space<vmem>> -> memref<1x128x128xf32, #tpu.memory_space<vmem>>
        %gather3A_1384 = tpu.memref_squeeze %gather3A_1383 : memref<1x128x128xf32, #tpu.memory_space<vmem>> -> memref<128x128xf32, #tpu.memory_space<vmem>>
        %gather3A_1385 = tpu.vector_load_idx %gather3A_1384[%add3A_864, %add3A_1380] : memref<128x128xf32, #tpu.memory_space<vmem>>[vector<16xi32>, vector<16xi32>], vector<16xf32>,
        %mul3A_1386 = arith.constant 8.000000e+00 : f32
        %mul3A_1387 = vector.broadcast %mul3A_1386 : f32 to vector<16xf32>
        %mul3A_1388 = arith.mulf %gather3A_1385, %mul3A_1387 : vector<16xf32>
        %scatter3A_1389 = arith.constant 0 : i32
        %scatter3A_1390 = arith.constant 0 : i32
        %scatter3A_1391 = tpu.memref_slice %arg9[%select_n3A_766, %scatter3A_1389, %scatter3A_1390] : memref<4x64x128xf32, #tpu.memory_space<vmem>> -> memref<1x64x128xf32, #tpu.memory_space<vmem>>
        %scatter3A_1392 = tpu.memref_squeeze %scatter3A_1391 : memref<1x64x128xf32, #tpu.memory_space<vmem>> -> memref<64x128xf32, #tpu.memory_space<vmem>>
        tpu.vector_store_idx %scatter3A_1392[%add3A_1379, %add3A_864], %mul3A_1388 : memref<64x128xf32, #tpu.memory_space<vmem>>[vector<16xi32>, vector<16xi32>], vector<16xf32>,
        %add3A_1393 = arith.constant 8 : i32
        %add3A_1394 = vector.broadcast %add3A_1393 : i32 to vector<16xi32>
        %add3A_1395 = arith.addi %iota3A, %add3A_1394 : vector<16xi32>
        %and3A_1396 = arith.constant 15 : i32
        %and3A_1397 = vector.broadcast %and3A_1396 : i32 to vector<16xi32>
        %and3A_1398 = arith.andi %add3A_1395, %and3A_1397 : vector<16xi32>
        %add3A_1399 = arith.constant 16 : i32
        %add3A_1400 = vector.broadcast %add3A_1399 : i32 to vector<16xi32>
        %add3A_1401 = arith.addi %add3A_1400, %and3A_1398 : vector<16xi32>
        %add3A_1402 = arith.addi %get3A_866, %add3A_1401 : vector<16xi32>
        %gather3A_1403 = arith.constant 0 : i32
        %gather3A_1404 = arith.constant 0 : i32
        %gather3A_1405 = tpu.memref_slice %arg8[%select_n3A_766, %gather3A_1403, %gather3A_1404] : memref<4x128x128xf32, #tpu.memory_space<vmem>> -> memref<1x128x128xf32, #tpu.memory_space<vmem>>
        %gather3A_1406 = tpu.memref_squeeze %gather3A_1405 : memref<1x128x128xf32, #tpu.memory_space<vmem>> -> memref<128x128xf32, #tpu.memory_space<vmem>>
        %gather3A_1407 = tpu.vector_load_idx %gather3A_1406[%add3A_864, %add3A_1402] : memref<128x128xf32, #tpu.memory_space<vmem>>[vector<16xi32>, vector<16xi32>], vector<16xf32>,
        %mul3A_1408 = arith.constant 8.000000e+00 : f32
        %mul3A_1409 = vector.broadcast %mul3A_1408 : f32 to vector<16xf32>
        %mul3A_1410 = arith.mulf %gather3A_1407, %mul3A_1409 : vector<16xf32>
        %scatter3A_1411 = arith.constant 0 : i32
        %scatter3A_1412 = arith.constant 0 : i32
        %scatter3A_1413 = tpu.memref_slice %arg9[%select_n3A_766, %scatter3A_1411, %scatter3A_1412] : memref<4x64x128xf32, #tpu.memory_space<vmem>> -> memref<1x64x128xf32, #tpu.memory_space<vmem>>
        %scatter3A_1414 = tpu.memref_squeeze %scatter3A_1413 : memref<1x64x128xf32, #tpu.memory_space<vmem>> -> memref<64x128xf32, #tpu.memory_space<vmem>>
        tpu.vector_store_idx %scatter3A_1414[%add3A_1401, %add3A_864], %mul3A_1410 : memref<64x128xf32, #tpu.memory_space<vmem>>[vector<16xi32>, vector<16xi32>], vector<16xf32>,
        %add3A_1415 = arith.constant 9 : i32
        %add3A_1416 = vector.broadcast %add3A_1415 : i32 to vector<16xi32>
        %add3A_1417 = arith.addi %iota3A, %add3A_1416 : vector<16xi32>
        %and3A_1418 = arith.constant 15 : i32
        %and3A_1419 = vector.broadcast %and3A_1418 : i32 to vector<16xi32>
        %and3A_1420 = arith.andi %add3A_1417, %and3A_1419 : vector<16xi32>
        %add3A_1421 = arith.constant 16 : i32
        %add3A_1422 = vector.broadcast %add3A_1421 : i32 to vector<16xi32>
        %add3A_1423 = arith.addi %add3A_1422, %and3A_1420 : vector<16xi32>
        %add3A_1424 = arith.addi %get3A_866, %add3A_1423 : vector<16xi32>
        %gather3A_1425 = arith.constant 0 : i32
        %gather3A_1426 = arith.constant 0 : i32
        %gather3A_1427 = tpu.memref_slice %arg8[%select_n3A_766, %gather3A_1425, %gather3A_1426] : memref<4x128x128xf32, #tpu.memory_space<vmem>> -> memref<1x128x128xf32, #tpu.memory_space<vmem>>
        %gather3A_1428 = tpu.memref_squeeze %gather3A_1427 : memref<1x128x128xf32, #tpu.memory_space<vmem>> -> memref<128x128xf32, #tpu.memory_space<vmem>>
        %gather3A_1429 = tpu.vector_load_idx %gather3A_1428[%add3A_864, %add3A_1424] : memref<128x128xf32, #tpu.memory_space<vmem>>[vector<16xi32>, vector<16xi32>], vector<16xf32>,
        %mul3A_1430 = arith.constant 8.000000e+00 : f32
        %mul3A_1431 = vector.broadcast %mul3A_1430 : f32 to vector<16xf32>
        %mul3A_1432 = arith.mulf %gather3A_1429, %mul3A_1431 : vector<16xf32>
        %scatter3A_1433 = arith.constant 0 : i32
        %scatter3A_1434 = arith.constant 0 : i32
        %scatter3A_1435 = tpu.memref_slice %arg9[%select_n3A_766, %scatter3A_1433, %scatter3A_1434] : memref<4x64x128xf32, #tpu.memory_space<vmem>> -> memref<1x64x128xf32, #tpu.memory_space<vmem>>
        %scatter3A_1436 = tpu.memref_squeeze %scatter3A_1435 : memref<1x64x128xf32, #tpu.memory_space<vmem>> -> memref<64x128xf32, #tpu.memory_space<vmem>>
        tpu.vector_store_idx %scatter3A_1436[%add3A_1423, %add3A_864], %mul3A_1432 : memref<64x128xf32, #tpu.memory_space<vmem>>[vector<16xi32>, vector<16xi32>], vector<16xf32>,
        %add3A_1437 = arith.constant 10 : i32
        %add3A_1438 = vector.broadcast %add3A_1437 : i32 to vector<16xi32>
        %add3A_1439 = arith.addi %iota3A, %add3A_1438 : vector<16xi32>
        %and3A_1440 = arith.constant 15 : i32
        %and3A_1441 = vector.broadcast %and3A_1440 : i32 to vector<16xi32>
        %and3A_1442 = arith.andi %add3A_1439, %and3A_1441 : vector<16xi32>
        %add3A_1443 = arith.constant 16 : i32
        %add3A_1444 = vector.broadcast %add3A_1443 : i32 to vector<16xi32>
        %add3A_1445 = arith.addi %add3A_1444, %and3A_1442 : vector<16xi32>
        %add3A_1446 = arith.addi %get3A_866, %add3A_1445 : vector<16xi32>
        %gather3A_1447 = arith.constant 0 : i32
        %gather3A_1448 = arith.constant 0 : i32
        %gather3A_1449 = tpu.memref_slice %arg8[%select_n3A_766, %gather3A_1447, %gather3A_1448] : memref<4x128x128xf32, #tpu.memory_space<vmem>> -> memref<1x128x128xf32, #tpu.memory_space<vmem>>
        %gather3A_1450 = tpu.memref_squeeze %gather3A_1449 : memref<1x128x128xf32, #tpu.memory_space<vmem>> -> memref<128x128xf32, #tpu.memory_space<vmem>>
        %gather3A_1451 = tpu.vector_load_idx %gather3A_1450[%add3A_864, %add3A_1446] : memref<128x128xf32, #tpu.memory_space<vmem>>[vector<16xi32>, vector<16xi32>], vector<16xf32>,
        %mul3A_1452 = arith.constant 8.000000e+00 : f32
        %mul3A_1453 = vector.broadcast %mul3A_1452 : f32 to vector<16xf32>
        %mul3A_1454 = arith.mulf %gather3A_1451, %mul3A_1453 : vector<16xf32>
        %scatter3A_1455 = arith.constant 0 : i32
        %scatter3A_1456 = arith.constant 0 : i32
        %scatter3A_1457 = tpu.memref_slice %arg9[%select_n3A_766, %scatter3A_1455, %scatter3A_1456] : memref<4x64x128xf32, #tpu.memory_space<vmem>> -> memref<1x64x128xf32, #tpu.memory_space<vmem>>
        %scatter3A_1458 = tpu.memref_squeeze %scatter3A_1457 : memref<1x64x128xf32, #tpu.memory_space<vmem>> -> memref<64x128xf32, #tpu.memory_space<vmem>>
        tpu.vector_store_idx %scatter3A_1458[%add3A_1445, %add3A_864], %mul3A_1454 : memref<64x128xf32, #tpu.memory_space<vmem>>[vector<16xi32>, vector<16xi32>], vector<16xf32>,
        %add3A_1459 = arith.constant 11 : i32
        %add3A_1460 = vector.broadcast %add3A_1459 : i32 to vector<16xi32>
        %add3A_1461 = arith.addi %iota3A, %add3A_1460 : vector<16xi32>
        %and3A_1462 = arith.constant 15 : i32
        %and3A_1463 = vector.broadcast %and3A_1462 : i32 to vector<16xi32>
        %and3A_1464 = arith.andi %add3A_1461, %and3A_1463 : vector<16xi32>
        %add3A_1465 = arith.constant 16 : i32
        %add3A_1466 = vector.broadcast %add3A_1465 : i32 to vector<16xi32>
        %add3A_1467 = arith.addi %add3A_1466, %and3A_1464 : vector<16xi32>
        %add3A_1468 = arith.addi %get3A_866, %add3A_1467 : vector<16xi32>
        %gather3A_1469 = arith.constant 0 : i32
        %gather3A_1470 = arith.constant 0 : i32
        %gather3A_1471 = tpu.memref_slice %arg8[%select_n3A_766, %gather3A_1469, %gather3A_1470] : memref<4x128x128xf32, #tpu.memory_space<vmem>> -> memref<1x128x128xf32, #tpu.memory_space<vmem>>
        %gather3A_1472 = tpu.memref_squeeze %gather3A_1471 : memref<1x128x128xf32, #tpu.memory_space<vmem>> -> memref<128x128xf32, #tpu.memory_space<vmem>>
        %gather3A_1473 = tpu.vector_load_idx %gather3A_1472[%add3A_864, %add3A_1468] : memref<128x128xf32, #tpu.memory_space<vmem>>[vector<16xi32>, vector<16xi32>], vector<16xf32>,
        %mul3A_1474 = arith.constant 8.000000e+00 : f32
        %mul3A_1475 = vector.broadcast %mul3A_1474 : f32 to vector<16xf32>
        %mul3A_1476 = arith.mulf %gather3A_1473, %mul3A_1475 : vector<16xf32>
        %scatter3A_1477 = arith.constant 0 : i32
        %scatter3A_1478 = arith.constant 0 : i32
        %scatter3A_1479 = tpu.memref_slice %arg9[%select_n3A_766, %scatter3A_1477, %scatter3A_1478] : memref<4x64x128xf32, #tpu.memory_space<vmem>> -> memref<1x64x128xf32, #tpu.memory_space<vmem>>
        %scatter3A_1480 = tpu.memref_squeeze %scatter3A_1479 : memref<1x64x128xf32, #tpu.memory_space<vmem>> -> memref<64x128xf32, #tpu.memory_space<vmem>>
        tpu.vector_store_idx %scatter3A_1480[%add3A_1467, %add3A_864], %mul3A_1476 : memref<64x128xf32, #tpu.memory_space<vmem>>[vector<16xi32>, vector<16xi32>], vector<16xf32>,
        %add3A_1481 = arith.constant 12 : i32
        %add3A_1482 = vector.broadcast %add3A_1481 : i32 to vector<16xi32>
        %add3A_1483 = arith.addi %iota3A, %add3A_1482 : vector<16xi32>
        %and3A_1484 = arith.constant 15 : i32
        %and3A_1485 = vector.broadcast %and3A_1484 : i32 to vector<16xi32>
        %and3A_1486 = arith.andi %add3A_1483, %and3A_1485 : vector<16xi32>
        %add3A_1487 = arith.constant 16 : i32
        %add3A_1488 = vector.broadcast %add3A_1487 : i32 to vector<16xi32>
        %add3A_1489 = arith.addi %add3A_1488, %and3A_1486 : vector<16xi32>
        %add3A_1490 = arith.addi %get3A_866, %add3A_1489 : vector<16xi32>
        %gather3A_1491 = arith.constant 0 : i32
        %gather3A_1492 = arith.constant 0 : i32
        %gather3A_1493 = tpu.memref_slice %arg8[%select_n3A_766, %gather3A_1491, %gather3A_1492] : memref<4x128x128xf32, #tpu.memory_space<vmem>> -> memref<1x128x128xf32, #tpu.memory_space<vmem>>
        %gather3A_1494 = tpu.memref_squeeze %gather3A_1493 : memref<1x128x128xf32, #tpu.memory_space<vmem>> -> memref<128x128xf32, #tpu.memory_space<vmem>>
        %gather3A_1495 = tpu.vector_load_idx %gather3A_1494[%add3A_864, %add3A_1490] : memref<128x128xf32, #tpu.memory_space<vmem>>[vector<16xi32>, vector<16xi32>], vector<16xf32>,
        %mul3A_1496 = arith.constant 8.000000e+00 : f32
        %mul3A_1497 = vector.broadcast %mul3A_1496 : f32 to vector<16xf32>
        %mul3A_1498 = arith.mulf %gather3A_1495, %mul3A_1497 : vector<16xf32>
        %scatter3A_1499 = arith.constant 0 : i32
        %scatter3A_1500 = arith.constant 0 : i32
        %scatter3A_1501 = tpu.memref_slice %arg9[%select_n3A_766, %scatter3A_1499, %scatter3A_1500] : memref<4x64x128xf32, #tpu.memory_space<vmem>> -> memref<1x64x128xf32, #tpu.memory_space<vmem>>
        %scatter3A_1502 = tpu.memref_squeeze %scatter3A_1501 : memref<1x64x128xf32, #tpu.memory_space<vmem>> -> memref<64x128xf32, #tpu.memory_space<vmem>>
        tpu.vector_store_idx %scatter3A_1502[%add3A_1489, %add3A_864], %mul3A_1498 : memref<64x128xf32, #tpu.memory_space<vmem>>[vector<16xi32>, vector<16xi32>], vector<16xf32>,
        %add3A_1503 = arith.constant 13 : i32
        %add3A_1504 = vector.broadcast %add3A_1503 : i32 to vector<16xi32>
        %add3A_1505 = arith.addi %iota3A, %add3A_1504 : vector<16xi32>
        %and3A_1506 = arith.constant 15 : i32
        %and3A_1507 = vector.broadcast %and3A_1506 : i32 to vector<16xi32>
        %and3A_1508 = arith.andi %add3A_1505, %and3A_1507 : vector<16xi32>
        %add3A_1509 = arith.constant 16 : i32
        %add3A_1510 = vector.broadcast %add3A_1509 : i32 to vector<16xi32>
        %add3A_1511 = arith.addi %add3A_1510, %and3A_1508 : vector<16xi32>
        %add3A_1512 = arith.addi %get3A_866, %add3A_1511 : vector<16xi32>
        %gather3A_1513 = arith.constant 0 : i32
        %gather3A_1514 = arith.constant 0 : i32
        %gather3A_1515 = tpu.memref_slice %arg8[%select_n3A_766, %gather3A_1513, %gather3A_1514] : memref<4x128x128xf32, #tpu.memory_space<vmem>> -> memref<1x128x128xf32, #tpu.memory_space<vmem>>
        %gather3A_1516 = tpu.memref_squeeze %gather3A_1515 : memref<1x128x128xf32, #tpu.memory_space<vmem>> -> memref<128x128xf32, #tpu.memory_space<vmem>>
        %gather3A_1517 = tpu.vector_load_idx %gather3A_1516[%add3A_864, %add3A_1512] : memref<128x128xf32, #tpu.memory_space<vmem>>[vector<16xi32>, vector<16xi32>], vector<16xf32>,
        %mul3A_1518 = arith.constant 8.000000e+00 : f32
        %mul3A_1519 = vector.broadcast %mul3A_1518 : f32 to vector<16xf32>
        %mul3A_1520 = arith.mulf %gather3A_1517, %mul3A_1519 : vector<16xf32>
        %scatter3A_1521 = arith.constant 0 : i32
        %scatter3A_1522 = arith.constant 0 : i32
        %scatter3A_1523 = tpu.memref_slice %arg9[%select_n3A_766, %scatter3A_1521, %scatter3A_1522] : memref<4x64x128xf32, #tpu.memory_space<vmem>> -> memref<1x64x128xf32, #tpu.memory_space<vmem>>
        %scatter3A_1524 = tpu.memref_squeeze %scatter3A_1523 : memref<1x64x128xf32, #tpu.memory_space<vmem>> -> memref<64x128xf32, #tpu.memory_space<vmem>>
        tpu.vector_store_idx %scatter3A_1524[%add3A_1511, %add3A_864], %mul3A_1520 : memref<64x128xf32, #tpu.memory_space<vmem>>[vector<16xi32>, vector<16xi32>], vector<16xf32>,
        %add3A_1525 = arith.constant 14 : i32
        %add3A_1526 = vector.broadcast %add3A_1525 : i32 to vector<16xi32>
        %add3A_1527 = arith.addi %iota3A, %add3A_1526 : vector<16xi32>
        %and3A_1528 = arith.constant 15 : i32
        %and3A_1529 = vector.broadcast %and3A_1528 : i32 to vector<16xi32>
        %and3A_1530 = arith.andi %add3A_1527, %and3A_1529 : vector<16xi32>
        %add3A_1531 = arith.constant 16 : i32
        %add3A_1532 = vector.broadcast %add3A_1531 : i32 to vector<16xi32>
        %add3A_1533 = arith.addi %add3A_1532, %and3A_1530 : vector<16xi32>
        %add3A_1534 = arith.addi %get3A_866, %add3A_1533 : vector<16xi32>
        %gather3A_1535 = arith.constant 0 : i32
        %gather3A_1536 = arith.constant 0 : i32
        %gather3A_1537 = tpu.memref_slice %arg8[%select_n3A_766, %gather3A_1535, %gather3A_1536] : memref<4x128x128xf32, #tpu.memory_space<vmem>> -> memref<1x128x128xf32, #tpu.memory_space<vmem>>
        %gather3A_1538 = tpu.memref_squeeze %gather3A_1537 : memref<1x128x128xf32, #tpu.memory_space<vmem>> -> memref<128x128xf32, #tpu.memory_space<vmem>>
        %gather3A_1539 = tpu.vector_load_idx %gather3A_1538[%add3A_864, %add3A_1534] : memref<128x128xf32, #tpu.memory_space<vmem>>[vector<16xi32>, vector<16xi32>], vector<16xf32>,
        %mul3A_1540 = arith.constant 8.000000e+00 : f32
        %mul3A_1541 = vector.broadcast %mul3A_1540 : f32 to vector<16xf32>
        %mul3A_1542 = arith.mulf %gather3A_1539, %mul3A_1541 : vector<16xf32>
        %scatter3A_1543 = arith.constant 0 : i32
        %scatter3A_1544 = arith.constant 0 : i32
        %scatter3A_1545 = tpu.memref_slice %arg9[%select_n3A_766, %scatter3A_1543, %scatter3A_1544] : memref<4x64x128xf32, #tpu.memory_space<vmem>> -> memref<1x64x128xf32, #tpu.memory_space<vmem>>
        %scatter3A_1546 = tpu.memref_squeeze %scatter3A_1545 : memref<1x64x128xf32, #tpu.memory_space<vmem>> -> memref<64x128xf32, #tpu.memory_space<vmem>>
        tpu.vector_store_idx %scatter3A_1546[%add3A_1533, %add3A_864], %mul3A_1542 : memref<64x128xf32, #tpu.memory_space<vmem>>[vector<16xi32>, vector<16xi32>], vector<16xf32>,
        %add3A_1547 = arith.constant 15 : i32
        %add3A_1548 = vector.broadcast %add3A_1547 : i32 to vector<16xi32>
        %add3A_1549 = arith.addi %iota3A, %add3A_1548 : vector<16xi32>
        %and3A_1550 = arith.constant 15 : i32
        %and3A_1551 = vector.broadcast %and3A_1550 : i32 to vector<16xi32>
        %and3A_1552 = arith.andi %add3A_1549, %and3A_1551 : vector<16xi32>
        %add3A_1553 = arith.constant 16 : i32
        %add3A_1554 = vector.broadcast %add3A_1553 : i32 to vector<16xi32>
        %add3A_1555 = arith.addi %add3A_1554, %and3A_1552 : vector<16xi32>
        %add3A_1556 = arith.addi %get3A_866, %add3A_1555 : vector<16xi32>
        %gather3A_1557 = arith.constant 0 : i32
        %gather3A_1558 = arith.constant 0 : i32
        %gather3A_1559 = tpu.memref_slice %arg8[%select_n3A_766, %gather3A_1557, %gather3A_1558] : memref<4x128x128xf32, #tpu.memory_space<vmem>> -> memref<1x128x128xf32, #tpu.memory_space<vmem>>
        %gather3A_1560 = tpu.memref_squeeze %gather3A_1559 : memref<1x128x128xf32, #tpu.memory_space<vmem>> -> memref<128x128xf32, #tpu.memory_space<vmem>>
        %gather3A_1561 = tpu.vector_load_idx %gather3A_1560[%add3A_864, %add3A_1556] : memref<128x128xf32, #tpu.memory_space<vmem>>[vector<16xi32>, vector<16xi32>], vector<16xf32>,
        %mul3A_1562 = arith.constant 8.000000e+00 : f32
        %mul3A_1563 = vector.broadcast %mul3A_1562 : f32 to vector<16xf32>
        %mul3A_1564 = arith.mulf %gather3A_1561, %mul3A_1563 : vector<16xf32>
        %scatter3A_1565 = arith.constant 0 : i32
        %scatter3A_1566 = arith.constant 0 : i32
        %scatter3A_1567 = tpu.memref_slice %arg9[%select_n3A_766, %scatter3A_1565, %scatter3A_1566] : memref<4x64x128xf32, #tpu.memory_space<vmem>> -> memref<1x64x128xf32, #tpu.memory_space<vmem>>
        %scatter3A_1568 = tpu.memref_squeeze %scatter3A_1567 : memref<1x64x128xf32, #tpu.memory_space<vmem>> -> memref<64x128xf32, #tpu.memory_space<vmem>>
        tpu.vector_store_idx %scatter3A_1568[%add3A_1555, %add3A_864], %mul3A_1564 : memref<64x128xf32, #tpu.memory_space<vmem>>[vector<16xi32>, vector<16xi32>], vector<16xf32>,
        %add3A_1569 = arith.constant 0 : i32
        %add3A_1570 = vector.broadcast %add3A_1569 : i32 to vector<16xi32>
        %add3A_1571 = arith.addi %iota3A, %add3A_1570 : vector<16xi32>
        %and3A_1572 = arith.constant 15 : i32
        %and3A_1573 = vector.broadcast %and3A_1572 : i32 to vector<16xi32>
        %and3A_1574 = arith.andi %add3A_1571, %and3A_1573 : vector<16xi32>
        %add3A_1575 = arith.constant 32 : i32
        %add3A_1576 = vector.broadcast %add3A_1575 : i32 to vector<16xi32>
        %add3A_1577 = arith.addi %add3A_1576, %and3A_1574 : vector<16xi32>
        %add3A_1578 = arith.addi %get3A_866, %add3A_1577 : vector<16xi32>
        %gather3A_1579 = arith.constant 0 : i32
        %gather3A_1580 = arith.constant 0 : i32
        %gather3A_1581 = tpu.memref_slice %arg8[%select_n3A_766, %gather3A_1579, %gather3A_1580] : memref<4x128x128xf32, #tpu.memory_space<vmem>> -> memref<1x128x128xf32, #tpu.memory_space<vmem>>
        %gather3A_1582 = tpu.memref_squeeze %gather3A_1581 : memref<1x128x128xf32, #tpu.memory_space<vmem>> -> memref<128x128xf32, #tpu.memory_space<vmem>>
        %gather3A_1583 = tpu.vector_load_idx %gather3A_1582[%add3A_864, %add3A_1578] : memref<128x128xf32, #tpu.memory_space<vmem>>[vector<16xi32>, vector<16xi32>], vector<16xf32>,
        %mul3A_1584 = arith.constant 8.000000e+00 : f32
        %mul3A_1585 = vector.broadcast %mul3A_1584 : f32 to vector<16xf32>
        %mul3A_1586 = arith.mulf %gather3A_1583, %mul3A_1585 : vector<16xf32>
        %scatter3A_1587 = arith.constant 0 : i32
        %scatter3A_1588 = arith.constant 0 : i32
        %scatter3A_1589 = tpu.memref_slice %arg9[%select_n3A_766, %scatter3A_1587, %scatter3A_1588] : memref<4x64x128xf32, #tpu.memory_space<vmem>> -> memref<1x64x128xf32, #tpu.memory_space<vmem>>
        %scatter3A_1590 = tpu.memref_squeeze %scatter3A_1589 : memref<1x64x128xf32, #tpu.memory_space<vmem>> -> memref<64x128xf32, #tpu.memory_space<vmem>>
        tpu.vector_store_idx %scatter3A_1590[%add3A_1577, %add3A_864], %mul3A_1586 : memref<64x128xf32, #tpu.memory_space<vmem>>[vector<16xi32>, vector<16xi32>], vector<16xf32>,
        %add3A_1591 = arith.constant 1 : i32
        %add3A_1592 = vector.broadcast %add3A_1591 : i32 to vector<16xi32>
        %add3A_1593 = arith.addi %iota3A, %add3A_1592 : vector<16xi32>
        %and3A_1594 = arith.constant 15 : i32
        %and3A_1595 = vector.broadcast %and3A_1594 : i32 to vector<16xi32>
        %and3A_1596 = arith.andi %add3A_1593, %and3A_1595 : vector<16xi32>
        %add3A_1597 = arith.constant 32 : i32
        %add3A_1598 = vector.broadcast %add3A_1597 : i32 to vector<16xi32>
        %add3A_1599 = arith.addi %add3A_1598, %and3A_1596 : vector<16xi32>
        %add3A_1600 = arith.addi %get3A_866, %add3A_1599 : vector<16xi32>
        %gather3A_1601 = arith.constant 0 : i32
        %gather3A_1602 = arith.constant 0 : i32
        %gather3A_1603 = tpu.memref_slice %arg8[%select_n3A_766, %gather3A_1601, %gather3A_1602] : memref<4x128x128xf32, #tpu.memory_space<vmem>> -> memref<1x128x128xf32, #tpu.memory_space<vmem>>
        %gather3A_1604 = tpu.memref_squeeze %gather3A_1603 : memref<1x128x128xf32, #tpu.memory_space<vmem>> -> memref<128x128xf32, #tpu.memory_space<vmem>>
        %gather3A_1605 = tpu.vector_load_idx %gather3A_1604[%add3A_864, %add3A_1600] : memref<128x128xf32, #tpu.memory_space<vmem>>[vector<16xi32>, vector<16xi32>], vector<16xf32>,
        %mul3A_1606 = arith.constant 8.000000e+00 : f32
        %mul3A_1607 = vector.broadcast %mul3A_1606 : f32 to vector<16xf32>
        %mul3A_1608 = arith.mulf %gather3A_1605, %mul3A_1607 : vector<16xf32>
        %scatter3A_1609 = arith.constant 0 : i32
        %scatter3A_1610 = arith.constant 0 : i32
        %scatter3A_1611 = tpu.memref_slice %arg9[%select_n3A_766, %scatter3A_1609, %scatter3A_1610] : memref<4x64x128xf32, #tpu.memory_space<vmem>> -> memref<1x64x128xf32, #tpu.memory_space<vmem>>
        %scatter3A_1612 = tpu.memref_squeeze %scatter3A_1611 : memref<1x64x128xf32, #tpu.memory_space<vmem>> -> memref<64x128xf32, #tpu.memory_space<vmem>>
        tpu.vector_store_idx %scatter3A_1612[%add3A_1599, %add3A_864], %mul3A_1608 : memref<64x128xf32, #tpu.memory_space<vmem>>[vector<16xi32>, vector<16xi32>], vector<16xf32>,
        %add3A_1613 = arith.constant 2 : i32
        %add3A_1614 = vector.broadcast %add3A_1613 : i32 to vector<16xi32>
        %add3A_1615 = arith.addi %iota3A, %add3A_1614 : vector<16xi32>
        %and3A_1616 = arith.constant 15 : i32
        %and3A_1617 = vector.broadcast %and3A_1616 : i32 to vector<16xi32>
        %and3A_1618 = arith.andi %add3A_1615, %and3A_1617 : vector<16xi32>
        %add3A_1619 = arith.constant 32 : i32
        %add3A_1620 = vector.broadcast %add3A_1619 : i32 to vector<16xi32>
        %add3A_1621 = arith.addi %add3A_1620, %and3A_1618 : vector<16xi32>
        %add3A_1622 = arith.addi %get3A_866, %add3A_1621 : vector<16xi32>
        %gather3A_1623 = arith.constant 0 : i32
        %gather3A_1624 = arith.constant 0 : i32
        %gather3A_1625 = tpu.memref_slice %arg8[%select_n3A_766, %gather3A_1623, %gather3A_1624] : memref<4x128x128xf32, #tpu.memory_space<vmem>> -> memref<1x128x128xf32, #tpu.memory_space<vmem>>
        %gather3A_1626 = tpu.memref_squeeze %gather3A_1625 : memref<1x128x128xf32, #tpu.memory_space<vmem>> -> memref<128x128xf32, #tpu.memory_space<vmem>>
        %gather3A_1627 = tpu.vector_load_idx %gather3A_1626[%add3A_864, %add3A_1622] : memref<128x128xf32, #tpu.memory_space<vmem>>[vector<16xi32>, vector<16xi32>], vector<16xf32>,
        %mul3A_1628 = arith.constant 8.000000e+00 : f32
        %mul3A_1629 = vector.broadcast %mul3A_1628 : f32 to vector<16xf32>
        %mul3A_1630 = arith.mulf %gather3A_1627, %mul3A_1629 : vector<16xf32>
        %scatter3A_1631 = arith.constant 0 : i32
        %scatter3A_1632 = arith.constant 0 : i32
        %scatter3A_1633 = tpu.memref_slice %arg9[%select_n3A_766, %scatter3A_1631, %scatter3A_1632] : memref<4x64x128xf32, #tpu.memory_space<vmem>> -> memref<1x64x128xf32, #tpu.memory_space<vmem>>
        %scatter3A_1634 = tpu.memref_squeeze %scatter3A_1633 : memref<1x64x128xf32, #tpu.memory_space<vmem>> -> memref<64x128xf32, #tpu.memory_space<vmem>>
        tpu.vector_store_idx %scatter3A_1634[%add3A_1621, %add3A_864], %mul3A_1630 : memref<64x128xf32, #tpu.memory_space<vmem>>[vector<16xi32>, vector<16xi32>], vector<16xf32>,
        %add3A_1635 = arith.constant 3 : i32
        %add3A_1636 = vector.broadcast %add3A_1635 : i32 to vector<16xi32>
        %add3A_1637 = arith.addi %iota3A, %add3A_1636 : vector<16xi32>
        %and3A_1638 = arith.constant 15 : i32
        %and3A_1639 = vector.broadcast %and3A_1638 : i32 to vector<16xi32>
        %and3A_1640 = arith.andi %add3A_1637, %and3A_1639 : vector<16xi32>
        %add3A_1641 = arith.constant 32 : i32
        %add3A_1642 = vector.broadcast %add3A_1641 : i32 to vector<16xi32>
        %add3A_1643 = arith.addi %add3A_1642, %and3A_1640 : vector<16xi32>
        %add3A_1644 = arith.addi %get3A_866, %add3A_1643 : vector<16xi32>
        %gather3A_1645 = arith.constant 0 : i32
        %gather3A_1646 = arith.constant 0 : i32
        %gather3A_1647 = tpu.memref_slice %arg8[%select_n3A_766, %gather3A_1645, %gather3A_1646] : memref<4x128x128xf32, #tpu.memory_space<vmem>> -> memref<1x128x128xf32, #tpu.memory_space<vmem>>
        %gather3A_1648 = tpu.memref_squeeze %gather3A_1647 : memref<1x128x128xf32, #tpu.memory_space<vmem>> -> memref<128x128xf32, #tpu.memory_space<vmem>>
        %gather3A_1649 = tpu.vector_load_idx %gather3A_1648[%add3A_864, %add3A_1644] : memref<128x128xf32, #tpu.memory_space<vmem>>[vector<16xi32>, vector<16xi32>], vector<16xf32>,
        %mul3A_1650 = arith.constant 8.000000e+00 : f32
        %mul3A_1651 = vector.broadcast %mul3A_1650 : f32 to vector<16xf32>
        %mul3A_1652 = arith.mulf %gather3A_1649, %mul3A_1651 : vector<16xf32>
        %scatter3A_1653 = arith.constant 0 : i32
        %scatter3A_1654 = arith.constant 0 : i32
        %scatter3A_1655 = tpu.memref_slice %arg9[%select_n3A_766, %scatter3A_1653, %scatter3A_1654] : memref<4x64x128xf32, #tpu.memory_space<vmem>> -> memref<1x64x128xf32, #tpu.memory_space<vmem>>
        %scatter3A_1656 = tpu.memref_squeeze %scatter3A_1655 : memref<1x64x128xf32, #tpu.memory_space<vmem>> -> memref<64x128xf32, #tpu.memory_space<vmem>>
        tpu.vector_store_idx %scatter3A_1656[%add3A_1643, %add3A_864], %mul3A_1652 : memref<64x128xf32, #tpu.memory_space<vmem>>[vector<16xi32>, vector<16xi32>], vector<16xf32>,
        %add3A_1657 = arith.constant 4 : i32
        %add3A_1658 = vector.broadcast %add3A_1657 : i32 to vector<16xi32>
        %add3A_1659 = arith.addi %iota3A, %add3A_1658 : vector<16xi32>
        %and3A_1660 = arith.constant 15 : i32
        %and3A_1661 = vector.broadcast %and3A_1660 : i32 to vector<16xi32>
        %and3A_1662 = arith.andi %add3A_1659, %and3A_1661 : vector<16xi32>
        %add3A_1663 = arith.constant 32 : i32
        %add3A_1664 = vector.broadcast %add3A_1663 : i32 to vector<16xi32>
        %add3A_1665 = arith.addi %add3A_1664, %and3A_1662 : vector<16xi32>
        %add3A_1666 = arith.addi %get3A_866, %add3A_1665 : vector<16xi32>
        %gather3A_1667 = arith.constant 0 : i32
        %gather3A_1668 = arith.constant 0 : i32
        %gather3A_1669 = tpu.memref_slice %arg8[%select_n3A_766, %gather3A_1667, %gather3A_1668] : memref<4x128x128xf32, #tpu.memory_space<vmem>> -> memref<1x128x128xf32, #tpu.memory_space<vmem>>
        %gather3A_1670 = tpu.memref_squeeze %gather3A_1669 : memref<1x128x128xf32, #tpu.memory_space<vmem>> -> memref<128x128xf32, #tpu.memory_space<vmem>>
        %gather3A_1671 = tpu.vector_load_idx %gather3A_1670[%add3A_864, %add3A_1666] : memref<128x128xf32, #tpu.memory_space<vmem>>[vector<16xi32>, vector<16xi32>], vector<16xf32>,
        %mul3A_1672 = arith.constant 8.000000e+00 : f32
        %mul3A_1673 = vector.broadcast %mul3A_1672 : f32 to vector<16xf32>
        %mul3A_1674 = arith.mulf %gather3A_1671, %mul3A_1673 : vector<16xf32>
        %scatter3A_1675 = arith.constant 0 : i32
        %scatter3A_1676 = arith.constant 0 : i32
        %scatter3A_1677 = tpu.memref_slice %arg9[%select_n3A_766, %scatter3A_1675, %scatter3A_1676] : memref<4x64x128xf32, #tpu.memory_space<vmem>> -> memref<1x64x128xf32, #tpu.memory_space<vmem>>
        %scatter3A_1678 = tpu.memref_squeeze %scatter3A_1677 : memref<1x64x128xf32, #tpu.memory_space<vmem>> -> memref<64x128xf32, #tpu.memory_space<vmem>>
        tpu.vector_store_idx %scatter3A_1678[%add3A_1665, %add3A_864], %mul3A_1674 : memref<64x128xf32, #tpu.memory_space<vmem>>[vector<16xi32>, vector<16xi32>], vector<16xf32>,
        %add3A_1679 = arith.constant 5 : i32
        %add3A_1680 = vector.broadcast %add3A_1679 : i32 to vector<16xi32>
        %add3A_1681 = arith.addi %iota3A, %add3A_1680 : vector<16xi32>
        %and3A_1682 = arith.constant 15 : i32
        %and3A_1683 = vector.broadcast %and3A_1682 : i32 to vector<16xi32>
        %and3A_1684 = arith.andi %add3A_1681, %and3A_1683 : vector<16xi32>
        %add3A_1685 = arith.constant 32 : i32
        %add3A_1686 = vector.broadcast %add3A_1685 : i32 to vector<16xi32>
        %add3A_1687 = arith.addi %add3A_1686, %and3A_1684 : vector<16xi32>
        %add3A_1688 = arith.addi %get3A_866, %add3A_1687 : vector<16xi32>
        %gather3A_1689 = arith.constant 0 : i32
        %gather3A_1690 = arith.constant 0 : i32
        %gather3A_1691 = tpu.memref_slice %arg8[%select_n3A_766, %gather3A_1689, %gather3A_1690] : memref<4x128x128xf32, #tpu.memory_space<vmem>> -> memref<1x128x128xf32, #tpu.memory_space<vmem>>
        %gather3A_1692 = tpu.memref_squeeze %gather3A_1691 : memref<1x128x128xf32, #tpu.memory_space<vmem>> -> memref<128x128xf32, #tpu.memory_space<vmem>>
        %gather3A_1693 = tpu.vector_load_idx %gather3A_1692[%add3A_864, %add3A_1688] : memref<128x128xf32, #tpu.memory_space<vmem>>[vector<16xi32>, vector<16xi32>], vector<16xf32>,
        %mul3A_1694 = arith.constant 8.000000e+00 : f32
        %mul3A_1695 = vector.broadcast %mul3A_1694 : f32 to vector<16xf32>
        %mul3A_1696 = arith.mulf %gather3A_1693, %mul3A_1695 : vector<16xf32>
        %scatter3A_1697 = arith.constant 0 : i32
        %scatter3A_1698 = arith.constant 0 : i32
        %scatter3A_1699 = tpu.memref_slice %arg9[%select_n3A_766, %scatter3A_1697, %scatter3A_1698] : memref<4x64x128xf32, #tpu.memory_space<vmem>> -> memref<1x64x128xf32, #tpu.memory_space<vmem>>
        %scatter3A_1700 = tpu.memref_squeeze %scatter3A_1699 : memref<1x64x128xf32, #tpu.memory_space<vmem>> -> memref<64x128xf32, #tpu.memory_space<vmem>>
        tpu.vector_store_idx %scatter3A_1700[%add3A_1687, %add3A_864], %mul3A_1696 : memref<64x128xf32, #tpu.memory_space<vmem>>[vector<16xi32>, vector<16xi32>], vector<16xf32>,
        %add3A_1701 = arith.constant 6 : i32
        %add3A_1702 = vector.broadcast %add3A_1701 : i32 to vector<16xi32>
        %add3A_1703 = arith.addi %iota3A, %add3A_1702 : vector<16xi32>
        %and3A_1704 = arith.constant 15 : i32
        %and3A_1705 = vector.broadcast %and3A_1704 : i32 to vector<16xi32>
        %and3A_1706 = arith.andi %add3A_1703, %and3A_1705 : vector<16xi32>
        %add3A_1707 = arith.constant 32 : i32
        %add3A_1708 = vector.broadcast %add3A_1707 : i32 to vector<16xi32>
        %add3A_1709 = arith.addi %add3A_1708, %and3A_1706 : vector<16xi32>
        %add3A_1710 = arith.addi %get3A_866, %add3A_1709 : vector<16xi32>
        %gather3A_1711 = arith.constant 0 : i32
        %gather3A_1712 = arith.constant 0 : i32
        %gather3A_1713 = tpu.memref_slice %arg8[%select_n3A_766, %gather3A_1711, %gather3A_1712] : memref<4x128x128xf32, #tpu.memory_space<vmem>> -> memref<1x128x128xf32, #tpu.memory_space<vmem>>
        %gather3A_1714 = tpu.memref_squeeze %gather3A_1713 : memref<1x128x128xf32, #tpu.memory_space<vmem>> -> memref<128x128xf32, #tpu.memory_space<vmem>>
        %gather3A_1715 = tpu.vector_load_idx %gather3A_1714[%add3A_864, %add3A_1710] : memref<128x128xf32, #tpu.memory_space<vmem>>[vector<16xi32>, vector<16xi32>], vector<16xf32>,
        %mul3A_1716 = arith.constant 8.000000e+00 : f32
        %mul3A_1717 = vector.broadcast %mul3A_1716 : f32 to vector<16xf32>
        %mul3A_1718 = arith.mulf %gather3A_1715, %mul3A_1717 : vector<16xf32>
        %scatter3A_1719 = arith.constant 0 : i32
        %scatter3A_1720 = arith.constant 0 : i32
        %scatter3A_1721 = tpu.memref_slice %arg9[%select_n3A_766, %scatter3A_1719, %scatter3A_1720] : memref<4x64x128xf32, #tpu.memory_space<vmem>> -> memref<1x64x128xf32, #tpu.memory_space<vmem>>
        %scatter3A_1722 = tpu.memref_squeeze %scatter3A_1721 : memref<1x64x128xf32, #tpu.memory_space<vmem>> -> memref<64x128xf32, #tpu.memory_space<vmem>>
        tpu.vector_store_idx %scatter3A_1722[%add3A_1709, %add3A_864], %mul3A_1718 : memref<64x128xf32, #tpu.memory_space<vmem>>[vector<16xi32>, vector<16xi32>], vector<16xf32>,
        %add3A_1723 = arith.constant 7 : i32
        %add3A_1724 = vector.broadcast %add3A_1723 : i32 to vector<16xi32>
        %add3A_1725 = arith.addi %iota3A, %add3A_1724 : vector<16xi32>
        %and3A_1726 = arith.constant 15 : i32
        %and3A_1727 = vector.broadcast %and3A_1726 : i32 to vector<16xi32>
        %and3A_1728 = arith.andi %add3A_1725, %and3A_1727 : vector<16xi32>
        %add3A_1729 = arith.constant 32 : i32
        %add3A_1730 = vector.broadcast %add3A_1729 : i32 to vector<16xi32>
        %add3A_1731 = arith.addi %add3A_1730, %and3A_1728 : vector<16xi32>
        %add3A_1732 = arith.addi %get3A_866, %add3A_1731 : vector<16xi32>
        %gather3A_1733 = arith.constant 0 : i32
        %gather3A_1734 = arith.constant 0 : i32
        %gather3A_1735 = tpu.memref_slice %arg8[%select_n3A_766, %gather3A_1733, %gather3A_1734] : memref<4x128x128xf32, #tpu.memory_space<vmem>> -> memref<1x128x128xf32, #tpu.memory_space<vmem>>
        %gather3A_1736 = tpu.memref_squeeze %gather3A_1735 : memref<1x128x128xf32, #tpu.memory_space<vmem>> -> memref<128x128xf32, #tpu.memory_space<vmem>>
        %gather3A_1737 = tpu.vector_load_idx %gather3A_1736[%add3A_864, %add3A_1732] : memref<128x128xf32, #tpu.memory_space<vmem>>[vector<16xi32>, vector<16xi32>], vector<16xf32>,
        %mul3A_1738 = arith.constant 8.000000e+00 : f32
        %mul3A_1739 = vector.broadcast %mul3A_1738 : f32 to vector<16xf32>
        %mul3A_1740 = arith.mulf %gather3A_1737, %mul3A_1739 : vector<16xf32>
        %scatter3A_1741 = arith.constant 0 : i32
        %scatter3A_1742 = arith.constant 0 : i32
        %scatter3A_1743 = tpu.memref_slice %arg9[%select_n3A_766, %scatter3A_1741, %scatter3A_1742] : memref<4x64x128xf32, #tpu.memory_space<vmem>> -> memref<1x64x128xf32, #tpu.memory_space<vmem>>
        %scatter3A_1744 = tpu.memref_squeeze %scatter3A_1743 : memref<1x64x128xf32, #tpu.memory_space<vmem>> -> memref<64x128xf32, #tpu.memory_space<vmem>>
        tpu.vector_store_idx %scatter3A_1744[%add3A_1731, %add3A_864], %mul3A_1740 : memref<64x128xf32, #tpu.memory_space<vmem>>[vector<16xi32>, vector<16xi32>], vector<16xf32>,
        %add3A_1745 = arith.constant 8 : i32
        %add3A_1746 = vector.broadcast %add3A_1745 : i32 to vector<16xi32>
        %add3A_1747 = arith.addi %iota3A, %add3A_1746 : vector<16xi32>
        %and3A_1748 = arith.constant 15 : i32
        %and3A_1749 = vector.broadcast %and3A_1748 : i32 to vector<16xi32>
        %and3A_1750 = arith.andi %add3A_1747, %and3A_1749 : vector<16xi32>
        %add3A_1751 = arith.constant 32 : i32
        %add3A_1752 = vector.broadcast %add3A_1751 : i32 to vector<16xi32>
        %add3A_1753 = arith.addi %add3A_1752, %and3A_1750 : vector<16xi32>
        %add3A_1754 = arith.addi %get3A_866, %add3A_1753 : vector<16xi32>
        %gather3A_1755 = arith.constant 0 : i32
        %gather3A_1756 = arith.constant 0 : i32
        %gather3A_1757 = tpu.memref_slice %arg8[%select_n3A_766, %gather3A_1755, %gather3A_1756] : memref<4x128x128xf32, #tpu.memory_space<vmem>> -> memref<1x128x128xf32, #tpu.memory_space<vmem>>
        %gather3A_1758 = tpu.memref_squeeze %gather3A_1757 : memref<1x128x128xf32, #tpu.memory_space<vmem>> -> memref<128x128xf32, #tpu.memory_space<vmem>>
        %gather3A_1759 = tpu.vector_load_idx %gather3A_1758[%add3A_864, %add3A_1754] : memref<128x128xf32, #tpu.memory_space<vmem>>[vector<16xi32>, vector<16xi32>], vector<16xf32>,
        %mul3A_1760 = arith.constant 8.000000e+00 : f32
        %mul3A_1761 = vector.broadcast %mul3A_1760 : f32 to vector<16xf32>
        %mul3A_1762 = arith.mulf %gather3A_1759, %mul3A_1761 : vector<16xf32>
        %scatter3A_1763 = arith.constant 0 : i32
        %scatter3A_1764 = arith.constant 0 : i32
        %scatter3A_1765 = tpu.memref_slice %arg9[%select_n3A_766, %scatter3A_1763, %scatter3A_1764] : memref<4x64x128xf32, #tpu.memory_space<vmem>> -> memref<1x64x128xf32, #tpu.memory_space<vmem>>
        %scatter3A_1766 = tpu.memref_squeeze %scatter3A_1765 : memref<1x64x128xf32, #tpu.memory_space<vmem>> -> memref<64x128xf32, #tpu.memory_space<vmem>>
        tpu.vector_store_idx %scatter3A_1766[%add3A_1753, %add3A_864], %mul3A_1762 : memref<64x128xf32, #tpu.memory_space<vmem>>[vector<16xi32>, vector<16xi32>], vector<16xf32>,
        %add3A_1767 = arith.constant 9 : i32
        %add3A_1768 = vector.broadcast %add3A_1767 : i32 to vector<16xi32>
        %add3A_1769 = arith.addi %iota3A, %add3A_1768 : vector<16xi32>
        %and3A_1770 = arith.constant 15 : i32
        %and3A_1771 = vector.broadcast %and3A_1770 : i32 to vector<16xi32>
        %and3A_1772 = arith.andi %add3A_1769, %and3A_1771 : vector<16xi32>
        %add3A_1773 = arith.constant 32 : i32
        %add3A_1774 = vector.broadcast %add3A_1773 : i32 to vector<16xi32>
        %add3A_1775 = arith.addi %add3A_1774, %and3A_1772 : vector<16xi32>
        %add3A_1776 = arith.addi %get3A_866, %add3A_1775 : vector<16xi32>
        %gather3A_1777 = arith.constant 0 : i32
        %gather3A_1778 = arith.constant 0 : i32
        %gather3A_1779 = tpu.memref_slice %arg8[%select_n3A_766, %gather3A_1777, %gather3A_1778] : memref<4x128x128xf32, #tpu.memory_space<vmem>> -> memref<1x128x128xf32, #tpu.memory_space<vmem>>
        %gather3A_1780 = tpu.memref_squeeze %gather3A_1779 : memref<1x128x128xf32, #tpu.memory_space<vmem>> -> memref<128x128xf32, #tpu.memory_space<vmem>>
        %gather3A_1781 = tpu.vector_load_idx %gather3A_1780[%add3A_864, %add3A_1776] : memref<128x128xf32, #tpu.memory_space<vmem>>[vector<16xi32>, vector<16xi32>], vector<16xf32>,
        %mul3A_1782 = arith.constant 8.000000e+00 : f32
        %mul3A_1783 = vector.broadcast %mul3A_1782 : f32 to vector<16xf32>
        %mul3A_1784 = arith.mulf %gather3A_1781, %mul3A_1783 : vector<16xf32>
        %scatter3A_1785 = arith.constant 0 : i32
        %scatter3A_1786 = arith.constant 0 : i32
        %scatter3A_1787 = tpu.memref_slice %arg9[%select_n3A_766, %scatter3A_1785, %scatter3A_1786] : memref<4x64x128xf32, #tpu.memory_space<vmem>> -> memref<1x64x128xf32, #tpu.memory_space<vmem>>
        %scatter3A_1788 = tpu.memref_squeeze %scatter3A_1787 : memref<1x64x128xf32, #tpu.memory_space<vmem>> -> memref<64x128xf32, #tpu.memory_space<vmem>>
        tpu.vector_store_idx %scatter3A_1788[%add3A_1775, %add3A_864], %mul3A_1784 : memref<64x128xf32, #tpu.memory_space<vmem>>[vector<16xi32>, vector<16xi32>], vector<16xf32>,
        %add3A_1789 = arith.constant 10 : i32
        %add3A_1790 = vector.broadcast %add3A_1789 : i32 to vector<16xi32>
        %add3A_1791 = arith.addi %iota3A, %add3A_1790 : vector<16xi32>
        %and3A_1792 = arith.constant 15 : i32
        %and3A_1793 = vector.broadcast %and3A_1792 : i32 to vector<16xi32>
        %and3A_1794 = arith.andi %add3A_1791, %and3A_1793 : vector<16xi32>
        %add3A_1795 = arith.constant 32 : i32
        %add3A_1796 = vector.broadcast %add3A_1795 : i32 to vector<16xi32>
        %add3A_1797 = arith.addi %add3A_1796, %and3A_1794 : vector<16xi32>
        %add3A_1798 = arith.addi %get3A_866, %add3A_1797 : vector<16xi32>
        %gather3A_1799 = arith.constant 0 : i32
        %gather3A_1800 = arith.constant 0 : i32
        %gather3A_1801 = tpu.memref_slice %arg8[%select_n3A_766, %gather3A_1799, %gather3A_1800] : memref<4x128x128xf32, #tpu.memory_space<vmem>> -> memref<1x128x128xf32, #tpu.memory_space<vmem>>
        %gather3A_1802 = tpu.memref_squeeze %gather3A_1801 : memref<1x128x128xf32, #tpu.memory_space<vmem>> -> memref<128x128xf32, #tpu.memory_space<vmem>>
        %gather3A_1803 = tpu.vector_load_idx %gather3A_1802[%add3A_864, %add3A_1798] : memref<128x128xf32, #tpu.memory_space<vmem>>[vector<16xi32>, vector<16xi32>], vector<16xf32>,
        %mul3A_1804 = arith.constant 8.000000e+00 : f32
        %mul3A_1805 = vector.broadcast %mul3A_1804 : f32 to vector<16xf32>
        %mul3A_1806 = arith.mulf %gather3A_1803, %mul3A_1805 : vector<16xf32>
        %scatter3A_1807 = arith.constant 0 : i32
        %scatter3A_1808 = arith.constant 0 : i32
        %scatter3A_1809 = tpu.memref_slice %arg9[%select_n3A_766, %scatter3A_1807, %scatter3A_1808] : memref<4x64x128xf32, #tpu.memory_space<vmem>> -> memref<1x64x128xf32, #tpu.memory_space<vmem>>
        %scatter3A_1810 = tpu.memref_squeeze %scatter3A_1809 : memref<1x64x128xf32, #tpu.memory_space<vmem>> -> memref<64x128xf32, #tpu.memory_space<vmem>>
        tpu.vector_store_idx %scatter3A_1810[%add3A_1797, %add3A_864], %mul3A_1806 : memref<64x128xf32, #tpu.memory_space<vmem>>[vector<16xi32>, vector<16xi32>], vector<16xf32>,
        %add3A_1811 = arith.constant 11 : i32
        %add3A_1812 = vector.broadcast %add3A_1811 : i32 to vector<16xi32>
        %add3A_1813 = arith.addi %iota3A, %add3A_1812 : vector<16xi32>
        %and3A_1814 = arith.constant 15 : i32
        %and3A_1815 = vector.broadcast %and3A_1814 : i32 to vector<16xi32>
        %and3A_1816 = arith.andi %add3A_1813, %and3A_1815 : vector<16xi32>
        %add3A_1817 = arith.constant 32 : i32
        %add3A_1818 = vector.broadcast %add3A_1817 : i32 to vector<16xi32>
        %add3A_1819 = arith.addi %add3A_1818, %and3A_1816 : vector<16xi32>
        %add3A_1820 = arith.addi %get3A_866, %add3A_1819 : vector<16xi32>
        %gather3A_1821 = arith.constant 0 : i32
        %gather3A_1822 = arith.constant 0 : i32
        %gather3A_1823 = tpu.memref_slice %arg8[%select_n3A_766, %gather3A_1821, %gather3A_1822] : memref<4x128x128xf32, #tpu.memory_space<vmem>> -> memref<1x128x128xf32, #tpu.memory_space<vmem>>
        %gather3A_1824 = tpu.memref_squeeze %gather3A_1823 : memref<1x128x128xf32, #tpu.memory_space<vmem>> -> memref<128x128xf32, #tpu.memory_space<vmem>>
        %gather3A_1825 = tpu.vector_load_idx %gather3A_1824[%add3A_864, %add3A_1820] : memref<128x128xf32, #tpu.memory_space<vmem>>[vector<16xi32>, vector<16xi32>], vector<16xf32>,
        %mul3A_1826 = arith.constant 8.000000e+00 : f32
        %mul3A_1827 = vector.broadcast %mul3A_1826 : f32 to vector<16xf32>
        %mul3A_1828 = arith.mulf %gather3A_1825, %mul3A_1827 : vector<16xf32>
        %scatter3A_1829 = arith.constant 0 : i32
        %scatter3A_1830 = arith.constant 0 : i32
        %scatter3A_1831 = tpu.memref_slice %arg9[%select_n3A_766, %scatter3A_1829, %scatter3A_1830] : memref<4x64x128xf32, #tpu.memory_space<vmem>> -> memref<1x64x128xf32, #tpu.memory_space<vmem>>
        %scatter3A_1832 = tpu.memref_squeeze %scatter3A_1831 : memref<1x64x128xf32, #tpu.memory_space<vmem>> -> memref<64x128xf32, #tpu.memory_space<vmem>>
        tpu.vector_store_idx %scatter3A_1832[%add3A_1819, %add3A_864], %mul3A_1828 : memref<64x128xf32, #tpu.memory_space<vmem>>[vector<16xi32>, vector<16xi32>], vector<16xf32>,
        %add3A_1833 = arith.constant 12 : i32
        %add3A_1834 = vector.broadcast %add3A_1833 : i32 to vector<16xi32>
        %add3A_1835 = arith.addi %iota3A, %add3A_1834 : vector<16xi32>
        %and3A_1836 = arith.constant 15 : i32
        %and3A_1837 = vector.broadcast %and3A_1836 : i32 to vector<16xi32>
        %and3A_1838 = arith.andi %add3A_1835, %and3A_1837 : vector<16xi32>
        %add3A_1839 = arith.constant 32 : i32
        %add3A_1840 = vector.broadcast %add3A_1839 : i32 to vector<16xi32>
        %add3A_1841 = arith.addi %add3A_1840, %and3A_1838 : vector<16xi32>
        %add3A_1842 = arith.addi %get3A_866, %add3A_1841 : vector<16xi32>
        %gather3A_1843 = arith.constant 0 : i32
        %gather3A_1844 = arith.constant 0 : i32
        %gather3A_1845 = tpu.memref_slice %arg8[%select_n3A_766, %gather3A_1843, %gather3A_1844] : memref<4x128x128xf32, #tpu.memory_space<vmem>> -> memref<1x128x128xf32, #tpu.memory_space<vmem>>
        %gather3A_1846 = tpu.memref_squeeze %gather3A_1845 : memref<1x128x128xf32, #tpu.memory_space<vmem>> -> memref<128x128xf32, #tpu.memory_space<vmem>>
        %gather3A_1847 = tpu.vector_load_idx %gather3A_1846[%add3A_864, %add3A_1842] : memref<128x128xf32, #tpu.memory_space<vmem>>[vector<16xi32>, vector<16xi32>], vector<16xf32>,
        %mul3A_1848 = arith.constant 8.000000e+00 : f32
        %mul3A_1849 = vector.broadcast %mul3A_1848 : f32 to vector<16xf32>
        %mul3A_1850 = arith.mulf %gather3A_1847, %mul3A_1849 : vector<16xf32>
        %scatter3A_1851 = arith.constant 0 : i32
        %scatter3A_1852 = arith.constant 0 : i32
        %scatter3A_1853 = tpu.memref_slice %arg9[%select_n3A_766, %scatter3A_1851, %scatter3A_1852] : memref<4x64x128xf32, #tpu.memory_space<vmem>> -> memref<1x64x128xf32, #tpu.memory_space<vmem>>
        %scatter3A_1854 = tpu.memref_squeeze %scatter3A_1853 : memref<1x64x128xf32, #tpu.memory_space<vmem>> -> memref<64x128xf32, #tpu.memory_space<vmem>>
        tpu.vector_store_idx %scatter3A_1854[%add3A_1841, %add3A_864], %mul3A_1850 : memref<64x128xf32, #tpu.memory_space<vmem>>[vector<16xi32>, vector<16xi32>], vector<16xf32>,
        %add3A_1855 = arith.constant 13 : i32
        %add3A_1856 = vector.broadcast %add3A_1855 : i32 to vector<16xi32>
        %add3A_1857 = arith.addi %iota3A, %add3A_1856 : vector<16xi32>
        %and3A_1858 = arith.constant 15 : i32
        %and3A_1859 = vector.broadcast %and3A_1858 : i32 to vector<16xi32>
        %and3A_1860 = arith.andi %add3A_1857, %and3A_1859 : vector<16xi32>
        %add3A_1861 = arith.constant 32 : i32
        %add3A_1862 = vector.broadcast %add3A_1861 : i32 to vector<16xi32>
        %add3A_1863 = arith.addi %add3A_1862, %and3A_1860 : vector<16xi32>
        %add3A_1864 = arith.addi %get3A_866, %add3A_1863 : vector<16xi32>
        %gather3A_1865 = arith.constant 0 : i32
        %gather3A_1866 = arith.constant 0 : i32
        %gather3A_1867 = tpu.memref_slice %arg8[%select_n3A_766, %gather3A_1865, %gather3A_1866] : memref<4x128x128xf32, #tpu.memory_space<vmem>> -> memref<1x128x128xf32, #tpu.memory_space<vmem>>
        %gather3A_1868 = tpu.memref_squeeze %gather3A_1867 : memref<1x128x128xf32, #tpu.memory_space<vmem>> -> memref<128x128xf32, #tpu.memory_space<vmem>>
        %gather3A_1869 = tpu.vector_load_idx %gather3A_1868[%add3A_864, %add3A_1864] : memref<128x128xf32, #tpu.memory_space<vmem>>[vector<16xi32>, vector<16xi32>], vector<16xf32>,
        %mul3A_1870 = arith.constant 8.000000e+00 : f32
        %mul3A_1871 = vector.broadcast %mul3A_1870 : f32 to vector<16xf32>
        %mul3A_1872 = arith.mulf %gather3A_1869, %mul3A_1871 : vector<16xf32>
        %scatter3A_1873 = arith.constant 0 : i32
        %scatter3A_1874 = arith.constant 0 : i32
        %scatter3A_1875 = tpu.memref_slice %arg9[%select_n3A_766, %scatter3A_1873, %scatter3A_1874] : memref<4x64x128xf32, #tpu.memory_space<vmem>> -> memref<1x64x128xf32, #tpu.memory_space<vmem>>
        %scatter3A_1876 = tpu.memref_squeeze %scatter3A_1875 : memref<1x64x128xf32, #tpu.memory_space<vmem>> -> memref<64x128xf32, #tpu.memory_space<vmem>>
        tpu.vector_store_idx %scatter3A_1876[%add3A_1863, %add3A_864], %mul3A_1872 : memref<64x128xf32, #tpu.memory_space<vmem>>[vector<16xi32>, vector<16xi32>], vector<16xf32>,
        %add3A_1877 = arith.constant 14 : i32
        %add3A_1878 = vector.broadcast %add3A_1877 : i32 to vector<16xi32>
        %add3A_1879 = arith.addi %iota3A, %add3A_1878 : vector<16xi32>
        %and3A_1880 = arith.constant 15 : i32
        %and3A_1881 = vector.broadcast %and3A_1880 : i32 to vector<16xi32>
        %and3A_1882 = arith.andi %add3A_1879, %and3A_1881 : vector<16xi32>
        %add3A_1883 = arith.constant 32 : i32
        %add3A_1884 = vector.broadcast %add3A_1883 : i32 to vector<16xi32>
        %add3A_1885 = arith.addi %add3A_1884, %and3A_1882 : vector<16xi32>
        %add3A_1886 = arith.addi %get3A_866, %add3A_1885 : vector<16xi32>
        %gather3A_1887 = arith.constant 0 : i32
        %gather3A_1888 = arith.constant 0 : i32
        %gather3A_1889 = tpu.memref_slice %arg8[%select_n3A_766, %gather3A_1887, %gather3A_1888] : memref<4x128x128xf32, #tpu.memory_space<vmem>> -> memref<1x128x128xf32, #tpu.memory_space<vmem>>
        %gather3A_1890 = tpu.memref_squeeze %gather3A_1889 : memref<1x128x128xf32, #tpu.memory_space<vmem>> -> memref<128x128xf32, #tpu.memory_space<vmem>>
        %gather3A_1891 = tpu.vector_load_idx %gather3A_1890[%add3A_864, %add3A_1886] : memref<128x128xf32, #tpu.memory_space<vmem>>[vector<16xi32>, vector<16xi32>], vector<16xf32>,
        %mul3A_1892 = arith.constant 8.000000e+00 : f32
        %mul3A_1893 = vector.broadcast %mul3A_1892 : f32 to vector<16xf32>
        %mul3A_1894 = arith.mulf %gather3A_1891, %mul3A_1893 : vector<16xf32>
        %scatter3A_1895 = arith.constant 0 : i32
        %scatter3A_1896 = arith.constant 0 : i32
        %scatter3A_1897 = tpu.memref_slice %arg9[%select_n3A_766, %scatter3A_1895, %scatter3A_1896] : memref<4x64x128xf32, #tpu.memory_space<vmem>> -> memref<1x64x128xf32, #tpu.memory_space<vmem>>
        %scatter3A_1898 = tpu.memref_squeeze %scatter3A_1897 : memref<1x64x128xf32, #tpu.memory_space<vmem>> -> memref<64x128xf32, #tpu.memory_space<vmem>>
        tpu.vector_store_idx %scatter3A_1898[%add3A_1885, %add3A_864], %mul3A_1894 : memref<64x128xf32, #tpu.memory_space<vmem>>[vector<16xi32>, vector<16xi32>], vector<16xf32>,
        %add3A_1899 = arith.constant 15 : i32
        %add3A_1900 = vector.broadcast %add3A_1899 : i32 to vector<16xi32>
        %add3A_1901 = arith.addi %iota3A, %add3A_1900 : vector<16xi32>
        %and3A_1902 = arith.constant 15 : i32
        %and3A_1903 = vector.broadcast %and3A_1902 : i32 to vector<16xi32>
        %and3A_1904 = arith.andi %add3A_1901, %and3A_1903 : vector<16xi32>
        %add3A_1905 = arith.constant 32 : i32
        %add3A_1906 = vector.broadcast %add3A_1905 : i32 to vector<16xi32>
        %add3A_1907 = arith.addi %add3A_1906, %and3A_1904 : vector<16xi32>
        %add3A_1908 = arith.addi %get3A_866, %add3A_1907 : vector<16xi32>
        %gather3A_1909 = arith.constant 0 : i32
        %gather3A_1910 = arith.constant 0 : i32
        %gather3A_1911 = tpu.memref_slice %arg8[%select_n3A_766, %gather3A_1909, %gather3A_1910] : memref<4x128x128xf32, #tpu.memory_space<vmem>> -> memref<1x128x128xf32, #tpu.memory_space<vmem>>
        %gather3A_1912 = tpu.memref_squeeze %gather3A_1911 : memref<1x128x128xf32, #tpu.memory_space<vmem>> -> memref<128x128xf32, #tpu.memory_space<vmem>>
        %gather3A_1913 = tpu.vector_load_idx %gather3A_1912[%add3A_864, %add3A_1908] : memref<128x128xf32, #tpu.memory_space<vmem>>[vector<16xi32>, vector<16xi32>], vector<16xf32>,
        %mul3A_1914 = arith.constant 8.000000e+00 : f32
        %mul3A_1915 = vector.broadcast %mul3A_1914 : f32 to vector<16xf32>
        %mul3A_1916 = arith.mulf %gather3A_1913, %mul3A_1915 : vector<16xf32>
        %scatter3A_1917 = arith.constant 0 : i32
        %scatter3A_1918 = arith.constant 0 : i32
        %scatter3A_1919 = tpu.memref_slice %arg9[%select_n3A_766, %scatter3A_1917, %scatter3A_1918] : memref<4x64x128xf32, #tpu.memory_space<vmem>> -> memref<1x64x128xf32, #tpu.memory_space<vmem>>
        %scatter3A_1920 = tpu.memref_squeeze %scatter3A_1919 : memref<1x64x128xf32, #tpu.memory_space<vmem>> -> memref<64x128xf32, #tpu.memory_space<vmem>>
        tpu.vector_store_idx %scatter3A_1920[%add3A_1907, %add3A_864], %mul3A_1916 : memref<64x128xf32, #tpu.memory_space<vmem>>[vector<16xi32>, vector<16xi32>], vector<16xf32>,
        %add3A_1921 = arith.constant 0 : i32
        %add3A_1922 = vector.broadcast %add3A_1921 : i32 to vector<16xi32>
        %add3A_1923 = arith.addi %iota3A, %add3A_1922 : vector<16xi32>
        %and3A_1924 = arith.constant 15 : i32
        %and3A_1925 = vector.broadcast %and3A_1924 : i32 to vector<16xi32>
        %and3A_1926 = arith.andi %add3A_1923, %and3A_1925 : vector<16xi32>
        %add3A_1927 = arith.constant 48 : i32
        %add3A_1928 = vector.broadcast %add3A_1927 : i32 to vector<16xi32>
        %add3A_1929 = arith.addi %add3A_1928, %and3A_1926 : vector<16xi32>
        %add3A_1930 = arith.addi %get3A_866, %add3A_1929 : vector<16xi32>
        %gather3A_1931 = arith.constant 0 : i32
        %gather3A_1932 = arith.constant 0 : i32
        %gather3A_1933 = tpu.memref_slice %arg8[%select_n3A_766, %gather3A_1931, %gather3A_1932] : memref<4x128x128xf32, #tpu.memory_space<vmem>> -> memref<1x128x128xf32, #tpu.memory_space<vmem>>
        %gather3A_1934 = tpu.memref_squeeze %gather3A_1933 : memref<1x128x128xf32, #tpu.memory_space<vmem>> -> memref<128x128xf32, #tpu.memory_space<vmem>>
        %gather3A_1935 = tpu.vector_load_idx %gather3A_1934[%add3A_864, %add3A_1930] : memref<128x128xf32, #tpu.memory_space<vmem>>[vector<16xi32>, vector<16xi32>], vector<16xf32>,
        %mul3A_1936 = arith.constant 8.000000e+00 : f32
        %mul3A_1937 = vector.broadcast %mul3A_1936 : f32 to vector<16xf32>
        %mul3A_1938 = arith.mulf %gather3A_1935, %mul3A_1937 : vector<16xf32>
        %scatter3A_1939 = arith.constant 0 : i32
        %scatter3A_1940 = arith.constant 0 : i32
        %scatter3A_1941 = tpu.memref_slice %arg9[%select_n3A_766, %scatter3A_1939, %scatter3A_1940] : memref<4x64x128xf32, #tpu.memory_space<vmem>> -> memref<1x64x128xf32, #tpu.memory_space<vmem>>
        %scatter3A_1942 = tpu.memref_squeeze %scatter3A_1941 : memref<1x64x128xf32, #tpu.memory_space<vmem>> -> memref<64x128xf32, #tpu.memory_space<vmem>>
        tpu.vector_store_idx %scatter3A_1942[%add3A_1929, %add3A_864], %mul3A_1938 : memref<64x128xf32, #tpu.memory_space<vmem>>[vector<16xi32>, vector<16xi32>], vector<16xf32>,
        %add3A_1943 = arith.constant 1 : i32
        %add3A_1944 = vector.broadcast %add3A_1943 : i32 to vector<16xi32>
        %add3A_1945 = arith.addi %iota3A, %add3A_1944 : vector<16xi32>
        %and3A_1946 = arith.constant 15 : i32
        %and3A_1947 = vector.broadcast %and3A_1946 : i32 to vector<16xi32>
        %and3A_1948 = arith.andi %add3A_1945, %and3A_1947 : vector<16xi32>
        %add3A_1949 = arith.constant 48 : i32
        %add3A_1950 = vector.broadcast %add3A_1949 : i32 to vector<16xi32>
        %add3A_1951 = arith.addi %add3A_1950, %and3A_1948 : vector<16xi32>
        %add3A_1952 = arith.addi %get3A_866, %add3A_1951 : vector<16xi32>
        %gather3A_1953 = arith.constant 0 : i32
        %gather3A_1954 = arith.constant 0 : i32
        %gather3A_1955 = tpu.memref_slice %arg8[%select_n3A_766, %gather3A_1953, %gather3A_1954] : memref<4x128x128xf32, #tpu.memory_space<vmem>> -> memref<1x128x128xf32, #tpu.memory_space<vmem>>
        %gather3A_1956 = tpu.memref_squeeze %gather3A_1955 : memref<1x128x128xf32, #tpu.memory_space<vmem>> -> memref<128x128xf32, #tpu.memory_space<vmem>>
        %gather3A_1957 = tpu.vector_load_idx %gather3A_1956[%add3A_864, %add3A_1952] : memref<128x128xf32, #tpu.memory_space<vmem>>[vector<16xi32>, vector<16xi32>], vector<16xf32>,
        %mul3A_1958 = arith.constant 8.000000e+00 : f32
        %mul3A_1959 = vector.broadcast %mul3A_1958 : f32 to vector<16xf32>
        %mul3A_1960 = arith.mulf %gather3A_1957, %mul3A_1959 : vector<16xf32>
        %scatter3A_1961 = arith.constant 0 : i32
        %scatter3A_1962 = arith.constant 0 : i32
        %scatter3A_1963 = tpu.memref_slice %arg9[%select_n3A_766, %scatter3A_1961, %scatter3A_1962] : memref<4x64x128xf32, #tpu.memory_space<vmem>> -> memref<1x64x128xf32, #tpu.memory_space<vmem>>
        %scatter3A_1964 = tpu.memref_squeeze %scatter3A_1963 : memref<1x64x128xf32, #tpu.memory_space<vmem>> -> memref<64x128xf32, #tpu.memory_space<vmem>>
        tpu.vector_store_idx %scatter3A_1964[%add3A_1951, %add3A_864], %mul3A_1960 : memref<64x128xf32, #tpu.memory_space<vmem>>[vector<16xi32>, vector<16xi32>], vector<16xf32>,
        %add3A_1965 = arith.constant 2 : i32
        %add3A_1966 = vector.broadcast %add3A_1965 : i32 to vector<16xi32>
        %add3A_1967 = arith.addi %iota3A, %add3A_1966 : vector<16xi32>
        %and3A_1968 = arith.constant 15 : i32
        %and3A_1969 = vector.broadcast %and3A_1968 : i32 to vector<16xi32>
        %and3A_1970 = arith.andi %add3A_1967, %and3A_1969 : vector<16xi32>
        %add3A_1971 = arith.constant 48 : i32
        %add3A_1972 = vector.broadcast %add3A_1971 : i32 to vector<16xi32>
        %add3A_1973 = arith.addi %add3A_1972, %and3A_1970 : vector<16xi32>
        %add3A_1974 = arith.addi %get3A_866, %add3A_1973 : vector<16xi32>
        %gather3A_1975 = arith.constant 0 : i32
        %gather3A_1976 = arith.constant 0 : i32
        %gather3A_1977 = tpu.memref_slice %arg8[%select_n3A_766, %gather3A_1975, %gather3A_1976] : memref<4x128x128xf32, #tpu.memory_space<vmem>> -> memref<1x128x128xf32, #tpu.memory_space<vmem>>
        %gather3A_1978 = tpu.memref_squeeze %gather3A_1977 : memref<1x128x128xf32, #tpu.memory_space<vmem>> -> memref<128x128xf32, #tpu.memory_space<vmem>>
        %gather3A_1979 = tpu.vector_load_idx %gather3A_1978[%add3A_864, %add3A_1974] : memref<128x128xf32, #tpu.memory_space<vmem>>[vector<16xi32>, vector<16xi32>], vector<16xf32>,
        %mul3A_1980 = arith.constant 8.000000e+00 : f32
        %mul3A_1981 = vector.broadcast %mul3A_1980 : f32 to vector<16xf32>
        %mul3A_1982 = arith.mulf %gather3A_1979, %mul3A_1981 : vector<16xf32>
        %scatter3A_1983 = arith.constant 0 : i32
        %scatter3A_1984 = arith.constant 0 : i32
        %scatter3A_1985 = tpu.memref_slice %arg9[%select_n3A_766, %scatter3A_1983, %scatter3A_1984] : memref<4x64x128xf32, #tpu.memory_space<vmem>> -> memref<1x64x128xf32, #tpu.memory_space<vmem>>
        %scatter3A_1986 = tpu.memref_squeeze %scatter3A_1985 : memref<1x64x128xf32, #tpu.memory_space<vmem>> -> memref<64x128xf32, #tpu.memory_space<vmem>>
        tpu.vector_store_idx %scatter3A_1986[%add3A_1973, %add3A_864], %mul3A_1982 : memref<64x128xf32, #tpu.memory_space<vmem>>[vector<16xi32>, vector<16xi32>], vector<16xf32>,
        %add3A_1987 = arith.constant 3 : i32
        %add3A_1988 = vector.broadcast %add3A_1987 : i32 to vector<16xi32>
        %add3A_1989 = arith.addi %iota3A, %add3A_1988 : vector<16xi32>
        %and3A_1990 = arith.constant 15 : i32
        %and3A_1991 = vector.broadcast %and3A_1990 : i32 to vector<16xi32>
        %and3A_1992 = arith.andi %add3A_1989, %and3A_1991 : vector<16xi32>
        %add3A_1993 = arith.constant 48 : i32
        %add3A_1994 = vector.broadcast %add3A_1993 : i32 to vector<16xi32>
        %add3A_1995 = arith.addi %add3A_1994, %and3A_1992 : vector<16xi32>
        %add3A_1996 = arith.addi %get3A_866, %add3A_1995 : vector<16xi32>
        %gather3A_1997 = arith.constant 0 : i32
        %gather3A_1998 = arith.constant 0 : i32
        %gather3A_1999 = tpu.memref_slice %arg8[%select_n3A_766, %gather3A_1997, %gather3A_1998] : memref<4x128x128xf32, #tpu.memory_space<vmem>> -> memref<1x128x128xf32, #tpu.memory_space<vmem>>
        %gather3A_2000 = tpu.memref_squeeze %gather3A_1999 : memref<1x128x128xf32, #tpu.memory_space<vmem>> -> memref<128x128xf32, #tpu.memory_space<vmem>>
        %gather3A_2001 = tpu.vector_load_idx %gather3A_2000[%add3A_864, %add3A_1996] : memref<128x128xf32, #tpu.memory_space<vmem>>[vector<16xi32>, vector<16xi32>], vector<16xf32>,
        %mul3A_2002 = arith.constant 8.000000e+00 : f32
        %mul3A_2003 = vector.broadcast %mul3A_2002 : f32 to vector<16xf32>
        %mul3A_2004 = arith.mulf %gather3A_2001, %mul3A_2003 : vector<16xf32>
        %scatter3A_2005 = arith.constant 0 : i32
        %scatter3A_2006 = arith.constant 0 : i32
        %scatter3A_2007 = tpu.memref_slice %arg9[%select_n3A_766, %scatter3A_2005, %scatter3A_2006] : memref<4x64x128xf32, #tpu.memory_space<vmem>> -> memref<1x64x128xf32, #tpu.memory_space<vmem>>
        %scatter3A_2008 = tpu.memref_squeeze %scatter3A_2007 : memref<1x64x128xf32, #tpu.memory_space<vmem>> -> memref<64x128xf32, #tpu.memory_space<vmem>>
        tpu.vector_store_idx %scatter3A_2008[%add3A_1995, %add3A_864], %mul3A_2004 : memref<64x128xf32, #tpu.memory_space<vmem>>[vector<16xi32>, vector<16xi32>], vector<16xf32>,
        %add3A_2009 = arith.constant 4 : i32
        %add3A_2010 = vector.broadcast %add3A_2009 : i32 to vector<16xi32>
        %add3A_2011 = arith.addi %iota3A, %add3A_2010 : vector<16xi32>
        %and3A_2012 = arith.constant 15 : i32
        %and3A_2013 = vector.broadcast %and3A_2012 : i32 to vector<16xi32>
        %and3A_2014 = arith.andi %add3A_2011, %and3A_2013 : vector<16xi32>
        %add3A_2015 = arith.constant 48 : i32
        %add3A_2016 = vector.broadcast %add3A_2015 : i32 to vector<16xi32>
        %add3A_2017 = arith.addi %add3A_2016, %and3A_2014 : vector<16xi32>
        %add3A_2018 = arith.addi %get3A_866, %add3A_2017 : vector<16xi32>
        %gather3A_2019 = arith.constant 0 : i32
        %gather3A_2020 = arith.constant 0 : i32
        %gather3A_2021 = tpu.memref_slice %arg8[%select_n3A_766, %gather3A_2019, %gather3A_2020] : memref<4x128x128xf32, #tpu.memory_space<vmem>> -> memref<1x128x128xf32, #tpu.memory_space<vmem>>
        %gather3A_2022 = tpu.memref_squeeze %gather3A_2021 : memref<1x128x128xf32, #tpu.memory_space<vmem>> -> memref<128x128xf32, #tpu.memory_space<vmem>>
        %gather3A_2023 = tpu.vector_load_idx %gather3A_2022[%add3A_864, %add3A_2018] : memref<128x128xf32, #tpu.memory_space<vmem>>[vector<16xi32>, vector<16xi32>], vector<16xf32>,
        %mul3A_2024 = arith.constant 8.000000e+00 : f32
        %mul3A_2025 = vector.broadcast %mul3A_2024 : f32 to vector<16xf32>
        %mul3A_2026 = arith.mulf %gather3A_2023, %mul3A_2025 : vector<16xf32>
        %scatter3A_2027 = arith.constant 0 : i32
        %scatter3A_2028 = arith.constant 0 : i32
        %scatter3A_2029 = tpu.memref_slice %arg9[%select_n3A_766, %scatter3A_2027, %scatter3A_2028] : memref<4x64x128xf32, #tpu.memory_space<vmem>> -> memref<1x64x128xf32, #tpu.memory_space<vmem>>
        %scatter3A_2030 = tpu.memref_squeeze %scatter3A_2029 : memref<1x64x128xf32, #tpu.memory_space<vmem>> -> memref<64x128xf32, #tpu.memory_space<vmem>>
        tpu.vector_store_idx %scatter3A_2030[%add3A_2017, %add3A_864], %mul3A_2026 : memref<64x128xf32, #tpu.memory_space<vmem>>[vector<16xi32>, vector<16xi32>], vector<16xf32>,
        %add3A_2031 = arith.constant 5 : i32
        %add3A_2032 = vector.broadcast %add3A_2031 : i32 to vector<16xi32>
        %add3A_2033 = arith.addi %iota3A, %add3A_2032 : vector<16xi32>
        %and3A_2034 = arith.constant 15 : i32
        %and3A_2035 = vector.broadcast %and3A_2034 : i32 to vector<16xi32>
        %and3A_2036 = arith.andi %add3A_2033, %and3A_2035 : vector<16xi32>
        %add3A_2037 = arith.constant 48 : i32
        %add3A_2038 = vector.broadcast %add3A_2037 : i32 to vector<16xi32>
        %add3A_2039 = arith.addi %add3A_2038, %and3A_2036 : vector<16xi32>
        %add3A_2040 = arith.addi %get3A_866, %add3A_2039 : vector<16xi32>
        %gather3A_2041 = arith.constant 0 : i32
        %gather3A_2042 = arith.constant 0 : i32
        %gather3A_2043 = tpu.memref_slice %arg8[%select_n3A_766, %gather3A_2041, %gather3A_2042] : memref<4x128x128xf32, #tpu.memory_space<vmem>> -> memref<1x128x128xf32, #tpu.memory_space<vmem>>
        %gather3A_2044 = tpu.memref_squeeze %gather3A_2043 : memref<1x128x128xf32, #tpu.memory_space<vmem>> -> memref<128x128xf32, #tpu.memory_space<vmem>>
        %gather3A_2045 = tpu.vector_load_idx %gather3A_2044[%add3A_864, %add3A_2040] : memref<128x128xf32, #tpu.memory_space<vmem>>[vector<16xi32>, vector<16xi32>], vector<16xf32>,
        %mul3A_2046 = arith.constant 8.000000e+00 : f32
        %mul3A_2047 = vector.broadcast %mul3A_2046 : f32 to vector<16xf32>
        %mul3A_2048 = arith.mulf %gather3A_2045, %mul3A_2047 : vector<16xf32>
        %scatter3A_2049 = arith.constant 0 : i32
        %scatter3A_2050 = arith.constant 0 : i32
        %scatter3A_2051 = tpu.memref_slice %arg9[%select_n3A_766, %scatter3A_2049, %scatter3A_2050] : memref<4x64x128xf32, #tpu.memory_space<vmem>> -> memref<1x64x128xf32, #tpu.memory_space<vmem>>
        %scatter3A_2052 = tpu.memref_squeeze %scatter3A_2051 : memref<1x64x128xf32, #tpu.memory_space<vmem>> -> memref<64x128xf32, #tpu.memory_space<vmem>>
        tpu.vector_store_idx %scatter3A_2052[%add3A_2039, %add3A_864], %mul3A_2048 : memref<64x128xf32, #tpu.memory_space<vmem>>[vector<16xi32>, vector<16xi32>], vector<16xf32>,
        %add3A_2053 = arith.constant 6 : i32
        %add3A_2054 = vector.broadcast %add3A_2053 : i32 to vector<16xi32>
        %add3A_2055 = arith.addi %iota3A, %add3A_2054 : vector<16xi32>
        %and3A_2056 = arith.constant 15 : i32
        %and3A_2057 = vector.broadcast %and3A_2056 : i32 to vector<16xi32>
        %and3A_2058 = arith.andi %add3A_2055, %and3A_2057 : vector<16xi32>
        %add3A_2059 = arith.constant 48 : i32
        %add3A_2060 = vector.broadcast %add3A_2059 : i32 to vector<16xi32>
        %add3A_2061 = arith.addi %add3A_2060, %and3A_2058 : vector<16xi32>
        %add3A_2062 = arith.addi %get3A_866, %add3A_2061 : vector<16xi32>
        %gather3A_2063 = arith.constant 0 : i32
        %gather3A_2064 = arith.constant 0 : i32
        %gather3A_2065 = tpu.memref_slice %arg8[%select_n3A_766, %gather3A_2063, %gather3A_2064] : memref<4x128x128xf32, #tpu.memory_space<vmem>> -> memref<1x128x128xf32, #tpu.memory_space<vmem>>
        %gather3A_2066 = tpu.memref_squeeze %gather3A_2065 : memref<1x128x128xf32, #tpu.memory_space<vmem>> -> memref<128x128xf32, #tpu.memory_space<vmem>>
        %gather3A_2067 = tpu.vector_load_idx %gather3A_2066[%add3A_864, %add3A_2062] : memref<128x128xf32, #tpu.memory_space<vmem>>[vector<16xi32>, vector<16xi32>], vector<16xf32>,
        %mul3A_2068 = arith.constant 8.000000e+00 : f32
        %mul3A_2069 = vector.broadcast %mul3A_2068 : f32 to vector<16xf32>
        %mul3A_2070 = arith.mulf %gather3A_2067, %mul3A_2069 : vector<16xf32>
        %scatter3A_2071 = arith.constant 0 : i32
        %scatter3A_2072 = arith.constant 0 : i32
        %scatter3A_2073 = tpu.memref_slice %arg9[%select_n3A_766, %scatter3A_2071, %scatter3A_2072] : memref<4x64x128xf32, #tpu.memory_space<vmem>> -> memref<1x64x128xf32, #tpu.memory_space<vmem>>
        %scatter3A_2074 = tpu.memref_squeeze %scatter3A_2073 : memref<1x64x128xf32, #tpu.memory_space<vmem>> -> memref<64x128xf32, #tpu.memory_space<vmem>>
        tpu.vector_store_idx %scatter3A_2074[%add3A_2061, %add3A_864], %mul3A_2070 : memref<64x128xf32, #tpu.memory_space<vmem>>[vector<16xi32>, vector<16xi32>], vector<16xf32>,
        %add3A_2075 = arith.constant 7 : i32
        %add3A_2076 = vector.broadcast %add3A_2075 : i32 to vector<16xi32>
        %add3A_2077 = arith.addi %iota3A, %add3A_2076 : vector<16xi32>
        %and3A_2078 = arith.constant 15 : i32
        %and3A_2079 = vector.broadcast %and3A_2078 : i32 to vector<16xi32>
        %and3A_2080 = arith.andi %add3A_2077, %and3A_2079 : vector<16xi32>
        %add3A_2081 = arith.constant 48 : i32
        %add3A_2082 = vector.broadcast %add3A_2081 : i32 to vector<16xi32>
        %add3A_2083 = arith.addi %add3A_2082, %and3A_2080 : vector<16xi32>
        %add3A_2084 = arith.addi %get3A_866, %add3A_2083 : vector<16xi32>
        %gather3A_2085 = arith.constant 0 : i32
        %gather3A_2086 = arith.constant 0 : i32
        %gather3A_2087 = tpu.memref_slice %arg8[%select_n3A_766, %gather3A_2085, %gather3A_2086] : memref<4x128x128xf32, #tpu.memory_space<vmem>> -> memref<1x128x128xf32, #tpu.memory_space<vmem>>
        %gather3A_2088 = tpu.memref_squeeze %gather3A_2087 : memref<1x128x128xf32, #tpu.memory_space<vmem>> -> memref<128x128xf32, #tpu.memory_space<vmem>>
        %gather3A_2089 = tpu.vector_load_idx %gather3A_2088[%add3A_864, %add3A_2084] : memref<128x128xf32, #tpu.memory_space<vmem>>[vector<16xi32>, vector<16xi32>], vector<16xf32>,
        %mul3A_2090 = arith.constant 8.000000e+00 : f32
        %mul3A_2091 = vector.broadcast %mul3A_2090 : f32 to vector<16xf32>
        %mul3A_2092 = arith.mulf %gather3A_2089, %mul3A_2091 : vector<16xf32>
        %scatter3A_2093 = arith.constant 0 : i32
        %scatter3A_2094 = arith.constant 0 : i32
        %scatter3A_2095 = tpu.memref_slice %arg9[%select_n3A_766, %scatter3A_2093, %scatter3A_2094] : memref<4x64x128xf32, #tpu.memory_space<vmem>> -> memref<1x64x128xf32, #tpu.memory_space<vmem>>
        %scatter3A_2096 = tpu.memref_squeeze %scatter3A_2095 : memref<1x64x128xf32, #tpu.memory_space<vmem>> -> memref<64x128xf32, #tpu.memory_space<vmem>>
        tpu.vector_store_idx %scatter3A_2096[%add3A_2083, %add3A_864], %mul3A_2092 : memref<64x128xf32, #tpu.memory_space<vmem>>[vector<16xi32>, vector<16xi32>], vector<16xf32>,
        %add3A_2097 = arith.constant 8 : i32
        %add3A_2098 = vector.broadcast %add3A_2097 : i32 to vector<16xi32>
        %add3A_2099 = arith.addi %iota3A, %add3A_2098 : vector<16xi32>
        %and3A_2100 = arith.constant 15 : i32
        %and3A_2101 = vector.broadcast %and3A_2100 : i32 to vector<16xi32>
        %and3A_2102 = arith.andi %add3A_2099, %and3A_2101 : vector<16xi32>
        %add3A_2103 = arith.constant 48 : i32
        %add3A_2104 = vector.broadcast %add3A_2103 : i32 to vector<16xi32>
        %add3A_2105 = arith.addi %add3A_2104, %and3A_2102 : vector<16xi32>
        %add3A_2106 = arith.addi %get3A_866, %add3A_2105 : vector<16xi32>
        %gather3A_2107 = arith.constant 0 : i32
        %gather3A_2108 = arith.constant 0 : i32
        %gather3A_2109 = tpu.memref_slice %arg8[%select_n3A_766, %gather3A_2107, %gather3A_2108] : memref<4x128x128xf32, #tpu.memory_space<vmem>> -> memref<1x128x128xf32, #tpu.memory_space<vmem>>
        %gather3A_2110 = tpu.memref_squeeze %gather3A_2109 : memref<1x128x128xf32, #tpu.memory_space<vmem>> -> memref<128x128xf32, #tpu.memory_space<vmem>>
        %gather3A_2111 = tpu.vector_load_idx %gather3A_2110[%add3A_864, %add3A_2106] : memref<128x128xf32, #tpu.memory_space<vmem>>[vector<16xi32>, vector<16xi32>], vector<16xf32>,
        %mul3A_2112 = arith.constant 8.000000e+00 : f32
        %mul3A_2113 = vector.broadcast %mul3A_2112 : f32 to vector<16xf32>
        %mul3A_2114 = arith.mulf %gather3A_2111, %mul3A_2113 : vector<16xf32>
        %scatter3A_2115 = arith.constant 0 : i32
        %scatter3A_2116 = arith.constant 0 : i32
        %scatter3A_2117 = tpu.memref_slice %arg9[%select_n3A_766, %scatter3A_2115, %scatter3A_2116] : memref<4x64x128xf32, #tpu.memory_space<vmem>> -> memref<1x64x128xf32, #tpu.memory_space<vmem>>
        %scatter3A_2118 = tpu.memref_squeeze %scatter3A_2117 : memref<1x64x128xf32, #tpu.memory_space<vmem>> -> memref<64x128xf32, #tpu.memory_space<vmem>>
        tpu.vector_store_idx %scatter3A_2118[%add3A_2105, %add3A_864], %mul3A_2114 : memref<64x128xf32, #tpu.memory_space<vmem>>[vector<16xi32>, vector<16xi32>], vector<16xf32>,
        %add3A_2119 = arith.constant 9 : i32
        %add3A_2120 = vector.broadcast %add3A_2119 : i32 to vector<16xi32>
        %add3A_2121 = arith.addi %iota3A, %add3A_2120 : vector<16xi32>
        %and3A_2122 = arith.constant 15 : i32
        %and3A_2123 = vector.broadcast %and3A_2122 : i32 to vector<16xi32>
        %and3A_2124 = arith.andi %add3A_2121, %and3A_2123 : vector<16xi32>
        %add3A_2125 = arith.constant 48 : i32
        %add3A_2126 = vector.broadcast %add3A_2125 : i32 to vector<16xi32>
        %add3A_2127 = arith.addi %add3A_2126, %and3A_2124 : vector<16xi32>
        %add3A_2128 = arith.addi %get3A_866, %add3A_2127 : vector<16xi32>
        %gather3A_2129 = arith.constant 0 : i32
        %gather3A_2130 = arith.constant 0 : i32
        %gather3A_2131 = tpu.memref_slice %arg8[%select_n3A_766, %gather3A_2129, %gather3A_2130] : memref<4x128x128xf32, #tpu.memory_space<vmem>> -> memref<1x128x128xf32, #tpu.memory_space<vmem>>
        %gather3A_2132 = tpu.memref_squeeze %gather3A_2131 : memref<1x128x128xf32, #tpu.memory_space<vmem>> -> memref<128x128xf32, #tpu.memory_space<vmem>>
        %gather3A_2133 = tpu.vector_load_idx %gather3A_2132[%add3A_864, %add3A_2128] : memref<128x128xf32, #tpu.memory_space<vmem>>[vector<16xi32>, vector<16xi32>], vector<16xf32>,
        %mul3A_2134 = arith.constant 8.000000e+00 : f32
        %mul3A_2135 = vector.broadcast %mul3A_2134 : f32 to vector<16xf32>
        %mul3A_2136 = arith.mulf %gather3A_2133, %mul3A_2135 : vector<16xf32>
        %scatter3A_2137 = arith.constant 0 : i32
        %scatter3A_2138 = arith.constant 0 : i32
        %scatter3A_2139 = tpu.memref_slice %arg9[%select_n3A_766, %scatter3A_2137, %scatter3A_2138] : memref<4x64x128xf32, #tpu.memory_space<vmem>> -> memref<1x64x128xf32, #tpu.memory_space<vmem>>
        %scatter3A_2140 = tpu.memref_squeeze %scatter3A_2139 : memref<1x64x128xf32, #tpu.memory_space<vmem>> -> memref<64x128xf32, #tpu.memory_space<vmem>>
        tpu.vector_store_idx %scatter3A_2140[%add3A_2127, %add3A_864], %mul3A_2136 : memref<64x128xf32, #tpu.memory_space<vmem>>[vector<16xi32>, vector<16xi32>], vector<16xf32>,
        %add3A_2141 = arith.constant 10 : i32
        %add3A_2142 = vector.broadcast %add3A_2141 : i32 to vector<16xi32>
        %add3A_2143 = arith.addi %iota3A, %add3A_2142 : vector<16xi32>
        %and3A_2144 = arith.constant 15 : i32
        %and3A_2145 = vector.broadcast %and3A_2144 : i32 to vector<16xi32>
        %and3A_2146 = arith.andi %add3A_2143, %and3A_2145 : vector<16xi32>
        %add3A_2147 = arith.constant 48 : i32
        %add3A_2148 = vector.broadcast %add3A_2147 : i32 to vector<16xi32>
        %add3A_2149 = arith.addi %add3A_2148, %and3A_2146 : vector<16xi32>
        %add3A_2150 = arith.addi %get3A_866, %add3A_2149 : vector<16xi32>
        %gather3A_2151 = arith.constant 0 : i32
        %gather3A_2152 = arith.constant 0 : i32
        %gather3A_2153 = tpu.memref_slice %arg8[%select_n3A_766, %gather3A_2151, %gather3A_2152] : memref<4x128x128xf32, #tpu.memory_space<vmem>> -> memref<1x128x128xf32, #tpu.memory_space<vmem>>
        %gather3A_2154 = tpu.memref_squeeze %gather3A_2153 : memref<1x128x128xf32, #tpu.memory_space<vmem>> -> memref<128x128xf32, #tpu.memory_space<vmem>>
        %gather3A_2155 = tpu.vector_load_idx %gather3A_2154[%add3A_864, %add3A_2150] : memref<128x128xf32, #tpu.memory_space<vmem>>[vector<16xi32>, vector<16xi32>], vector<16xf32>,
        %mul3A_2156 = arith.constant 8.000000e+00 : f32
        %mul3A_2157 = vector.broadcast %mul3A_2156 : f32 to vector<16xf32>
        %mul3A_2158 = arith.mulf %gather3A_2155, %mul3A_2157 : vector<16xf32>
        %scatter3A_2159 = arith.constant 0 : i32
        %scatter3A_2160 = arith.constant 0 : i32
        %scatter3A_2161 = tpu.memref_slice %arg9[%select_n3A_766, %scatter3A_2159, %scatter3A_2160] : memref<4x64x128xf32, #tpu.memory_space<vmem>> -> memref<1x64x128xf32, #tpu.memory_space<vmem>>
        %scatter3A_2162 = tpu.memref_squeeze %scatter3A_2161 : memref<1x64x128xf32, #tpu.memory_space<vmem>> -> memref<64x128xf32, #tpu.memory_space<vmem>>
        tpu.vector_store_idx %scatter3A_2162[%add3A_2149, %add3A_864], %mul3A_2158 : memref<64x128xf32, #tpu.memory_space<vmem>>[vector<16xi32>, vector<16xi32>], vector<16xf32>,
        %add3A_2163 = arith.constant 11 : i32
        %add3A_2164 = vector.broadcast %add3A_2163 : i32 to vector<16xi32>
        %add3A_2165 = arith.addi %iota3A, %add3A_2164 : vector<16xi32>
        %and3A_2166 = arith.constant 15 : i32
        %and3A_2167 = vector.broadcast %and3A_2166 : i32 to vector<16xi32>
        %and3A_2168 = arith.andi %add3A_2165, %and3A_2167 : vector<16xi32>
        %add3A_2169 = arith.constant 48 : i32
        %add3A_2170 = vector.broadcast %add3A_2169 : i32 to vector<16xi32>
        %add3A_2171 = arith.addi %add3A_2170, %and3A_2168 : vector<16xi32>
        %add3A_2172 = arith.addi %get3A_866, %add3A_2171 : vector<16xi32>
        %gather3A_2173 = arith.constant 0 : i32
        %gather3A_2174 = arith.constant 0 : i32
        %gather3A_2175 = tpu.memref_slice %arg8[%select_n3A_766, %gather3A_2173, %gather3A_2174] : memref<4x128x128xf32, #tpu.memory_space<vmem>> -> memref<1x128x128xf32, #tpu.memory_space<vmem>>
        %gather3A_2176 = tpu.memref_squeeze %gather3A_2175 : memref<1x128x128xf32, #tpu.memory_space<vmem>> -> memref<128x128xf32, #tpu.memory_space<vmem>>
        %gather3A_2177 = tpu.vector_load_idx %gather3A_2176[%add3A_864, %add3A_2172] : memref<128x128xf32, #tpu.memory_space<vmem>>[vector<16xi32>, vector<16xi32>], vector<16xf32>,
        %mul3A_2178 = arith.constant 8.000000e+00 : f32
        %mul3A_2179 = vector.broadcast %mul3A_2178 : f32 to vector<16xf32>
        %mul3A_2180 = arith.mulf %gather3A_2177, %mul3A_2179 : vector<16xf32>
        %scatter3A_2181 = arith.constant 0 : i32
        %scatter3A_2182 = arith.constant 0 : i32
        %scatter3A_2183 = tpu.memref_slice %arg9[%select_n3A_766, %scatter3A_2181, %scatter3A_2182] : memref<4x64x128xf32, #tpu.memory_space<vmem>> -> memref<1x64x128xf32, #tpu.memory_space<vmem>>
        %scatter3A_2184 = tpu.memref_squeeze %scatter3A_2183 : memref<1x64x128xf32, #tpu.memory_space<vmem>> -> memref<64x128xf32, #tpu.memory_space<vmem>>
        tpu.vector_store_idx %scatter3A_2184[%add3A_2171, %add3A_864], %mul3A_2180 : memref<64x128xf32, #tpu.memory_space<vmem>>[vector<16xi32>, vector<16xi32>], vector<16xf32>,
        %add3A_2185 = arith.constant 12 : i32
        %add3A_2186 = vector.broadcast %add3A_2185 : i32 to vector<16xi32>
        %add3A_2187 = arith.addi %iota3A, %add3A_2186 : vector<16xi32>
        %and3A_2188 = arith.constant 15 : i32
        %and3A_2189 = vector.broadcast %and3A_2188 : i32 to vector<16xi32>
        %and3A_2190 = arith.andi %add3A_2187, %and3A_2189 : vector<16xi32>
        %add3A_2191 = arith.constant 48 : i32
        %add3A_2192 = vector.broadcast %add3A_2191 : i32 to vector<16xi32>
        %add3A_2193 = arith.addi %add3A_2192, %and3A_2190 : vector<16xi32>
        %add3A_2194 = arith.addi %get3A_866, %add3A_2193 : vector<16xi32>
        %gather3A_2195 = arith.constant 0 : i32
        %gather3A_2196 = arith.constant 0 : i32
        %gather3A_2197 = tpu.memref_slice %arg8[%select_n3A_766, %gather3A_2195, %gather3A_2196] : memref<4x128x128xf32, #tpu.memory_space<vmem>> -> memref<1x128x128xf32, #tpu.memory_space<vmem>>
        %gather3A_2198 = tpu.memref_squeeze %gather3A_2197 : memref<1x128x128xf32, #tpu.memory_space<vmem>> -> memref<128x128xf32, #tpu.memory_space<vmem>>
        %gather3A_2199 = tpu.vector_load_idx %gather3A_2198[%add3A_864, %add3A_2194] : memref<128x128xf32, #tpu.memory_space<vmem>>[vector<16xi32>, vector<16xi32>], vector<16xf32>,
        %mul3A_2200 = arith.constant 8.000000e+00 : f32
        %mul3A_2201 = vector.broadcast %mul3A_2200 : f32 to vector<16xf32>
        %mul3A_2202 = arith.mulf %gather3A_2199, %mul3A_2201 : vector<16xf32>
        %scatter3A_2203 = arith.constant 0 : i32
        %scatter3A_2204 = arith.constant 0 : i32
        %scatter3A_2205 = tpu.memref_slice %arg9[%select_n3A_766, %scatter3A_2203, %scatter3A_2204] : memref<4x64x128xf32, #tpu.memory_space<vmem>> -> memref<1x64x128xf32, #tpu.memory_space<vmem>>
        %scatter3A_2206 = tpu.memref_squeeze %scatter3A_2205 : memref<1x64x128xf32, #tpu.memory_space<vmem>> -> memref<64x128xf32, #tpu.memory_space<vmem>>
        tpu.vector_store_idx %scatter3A_2206[%add3A_2193, %add3A_864], %mul3A_2202 : memref<64x128xf32, #tpu.memory_space<vmem>>[vector<16xi32>, vector<16xi32>], vector<16xf32>,
        %add3A_2207 = arith.constant 13 : i32
        %add3A_2208 = vector.broadcast %add3A_2207 : i32 to vector<16xi32>
        %add3A_2209 = arith.addi %iota3A, %add3A_2208 : vector<16xi32>
        %and3A_2210 = arith.constant 15 : i32
        %and3A_2211 = vector.broadcast %and3A_2210 : i32 to vector<16xi32>
        %and3A_2212 = arith.andi %add3A_2209, %and3A_2211 : vector<16xi32>
        %add3A_2213 = arith.constant 48 : i32
        %add3A_2214 = vector.broadcast %add3A_2213 : i32 to vector<16xi32>
        %add3A_2215 = arith.addi %add3A_2214, %and3A_2212 : vector<16xi32>
        %add3A_2216 = arith.addi %get3A_866, %add3A_2215 : vector<16xi32>
        %gather3A_2217 = arith.constant 0 : i32
        %gather3A_2218 = arith.constant 0 : i32
        %gather3A_2219 = tpu.memref_slice %arg8[%select_n3A_766, %gather3A_2217, %gather3A_2218] : memref<4x128x128xf32, #tpu.memory_space<vmem>> -> memref<1x128x128xf32, #tpu.memory_space<vmem>>
        %gather3A_2220 = tpu.memref_squeeze %gather3A_2219 : memref<1x128x128xf32, #tpu.memory_space<vmem>> -> memref<128x128xf32, #tpu.memory_space<vmem>>
        %gather3A_2221 = tpu.vector_load_idx %gather3A_2220[%add3A_864, %add3A_2216] : memref<128x128xf32, #tpu.memory_space<vmem>>[vector<16xi32>, vector<16xi32>], vector<16xf32>,
        %mul3A_2222 = arith.constant 8.000000e+00 : f32
        %mul3A_2223 = vector.broadcast %mul3A_2222 : f32 to vector<16xf32>
        %mul3A_2224 = arith.mulf %gather3A_2221, %mul3A_2223 : vector<16xf32>
        %scatter3A_2225 = arith.constant 0 : i32
        %scatter3A_2226 = arith.constant 0 : i32
        %scatter3A_2227 = tpu.memref_slice %arg9[%select_n3A_766, %scatter3A_2225, %scatter3A_2226] : memref<4x64x128xf32, #tpu.memory_space<vmem>> -> memref<1x64x128xf32, #tpu.memory_space<vmem>>
        %scatter3A_2228 = tpu.memref_squeeze %scatter3A_2227 : memref<1x64x128xf32, #tpu.memory_space<vmem>> -> memref<64x128xf32, #tpu.memory_space<vmem>>
        tpu.vector_store_idx %scatter3A_2228[%add3A_2215, %add3A_864], %mul3A_2224 : memref<64x128xf32, #tpu.memory_space<vmem>>[vector<16xi32>, vector<16xi32>], vector<16xf32>,
        %add3A_2229 = arith.constant 14 : i32
        %add3A_2230 = vector.broadcast %add3A_2229 : i32 to vector<16xi32>
        %add3A_2231 = arith.addi %iota3A, %add3A_2230 : vector<16xi32>
        %and3A_2232 = arith.constant 15 : i32
        %and3A_2233 = vector.broadcast %and3A_2232 : i32 to vector<16xi32>
        %and3A_2234 = arith.andi %add3A_2231, %and3A_2233 : vector<16xi32>
        %add3A_2235 = arith.constant 48 : i32
        %add3A_2236 = vector.broadcast %add3A_2235 : i32 to vector<16xi32>
        %add3A_2237 = arith.addi %add3A_2236, %and3A_2234 : vector<16xi32>
        %add3A_2238 = arith.addi %get3A_866, %add3A_2237 : vector<16xi32>
        %gather3A_2239 = arith.constant 0 : i32
        %gather3A_2240 = arith.constant 0 : i32
        %gather3A_2241 = tpu.memref_slice %arg8[%select_n3A_766, %gather3A_2239, %gather3A_2240] : memref<4x128x128xf32, #tpu.memory_space<vmem>> -> memref<1x128x128xf32, #tpu.memory_space<vmem>>
        %gather3A_2242 = tpu.memref_squeeze %gather3A_2241 : memref<1x128x128xf32, #tpu.memory_space<vmem>> -> memref<128x128xf32, #tpu.memory_space<vmem>>
        %gather3A_2243 = tpu.vector_load_idx %gather3A_2242[%add3A_864, %add3A_2238] : memref<128x128xf32, #tpu.memory_space<vmem>>[vector<16xi32>, vector<16xi32>], vector<16xf32>,
        %mul3A_2244 = arith.constant 8.000000e+00 : f32
        %mul3A_2245 = vector.broadcast %mul3A_2244 : f32 to vector<16xf32>
        %mul3A_2246 = arith.mulf %gather3A_2243, %mul3A_2245 : vector<16xf32>
        %scatter3A_2247 = arith.constant 0 : i32
        %scatter3A_2248 = arith.constant 0 : i32
        %scatter3A_2249 = tpu.memref_slice %arg9[%select_n3A_766, %scatter3A_2247, %scatter3A_2248] : memref<4x64x128xf32, #tpu.memory_space<vmem>> -> memref<1x64x128xf32, #tpu.memory_space<vmem>>
        %scatter3A_2250 = tpu.memref_squeeze %scatter3A_2249 : memref<1x64x128xf32, #tpu.memory_space<vmem>> -> memref<64x128xf32, #tpu.memory_space<vmem>>
        tpu.vector_store_idx %scatter3A_2250[%add3A_2237, %add3A_864], %mul3A_2246 : memref<64x128xf32, #tpu.memory_space<vmem>>[vector<16xi32>, vector<16xi32>], vector<16xf32>,
        %add3A_2251 = arith.constant 15 : i32
        %add3A_2252 = vector.broadcast %add3A_2251 : i32 to vector<16xi32>
        %add3A_2253 = arith.addi %iota3A, %add3A_2252 : vector<16xi32>
        %and3A_2254 = arith.constant 15 : i32
        %and3A_2255 = vector.broadcast %and3A_2254 : i32 to vector<16xi32>
        %and3A_2256 = arith.andi %add3A_2253, %and3A_2255 : vector<16xi32>
        %add3A_2257 = arith.constant 48 : i32
        %add3A_2258 = vector.broadcast %add3A_2257 : i32 to vector<16xi32>
        %add3A_2259 = arith.addi %add3A_2258, %and3A_2256 : vector<16xi32>
        %add3A_2260 = arith.addi %get3A_866, %add3A_2259 : vector<16xi32>
        %gather3A_2261 = arith.constant 0 : i32
        %gather3A_2262 = arith.constant 0 : i32
        %gather3A_2263 = tpu.memref_slice %arg8[%select_n3A_766, %gather3A_2261, %gather3A_2262] : memref<4x128x128xf32, #tpu.memory_space<vmem>> -> memref<1x128x128xf32, #tpu.memory_space<vmem>>
        %gather3A_2264 = tpu.memref_squeeze %gather3A_2263 : memref<1x128x128xf32, #tpu.memory_space<vmem>> -> memref<128x128xf32, #tpu.memory_space<vmem>>
        %gather3A_2265 = tpu.vector_load_idx %gather3A_2264[%add3A_864, %add3A_2260] : memref<128x128xf32, #tpu.memory_space<vmem>>[vector<16xi32>, vector<16xi32>], vector<16xf32>,
        %mul3A_2266 = arith.constant 8.000000e+00 : f32
        %mul3A_2267 = vector.broadcast %mul3A_2266 : f32 to vector<16xf32>
        %mul3A_2268 = arith.mulf %gather3A_2265, %mul3A_2267 : vector<16xf32>
        %scatter3A_2269 = arith.constant 0 : i32
        %scatter3A_2270 = arith.constant 0 : i32
        %scatter3A_2271 = tpu.memref_slice %arg9[%select_n3A_766, %scatter3A_2269, %scatter3A_2270] : memref<4x64x128xf32, #tpu.memory_space<vmem>> -> memref<1x64x128xf32, #tpu.memory_space<vmem>>
        %scatter3A_2272 = tpu.memref_squeeze %scatter3A_2271 : memref<1x64x128xf32, #tpu.memory_space<vmem>> -> memref<64x128xf32, #tpu.memory_space<vmem>>
        tpu.vector_store_idx %scatter3A_2272[%add3A_2259, %add3A_864], %mul3A_2268 : memref<64x128xf32, #tpu.memory_space<vmem>>[vector<16xi32>, vector<16xi32>], vector<16xf32>,
      }
      %scan3A_793 = arith.constant 8 : i32
      %add3A_794 = arith.constant 4 : i32
      %add3A_795 = arith.addi %scan3A_750, %add3A_794 : i32
      %lt3A_796 = arith.constant 200 : i32
      %lt3A_797 = arith.cmpi slt, %add3A_795, %lt3A_796 : i32
      %convert_element_type3A_798 = arith.extui %lt3A_797 : i1 to i32
      %cond3A_799 = arith.constant 0 : i32
      %cond3A_800 = arith.cmpi ne, %convert_element_type3A_798, %cond3A_799 : i32
      scf.if %cond3A_800 {
        %add3A_860 = arith.constant 4 : i32
        %add3A_861 = arith.addi %scan3A_750, %add3A_860 : i32
        %mul3A_862 = arith.constant 200 : i32
        %mul3A_863 = arith.muli %add3A, %mul3A_862 : i32
        %add3A_864 = arith.addi %mul3A_863, %add3A_861 : i32
        %jit3A_865 = arith.constant 32 : i32
        %div3A_866 = arith.divsi %add3A_864, %jit3A_865 : i32
        %sign3A_867 = arith.constant 0 : i32
        %sign3A_868 = arith.cmpi sgt, %add3A_864, %sign3A_867 : i32
        %sign3A_869 = arith.extui %sign3A_868 : i1 to i32
        %sign3A_870 = arith.constant 0 : i32
        %sign3A_871 = arith.cmpi slt, %add3A_864, %sign3A_870 : i32
        %sign3A_872 = arith.extui %sign3A_871 : i1 to i32
        %sign3A_873 = arith.subi %sign3A_869, %sign3A_872 : i32
        %sign3A_874 = arith.constant 0 : i32
        %sign3A_875 = arith.cmpi sgt, %jit3A_865, %sign3A_874 : i32
        %sign3A_876 = arith.extui %sign3A_875 : i1 to i32
        %sign3A_877 = arith.constant 0 : i32
        %sign3A_878 = arith.cmpi slt, %jit3A_865, %sign3A_877 : i32
        %sign3A_879 = arith.extui %sign3A_878 : i1 to i32
        %sign3A_880 = arith.subi %sign3A_876, %sign3A_879 : i32
        %ne3A_881 = arith.cmpi ne, %sign3A_873, %sign3A_880 : i32
        %rem3A_882 = arith.remsi %add3A_864, %jit3A_865 : i32
        %ne3A_883 = arith.constant 0 : i32
        %ne3A_884 = arith.cmpi ne, %rem3A_882, %ne3A_883 : i32
        %and3A_885 = arith.andi %ne3A_881, %ne3A_884 : i1
        %sub3A_886 = arith.constant 1 : i32
        %sub3A_887 = arith.subi %div3A_866, %sub3A_886 : i32
        %select_n3A_888 = arith.select %and3A_885, %sub3A_887, %div3A_866 : i32
        %jit3A_889 = arith.constant 32 : i32
        %eq3A_890 = arith.constant 0 : i32
        %eq3A_891 = arith.cmpi eq, %jit3A_889, %eq3A_890 : i32
        %jit3A_892 = arith.constant 1 : i32
        %select_n3A_893 = arith.select %eq3A_891, %jit3A_892, %jit3A_889 : i32
        %rem3A_894 = arith.remsi %add3A_864, %select_n3A_893 : i32
        %ne3A_895 = arith.constant 0 : i32
        %ne3A_896 = arith.cmpi ne, %rem3A_894, %ne3A_895 : i32
        %lt3A_897 = arith.constant 0 : i32
        %lt3A_898 = arith.cmpi slt, %rem3A_894, %lt3A_897 : i32
        %lt3A_899 = arith.constant 0 : i32
        %lt3A_900 = arith.cmpi slt, %select_n3A_893, %lt3A_899 : i32
        %ne3A_901 = arith.xori %lt3A_898, %lt3A_900 : i1
        %and3A_902 = arith.andi %ne3A_901, %ne3A_896 : i1
        %add3A_903 = arith.addi %rem3A_894, %select_n3A_893 : i32
        %select_n3A_904 = arith.select %and3A_902, %add3A_903, %rem3A_894 : i32
        %mul3A_905 = arith.constant 128 : i32
        %mul3A_906 = arith.muli %select_n3A_904, %mul3A_905 : i32
        %dma_start3A_907 = arith.constant 0 : i32
        %dma_start3A_908 = tpu.memref_slice %arg6[%select_n3A_766, %dma_start3A_907] : memref<4x128xi32, #tpu.memory_space<vmem>> -> memref<1x128xi32, #tpu.memory_space<vmem>>
        %dma_start3A_909 = tpu.memref_squeeze %dma_start3A_908 : memref<1x128xi32, #tpu.memory_space<vmem>> -> memref<128xi32, #tpu.memory_space<vmem>>
        %dma_start3A_910 = tpu.memref_slice %arg2[%select_n3A_888, %mul3A_906] : memref<200x4096xi32, #tpu.memory_space<hbm>> -> memref<1x128xi32, #tpu.memory_space<hbm>>
        %dma_start3A_911 = tpu.memref_squeeze %dma_start3A_910 : memref<1x128xi32, #tpu.memory_space<hbm>> -> memref<128xi32, #tpu.memory_space<hbm>>
        %dma_start3A_912 = arith.constant 0 : i32
        %dma_start3A_913 = tpu.memref_slice %arg6[%select_n3A_766, %dma_start3A_912] : memref<4x128xi32, #tpu.memory_space<vmem>> -> memref<1x128xi32, #tpu.memory_space<vmem>>
        %dma_start3A_914 = tpu.memref_squeeze %dma_start3A_913 : memref<1x128xi32, #tpu.memory_space<vmem>> -> memref<128xi32, #tpu.memory_space<vmem>>
        %dma_start3A_915 = tpu.memref_slice %arg2[%select_n3A_888, %mul3A_906] : memref<200x4096xi32, #tpu.memory_space<hbm>> -> memref<1x128xi32, #tpu.memory_space<hbm>>
        %dma_start3A_916 = tpu.memref_squeeze %dma_start3A_915 : memref<1x128xi32, #tpu.memory_space<hbm>> -> memref<128xi32, #tpu.memory_space<hbm>>
        tpu.enqueue_dma source(%dma_start3A_916 : memref<128xi32, #tpu.memory_space<hbm>>) target(%dma_start3A_914 : memref<128xi32, #tpu.memory_space<vmem>>) target_semaphore(%arg10 : memref<!tpu.dma_semaphore, #tpu.memory_space<semaphore_mem>>)
        %dma_start3A_917 = arith.constant 0 : i32
        %dma_start3A_918 = tpu.memref_slice %arg7[%select_n3A_766, %dma_start3A_917] : memref<4x128xi32, #tpu.memory_space<vmem>> -> memref<1x128xi32, #tpu.memory_space<vmem>>
        %dma_start3A_919 = tpu.memref_squeeze %dma_start3A_918 : memref<1x128xi32, #tpu.memory_space<vmem>> -> memref<128xi32, #tpu.memory_space<vmem>>
        %dma_start3A_920 = tpu.memref_slice %arg3[%select_n3A_888, %mul3A_906] : memref<200x4096xi32, #tpu.memory_space<hbm>> -> memref<1x128xi32, #tpu.memory_space<hbm>>
        %dma_start3A_921 = tpu.memref_squeeze %dma_start3A_920 : memref<1x128xi32, #tpu.memory_space<hbm>> -> memref<128xi32, #tpu.memory_space<hbm>>
        %dma_start3A_922 = arith.constant 0 : i32
        %dma_start3A_923 = tpu.memref_slice %arg7[%select_n3A_766, %dma_start3A_922] : memref<4x128xi32, #tpu.memory_space<vmem>> -> memref<1x128xi32, #tpu.memory_space<vmem>>
        %dma_start3A_924 = tpu.memref_squeeze %dma_start3A_923 : memref<1x128xi32, #tpu.memory_space<vmem>> -> memref<128xi32, #tpu.memory_space<vmem>>
        %dma_start3A_925 = tpu.memref_slice %arg3[%select_n3A_888, %mul3A_906] : memref<200x4096xi32, #tpu.memory_space<hbm>> -> memref<1x128xi32, #tpu.memory_space<hbm>>
        %dma_start3A_926 = tpu.memref_squeeze %dma_start3A_925 : memref<1x128xi32, #tpu.memory_space<hbm>> -> memref<128xi32, #tpu.memory_space<hbm>>
        tpu.enqueue_dma source(%dma_start3A_926 : memref<128xi32, #tpu.memory_space<hbm>>) target(%dma_start3A_924 : memref<128xi32, #tpu.memory_space<vmem>>) target_semaphore(%arg10 : memref<!tpu.dma_semaphore, #tpu.memory_space<semaphore_mem>>)
      } else {
      }
      %mul3A_801 = arith.constant 200 : i32
      %mul3A_802 = arith.muli %add3A, %mul3A_801 : i32
      %add3A_803 = arith.addi %mul3A_802, %scan3A_750 : i32
      %jit3A_804 = arith.constant 32 : i32
      %div3A_805 = arith.divsi %add3A_803, %jit3A_804 : i32
      %sign3A_806 = arith.constant 0 : i32
      %sign3A_807 = arith.cmpi sgt, %add3A_803, %sign3A_806 : i32
      %sign3A_808 = arith.extui %sign3A_807 : i1 to i32
      %sign3A_809 = arith.constant 0 : i32
      %sign3A_810 = arith.cmpi slt, %add3A_803, %sign3A_809 : i32
      %sign3A_811 = arith.extui %sign3A_810 : i1 to i32
      %sign3A_812 = arith.subi %sign3A_808, %sign3A_811 : i32
      %sign3A_813 = arith.constant 0 : i32
      %sign3A_814 = arith.cmpi sgt, %jit3A_804, %sign3A_813 : i32
      %sign3A_815 = arith.extui %sign3A_814 : i1 to i32
      %sign3A_816 = arith.constant 0 : i32
      %sign3A_817 = arith.cmpi slt, %jit3A_804, %sign3A_816 : i32
      %sign3A_818 = arith.extui %sign3A_817 : i1 to i32
      %sign3A_819 = arith.subi %sign3A_815, %sign3A_818 : i32
      %ne3A_820 = arith.cmpi ne, %sign3A_812, %sign3A_819 : i32
      %rem3A_821 = arith.remsi %add3A_803, %jit3A_804 : i32
      %ne3A_822 = arith.constant 0 : i32
      %ne3A_823 = arith.cmpi ne, %rem3A_821, %ne3A_822 : i32
      %and3A_824 = arith.andi %ne3A_820, %ne3A_823 : i1
      %sub3A_825 = arith.constant 1 : i32
      %sub3A_826 = arith.subi %div3A_805, %sub3A_825 : i32
      %select_n3A_827 = arith.select %and3A_824, %sub3A_826, %div3A_805 : i32
      %jit3A_828 = arith.constant 32 : i32
      %eq3A_829 = arith.constant 0 : i32
      %eq3A_830 = arith.cmpi eq, %jit3A_828, %eq3A_829 : i32
      %jit3A_831 = arith.constant 1 : i32
      %select_n3A_832 = arith.select %eq3A_830, %jit3A_831, %jit3A_828 : i32
      %rem3A_833 = arith.remsi %add3A_803, %select_n3A_832 : i32
      %ne3A_834 = arith.constant 0 : i32
      %ne3A_835 = arith.cmpi ne, %rem3A_833, %ne3A_834 : i32
      %lt3A_836 = arith.constant 0 : i32
      %lt3A_837 = arith.cmpi slt, %rem3A_833, %lt3A_836 : i32
      %lt3A_838 = arith.constant 0 : i32
      %lt3A_839 = arith.cmpi slt, %select_n3A_832, %lt3A_838 : i32
      %ne3A_840 = arith.xori %lt3A_837, %lt3A_839 : i1
      %and3A_841 = arith.andi %ne3A_840, %ne3A_835 : i1
      %add3A_842 = arith.addi %rem3A_833, %select_n3A_832 : i32
      %select_n3A_843 = arith.select %and3A_841, %add3A_842, %rem3A_833 : i32
      %mul3A_844 = arith.constant 128 : i32
      %mul3A_845 = arith.muli %select_n3A_843, %mul3A_844 : i32
      %dma_start3A_846 = arith.constant 0 : i32
      %dma_start3A_847 = arith.constant 0 : i32
      %dma_start3A_848 = tpu.memref_slice %arg9[%select_n3A_766, %dma_start3A_846, %dma_start3A_847] : memref<4x64x128xf32, #tpu.memory_space<vmem>> -> memref<1x64x128xf32, #tpu.memory_space<vmem>>
      %dma_start3A_849 = tpu.memref_squeeze %dma_start3A_848 : memref<1x64x128xf32, #tpu.memory_space<vmem>> -> memref<64x128xf32, #tpu.memory_space<vmem>>
      %dma_start3A_850 = arith.constant 0 : i32
      %dma_start3A_851 = tpu.memref_slice %arg5[%select_n3A_827, %dma_start3A_850, %mul3A_845] : memref<200x64x4096xf32, #tpu.memory_space<hbm>> -> memref<1x64x128xf32, #tpu.memory_space<hbm>>
      %dma_start3A_852 = tpu.memref_squeeze %dma_start3A_851 : memref<1x64x128xf32, #tpu.memory_space<hbm>> -> memref<64x128xf32, #tpu.memory_space<hbm>>
      %dma_start3A_853 = arith.constant 0 : i32
      %dma_start3A_854 = tpu.memref_slice %arg5[%select_n3A_827, %dma_start3A_853, %mul3A_845] : memref<200x64x4096xf32, #tpu.memory_space<hbm>> -> memref<1x64x128xf32, #tpu.memory_space<hbm>>
      %dma_start3A_855 = tpu.memref_squeeze %dma_start3A_854 : memref<1x64x128xf32, #tpu.memory_space<hbm>> -> memref<64x128xf32, #tpu.memory_space<hbm>>
      %dma_start3A_856 = arith.constant 0 : i32
      %dma_start3A_857 = arith.constant 0 : i32
      %dma_start3A_858 = tpu.memref_slice %arg9[%select_n3A_766, %dma_start3A_856, %dma_start3A_857] : memref<4x64x128xf32, #tpu.memory_space<vmem>> -> memref<1x64x128xf32, #tpu.memory_space<vmem>>
      %dma_start3A_859 = tpu.memref_squeeze %dma_start3A_858 : memref<1x64x128xf32, #tpu.memory_space<vmem>> -> memref<64x128xf32, #tpu.memory_space<vmem>>
      tpu.enqueue_dma source(%dma_start3A_859 : memref<64x128xf32, #tpu.memory_space<vmem>>) target(%dma_start3A_855 : memref<64x128xf32, #tpu.memory_space<hbm>>) target_semaphore(%arg12 : memref<!tpu.dma_semaphore, #tpu.memory_space<semaphore_mem>>)
    }
    %scan3A_505 = arith.constant 200 : i32
    %mul3A_506 = arith.constant 200 : i32
    %mul3A_507 = arith.muli %add3A, %mul3A_506 : i32
    %add3A_508 = arith.constant 196 : i32
    %add3A_509 = arith.addi %mul3A_507, %add3A_508 : i32
    %jit3A_510 = arith.constant 32 : i32
    %div3A_511 = arith.divsi %add3A_509, %jit3A_510 : i32
    %sign3A_512 = arith.constant 0 : i32
    %sign3A_513 = arith.cmpi sgt, %add3A_509, %sign3A_512 : i32
    %sign3A_514 = arith.extui %sign3A_513 : i1 to i32
    %sign3A_515 = arith.constant 0 : i32
    %sign3A_516 = arith.cmpi slt, %add3A_509, %sign3A_515 : i32
    %sign3A_517 = arith.extui %sign3A_516 : i1 to i32
    %sign3A_518 = arith.subi %sign3A_514, %sign3A_517 : i32
    %sign3A_519 = arith.constant 0 : i32
    %sign3A_520 = arith.cmpi sgt, %jit3A_510, %sign3A_519 : i32
    %sign3A_521 = arith.extui %sign3A_520 : i1 to i32
    %sign3A_522 = arith.constant 0 : i32
    %sign3A_523 = arith.cmpi slt, %jit3A_510, %sign3A_522 : i32
    %sign3A_524 = arith.extui %sign3A_523 : i1 to i32
    %sign3A_525 = arith.subi %sign3A_521, %sign3A_524 : i32
    %ne3A_526 = arith.cmpi ne, %sign3A_518, %sign3A_525 : i32
    %rem3A_527 = arith.remsi %add3A_509, %jit3A_510 : i32
    %ne3A_528 = arith.constant 0 : i32
    %ne3A_529 = arith.cmpi ne, %rem3A_527, %ne3A_528 : i32
    %and3A_530 = arith.andi %ne3A_526, %ne3A_529 : i1
    %sub3A_531 = arith.constant 1 : i32
    %sub3A_532 = arith.subi %div3A_511, %sub3A_531 : i32
    %select_n3A_533 = arith.select %and3A_530, %sub3A_532, %div3A_511 : i32
    %jit3A_534 = arith.constant 32 : i32
    %eq3A_535 = arith.constant 0 : i32
    %eq3A_536 = arith.cmpi eq, %jit3A_534, %eq3A_535 : i32
    %jit3A_537 = arith.constant 1 : i32
    %select_n3A_538 = arith.select %eq3A_536, %jit3A_537, %jit3A_534 : i32
    %rem3A_539 = arith.remsi %add3A_509, %select_n3A_538 : i32
    %ne3A_540 = arith.constant 0 : i32
    %ne3A_541 = arith.cmpi ne, %rem3A_539, %ne3A_540 : i32
    %lt3A_542 = arith.constant 0 : i32
    %lt3A_543 = arith.cmpi slt, %rem3A_539, %lt3A_542 : i32
    %lt3A_544 = arith.constant 0 : i32
    %lt3A_545 = arith.cmpi slt, %select_n3A_538, %lt3A_544 : i32
    %ne3A_546 = arith.xori %lt3A_543, %lt3A_545 : i1
    %and3A_547 = arith.andi %ne3A_546, %ne3A_541 : i1
    %add3A_548 = arith.addi %rem3A_539, %select_n3A_538 : i32
    %select_n3A_549 = arith.select %and3A_547, %add3A_548, %rem3A_539 : i32
    %mul3A_550 = arith.constant 128 : i32
    %mul3A_551 = arith.muli %select_n3A_549, %mul3A_550 : i32
    %dma_wait3A_552 = arith.constant 0 : i32
    %dma_wait3A_553 = arith.constant 0 : i32
    %dma_wait3A_554 = arith.constant 0 : i32
    %dma_wait3A_555 = tpu.memref_slice %arg9[%dma_wait3A_552, %dma_wait3A_553, %dma_wait3A_554] : memref<4x64x128xf32, #tpu.memory_space<vmem>> -> memref<1x64x128xf32, #tpu.memory_space<vmem>>
    %dma_wait3A_556 = tpu.memref_squeeze %dma_wait3A_555 : memref<1x64x128xf32, #tpu.memory_space<vmem>> -> memref<64x128xf32, #tpu.memory_space<vmem>>
    %dma_wait3A_557 = arith.constant 0 : i32
    %dma_wait3A_558 = tpu.memref_slice %arg5[%select_n3A_533, %dma_wait3A_557, %mul3A_551] : memref<200x64x4096xf32, #tpu.memory_space<hbm>> -> memref<1x64x128xf32, #tpu.memory_space<hbm>>
    %dma_wait3A_559 = tpu.memref_squeeze %dma_wait3A_558 : memref<1x64x128xf32, #tpu.memory_space<hbm>> -> memref<64x128xf32, #tpu.memory_space<hbm>>
    %dma_wait3A_560 = arith.constant 0 : i32
    %dma_wait3A_561 = tpu.memref_slice %arg5[%select_n3A_533, %dma_wait3A_560, %mul3A_551] : memref<200x64x4096xf32, #tpu.memory_space<hbm>> -> memref<1x64x128xf32, #tpu.memory_space<hbm>>
    %dma_wait3A_562 = tpu.memref_squeeze %dma_wait3A_561 : memref<1x64x128xf32, #tpu.memory_space<hbm>> -> memref<64x128xf32, #tpu.memory_space<hbm>>
    %dma_wait3A_563 = arith.constant 0 : i32
    %dma_wait3A_564 = arith.constant 0 : i32
    %dma_wait3A_565 = tpu.memref_slice %arg9[%dma_wait3A_552, %dma_wait3A_563, %dma_wait3A_564] : memref<4x64x128xf32, #tpu.memory_space<vmem>> -> memref<1x64x128xf32, #tpu.memory_space<vmem>>
    %dma_wait3A_566 = tpu.memref_squeeze %dma_wait3A_565 : memref<1x64x128xf32, #tpu.memory_space<vmem>> -> memref<64x128xf32, #tpu.memory_space<vmem>>
    tpu.wait_dma2 semaphore(%arg12 : memref<!tpu.dma_semaphore, #tpu.memory_space<semaphore_mem>>) src(%dma_wait3A_566 : memref<64x128xf32, #tpu.memory_space<vmem>>) dst(%dma_wait3A_562 : memref<64x128xf32, #tpu.memory_space<hbm>>)
    %mul3A_567 = arith.constant 200 : i32
    %mul3A_568 = arith.muli %add3A, %mul3A_567 : i32
    %add3A_569 = arith.constant 197 : i32
    %add3A_570 = arith.addi %mul3A_568, %add3A_569 : i32
    %jit3A_571 = arith.constant 32 : i32
    %div3A_572 = arith.divsi %add3A_570, %jit3A_571 : i32
    %sign3A_573 = arith.constant 0 : i32
    %sign3A_574 = arith.cmpi sgt, %add3A_570, %sign3A_573 : i32
    %sign3A_575 = arith.extui %sign3A_574 : i1 to i32
    %sign3A_576 = arith.constant 0 : i32
    %sign3A_577 = arith.cmpi slt, %add3A_570, %sign3A_576 : i32
    %sign3A_578 = arith.extui %sign3A_577 : i1 to i32
    %sign3A_579 = arith.subi %sign3A_575, %sign3A_578 : i32
    %sign3A_580 = arith.constant 0 : i32
    %sign3A_581 = arith.cmpi sgt, %jit3A_571, %sign3A_580 : i32
    %sign3A_582 = arith.extui %sign3A_581 : i1 to i32
    %sign3A_583 = arith.constant 0 : i32
    %sign3A_584 = arith.cmpi slt, %jit3A_571, %sign3A_583 : i32
    %sign3A_585 = arith.extui %sign3A_584 : i1 to i32
    %sign3A_586 = arith.subi %sign3A_582, %sign3A_585 : i32
    %ne3A_587 = arith.cmpi ne, %sign3A_579, %sign3A_586 : i32
    %rem3A_588 = arith.remsi %add3A_570, %jit3A_571 : i32
    %ne3A_589 = arith.constant 0 : i32
    %ne3A_590 = arith.cmpi ne, %rem3A_588, %ne3A_589 : i32
    %and3A_591 = arith.andi %ne3A_587, %ne3A_590 : i1
    %sub3A_592 = arith.constant 1 : i32
    %sub3A_593 = arith.subi %div3A_572, %sub3A_592 : i32
    %select_n3A_594 = arith.select %and3A_591, %sub3A_593, %div3A_572 : i32
    %jit3A_595 = arith.constant 32 : i32
    %eq3A_596 = arith.constant 0 : i32
    %eq3A_597 = arith.cmpi eq, %jit3A_595, %eq3A_596 : i32
    %jit3A_598 = arith.constant 1 : i32
    %select_n3A_599 = arith.select %eq3A_597, %jit3A_598, %jit3A_595 : i32
    %rem3A_600 = arith.remsi %add3A_570, %select_n3A_599 : i32
    %ne3A_601 = arith.constant 0 : i32
    %ne3A_602 = arith.cmpi ne, %rem3A_600, %ne3A_601 : i32
    %lt3A_603 = arith.constant 0 : i32
    %lt3A_604 = arith.cmpi slt, %rem3A_600, %lt3A_603 : i32
    %lt3A_605 = arith.constant 0 : i32
    %lt3A_606 = arith.cmpi slt, %select_n3A_599, %lt3A_605 : i32
    %ne3A_607 = arith.xori %lt3A_604, %lt3A_606 : i1
    %and3A_608 = arith.andi %ne3A_607, %ne3A_602 : i1
    %add3A_609 = arith.addi %rem3A_600, %select_n3A_599 : i32
    %select_n3A_610 = arith.select %and3A_608, %add3A_609, %rem3A_600 : i32
    %mul3A_611 = arith.constant 128 : i32
    %mul3A_612 = arith.muli %select_n3A_610, %mul3A_611 : i32
    %dma_wait3A_613 = arith.constant 1 : i32
    %dma_wait3A_614 = arith.constant 0 : i32
    %dma_wait3A_615 = arith.constant 0 : i32
    %dma_wait3A_616 = tpu.memref_slice %arg9[%dma_wait3A_613, %dma_wait3A_614, %dma_wait3A_615] : memref<4x64x128xf32, #tpu.memory_space<vmem>> -> memref<1x64x128xf32, #tpu.memory_space<vmem>>
    %dma_wait3A_617 = tpu.memref_squeeze %dma_wait3A_616 : memref<1x64x128xf32, #tpu.memory_space<vmem>> -> memref<64x128xf32, #tpu.memory_space<vmem>>
    %dma_wait3A_618 = arith.constant 0 : i32
    %dma_wait3A_619 = tpu.memref_slice %arg5[%select_n3A_594, %dma_wait3A_618, %mul3A_612] : memref<200x64x4096xf32, #tpu.memory_space<hbm>> -> memref<1x64x128xf32, #tpu.memory_space<hbm>>
    %dma_wait3A_620 = tpu.memref_squeeze %dma_wait3A_619 : memref<1x64x128xf32, #tpu.memory_space<hbm>> -> memref<64x128xf32, #tpu.memory_space<hbm>>
    %dma_wait3A_621 = arith.constant 0 : i32
    %dma_wait3A_622 = tpu.memref_slice %arg5[%select_n3A_594, %dma_wait3A_621, %mul3A_612] : memref<200x64x4096xf32, #tpu.memory_space<hbm>> -> memref<1x64x128xf32, #tpu.memory_space<hbm>>
    %dma_wait3A_623 = tpu.memref_squeeze %dma_wait3A_622 : memref<1x64x128xf32, #tpu.memory_space<hbm>> -> memref<64x128xf32, #tpu.memory_space<hbm>>
    %dma_wait3A_624 = arith.constant 0 : i32
    %dma_wait3A_625 = arith.constant 0 : i32
    %dma_wait3A_626 = tpu.memref_slice %arg9[%dma_wait3A_613, %dma_wait3A_624, %dma_wait3A_625] : memref<4x64x128xf32, #tpu.memory_space<vmem>> -> memref<1x64x128xf32, #tpu.memory_space<vmem>>
    %dma_wait3A_627 = tpu.memref_squeeze %dma_wait3A_626 : memref<1x64x128xf32, #tpu.memory_space<vmem>> -> memref<64x128xf32, #tpu.memory_space<vmem>>
    tpu.wait_dma2 semaphore(%arg12 : memref<!tpu.dma_semaphore, #tpu.memory_space<semaphore_mem>>) src(%dma_wait3A_627 : memref<64x128xf32, #tpu.memory_space<vmem>>) dst(%dma_wait3A_623 : memref<64x128xf32, #tpu.memory_space<hbm>>)
    %mul3A_628 = arith.constant 200 : i32
    %mul3A_629 = arith.muli %add3A, %mul3A_628 : i32
    %add3A_630 = arith.constant 198 : i32
    %add3A_631 = arith.addi %mul3A_629, %add3A_630 : i32
    %jit3A_632 = arith.constant 32 : i32
    %div3A_633 = arith.divsi %add3A_631, %jit3A_632 : i32
    %sign3A_634 = arith.constant 0 : i32
    %sign3A_635 = arith.cmpi sgt, %add3A_631, %sign3A_634 : i32
    %sign3A_636 = arith.extui %sign3A_635 : i1 to i32
    %sign3A_637 = arith.constant 0 : i32
    %sign3A_638 = arith.cmpi slt, %add3A_631, %sign3A_637 : i32
    %sign3A_639 = arith.extui %sign3A_638 : i1 to i32
    %sign3A_640 = arith.subi %sign3A_636, %sign3A_639 : i32
    %sign3A_641 = arith.constant 0 : i32
    %sign3A_642 = arith.cmpi sgt, %jit3A_632, %sign3A_641 : i32
    %sign3A_643 = arith.extui %sign3A_642 : i1 to i32
    %sign3A_644 = arith.constant 0 : i32
    %sign3A_645 = arith.cmpi slt, %jit3A_632, %sign3A_644 : i32
    %sign3A_646 = arith.extui %sign3A_645 : i1 to i32
    %sign3A_647 = arith.subi %sign3A_643, %sign3A_646 : i32
    %ne3A_648 = arith.cmpi ne, %sign3A_640, %sign3A_647 : i32
    %rem3A_649 = arith.remsi %add3A_631, %jit3A_632 : i32
    %ne3A_650 = arith.constant 0 : i32
    %ne3A_651 = arith.cmpi ne, %rem3A_649, %ne3A_650 : i32
    %and3A_652 = arith.andi %ne3A_648, %ne3A_651 : i1
    %sub3A_653 = arith.constant 1 : i32
    %sub3A_654 = arith.subi %div3A_633, %sub3A_653 : i32
    %select_n3A_655 = arith.select %and3A_652, %sub3A_654, %div3A_633 : i32
    %jit3A_656 = arith.constant 32 : i32
    %eq3A_657 = arith.constant 0 : i32
    %eq3A_658 = arith.cmpi eq, %jit3A_656, %eq3A_657 : i32
    %jit3A_659 = arith.constant 1 : i32
    %select_n3A_660 = arith.select %eq3A_658, %jit3A_659, %jit3A_656 : i32
    %rem3A_661 = arith.remsi %add3A_631, %select_n3A_660 : i32
    %ne3A_662 = arith.constant 0 : i32
    %ne3A_663 = arith.cmpi ne, %rem3A_661, %ne3A_662 : i32
    %lt3A_664 = arith.constant 0 : i32
    %lt3A_665 = arith.cmpi slt, %rem3A_661, %lt3A_664 : i32
    %lt3A_666 = arith.constant 0 : i32
    %lt3A_667 = arith.cmpi slt, %select_n3A_660, %lt3A_666 : i32
    %ne3A_668 = arith.xori %lt3A_665, %lt3A_667 : i1
    %and3A_669 = arith.andi %ne3A_668, %ne3A_663 : i1
    %add3A_670 = arith.addi %rem3A_661, %select_n3A_660 : i32
    %select_n3A_671 = arith.select %and3A_669, %add3A_670, %rem3A_661 : i32
    %mul3A_672 = arith.constant 128 : i32
    %mul3A_673 = arith.muli %select_n3A_671, %mul3A_672 : i32
    %dma_wait3A_674 = arith.constant 2 : i32
    %dma_wait3A_675 = arith.constant 0 : i32
    %dma_wait3A_676 = arith.constant 0 : i32
    %dma_wait3A_677 = tpu.memref_slice %arg9[%dma_wait3A_674, %dma_wait3A_675, %dma_wait3A_676] : memref<4x64x128xf32, #tpu.memory_space<vmem>> -> memref<1x64x128xf32, #tpu.memory_space<vmem>>
    %dma_wait3A_678 = tpu.memref_squeeze %dma_wait3A_677 : memref<1x64x128xf32, #tpu.memory_space<vmem>> -> memref<64x128xf32, #tpu.memory_space<vmem>>
    %dma_wait3A_679 = arith.constant 0 : i32
    %dma_wait3A_680 = tpu.memref_slice %arg5[%select_n3A_655, %dma_wait3A_679, %mul3A_673] : memref<200x64x4096xf32, #tpu.memory_space<hbm>> -> memref<1x64x128xf32, #tpu.memory_space<hbm>>
    %dma_wait3A_681 = tpu.memref_squeeze %dma_wait3A_680 : memref<1x64x128xf32, #tpu.memory_space<hbm>> -> memref<64x128xf32, #tpu.memory_space<hbm>>
    %dma_wait3A_682 = arith.constant 0 : i32
    %dma_wait3A_683 = tpu.memref_slice %arg5[%select_n3A_655, %dma_wait3A_682, %mul3A_673] : memref<200x64x4096xf32, #tpu.memory_space<hbm>> -> memref<1x64x128xf32, #tpu.memory_space<hbm>>
    %dma_wait3A_684 = tpu.memref_squeeze %dma_wait3A_683 : memref<1x64x128xf32, #tpu.memory_space<hbm>> -> memref<64x128xf32, #tpu.memory_space<hbm>>
    %dma_wait3A_685 = arith.constant 0 : i32
    %dma_wait3A_686 = arith.constant 0 : i32
    %dma_wait3A_687 = tpu.memref_slice %arg9[%dma_wait3A_674, %dma_wait3A_685, %dma_wait3A_686] : memref<4x64x128xf32, #tpu.memory_space<vmem>> -> memref<1x64x128xf32, #tpu.memory_space<vmem>>
    %dma_wait3A_688 = tpu.memref_squeeze %dma_wait3A_687 : memref<1x64x128xf32, #tpu.memory_space<vmem>> -> memref<64x128xf32, #tpu.memory_space<vmem>>
    tpu.wait_dma2 semaphore(%arg12 : memref<!tpu.dma_semaphore, #tpu.memory_space<semaphore_mem>>) src(%dma_wait3A_688 : memref<64x128xf32, #tpu.memory_space<vmem>>) dst(%dma_wait3A_684 : memref<64x128xf32, #tpu.memory_space<hbm>>)
    %mul3A_689 = arith.constant 200 : i32
    %mul3A_690 = arith.muli %add3A, %mul3A_689 : i32
    %add3A_691 = arith.constant 199 : i32
    %add3A_692 = arith.addi %mul3A_690, %add3A_691 : i32
    %jit3A_693 = arith.constant 32 : i32
    %div3A_694 = arith.divsi %add3A_692, %jit3A_693 : i32
    %sign3A_695 = arith.constant 0 : i32
    %sign3A_696 = arith.cmpi sgt, %add3A_692, %sign3A_695 : i32
    %sign3A_697 = arith.extui %sign3A_696 : i1 to i32
    %sign3A_698 = arith.constant 0 : i32
    %sign3A_699 = arith.cmpi slt, %add3A_692, %sign3A_698 : i32
    %sign3A_700 = arith.extui %sign3A_699 : i1 to i32
    %sign3A_701 = arith.subi %sign3A_697, %sign3A_700 : i32
    %sign3A_702 = arith.constant 0 : i32
    %sign3A_703 = arith.cmpi sgt, %jit3A_693, %sign3A_702 : i32
    %sign3A_704 = arith.extui %sign3A_703 : i1 to i32
    %sign3A_705 = arith.constant 0 : i32
    %sign3A_706 = arith.cmpi slt, %jit3A_693, %sign3A_705 : i32
    %sign3A_707 = arith.extui %sign3A_706 : i1 to i32
    %sign3A_708 = arith.subi %sign3A_704, %sign3A_707 : i32
    %ne3A_709 = arith.cmpi ne, %sign3A_701, %sign3A_708 : i32
    %rem3A_710 = arith.remsi %add3A_692, %jit3A_693 : i32
    %ne3A_711 = arith.constant 0 : i32
    %ne3A_712 = arith.cmpi ne, %rem3A_710, %ne3A_711 : i32
    %and3A_713 = arith.andi %ne3A_709, %ne3A_712 : i1
    %sub3A_714 = arith.constant 1 : i32
    %sub3A_715 = arith.subi %div3A_694, %sub3A_714 : i32
    %select_n3A_716 = arith.select %and3A_713, %sub3A_715, %div3A_694 : i32
    %jit3A_717 = arith.constant 32 : i32
    %eq3A_718 = arith.constant 0 : i32
    %eq3A_719 = arith.cmpi eq, %jit3A_717, %eq3A_718 : i32
    %jit3A_720 = arith.constant 1 : i32
    %select_n3A_721 = arith.select %eq3A_719, %jit3A_720, %jit3A_717 : i32
    %rem3A_722 = arith.remsi %add3A_692, %select_n3A_721 : i32
    %ne3A_723 = arith.constant 0 : i32
    %ne3A_724 = arith.cmpi ne, %rem3A_722, %ne3A_723 : i32
    %lt3A_725 = arith.constant 0 : i32
    %lt3A_726 = arith.cmpi slt, %rem3A_722, %lt3A_725 : i32
    %lt3A_727 = arith.constant 0 : i32
    %lt3A_728 = arith.cmpi slt, %select_n3A_721, %lt3A_727 : i32
    %ne3A_729 = arith.xori %lt3A_726, %lt3A_728 : i1
    %and3A_730 = arith.andi %ne3A_729, %ne3A_724 : i1
    %add3A_731 = arith.addi %rem3A_722, %select_n3A_721 : i32
    %select_n3A_732 = arith.select %and3A_730, %add3A_731, %rem3A_722 : i32
    %mul3A_733 = arith.constant 128 : i32
    %mul3A_734 = arith.muli %select_n3A_732, %mul3A_733 : i32
    %dma_wait3A_735 = arith.constant 3 : i32
    %dma_wait3A_736 = arith.constant 0 : i32
    %dma_wait3A_737 = arith.constant 0 : i32
    %dma_wait3A_738 = tpu.memref_slice %arg9[%dma_wait3A_735, %dma_wait3A_736, %dma_wait3A_737] : memref<4x64x128xf32, #tpu.memory_space<vmem>> -> memref<1x64x128xf32, #tpu.memory_space<vmem>>
    %dma_wait3A_739 = tpu.memref_squeeze %dma_wait3A_738 : memref<1x64x128xf32, #tpu.memory_space<vmem>> -> memref<64x128xf32, #tpu.memory_space<vmem>>
    %dma_wait3A_740 = arith.constant 0 : i32
    %dma_wait3A_741 = tpu.memref_slice %arg5[%select_n3A_716, %dma_wait3A_740, %mul3A_734] : memref<200x64x4096xf32, #tpu.memory_space<hbm>> -> memref<1x64x128xf32, #tpu.memory_space<hbm>>
    %dma_wait3A_742 = tpu.memref_squeeze %dma_wait3A_741 : memref<1x64x128xf32, #tpu.memory_space<hbm>> -> memref<64x128xf32, #tpu.memory_space<hbm>>
    %dma_wait3A_743 = arith.constant 0 : i32
    %dma_wait3A_744 = tpu.memref_slice %arg5[%select_n3A_716, %dma_wait3A_743, %mul3A_734] : memref<200x64x4096xf32, #tpu.memory_space<hbm>> -> memref<1x64x128xf32, #tpu.memory_space<hbm>>
    %dma_wait3A_745 = tpu.memref_squeeze %dma_wait3A_744 : memref<1x64x128xf32, #tpu.memory_space<hbm>> -> memref<64x128xf32, #tpu.memory_space<hbm>>
    %dma_wait3A_746 = arith.constant 0 : i32
    %dma_wait3A_747 = arith.constant 0 : i32
    %dma_wait3A_748 = tpu.memref_slice %arg9[%dma_wait3A_735, %dma_wait3A_746, %dma_wait3A_747] : memref<4x64x128xf32, #tpu.memory_space<vmem>> -> memref<1x64x128xf32, #tpu.memory_space<vmem>>
    %dma_wait3A_749 = tpu.memref_squeeze %dma_wait3A_748 : memref<1x64x128xf32, #tpu.memory_space<vmem>> -> memref<64x128xf32, #tpu.memory_space<vmem>>
    tpu.wait_dma2 semaphore(%arg12 : memref<!tpu.dma_semaphore, #tpu.memory_space<semaphore_mem>>) src(%dma_wait3A_749 : memref<64x128xf32, #tpu.memory_space<vmem>>) dst(%dma_wait3A_745 : memref<64x128xf32, #tpu.memory_space<hbm>>)
    return
  }
}

</mosaic_0001>

<sc_bundles>
// kernel: kernel.3.cloned.1.call-start
scs
__scs_entry_jumppad:
0x0: {  	(pc) =	sbr.rel $0x88, $3  }
0x1: {  	(tag) =	ssettag $0x0;
	lr =	simm.s32 $0x1  }
0x2: {  	[smem:$0x3F9F] =	sst lr;
	_ =	strace $0xD0000000  }
0x3: {  	_ = 	snop  }
0x4: {  	_ = 	snop  }
0x5: {  	_ = 	snop  }
0x6: {  	_ = 	snop  }
0x7: {  	_ = 	snop  }
__scs_overlays_trampoline_lowered:
0x8: {  	[smem:$0x3FAE] =	sst s0  }
0x9: {  	[smem:$0x3FAF] =	sst s1  }
0xa: {  	[smem:$0x3FB0] =	sst s2  }
0xb: {  	[smem:$0x3FB1] =	sst s3  }
0xc: {  	[smem:$0x3FB2] =	sst s4  }
0xd: {  	[smem:$0x3FB3] =	sst s5  }
0xe: {  	[smem:$0x3FB4] =	sst s6  }
0xf: {  	[smem:$0x3FB5] =	sst s7  }
0x10: {  	[smem:$0x3FB6] =	sst s8  }
0x11: {  	[smem:$0x3FB7] =	sst s9;
	s0 =	simm.s32 @!p0 $0x0  }
0x12: {  	s1 =	sld [smem:$0x3F9D];
	s0 =	simm.s32 @p0 $0x1  }
0x13: {  	[smem:$0x3FB8] =	sst s0;
	s0 =	simm.s32 @!p1 $0x0  }
0x14: {  	s2 =	sld [smem:$0x3F9C];
	s0 =	simm.s32 @p1 $0x1  }
0x15: {  	[smem:$0x3FB9] =	sst s0;
	s0 =	simm.s32 @!p2 $0x0  }
0x16: {  	s3 =	sld [smem:$0x3FDB];
	s0 =	simm.s32 @p2 $0x1  }
0x17: {  	s4 =	simm.s32 $0x1BF5;
	[smem:$0x3FBB] =	sst s0  }
0x18: {  	s0 =	sld [smem:$0x3F9E];
	_ =	swait.ge [sflag:s4], $0x0  }
0x19: {  	s7 =	sld [smem:$0x3F9F]  }
0x1a: {  	s8 =	sadd.s32 $0xFFFFE003, lr  }
0x1b: {  	s9 =	sadd.s32 $0xFFFFFEF7, lr;
	s5 =	simm.s32 $0xFFFFFFFF;
	p2 =	slt.u32 s8, $0xFFFFF086  }
0x1c: {  	p1 =	slt.u32 s9, $0xF7A;
	s5 =	simm.s32 @!p2 $0x0  }
0x1d: {  	s5 =	simm.s32 @p1 $0x1;
	p0 =	seq.s32 s7, s2  }
0x1e: {  	s7 =	smul.u32 @!p0 $0xF7A, s2;
	p2 =	seq.s32 @!p0 s5, $0x0  }
0x1f: {  	s9 =	smul.u32 $0xF7A, s1;
	s8 =	simm.s32 @!p0 $0x1BF5;
	p2 =	por !p2, p0  }
0x20: {  	[sflag:s8] =	ssyncset.s32 @!p0 $0xFFFFF086;
	s6 =	sadd.s32 @!p0 s3, s7;
	s7 =	simm.s32 @!p0 $0x108  }
0x21: {  	s3 =	sadd.s32 s3, s9;
	s6 =	sadd.s32 @!p0 $0x88, s6;
	s7 =	simm.s32 @p2 $0x1082  }
0x22: {  	[simem:s7], [sflag:s8] =	dma.local @!p0 [hbm:s6], $0xF7A  }
0x23: {  	s9 =	sor.u32 $0xD0000000, s2;
	s6 =	simm.s32 $0x108;
	_ =	swait.ge @!p0 [sflag:s8], $0x0  }
0x24: {  	s3 =	sadd.s32 $0x88, s3;
	s6 =	simm.s32 @!p1 $0x1082;
	[sflag:s4] =	ssyncset.s32 $0xFFFFF086  }
0x25: {  	[simem:s6], [sflag:s4] =	dma.local [hbm:s3], $0xF7A  }
0x26: {  	[smem:$0x3F9F] =	sst s1;
	(tag) =	ssettag s2;
	_ =	strace s9  }
0x27: {  	s1 =	sld [smem:$0x3FAF]  }
0x28: {  	s2 =	sld [smem:$0x3FB0]  }
0x29: {  	s4 =	sld [smem:$0x3FB2]  }
0x2a: {  	p0 =	seq.s32 s5, $0x0;
	s5 =	sld [smem:$0x3FB3]  }
0x2b: {  	s6 =	sld [smem:$0x3FB4]  }
0x2c: {  	s7 =	sld [smem:$0x3FB5]  }
0x2d: {  	s3 =	simm.s32 $0x108;
	s8 =	sld [smem:$0x3FB6]  }
0x2e: {  	s3 =	simm.s32 @!p0 $0x1082;
	s9 =	sld [smem:$0x3FB7]  }
0x2f: {  	lr =	sadd.s32 s0, s3;
	s0 =	sld [smem:$0x3FAE]  }
0x30: {  	s3 =	sld [smem:$0x3FB1]  }
0x31: {  	[smem:$0x3FBA] =	sst s10  }
0x32: {  	s10 =	sld [smem:$0x3FB8];
	_ =	sdelay $0x3  }
0x33: {  	p0 =	seq.s32 s10, $0x1;
	s10 =	sld [smem:$0x3FBA];
	_ =	sdelay $0x3  }
0x34: {  	[smem:$0x3FBA] =	sst s10  }
0x35: {  	s10 =	sld [smem:$0x3FB9];
	_ =	sdelay $0x3  }
0x36: {  	p1 =	seq.s32 s10, $0x1;
	s10 =	sld [smem:$0x3FBA];
	_ =	sdelay $0x3  }
0x37: {  	[smem:$0x3FBA] =	sst s10  }
0x38: {  	s10 =	sld [smem:$0x3FBB]  }
0x39: {  	_ = 	snop;
	(pc) =	sbr.ind lr, $3  }
0x3a: {  	_ = 	snop  }
0x3b: {  	_ = 	snop  }
0x3c: {  	p2 =	seq.s32 s10, $0x1;
	s10 =	sld [smem:$0x3FBA]  }
0x3d: {  	_ =	shalt  }
0x3e: {  	_ =	shalt  }
0x3f: {  	_ =	shalt  }
0x40: {  	_ =	shalt  }
0x41: {  	_ =	shalt  }
0x42: {  	_ =	shalt  }
0x43: {  	_ =	shalt  }
0x44: {  	_ =	shalt  }
0x45: {  	_ =	shalt  }
0x46: {  	_ =	shalt  }
0x47: {  	_ =	shalt  }
0x48: {  	_ =	shalt  }
0x49: {  	_ =	shalt  }
0x4a: {  	_ =	shalt  }
0x4b: {  	_ =	shalt  }
0x4c: {  	_ =	shalt  }
0x4d: {  	_ =	shalt  }
0x4e: {  	_ =	shalt  }
0x4f: {  	_ =	shalt  }
0x50: {  	_ =	shalt  }
0x51: {  	_ =	shalt  }
0x52: {  	_ =	shalt  }
0x53: {  	_ =	shalt  }
0x54: {  	_ =	shalt  }
0x55: {  	_ =	shalt  }
0x56: {  	_ =	shalt  }
0x57: {  	_ =	shalt  }
0x58: {  	_ =	shalt  }
0x59: {  	_ =	shalt  }
0x5a: {  	_ =	shalt  }
0x5b: {  	_ =	shalt  }
0x5c: {  	_ =	shalt  }
0x5d: {  	_ =	shalt  }
0x5e: {  	_ =	shalt  }
0x5f: {  	_ =	shalt  }
0x60: {  	_ =	shalt  }
0x61: {  	_ =	shalt  }
0x62: {  	_ =	shalt  }
0x63: {  	_ =	shalt  }
0x64: {  	_ =	shalt  }
0x65: {  	_ =	shalt  }
0x66: {  	_ =	shalt  }
0x67: {  	_ =	shalt  }
0x68: {  	_ =	shalt  }
0x69: {  	_ =	shalt  }
0x6a: {  	_ =	shalt  }
0x6b: {  	_ =	shalt  }
0x6c: {  	_ =	shalt  }
0x6d: {  	_ =	shalt  }
0x6e: {  	_ =	shalt  }
0x6f: {  	_ =	shalt  }
0x70: {  	_ =	shalt  }
0x71: {  	_ =	shalt  }
0x72: {  	_ =	shalt  }
0x73: {  	_ =	shalt  }
0x74: {  	_ =	shalt  }
0x75: {  	_ =	shalt  }
0x76: {  	_ =	shalt  }
0x77: {  	_ =	shalt  }
0x78: {  	_ =	shalt  }
0x79: {  	_ =	shalt  }
0x7a: {  	_ =	shalt  }
0x7b: {  	_ =	shalt  }
0x7c: {  	_ =	shalt  }
0x7d: {  	_ =	shalt  }
0x7e: {  	_ =	shalt  }
0x7f: {  	_ =	shalt  }
0x80: {  	_ =	shalt  }
0x81: {  	_ =	shalt  }
0x82: {  	_ =	shalt  }
0x83: {  	_ =	shalt  }
0x84: {  	_ =	shalt  }
0x85: {  	_ =	shalt  }
0x86: {  	_ =	shalt  }
0x87: {  	_ =	shalt  }
.Lfunc_end0:
.L_simem_size_0:
called_computation_lowered:
.L_overlay_start_0:
0x88: {  	s2 =	sld [smem:$0x3FD9]  }
0x89: {  	s3 =	sld [smem:$0x3FFE];
	_ =	sdelay $0x1  }
0x8a: {  	s1 =	srdreg.scid  }
0x8b: {  	s0 =	sand.u32 $0x1, s1  }
0x8c: {  	s17 =	sshll.u32 s0, $0xA;
	s2 =	sadd.s32 s3, s2  }
0x8d: {  	s2 =	sadd.s32 s2, s17  }
0x8e: {  	[smem:$0x3FC6] =	sst s2  }
0x8f: {  	_ = 	snop  }
0x90: {  	s2 =	sld [smem:$0x3FD0];
	(tm) =	ssettm $0x1  }
0x91: {  	s18 =	sld [smem:$0x3FFB];
	_ =	sdelay $0x3  }
0x92: {  	_ =	strace s18  }
0x93: {  	s3 =	sld [smem:$0x3FFC];
	_ =	sdelay $0x3  }
0x94: {  	_ =	strace s3  }
0x95: {  	s3 =	sld [smem:$0x3FFD];
	_ =	sdelay $0x3  }
0x96: {  	_ =	strace s3  }
0x97: {  	_ =	strace $0x8FFFFFFF  }
0x98: {  	s19 =	sld [smem:$0x3FDB];
	_ =	sdelay $0x1  }
0x99: {  	s4 =	simm.s32 $_scs_section_size  }
0x9a: {  	s5 =	simm.s32 $_size__tile_overlayer_lowered;
	s6 =	simm.s32 $_tile_overlayer_lowered  }
0x9b: {  	s22 =	simm.s32 $0x1BFF;
	s21 =	sshll.u32 s6, $0x1;
	s3 =	sadd.s32 s4, s19  }
0x9c: {  	s7 =	simm.s32 $0x0;
	s20 =	sshll.u32 s5, $0x1;
	s5 =	sadd.s32 s21, s3  }
0x9d: {  	[timem:s7], [sflag:s22] =	dma.local [hbm:s5], s20  }
0x9e: {  	_ =	swait.ge [sflag:s22], s20  }
0x9f: {  	s4 =	ssub.s32 $0x0, s20;
	[sflag:s22] =	ssyncset.done $0x0  }
0xa0: {  	[sflag:s22] =	ssyncadd.s32 s4;
	_ =	sdelay $0x1  }
0xa1: {  	s23 =	simm.s32 $0x1B8B  }
0xa2: {  	_ =	swait.ge [sflag:s23], $0x1  }
0xa3: {  	[sflag:s23] =	ssyncset.done $0x0  }
0xa4: {  	s25 =	simm.s32 $0x1B8E;
	s24 =	sld [smem:$0x3FFE];
	[sflag:s23] =	ssyncadd.s32 $0xFFFFFFFF  }
0xa5: {  	s26 =	simm.s32 $execute0_lowered;
	[smem:$0x3FD2] =	sst s25  }
0xa6: {  	s5 =	sshll.u32 s26, $0x1;
	_ =	strace $0x80000046;
	[dreg:$0x1] =	wrdreg $0xFFFFFFFF  }
0xa7: {  	s28 =	simm.s32 $_size_execute0_lowered;
	s3 =	sadd.s32 s3, s5;
	[dreg:$0x0] =	wrdreg $0x0  }
0xa8: {  	s5 =	sshll.u32 s28, $0x1;
	[dreg:$0x2] =	wrdreg s3  }
0xa9: {  	[dreg:$0x3] =	wrdreg s5  }
0xaa: {  	[dreg:$0x4] =	wrdreg $0xC0  }
0xab: {  	_ =	task [dreg:s7], $0x5FFFF  }
0xac: {  	[dreg:$0x1] =	wrdreg $0xFFFFFFFF  }
0xad: {  	[dreg:$0x0] =	wrdreg $0x60  }
0xae: {  	[dreg:$0x2] =	wrdreg s24  }
0xaf: {  	[dreg:$0x3] =	wrdreg s2  }
0xb0: {  	[dreg:$0x4] =	wrdreg $0x9  }
0xb1: {  	_ =	task.clear_ibuf [dreg:s7], $0x5FFFF;
	_ =	strace $0x90000046  }
0xb2: {  	s29 =	simm.s32 $0x9;
	_ =	strace $0x80000048  }
0xb3: {  	_ =	swait.ge [sflag:s29], $0x1  }
0xb4: {  	[sflag:s29] =	ssyncadd.s32 $0xFFFFFFFF  }
0xb5: {  	_ =	strace $0x90000048  }
0xb6: {  	_ =	sfence  }
0xb7: {  	s30 =	sld [smem:$0x0];
	_ =	sdelay $0x2  }
0xb8: {  	s31 =	sshll.u32 s1, $0xD;
	s1 =	sshrl.u32 s1, $0x2  }
0xb9: {  	s3 =	sand.u32 $0x4000, s31;
	s1 =	sadd.s32 s1, s30  }
0xba: {  	s0 =	sor.u32 s3, s0;
	s1 =	sshll.u32 s1, $0x11  }
0xbb: {  	s0 =	sor.u32 s1, s0  }
0xbc: {  	s0 =	sadd.s32 $0x8F2B, s0  }
0xbd: {  	[sflag:s0] =	ssyncadd.remote.s32 $0x1  }
0xbe: {  	_ =	sfence.sel $0xFFFF  }
0xbf: {  	[dreg:$0x0] =	wrdreg $0xFFFFFFFF;
	(pc) =	sbr.abs _section_cstart, $3  }
0xc0: {  	[dreg:$0x1] =	wrdreg $0xFFFFFFFF  }
0xc1: {  	_ =	task.clear_ibuf [dreg:s7], $0x2FFFF;
	_ =	strace $0x9FFFFFFF  }
0xc2: {  	(tm) =	ssettm $0x7FFFFFFF  }
0xc3: {  	_ =	shalt  }
tec
execute0_lowered:
.L_overlay_start_1:
0x0: {  	(tag) =	ssettag $0x1  }
0x1: {  	v0 =	vimm.s32 $0xFEDCBA9  }
0x2: {  	v1 =	vimm.s32 $0x87654321;
	vm14 =	vcmask $0x300;
	v2 =	vimm.s32 $0xF  }
0x3: {  	vm13 =	vcmask $0x704;
	vm12 =	vcmask $0xB08;
	vm11 =	vcmask $0xF0C  }
0x4: {  	vm10 =	vcmask $0x1310;
	vm9 =	vcmask $0x1714;
	vm8 =	vcmask $0x1B18  }
0x5: {  	vm7 =	vcmask $0x1F1C;
	vm5 =	vcmask $0x2320;
	vm6 =	vcmask $0x2724  }
0x6: {  	vm4 =	vcmask $0x2B28;
	vm2 =	vcmask $0x2F2C;
	vm3 =	vcmask $0x3330  }
0x7: {  	vm1 =	vcmask $0x3734;
	vm0 =	vcmask $0x3B38;
	v4 =	vimm.s32 $0x98765432  }
0x8: {  	v5 =	vimm.s32 $0x10F;
	v14 =	vimm.s32 $0x6543210F;
	v15 =	vimm.s32 $0xEDCBA987  }
0x9: {  	v19 =	vimm.s32 $0x128F;
	v20 =	vimm.s32 $0x130F;
	v21 =	vimm.s32 $0x138F  }
0xa: {  	v22 =	vimm.s32 $0x140F;
	v23 =	vimm.s32 $0x148F;
	v24 =	vimm.s32 $0x150F  }
0xb: {  	v25 =	vimm.s32 $0x158F;
	v26 =	vimm.s32 $0x160F;
	v27 =	vimm.s32 $0x168F  }
0xc: {  	v28 =	vimm.s32 $0x170F;
	v29 =	vimm.s32 $0x180F;
	v30 =	vimm.s32 $0x188F  }
0xd: {  	v31 =	vimm.s32 $0x190F;
	v32 =	vimm.s32 $0x198F;
	v33 =	vimm.s32 $0x1A0F  }
0xe: {  	v34 =	vimm.s32 $0x1A8F;
	v35 =	vimm.s32 $0x1B0F;
	v36 =	vimm.s32 $0x1B8F  }
0xf: {  	v37 =	vimm.s32 $0x1C0F;
	v38 =	vimm.s32 $0x1C8F;
	v39 =	vimm.s32 $0x1D0F  }
0x10: {  	v40 =	vimm.s32 $0x1D8F;
	v41 =	vimm.s32 $0x1E0F;
	v42 =	vimm.s32 $0x1E8F  }
0x11: {  	v43 =	vimm.s32 $0x1F0F;
	v44 =	vimm.s32 $0x15141312;
	v63 =	vimm.s32 $0x19181716  }
0x12: {  	v47 =	vimm.s32 $0x1E1D1C1B;
	v0 =	vunpack.c.l.s4.s8 v0;
	v1 =	vunpack.c.l.s4.s8 v1  }
0x13: {  	v2 =	vsel vm14, $0x80, v2;
	v4 =	vunpack.c.l.s4.s8 v4;
	v14 =	vunpack.c.l.s4.s8 v14  }
0x14: {  	v15 =	vunpack.c.l.s4.s8 v15;
	v19 =	vsel vm14, $0x1300, v19;
	v20 =	vsel vm14, $0x1380, v20  }
0x15: {  	v21 =	vsel vm14, $0x1400, v21;
	v22 =	vsel vm14, $0x1480, v22;
	v23 =	vsel vm14, $0x1500, v23  }
0x16: {  	v24 =	vsel vm14, $0x1580, v24;
	v25 =	vsel vm14, $0x1600, v25;
	v26 =	vsel vm14, $0x1680, v26  }
0x17: {  	v27 =	vsel vm14, $0x1700, v27;
	v28 =	vsel vm14, $0x1780, v28;
	v29 =	vsel vm14, $0x1880, v29  }
0x18: {  	v30 =	vsel vm14, $0x1900, v30;
	v31 =	vsel vm14, $0x1980, v31;
	v32 =	vsel vm14, $0x1A00, v32  }
0x19: {  	v33 =	vsel vm14, $0x1A80, v33;
	v34 =	vsel vm14, $0x1B00, v34;
	v35 =	vsel vm14, $0x1B80, v35  }
0x1a: {  	v36 =	vsel vm14, $0x1C00, v36;
	v37 =	vsel vm14, $0x1C80, v37;
	v38 =	vsel vm14, $0x1D00, v38  }
0x1b: {  	v39 =	vsel vm14, $0x1D80, v39;
	v40 =	vsel vm14, $0x1E00, v40;
	v41 =	vsel vm14, $0x1E80, v41  }
0x1c: {  	v42 =	vsel vm14, $0x1F00, v42;
	v43 =	vsel vm14, $0x1F80, v43;
	v56 =	vunpack.c.0.s8.s32 v44  }
0x1d: {  	v57 =	vunpack.c.0.s8.s32 v63;
	v2 =	vsel vm13, $0x101, v2;
	v19 =	vsel vm13, $0x1381, v19  }
0x1e: {  	v20 =	vsel vm13, $0x1401, v20;
	v21 =	vsel vm13, $0x1481, v21;
	v22 =	vsel vm13, $0x1501, v22  }
0x1f: {  	v23 =	vsel vm13, $0x1581, v23;
	v24 =	vsel vm13, $0x1601, v24;
	v25 =	vsel vm13, $0x1681, v25  }
0x20: {  	v26 =	vsel vm13, $0x1701, v26;
	v27 =	vsel vm13, $0x1781, v27;
	v28 =	vsel vm13, $0x1001, v28  }
0x21: {  	v29 =	vsel vm13, $0x1901, v29;
	v30 =	vsel vm13, $0x1981, v30;
	v31 =	vsel vm13, $0x1A01, v31  }
0x22: {  	v32 =	vsel vm13, $0x1A81, v32;
	v33 =	vsel vm13, $0x1B01, v33;
	v34 =	vsel vm13, $0x1B81, v34  }
0x23: {  	v35 =	vsel vm13, $0x1C01, v35;
	v36 =	vsel vm13, $0x1C81, v36;
	v37 =	vsel vm13, $0x1D01, v37  }
0x24: {  	v38 =	vsel vm13, $0x1D81, v38;
	v39 =	vsel vm13, $0x1E01, v39;
	v40 =	vsel vm13, $0x1E81, v40  }
0x25: {  	v41 =	vsel vm13, $0x1F01, v41;
	v42 =	vsel vm13, $0x1F81, v42;
	v43 =	vsel vm13, $0x1801, v43  }
0x26: {  	v0 =	vunpack.c.0.s8.s32 v0;
	v1 =	vunpack.c.0.s8.s32 v1;
	v2 =	vsel vm12, $0x182, v2  }
0x27: {  	v7 =	vunpack.c.0.s8.s32 v4;
	v4 =	vimm.s32 $0x210FEDCB;
	v48 =	vsel vm12, $0x1602, v23  }
0x28: {  	v49 =	vsel vm12, $0x1682, v24;
	v24 =	vsel vm12, $0x1702, v25;
	v25 =	vsel vm12, $0x1782, v26  }
0x29: {  	v26 =	vsel vm12, $0x1002, v27;
	v27 =	vsel vm12, $0x1082, v28;
	v28 =	vsel vm12, $0x1982, v29  }
0x2a: {  	v29 =	vsel vm12, $0x1A02, v30;
	v30 =	vsel vm12, $0x1A82, v31;
	v31 =	vsel vm12, $0x1B02, v32  }
0x2b: {  	v55 =	vsel vm12, $0x1B82, v33;
	v59 =	vsel vm12, $0x1C02, v34;
	v60 =	vsel vm12, $0x1C82, v35  }
0x2c: {  	v61 =	vsel vm12, $0x1D02, v36;
	v62 =	vsel vm12, $0x1D82, v37;
	v63 =	vsel vm12, $0x1E02, v38  }
0x2d: {  	v45 =	vsel vm12, $0x1E82, v39;
	v46 =	vsel vm12, $0x1F02, v40;
	v41 =	vsel vm12, $0x1F82, v41  }
0x2e: {  	v42 =	vsel vm12, $0x1802, v42;
	v43 =	vsel vm12, $0x1882, v43;
	v40 =	vunpack.c.0.s8.s32 v47  }
0x2f: {  	v2 =	vsel vm11, $0x203, v2;
	v4 =	vunpack.c.l.s4.s8 v4;
	v23 =	vsel vm11, $0x1703, v49  }
0x30: {  	v24 =	vsel vm11, $0x1783, v24;
	v25 =	vsel vm11, $0x1003, v25;
	v26 =	vsel vm11, $0x1083, v26  }
0x31: {  	v27 =	vsel vm11, $0x1103, v27;
	v28 =	vsel vm11, $0x1A03, v28;
	v29 =	vsel vm11, $0x1A83, v29  }
0x32: {  	v30 =	vsel vm11, $0x1B03, v30;
	v31 =	vsel vm11, $0x1B83, v31;
	v32 =	vsel vm11, $0x1C03, v55  }
0x33: {  	v33 =	vsel vm11, $0x1C83, v59;
	v34 =	vsel vm11, $0x1D03, v60;
	v35 =	vsel vm11, $0x1D83, v61  }
0x34: {  	v36 =	vsel vm11, $0x1E03, v62;
	v37 =	vsel vm11, $0x1E83, v63;
	v38 =	vsel vm11, $0x1F03, v45  }
0x35: {  	v39 =	vsel vm11, $0x1F83, v46;
	v42 =	vsel vm11, $0x1883, v42;
	v43 =	vsel vm11, $0x1903, v43  }
0x36: {  	v49 =	vimm.s32 $0x1211101F;
	v55 =	vimm.s32 $0x16151413;
	v59 =	vimm.s32 $0x1A191817  }
0x37: {  	v60 =	vimm.s32 $0x1F1E1D1C;
	v3 =	vcombine.low v1, v0;
	v2 =	vsel vm10, $0x284, v2  }
0x38: {  	v0 =	vcombine.low v0, v1;
	v23 =	vsel vm10, $0x1784, v23;
	v24 =	vsel vm10, $0x1004, v24  }
0x39: {  	v25 =	vsel vm10, $0x1084, v25;
	v26 =	vsel vm10, $0x1104, v26;
	v27 =	vsel vm10, $0x1184, v27  }
0x3a: {  	v28 =	vsel vm10, $0x1A84, v28;
	v29 =	vsel vm10, $0x1B04, v29;
	v30 =	vsel vm10, $0x1B84, v30  }
0x3b: {  	v31 =	vsel vm10, $0x1C04, v31;
	v32 =	vsel vm10, $0x1C84, v32;
	v33 =	vsel vm10, $0x1D04, v33  }
0x3c: {  	v34 =	vsel vm10, $0x1D84, v34;
	v35 =	vsel vm10, $0x1E04, v35;
	v36 =	vsel vm10, $0x1E84, v36  }
0x3d: {  	v37 =	vsel vm10, $0x1F04, v37;
	v38 =	vsel vm10, $0x1F84, v38;
	v39 =	vsel vm10, $0x1804, v39  }
0x3e: {  	v45 =	vsel vm10, $0x1904, v42;
	v43 =	vsel vm10, $0x1984, v43;
	v42 =	vunpack.c.0.s8.s32 v55  }
0x3f: {  	v61 =	vunpack.c.0.s8.s32 v59;
	v2 =	vsel vm9, $0x305, v2;
	v23 =	vsel vm9, $0x1005, v23  }
0x40: {  	v24 =	vsel vm9, $0x1085, v24;
	v25 =	vsel vm9, $0x1105, v25;
	v26 =	vsel vm9, $0x1185, v26  }
0x41: {  	v27 =	vsel vm9, $0x1205, v27;
	v28 =	vsel vm9, $0x1B05, v28;
	v29 =	vsel vm9, $0x1B85, v29  }
0x42: {  	v30 =	vsel vm9, $0x1C05, v30;
	v31 =	vsel vm9, $0x1C85, v31;
	v32 =	vsel vm9, $0x1D05, v32  }
0x43: {  	v33 =	vsel vm9, $0x1D85, v33;
	v34 =	vsel vm9, $0x1E05, v34;
	v35 =	vsel vm9, $0x1E85, v35  }
0x44: {  	v36 =	vsel vm9, $0x1F05, v36;
	v37 =	vsel vm9, $0x1F85, v37;
	v38 =	vsel vm9, $0x1805, v38  }
0x45: {  	v39 =	vsel vm9, $0x1885, v39;
	v45 =	vsel vm9, $0x1985, v45;
	v46 =	vsel vm9, $0x1A05, v43  }
0x46: {  	v3 =	vand.u32 $0xF, v3;
	v2 =	vsel vm8, $0x386, v2;
	v0 =	vand.u32 $0xF, v0  }
0x47: {  	v23 =	vsel vm8, $0x1086, v23;
	v24 =	vsel vm8, $0x1106, v24;
	v25 =	vsel vm8, $0x1186, v25  }
0x48: {  	v26 =	vsel vm8, $0x1206, v26;
	v27 =	vsel vm8, $0x1286, v27;
	v28 =	vsel vm8, $0x1B86, v28  }
0x49: {  	v29 =	vsel vm8, $0x1C06, v29;
	v30 =	vsel vm8, $0x1C86, v30;
	v31 =	vsel vm8, $0x1D06, v31  }
0x4a: {  	v32 =	vsel vm8, $0x1D86, v32;
	v33 =	vsel vm8, $0x1E06, v33;
	v34 =	vsel vm8, $0x1E86, v34  }
0x4b: {  	v35 =	vsel vm8, $0x1F06, v35;
	v36 =	vsel vm8, $0x1F86, v36;
	v37 =	vsel vm8, $0x1806, v37  }
0x4c: {  	v38 =	vsel vm8, $0x1886, v38;
	v39 =	vsel vm8, $0x1906, v39;
	v2 =	vsel vm7, $0x407, v2  }
0x4d: {  	v47 =	vsel vm8, $0x1A06, v45;
	[tilespmem:$0x1F9D0] =	vst v3;
	v3 =	vimm.s32 $0x8F;
	v2 =	vsel vm5, $0x488, v2  }
0x4e: {  	v46 =	vsel vm8, $0x1A86, v46;
	v3 =	vsel vm14, $0x100, v3;
	v2 =	vsel vm6, $0x509, v2  }
0x4f: {  	v45 =	vunpack.c.0.s8.s32 v60;
	v3 =	vsel vm13, $0x181, v3;
	v2 =	vsel vm4, $0x58A, v2  }
0x50: {  	v60 =	vimm.s32 $0x13121110;
	v3 =	vsel vm12, $0x202, v3;
	v2 =	vsel vm2, $0x60B, v2  }
0x51: {  	v62 =	vsel vm7, $0x1887, v37;
	v3 =	vsel vm11, $0x283, v3;
	v2 =	vsel vm3, $0x68C, v2  }
0x52: {  	v63 =	vsel vm7, $0x1907, v38;
	v3 =	vsel vm10, $0x304, v3;
	v2 =	vsel vm1, $0x70D, v2  }
0x53: {  	v55 =	vsel vm7, $0x1A87, v47;
	v3 =	vsel vm9, $0x385, v3;
	v2 =	vsel vm0, $0x78E, v2  }
0x54: {  	v59 =	vsel vm7, $0x1B07, v46;
	v3 =	vsel vm8, $0x406, v3;
	[tilespmem:$0x1F9E0] =	vst v2;
	v2 =	vimm.s32 $0x10FEDCBA  }
0x55: {  	v46 =	vunpack.c.0.s8.s32 v60;
	v3 =	vsel vm7, $0x487, v3;
	v2 =	vunpack.c.l.s4.s8 v2  }
0x56: {  	v37 =	vsel vm5, $0x1988, v63;
	v47 =	vsel vm5, $0x1B88, v59;
	v3 =	vsel vm5, $0x508, v3  }
0x57: {  	v6 =	vunpack.c.0.s8.s32 v2;
	v2 =	vsel vm6, $0x589, v3;
	v3 =	vsel vm14, $0x180, v5  }
0x58: {  	v5 =	vimm.s32 $0xA9876543;
	v2 =	vsel vm4, $0x60A, v2;
	v3 =	vsel vm13, $0x201, v3  }
0x59: {  	v5 =	vunpack.c.l.s4.s8 v5;
	v3 =	vsel vm12, $0x282, v3;
	v8 =	vcombine.low v7, v6  }
0x5a: {  	v9 =	vsel vm2, $0x68B, v2;
	v6 =	vcombine.low v6, v7;
	v3 =	vsel vm11, $0x303, v3  }
0x5b: {  	v2 =	vunpack.c.0.s8.s32 v4;
	v7 =	vimm.s32 $0x50F;
	v10 =	vsel vm10, $0x384, v3  }
0x5c: {  	v3 =	vunpack.c.0.s8.s32 v5;
	v5 =	vand.u32 $0xF, v8;
	v6 =	vand.u32 $0xF, v6  }
0x5d: {  	v4 =	vsel vm9, $0x405, v10;
	[tilespmem:$0x1F9F0] =	vst v5;
	v5 =	vsel vm3, $0x70C, v9;
	v9 =	vimm.s32 $0xBA987654  }
0x5e: {  	[tilespmem:$0x1FAF0] =	vst v6;
	v6 =	vimm.s32 $0x58F;
	v4 =	vsel vm8, $0x486, v4;
	v5 =	vsel vm1, $0x78D, v5  }
0x5f: {  	v8 =	vcombine.low v3, v2;
	v9 =	vunpack.c.l.s4.s8 v9;
	v6 =	vsel vm14, $0x600, v6  }
0x60: {  	v2 =	vcombine.low v2, v3;
	v4 =	vsel vm7, $0x507, v4;
	v5 =	vsel vm0, $0xE, v5  }
0x61: {  	v6 =	vsel vm13, $0x681, v6;
	[tilespmem:$0x1FA00] =	vst v5;
	v4 =	vsel vm5, $0x588, v4;
	v5 =	vimm.s32 $0x18F  }
0x62: {  	v8 =	vand.u32 $0xF, v8;
	v6 =	vsel vm12, $0x702, v6;
	v2 =	vand.u32 $0xF, v2  }
0x63: {  	[tilespmem:$0x1FA10] =	vst v8;
	v4 =	vsel vm6, $0x609, v4;
	v5 =	vsel vm14, $0x200, v5;
	v8 =	vimm.s32 $0x3210FEDC  }
0x64: {  	v6 =	vsel vm11, $0x783, v6;
	[tilespmem:$0x1FB10] =	vst v2;
	v2 =	vimm.s32 $0x60F;
	v4 =	vsel vm4, $0x68A, v4  }
0x65: {  	v5 =	vsel vm13, $0x281, v5;
	v8 =	vunpack.c.l.s4.s8 v8;
	v3 =	vsel vm10, $0x4, v6  }
0x66: {  	v2 =	vsel vm14, $0x680, v2;
	v6 =	vimm.s32 $0xB8F;
	v5 =	vsel vm12, $0x302, v5  }
0x67: {  	v4 =	vsel vm2, $0x70B, v4;
	v2 =	vsel vm13, $0x701, v2;
	v5 =	vsel vm11, $0x383, v5  }
0x68: {  	v10 =	vsel vm3, $0x78C, v4;
	v4 =	vunpack.c.0.s8.s32 v8;
	v8 =	vsel vm10, $0x404, v5  }
0x69: {  	v5 =	vunpack.c.0.s8.s32 v9;
	v9 =	vimm.s32 $0x20F;
	v8 =	vsel vm9, $0x485, v8  }
0x6a: {  	v10 =	vsel vm1, $0xD, v10;
	v9 =	vsel vm14, $0x280, v9;
	v8 =	vsel vm8, $0x506, v8  }
0x6b: {  	v11 =	vcombine.low v5, v4;
	v9 =	vsel vm13, $0x301, v9;
	v8 =	vsel vm7, $0x587, v8  }
0x6c: {  	v10 =	vsel vm0, $0x8E, v10;
	v9 =	vsel vm12, $0x382, v9;
	v8 =	vsel vm5, $0x608, v8  }
0x6d: {  	[tilespmem:$0x1FA20] =	vst v10;
	v10 =	vand.u32 $0xF, v11;
	v9 =	vsel vm11, $0x403, v9;
	v11 =	vimm.s32 $0xCBA98765  }
0x6e: {  	[tilespmem:$0x1FA30] =	vst v10;
	v8 =	vsel vm6, $0x689, v8;
	v10 =	vimm.s32 $0x43210FED;
	v9 =	vsel vm10, $0x484, v9  }
0x6f: {  	v8 =	vsel vm4, $0x70A, v8;
	v10 =	vunpack.c.l.s4.s8 v10;
	v9 =	vsel vm9, $0x505, v9  }
0x70: {  	v11 =	vunpack.c.l.s4.s8 v11;
	v8 =	vsel vm2, $0x78B, v8;
	v9 =	vsel vm8, $0x586, v9  }
0x71: {  	v12 =	vsel vm3, $0xC, v8;
	v8 =	vunpack.c.0.s8.s32 v10;
	v10 =	vsel vm7, $0x607, v9  }
0x72: {  	v6 =	vsel vm14, $0xC00, v6;
	v2 =	vsel vm12, $0x782, v2;
	v10 =	vsel vm5, $0x688, v10  }
0x73: {  	v9 =	vunpack.c.0.s8.s32 v11;
	v11 =	vimm.s32 $0x28F;
	v10 =	vsel vm6, $0x709, v10  }
0x74: {  	v12 =	vsel vm1, $0x8D, v12;
	v11 =	vsel vm14, $0x300, v11;
	v10 =	vsel vm4, $0x78A, v10  }
0x75: {  	v13 =	vcombine.low v9, v8;
	v11 =	vsel vm13, $0x381, v11;
	v10 =	vsel vm2, $0xB, v10  }
0x76: {  	v12 =	vsel vm0, $0x10E, v12;
	v11 =	vsel vm12, $0x402, v11;
	v10 =	vsel vm3, $0x8C, v10  }
0x77: {  	[tilespmem:$0x1FA40] =	vst v12;
	v12 =	vand.u32 $0xF, v13;
	v11 =	vsel vm11, $0x483, v11;
	v10 =	vsel vm1, $0x10D, v10  }
0x78: {  	[tilespmem:$0x1FA50] =	vst v12;
	v11 =	vsel vm10, $0x504, v11;
	v12 =	vimm.s32 $0x30F;
	v10 =	vsel vm0, $0x18E, v10  }
0x79: {  	v13 =	vimm.s32 $0xDCBA9876;
	[tilespmem:$0x1FA60] =	vst v10;
	v10 =	vsel vm9, $0x585, v11;
	v11 =	vsel vm14, $0x380, v12  }
0x7a: {  	v6 =	vsel vm13, $0xC81, v6;
	v13 =	vunpack.c.l.s4.s8 v13;
	v11 =	vsel vm13, $0x401, v11  }
0x7b: {  	v12 =	vimm.s32 $0x543210FE;
	v10 =	vsel vm8, $0x606, v10;
	v11 =	vsel vm12, $0x482, v11  }
0x7c: {  	v12 =	vunpack.c.l.s4.s8 v12;
	v10 =	vsel vm7, $0x687, v10;
	v11 =	vsel vm11, $0x503, v11  }
0x7d: {  	v13 =	vunpack.c.0.s8.s32 v13;
	v10 =	vsel vm5, $0x708, v10;
	v11 =	vsel vm10, $0x584, v11  }
0x7e: {  	v12 =	vunpack.c.0.s8.s32 v12;
	v10 =	vsel vm6, $0x789, v10;
	v11 =	vsel vm9, $0x605, v11  }
0x7f: {  	v2 =	vsel vm11, $0x3, v2;
	v10 =	vsel vm4, $0xA, v10;
	v11 =	vsel vm8, $0x686, v11  }
0x80: {  	v16 =	vcombine.low v13, v12;
	v10 =	vsel vm2, $0x8B, v10;
	v11 =	vsel vm7, $0x707, v11  }
0x81: {  	v17 =	vsel vm3, $0x10C, v10;
	v10 =	vunpack.c.0.s8.s32 v14;
	v11 =	vsel vm5, $0x788, v11  }
0x82: {  	v18 =	vsel vm6, $0x9, v11;
	v11 =	vunpack.c.0.s8.s32 v15;
	v15 =	vand.u32 $0xF, v16  }
0x83: {  	v14 =	vsel vm4, $0x8A, v18;
	[tilespmem:$0x1FA70] =	vst v15;
	v15 =	vsel vm1, $0x18D, v17;
	v17 =	vimm.s32 $0x38F  }
0x84: {  	v18 =	vimm.s32 $0x120F;
	v14 =	vsel vm2, $0x10B, v14;
	v16 =	vcombine.low v11, v10  }
0x85: {  	v15 =	vsel vm0, $0x20E, v15;
	v18 =	vsel vm14, $0x1280, v18;
	v14 =	vsel vm3, $0x18C, v14  }
0x86: {  	[tilespmem:$0x1FA80] =	vst v15;
	v15 =	vsel vm14, $0x400, v17;
	v14 =	vsel vm1, $0x20D, v14;
	v16 =	vand.u32 $0xF, v16  }
0x87: {  	v17 =	vimm.s32 $0xFEDCBA98;
	v18 =	vsel vm13, $0x1301, v18;
	[tilespmem:$0x1FA90] =	vst v16;
	v14 =	vsel vm0, $0x28E, v14  }
0x88: {  	v17 =	vunpack.c.l.s4.s8 v17;
	v16 =	vimm.s32 $0x40F;
	[tilespmem:$0x1FAA0] =	vst v14;
	v14 =	vsel vm13, $0x481, v15  }
0x89: {  	v15 =	vimm.s32 $0x76543210;
	v16 =	vsel vm14, $0x480, v16;
	v14 =	vsel vm12, $0x502, v14  }
0x8a: {  	v16 =	vsel vm13, $0x501, v16;
	v15 =	vunpack.c.l.s4.s8 v15;
	v14 =	vsel vm11, $0x583, v14  }
0x8b: {  	v17 =	vunpack.c.0.s8.s32 v17;
	v16 =	vsel vm12, $0x582, v16;
	v14 =	vsel vm10, $0x604, v14  }
0x8c: {  	v16 =	vsel vm11, $0x603, v16;
	v15 =	vunpack.c.0.s8.s32 v15;
	v14 =	vsel vm9, $0x685, v14  }
0x8d: {  	v17 =	vand.u32 $0xF, v17;
	v16 =	vsel vm10, $0x684, v16;
	v14 =	vsel vm8, $0x706, v14  }
0x8e: {  	v15 =	vcombine.low v17, v15;
	v17 =	vimm.s32 $0x118F;
	v14 =	vsel vm7, $0x787, v14  }
0x8f: {  	v16 =	vsel vm9, $0x705, v16;
	v17 =	vsel vm14, $0x1200, v17;
	v14 =	vsel vm5, $0x8, v14  }
0x90: {  	[tilespmem:$0x1FAB0] =	vst v15;
	v15 =	vsel vm8, $0x786, v16;
	v16 =	vimm.s32 $0x48F;
	v14 =	vsel vm6, $0x89, v14  }
0x91: {  	v17 =	vsel vm13, $0x1281, v17;
	v15 =	vsel vm7, $0x7, v15;
	v14 =	vsel vm4, $0x10A, v14  }
0x92: {  	v16 =	vsel vm14, $0x500, v16;
	v15 =	vsel vm5, $0x88, v15;
	v14 =	vsel vm2, $0x18B, v14  }
0x93: {  	v16 =	vsel vm13, $0x581, v16;
	v15 =	vsel vm6, $0x109, v15;
	v14 =	vsel vm3, $0x20C, v14  }
0x94: {  	v16 =	vsel vm12, $0x602, v16;
	v15 =	vsel vm4, $0x18A, v15;
	v14 =	vsel vm1, $0x28D, v14  }
0x95: {  	v1 =	vsel vm2, $0x20B, v15;
	v15 =	vsel vm11, $0x683, v16;
	v14 =	vsel vm0, $0x30E, v14  }
0x96: {  	v16 =	vimm.s32 $0x110F;
	v1 =	vsel vm3, $0x28C, v1;
	[tilespmem:$0x1FAC0] =	vst v14;
	v14 =	vsel vm10, $0x704, v15  }
0x97: {  	[tilespmem:$0x1FAD0] =	vst v0;
	v16 =	vsel vm14, $0x1180, v16;
	v0 =	vsel vm1, $0x30D, v1;
	v1 =	vsel vm9, $0x785, v14  }
0x98: {  	v15 =	vimm.s32 $0x108F;
	v0 =	vsel vm0, $0x38E, v0;
	v1 =	vsel vm8, $0x6, v1  }
0x99: {  	v16 =	vsel vm13, $0x1201, v16;
	[tilespmem:$0x1FAE0] =	vst v0;
	v0 =	vsel vm7, $0x87, v1;
	v1 =	vsel vm14, $0x580, v7  }
0x9a: {  	v14 =	vimm.s32 $0x100F;
	v0 =	vsel vm5, $0x108, v0;
	v1 =	vsel vm13, $0x601, v1  }
0x9b: {  	v15 =	vsel vm14, $0x1100, v15;
	v0 =	vsel vm6, $0x189, v0;
	v1 =	vsel vm12, $0x682, v1  }
0x9c: {  	v14 =	vsel vm14, $0x1080, v14;
	v0 =	vsel vm4, $0x20A, v0;
	v1 =	vsel vm11, $0x703, v1  }
0x9d: {  	v15 =	vsel vm13, $0x1181, v15;
	v0 =	vsel vm2, $0x28B, v0;
	v1 =	vsel vm10, $0x784, v1  }
0x9e: {  	v7 =	vimm.s32 $0xC0F;
	v0 =	vsel vm3, $0x30C, v0;
	v1 =	vsel vm9, $0x5, v1  }
0x9f: {  	v14 =	vsel vm13, $0x1101, v14;
	v0 =	vsel vm1, $0x38D, v0;
	v1 =	vsel vm8, $0x86, v1  }
0xa0: {  	v7 =	vsel vm14, $0xC80, v7;
	v1 =	vsel vm7, $0x107, v1;
	v0 =	vsel vm0, $0x40E, v0  }
0xa1: {  	v7 =	vsel vm13, $0xD01, v7;
	[tilespmem:$0x1FB00] =	vst v0;
	v0 =	vsel vm5, $0x188, v1;
	v1 =	vsel vm9, $0x85, v3  }
0xa2: {  	v3 =	vcombine.low v4, v5;
	v0 =	vsel vm6, $0x209, v0;
	v1 =	vsel vm8, $0x106, v1  }
0xa3: {  	v4 =	vimm.s32 $0xA8F;
	v0 =	vsel vm4, $0x28A, v0;
	v1 =	vsel vm7, $0x187, v1  }
0xa4: {  	v5 =	vimm.s32 $0xB0F;
	v0 =	vsel vm2, $0x30B, v0;
	v1 =	vsel vm5, $0x208, v1  }
0xa5: {  	v4 =	vsel vm14, $0xB00, v4;
	v0 =	vsel vm3, $0x38C, v0;
	v1 =	vsel vm6, $0x289, v1  }
0xa6: {  	v5 =	vsel vm14, $0xB80, v5;
	v0 =	vsel vm1, $0x40D, v0;
	v1 =	vsel vm4, $0x30A, v1  }
0xa7: {  	v4 =	vsel vm13, $0xB81, v4;
	v1 =	vsel vm2, $0x38B, v1;
	v0 =	vsel vm0, $0x48E, v0  }
0xa8: {  	v5 =	vsel vm13, $0xC01, v5;
	[tilespmem:$0x1FB20] =	vst v0;
	v0 =	vsel vm3, $0x40C, v1;
	v1 =	vsel vm10, $0x84, v2  }
0xa9: {  	v2 =	vand.u32 $0xF, v3;
	v3 =	vimm.s32 $0x68F;
	v0 =	vsel vm1, $0x48D, v0  }
0xaa: {  	[tilespmem:$0x1FB30] =	vst v2;
	v1 =	vsel vm9, $0x105, v1;
	v2 =	vcombine.low v8, v9;
	v8 =	vimm.s32 $0xC8F  }
0xab: {  	v9 =	vimm.s32 $0xD0F;
	v1 =	vsel vm8, $0x186, v1;
	v0 =	vsel vm0, $0x50E, v0  }
0xac: {  	v8 =	vsel vm14, $0xD00, v8;
	v9 =	vsel vm14, $0xD80, v9;
	[tilespmem:$0x1FB40] =	vst v0;
	v0 =	vsel vm7, $0x207, v1  }
0xad: {  	v1 =	vsel vm14, $0x700, v3;
	v2 =	vand.u32 $0xF, v2;
	v3 =	vcombine.low v12, v13  }
0xae: {  	v12 =	vimm.s32 $0xE8F;
	v13 =	vimm.s32 $0xF0F;
	v8 =	vsel vm13, $0xD81, v8  }
0xaf: {  	v9 =	vsel vm13, $0xE01, v9;
	v0 =	vsel vm5, $0x288, v0;
	v1 =	vsel vm13, $0x781, v1  }
0xb0: {  	[tilespmem:$0x1FB50] =	vst v2;
	v2 =	vimm.s32 $0x70F;
	v12 =	vsel vm14, $0xF00, v12;
	v13 =	vsel vm14, $0xF80, v13  }
0xb1: {  	v0 =	vsel vm6, $0x309, v0;
	v1 =	vsel vm12, $0x2, v1;
	v2 =	vsel vm14, $0x780, v2  }
0xb2: {  	v12 =	vsel vm13, $0xF81, v12;
	v0 =	vsel vm4, $0x38A, v0;
	v1 =	vsel vm11, $0x83, v1  }
0xb3: {  	v2 =	vsel vm13, $0x1, v2;
	v0 =	vsel vm2, $0x40B, v0;
	v1 =	vsel vm10, $0x104, v1  }
0xb4: {  	v2 =	vsel vm12, $0x82, v2;
	v0 =	vsel vm3, $0x48C, v0;
	v1 =	vsel vm9, $0x185, v1  }
0xb5: {  	v2 =	vsel vm11, $0x103, v2;
	v0 =	vsel vm1, $0x50D, v0;
	v1 =	vsel vm8, $0x206, v1  }
0xb6: {  	v2 =	vsel vm10, $0x184, v2;
	v1 =	vsel vm7, $0x287, v1;
	v0 =	vsel vm0, $0x58E, v0  }
0xb7: {  	v13 =	vsel vm13, $0x801, v13;
	[tilespmem:$0x1FB60] =	vst v0;
	v0 =	vsel vm5, $0x308, v1;
	v1 =	vsel vm9, $0x205, v2  }
0xb8: {  	v2 =	vand.u32 $0xF, v3;
	v0 =	vsel vm6, $0x389, v0;
	v1 =	vsel vm8, $0x286, v1  }
0xb9: {  	v3 =	vcombine.low v10, v11;
	v0 =	vsel vm4, $0x40A, v0;
	v1 =	vsel vm7, $0x307, v1  }
0xba: {  	[tilespmem:$0x1FB70] =	vst v2;
	v2 =	vimm.s32 $0x80F;
	v0 =	vsel vm2, $0x48B, v0;
	v1 =	vsel vm5, $0x388, v1  }
0xbb: {  	v2 =	vsel vm14, $0x880, v2;
	v0 =	vsel vm3, $0x50C, v0;
	v1 =	vsel vm6, $0x409, v1  }
0xbc: {  	v2 =	vsel vm13, $0x901, v2;
	v0 =	vsel vm1, $0x58D, v0;
	v1 =	vsel vm4, $0x48A, v1  }
0xbd: {  	v2 =	vsel vm12, $0x982, v2;
	v1 =	vsel vm2, $0x50B, v1;
	v0 =	vsel vm0, $0x60E, v0  }
0xbe: {  	v10 =	vimm.s32 $0xD8F;
	v2 =	vsel vm11, $0xA03, v2;
	[tilespmem:$0x1FB80] =	vst v0;
	v0 =	vsel vm3, $0x58C, v1  }
0xbf: {  	v11 =	vimm.s32 $0xE0F;
	v1 =	vsel vm10, $0xA84, v2;
	v0 =	vsel vm1, $0x60D, v0  }
0xc0: {  	v10 =	vsel vm14, $0xE00, v10;
	v1 =	vsel vm9, $0xB05, v1;
	v0 =	vsel vm0, $0x68E, v0  }
0xc1: {  	v11 =	vsel vm14, $0xE80, v11;
	v1 =	vsel vm8, $0xB86, v1;
	[tilespmem:$0x1FBA0] =	vst v0;
	v0 =	vimm.s32 $0x1C1B1A19  }
0xc2: {  	v1 =	vsel vm7, $0xC07, v1;
	v50 =	vunpack.c.0.s8.s32 v0;
	v0 =	vimm.s32 $0x101F1E1D  }
0xc3: {  	v10 =	vsel vm13, $0xE81, v10;
	v51 =	vunpack.c.0.s8.s32 v0;
	v0 =	vsel vm5, $0xC88, v1  }
0xc4: {  	v11 =	vsel vm13, $0xF01, v11;
	v1 =	vimm.s32 $0x88F;
	v0 =	vsel vm6, $0xD09, v0  }
0xc5: {  	v2 =	vand.u32 $0xF, v3;
	v1 =	vsel vm14, $0x900, v1;
	v0 =	vsel vm4, $0xD8A, v0  }
0xc6: {  	v3 =	vimm.s32 $0xA0F;
	v1 =	vsel vm13, $0x981, v1;
	v0 =	vsel vm2, $0xE0B, v0  }
0xc7: {  	[tilespmem:$0x1FB90] =	vst v2;
	v2 =	vimm.s32 $0x14131211;
	v1 =	vsel vm12, $0xA02, v1;
	v0 =	vsel vm3, $0xE8C, v0  }
0xc8: {  	v52 =	vunpack.c.0.s8.s32 v2;
	v1 =	vsel vm11, $0xA83, v1;
	v0 =	vsel vm1, $0xF0D, v0  }
0xc9: {  	v2 =	vimm.s32 $0x18171615;
	v1 =	vsel vm10, $0xB04, v1;
	v0 =	vsel vm0, $0xF8E, v0  }
0xca: {  	v53 =	vunpack.c.0.s8.s32 v2;
	v2 =	vimm.s32 $0x90F;
	[tilespmem:$0x1FBB0] =	vst v0;
	v0 =	vsel vm9, $0xB85, v1  }
0xcb: {  	v3 =	vsel vm14, $0xA80, v3;
	v1 =	vsel vm14, $0x980, v2;
	v0 =	vsel vm8, $0xC06, v0  }
0xcc: {  	v3 =	vsel vm13, $0xB01, v3;
	v1 =	vsel vm13, $0xA01, v1;
	v0 =	vsel vm7, $0xC87, v0  }
0xcd: {  	v2 =	vimm.s32 $0x1D1C1B1A;
	v1 =	vsel vm12, $0xA82, v1;
	v0 =	vsel vm5, $0xD08, v0  }
0xce: {  	v54 =	vunpack.c.0.s8.s32 v2;
	v1 =	vsel vm11, $0xB03, v1;
	v0 =	vsel vm6, $0xD89, v0  }
0xcf: {  	v2 =	vimm.s32 $0x11101F1E;
	v1 =	vsel vm10, $0xB84, v1;
	v0 =	vsel vm4, $0xE0A, v0  }
0xd0: {  	v58 =	vunpack.c.0.s8.s32 v2;
	v1 =	vsel vm9, $0xC05, v1;
	v0 =	vsel vm2, $0xE8B, v0  }
0xd1: {  	v2 =	vimm.s32 $0x98F;
	v1 =	vsel vm8, $0xC86, v1;
	v0 =	vsel vm3, $0xF0C, v0  }
0xd2: {  	v2 =	vsel vm14, $0xA00, v2;
	v1 =	vsel vm7, $0xD07, v1;
	v0 =	vsel vm1, $0xF8D, v0  }
0xd3: {  	v2 =	vsel vm13, $0xA81, v2;
	v1 =	vsel vm5, $0xD88, v1;
	v0 =	vsel vm0, $0x80E, v0  }
0xd4: {  	[tilespmem:$0x1FBC0] =	vst v0;
	v0 =	vsel vm6, $0xE09, v1;
	v1 =	vsel vm12, $0xB02, v2;
	v2 =	vsel vm12, $0xB82, v3  }
0xd5: {  	v3 =	vsel vm12, $0xC02, v4;
	v4 =	vsel vm12, $0xC82, v5;
	v5 =	vsel vm12, $0xD02, v6  }
0xd6: {  	v6 =	vsel vm12, $0xD82, v7;
	v7 =	vsel vm12, $0xE02, v8;
	v8 =	vsel vm12, $0xE82, v9  }
0xd7: {  	v9 =	vsel vm12, $0xF02, v10;
	v10 =	vsel vm12, $0xF82, v11;
	v11 =	vsel vm12, $0x802, v12  }
0xd8: {  	v12 =	vsel vm12, $0x882, v13;
	v13 =	vsel vm12, $0x1182, v14;
	v14 =	vsel vm12, $0x1202, v15  }
0xd9: {  	v15 =	vsel vm12, $0x1282, v16;
	v16 =	vsel vm12, $0x1302, v17;
	v17 =	vsel vm12, $0x1382, v18  }
0xda: {  	v18 =	vsel vm12, $0x1402, v19;
	v19 =	vsel vm12, $0x1482, v20;
	v20 =	vsel vm12, $0x1502, v21  }
0xdb: {  	v21 =	vsel vm12, $0x1582, v22;
	v22 =	vsel vm11, $0x1683, v48;
	v48 =	vsel vm11, $0x1803, v41  }
0xdc: {  	v41 =	vunpack.c.0.s8.s32 v49;
	v0 =	vsel vm4, $0xE8A, v0;
	v1 =	vsel vm11, $0xB83, v1  }
0xdd: {  	v2 =	vsel vm11, $0xC03, v2;
	v3 =	vsel vm11, $0xC83, v3;
	v4 =	vsel vm11, $0xD03, v4  }
0xde: {  	v5 =	vsel vm11, $0xD83, v5;
	v6 =	vsel vm11, $0xE03, v6;
	v7 =	vsel vm11, $0xE83, v7  }
0xdf: {  	v8 =	vsel vm11, $0xF03, v8;
	v9 =	vsel vm11, $0xF83, v9;
	v10 =	vsel vm11, $0x803, v10  }
0xe0: {  	v11 =	vsel vm11, $0x883, v11;
	v12 =	vsel vm11, $0x903, v12;
	v13 =	vsel vm11, $0x1203, v13  }
0xe1: {  	v14 =	vsel vm11, $0x1283, v14;
	v15 =	vsel vm11, $0x1303, v15;
	v16 =	vsel vm11, $0x1383, v16  }
0xe2: {  	v17 =	vsel vm11, $0x1403, v17;
	v18 =	vsel vm11, $0x1483, v18;
	v19 =	vsel vm11, $0x1503, v19  }
0xe3: {  	v20 =	vsel vm11, $0x1583, v20;
	v21 =	vsel vm11, $0x1603, v21;
	v22 =	vsel vm10, $0x1704, v22  }
0xe4: {  	v44 =	vsel vm10, $0x1884, v48;
	v48 =	vsel vm7, $0x1987, v39;
	v0 =	vsel vm2, $0xF0B, v0  }
0xe5: {  	v1 =	vsel vm10, $0xC04, v1;
	v2 =	vsel vm10, $0xC84, v2;
	v3 =	vsel vm10, $0xD04, v3  }
0xe6: {  	v4 =	vsel vm10, $0xD84, v4;
	v5 =	vsel vm10, $0xE04, v5;
	v6 =	vsel vm10, $0xE84, v6  }
0xe7: {  	v7 =	vsel vm10, $0xF04, v7;
	v8 =	vsel vm10, $0xF84, v8;
	v9 =	vsel vm10, $0x804, v9  }
0xe8: {  	v10 =	vsel vm10, $0x884, v10;
	v11 =	vsel vm10, $0x904, v11;
	v12 =	vsel vm10, $0x984, v12  }
0xe9: {  	v13 =	vsel vm10, $0x1284, v13;
	v14 =	vsel vm10, $0x1304, v14;
	v15 =	vsel vm10, $0x1384, v15  }
0xea: {  	v16 =	vsel vm10, $0x1404, v16;
	v17 =	vsel vm10, $0x1484, v17;
	v18 =	vsel vm10, $0x1504, v18  }
0xeb: {  	v19 =	vsel vm10, $0x1584, v19;
	v20 =	vsel vm10, $0x1604, v20;
	v21 =	vsel vm10, $0x1684, v21  }
0xec: {  	v22 =	vsel vm9, $0x1785, v22;
	v44 =	vsel vm9, $0x1905, v44;
	v38 =	vsel vm5, $0x1A08, v48  }
0xed: {  	v48 =	vimm.s32 $0x1B1A1918;
	v0 =	vsel vm3, $0xF8C, v0;
	v1 =	vsel vm9, $0xC85, v1  }
0xee: {  	v2 =	vsel vm9, $0xD05, v2;
	v3 =	vsel vm9, $0xD85, v3;
	v4 =	vsel vm9, $0xE05, v4  }
0xef: {  	v5 =	vsel vm9, $0xE85, v5;
	v6 =	vsel vm9, $0xF05, v6;
	v7 =	vsel vm9, $0xF85, v7  }
0xf0: {  	v8 =	vsel vm9, $0x805, v8;
	v9 =	vsel vm9, $0x885, v9;
	v10 =	vsel vm9, $0x905, v10  }
0xf1: {  	v11 =	vsel vm9, $0x985, v11;
	v12 =	vsel vm9, $0xA05, v12;
	v13 =	vsel vm9, $0x1305, v13  }
0xf2: {  	v14 =	vsel vm9, $0x1385, v14;
	v15 =	vsel vm9, $0x1405, v15;
	v16 =	vsel vm9, $0x1485, v16  }
0xf3: {  	v17 =	vsel vm9, $0x1505, v17;
	v18 =	vsel vm9, $0x1585, v18;
	v19 =	vsel vm9, $0x1605, v19  }
0xf4: {  	v20 =	vsel vm9, $0x1685, v20;
	v21 =	vsel vm9, $0x1705, v21;
	v22 =	vsel vm8, $0x1006, v22  }
0xf5: {  	v44 =	vsel vm8, $0x1986, v44;
	v38 =	vsel vm6, $0x1A89, v38;
	v0 =	vsel vm1, $0x80D, v0  }
0xf6: {  	v1 =	vsel vm8, $0xD06, v1;
	v2 =	vsel vm8, $0xD86, v2;
	v3 =	vsel vm8, $0xE06, v3  }
0xf7: {  	v4 =	vsel vm8, $0xE86, v4;
	v5 =	vsel vm8, $0xF06, v5;
	v6 =	vsel vm8, $0xF86, v6  }
0xf8: {  	v7 =	vsel vm8, $0x806, v7;
	v8 =	vsel vm8, $0x886, v8;
	v9 =	vsel vm8, $0x906, v9  }
0xf9: {  	v10 =	vsel vm8, $0x986, v10;
	v11 =	vsel vm8, $0xA06, v11;
	v12 =	vsel vm8, $0xA86, v12  }
0xfa: {  	v13 =	vsel vm8, $0x1386, v13;
	v14 =	vsel vm8, $0x1406, v14;
	v15 =	vsel vm8, $0x1486, v15  }
0xfb: {  	v16 =	vsel vm8, $0x1506, v16;
	v17 =	vsel vm8, $0x1586, v17;
	v18 =	vsel vm8, $0x1606, v18  }
0xfc: {  	v19 =	vsel vm8, $0x1686, v19;
	v20 =	vsel vm8, $0x1706, v20;
	v21 =	vsel vm8, $0x1786, v21  }
0xfd: {  	v49 =	vsel vm7, $0x1A07, v44;
	v44 =	vsel vm5, $0x1B08, v55;
	v43 =	vsel vm0, $0x88E, v0  }
0xfe: {  	v0 =	vsel vm7, $0xD87, v1;
	v1 =	vsel vm7, $0xE07, v2;
	v2 =	vsel vm7, $0xE87, v3  }
0xff: {  	v3 =	vsel vm7, $0xF07, v4;
	v4 =	vsel vm7, $0xF87, v5;
	v5 =	vsel vm7, $0x807, v6  }
0x100: {  	v6 =	vsel vm7, $0x887, v7;
	v7 =	vsel vm7, $0x907, v8;
	v8 =	vsel vm7, $0x987, v9  }
0x101: {  	v9 =	vsel vm7, $0xA07, v10;
	v10 =	vsel vm7, $0xA87, v11;
	v11 =	vsel vm7, $0xB07, v12  }
0x102: {  	v12 =	vsel vm7, $0x1407, v13;
	v13 =	vsel vm7, $0x1487, v14;
	v14 =	vsel vm7, $0x1507, v15  }
0x103: {  	v15 =	vsel vm7, $0x1587, v16;
	v16 =	vsel vm7, $0x1607, v17;
	v17 =	vsel vm7, $0x1687, v18  }
0x104: {  	v18 =	vsel vm7, $0x1707, v19;
	v19 =	vsel vm7, $0x1787, v20;
	v20 =	vsel vm7, $0x1007, v21  }
0x105: {  	v21 =	vsel vm7, $0x1087, v22;
	v22 =	vsel vm7, $0x1107, v23;
	v23 =	vsel vm7, $0x1187, v24  }
0x106: {  	v24 =	vsel vm7, $0x1207, v25;
	v25 =	vsel vm7, $0x1287, v26;
	v26 =	vsel vm7, $0x1307, v27  }
0x107: {  	v27 =	vsel vm7, $0x1C07, v28;
	v28 =	vsel vm7, $0x1C87, v29;
	v29 =	vsel vm7, $0x1D07, v30  }
0x108: {  	v30 =	vsel vm7, $0x1D87, v31;
	v31 =	vsel vm7, $0x1E07, v32;
	v32 =	vsel vm7, $0x1E87, v33  }
0x109: {  	v33 =	vsel vm7, $0x1F07, v34;
	v34 =	vsel vm7, $0x1F87, v35;
	v35 =	vsel vm7, $0x1807, v36  }
0x10a: {  	v36 =	vsel vm5, $0x1908, v62;
	v39 =	vsel vm5, $0x1A88, v49;
	v55 =	vsel vm6, $0x1B89, v44  }
0x10b: {  	v49 =	vsel vm6, $0x1C09, v47;
	v62 =	vimm.s32 $0x17161514;
	v0 =	vsel vm5, $0xE08, v0  }
0x10c: {  	v1 =	vsel vm5, $0xE88, v1;
	v2 =	vsel vm5, $0xF08, v2;
	v3 =	vsel vm5, $0xF88, v3  }
0x10d: {  	v4 =	vsel vm5, $0x808, v4;
	v5 =	vsel vm5, $0x888, v5;
	v6 =	vsel vm5, $0x908, v6  }
0x10e: {  	v7 =	vsel vm5, $0x988, v7;
	v8 =	vsel vm5, $0xA08, v8;
	v9 =	vsel vm5, $0xA88, v9  }
0x10f: {  	v10 =	vsel vm5, $0xB08, v10;
	v11 =	vsel vm5, $0xB88, v11;
	v12 =	vsel vm5, $0x1488, v12  }
0x110: {  	v13 =	vsel vm5, $0x1508, v13;
	v14 =	vsel vm5, $0x1588, v14;
	v15 =	vsel vm5, $0x1608, v15  }
0x111: {  	v16 =	vsel vm5, $0x1688, v16;
	v17 =	vsel vm5, $0x1708, v17;
	v18 =	vsel vm5, $0x1788, v18  }
0x112: {  	v19 =	vsel vm5, $0x1008, v19;
	v20 =	vsel vm5, $0x1088, v20;
	v21 =	vsel vm5, $0x1108, v21  }
0x113: {  	v22 =	vsel vm5, $0x1188, v22;
	v23 =	vsel vm5, $0x1208, v23;
	v24 =	vsel vm5, $0x1288, v24  }
0x114: {  	v25 =	vsel vm5, $0x1308, v25;
	v26 =	vsel vm5, $0x1388, v26;
	v27 =	vsel vm5, $0x1C88, v27  }
0x115: {  	v28 =	vsel vm5, $0x1D08, v28;
	v29 =	vsel vm5, $0x1D88, v29;
	v30 =	vsel vm5, $0x1E08, v30  }
0x116: {  	v31 =	vsel vm5, $0x1E88, v31;
	v32 =	vsel vm5, $0x1F08, v32;
	v33 =	vsel vm5, $0x1F88, v33  }
0x117: {  	v39 =	vsel vm6, $0x1B09, v39;
	v44 =	vunpack.c.0.s8.s32 v62;
	v62 =	vunpack.c.0.s8.s32 v48  }
0x118: {  	v0 =	vsel vm6, $0xE89, v0;
	v1 =	vsel vm6, $0xF09, v1;
	v2 =	vsel vm6, $0xF89, v2  }
0x119: {  	v3 =	vsel vm6, $0x809, v3;
	v4 =	vsel vm6, $0x889, v4;
	v5 =	vsel vm6, $0x909, v5  }
0x11a: {  	v6 =	vsel vm6, $0x989, v6;
	v7 =	vsel vm6, $0xA09, v7;
	v8 =	vsel vm6, $0xA89, v8  }
0x11b: {  	v9 =	vsel vm6, $0xB09, v9;
	v10 =	vsel vm6, $0xB89, v10;
	v11 =	vsel vm6, $0xC09, v11  }
0x11c: {  	v12 =	vsel vm6, $0x1509, v12;
	v13 =	vsel vm6, $0x1589, v13;
	v14 =	vsel vm6, $0x1609, v14  }
0x11d: {  	v15 =	vsel vm6, $0x1689, v15;
	v16 =	vsel vm6, $0x1709, v16;
	v17 =	vsel vm6, $0x1789, v17  }
0x11e: {  	v18 =	vsel vm6, $0x1009, v18;
	v19 =	vsel vm6, $0x1089, v19;
	v20 =	vsel vm6, $0x1109, v20  }
0x11f: {  	v21 =	vsel vm6, $0x1189, v21;
	v22 =	vsel vm6, $0x1209, v22;
	v23 =	vsel vm6, $0x1289, v23  }
0x120: {  	v24 =	vsel vm6, $0x1309, v24;
	v25 =	vsel vm6, $0x1389, v25;
	v26 =	vsel vm6, $0x1409, v26  }
0x121: {  	v27 =	vsel vm6, $0x1D09, v27;
	v28 =	vsel vm6, $0x1D89, v28;
	v29 =	vsel vm6, $0x1E09, v29  }
0x122: {  	v30 =	vsel vm6, $0x1E89, v30;
	v31 =	vsel vm6, $0x1F09, v31;
	v32 =	vsel vm6, $0x1F89, v32  }
0x123: {  	v33 =	vsel vm6, $0x1809, v33;
	v0 =	vsel vm4, $0xF0A, v0;
	v1 =	vsel vm4, $0xF8A, v1  }
0x124: {  	v2 =	vsel vm4, $0x80A, v2;
	v63 =	vsel vm4, $0x180A, v32;
	v0 =	vsel vm2, $0xF8B, v0  }
0x125: {  	v33 =	vsel vm4, $0x188A, v33;
	v1 =	vsel vm2, $0x80B, v1;
	v0 =	vsel vm3, $0x80C, v0  }
0x126: {  	v2 =	vsel vm2, $0x88B, v2;
	v1 =	vsel vm3, $0x88C, v1;
	v0 =	vsel vm1, $0x88D, v0  }
0x127: {  	v2 =	vsel vm3, $0x90C, v2;
	v48 =	vsel vm0, $0x90E, v0;
	v0 =	vsel vm1, $0x90D, v1  }
0x128: {  	v1 =	vsel vm1, $0x98D, v2;
	v2 =	vsel vm4, $0x98A, v5;
	v5 =	vsel vm4, $0x100A, v17  }
0x129: {  	v17 =	vsel vm4, $0x1E8A, v29;
	v29 =	vsel vm4, $0x1C8A, v49;
	v0 =	vsel vm0, $0x98E, v0  }
0x12a: {  	v2 =	vsel vm2, $0xA0B, v2;
	v5 =	vsel vm2, $0x108B, v5;
	v17 =	vsel vm2, $0x1F0B, v17  }
0x12b: {  	v29 =	vsel vm2, $0x1D0B, v29;
	[tilespmem:$0x1FBD0] =	vst v0;
	v0 =	vsel vm0, $0xA0E, v1;
	v1 =	vsel vm4, $0x90A, v4  }
0x12c: {  	v2 =	vsel vm3, $0xA8C, v2;
	v4 =	vsel vm4, $0x178A, v16;
	v16 =	vsel vm4, $0x1E0A, v28  }
0x12d: {  	v28 =	vsel vm4, $0x1C0A, v55;
	v5 =	vsel vm3, $0x110C, v5;
	v17 =	vsel vm3, $0x1F8C, v17  }
0x12e: {  	v29 =	vsel vm3, $0x1D8C, v29;
	[tilespmem:$0x1FBE0] =	vst v0;
	v0 =	vsel vm4, $0x88A, v3;
	v1 =	vsel vm2, $0x98B, v1  }
0x12f: {  	v3 =	vsel vm4, $0x170A, v15;
	v15 =	vsel vm4, $0x1D8A, v27;
	v27 =	vsel vm4, $0x1B8A, v39  }
0x130: {  	v4 =	vsel vm2, $0x100B, v4;
	v16 =	vsel vm2, $0x1E8B, v16;
	v28 =	vsel vm2, $0x1C8B, v28  }
0x131: {  	v5 =	vsel vm1, $0x118D, v5;
	v17 =	vsel vm1, $0x180D, v17;
	v0 =	vsel vm2, $0x90B, v0  }
0x132: {  	v60 =	vsel vm1, $0x1E0D, v29;
	v1 =	vsel vm3, $0xA0C, v1;
	v0 =	vsel vm3, $0x98C, v0  }
0x133: {  	v3 =	vsel vm2, $0x178B, v3;
	v4 =	vsel vm3, $0x108C, v4;
	v0 =	vsel vm1, $0xA0D, v0  }
0x134: {  	v15 =	vsel vm2, $0x1E0B, v15;
	v16 =	vsel vm3, $0x1F0C, v16;
	v0 =	vsel vm0, $0xA8E, v0  }
0x135: {  	v27 =	vsel vm2, $0x1C0B, v27;
	v28 =	vsel vm3, $0x1D0C, v28;
	[tilespmem:$0x1FBF0] =	vst v0;
	v0 =	vsel vm1, $0xA8D, v1  }
0x136: {  	v3 =	vsel vm3, $0x100C, v3;
	v1 =	vsel vm1, $0xB0D, v2;
	v0 =	vsel vm0, $0xB0E, v0  }
0x137: {  	v15 =	vsel vm3, $0x1E8C, v15;
	v4 =	vsel vm1, $0x110D, v4;
	[tilespmem:$0x1FC00] =	vst v0;
	v0 =	vsel vm0, $0xB8E, v1  }
0x138: {  	v16 =	vsel vm1, $0x1F8D, v16;
	v3 =	vsel vm1, $0x108D, v3;
	[tilespmem:$0x1FC10] =	vst v0;
	v0 =	vsel vm4, $0xA0A, v6  }
0x139: {  	v2 =	vsel vm4, $0xB0A, v8;
	v8 =	vsel vm4, $0x118A, v20;
	v0 =	vsel vm2, $0xA8B, v0  }
0x13a: {  	v2 =	vsel vm2, $0xB8B, v2;
	v1 =	vsel vm4, $0xA8A, v7;
	v0 =	vsel vm3, $0xB0C, v0  }
0x13b: {  	v8 =	vsel vm2, $0x120B, v8;
	v1 =	vsel vm2, $0xB0B, v1;
	v0 =	vsel vm1, $0xB8D, v0  }
0x13c: {  	v2 =	vsel vm3, $0xC0C, v2;
	v1 =	vsel vm3, $0xB8C, v1;
	v0 =	vsel vm0, $0xC0E, v0  }
0x13d: {  	v7 =	vsel vm4, $0x110A, v19;
	v8 =	vsel vm3, $0x128C, v8;
	[tilespmem:$0x1FC20] =	vst v0;
	v0 =	vsel vm1, $0xC0D, v1  }
0x13e: {  	v6 =	vsel vm4, $0x108A, v18;
	v1 =	vsel vm1, $0xC8D, v2;
	v0 =	vsel vm0, $0xC8E, v0  }
0x13f: {  	v18 =	vsel vm4, $0x1F0A, v30;
	v30 =	vimm.s32 $0x2C2B2A29;
	[tilespmem:$0x1FC30] =	vst v0;
	v0 =	vsel vm0, $0xD0E, v1  }
0x140: {  	v7 =	vsel vm2, $0x118B, v7;
	v8 =	vsel vm1, $0x130D, v8;
	[tilespmem:$0x1FC40] =	vst v0;
	v0 =	vsel vm4, $0xB8A, v9  }
0x141: {  	v30 =	vunpack.c.0.s8.s32 v30;
	v6 =	vsel vm2, $0x110B, v6;
	v0 =	vsel vm2, $0xC0B, v0  }
0x142: {  	v7 =	vsel vm3, $0x120C, v7;
	v1 =	vsel vm4, $0xC0A, v10;
	v0 =	vsel vm3, $0xC8C, v0  }
0x143: {  	v2 =	vsel vm4, $0xC8A, v11;
	v1 =	vsel vm2, $0xC8B, v1;
	v0 =	vsel vm1, $0xD0D, v0  }
0x144: {  	v2 =	vsel vm2, $0xD0B, v2;
	v1 =	vsel vm3, $0xD0C, v1;
	v0 =	vsel vm0, $0xD8E, v0  }
0x145: {  	v6 =	vsel vm3, $0x118C, v6;
	v2 =	vsel vm3, $0xD8C, v2;
	[tilespmem:$0x1FC50] =	vst v0;
	v0 =	vsel vm1, $0xD8D, v1  }
0x146: {  	v7 =	vsel vm1, $0x128D, v7;
	[tilespmem:$0x1FC80] =	vst v30;
	v1 =	vsel vm1, $0xE0D, v2;
	v0 =	vsel vm0, $0xE0E, v0  }
0x147: {  	v30 =	vimm.s32 $0x202F2E2D;
	[tilespmem:$0x1FC60] =	vst v0;
	v0 =	vsel vm0, $0xE8E, v1;
	v1 =	vsel vm4, $0x160A, v13  }
0x148: {  	v30 =	vunpack.c.0.s8.s32 v30;
	v2 =	vsel vm4, $0x168A, v14;
	v1 =	vsel vm2, $0x168B, v1  }
0x149: {  	v6 =	vsel vm1, $0x120D, v6;
	v2 =	vsel vm2, $0x170B, v2;
	v1 =	vsel vm3, $0x170C, v1  }
0x14a: {  	v11 =	vsel vm4, $0x130A, v23;
	[tilespmem:$0x1FC90] =	vst v30;
	v2 =	vsel vm3, $0x178C, v2;
	v1 =	vsel vm1, $0x178D, v1  }
0x14b: {  	v11 =	vsel vm2, $0x138B, v11;
	[tilespmem:$0x1FC70] =	vst v0;
	v2 =	vsel vm1, $0x100D, v2;
	v1 =	vsel vm0, $0x100E, v1  }
0x14c: {  	v10 =	vsel vm4, $0x128A, v22;
	v11 =	vsel vm3, $0x140C, v11;
	[tilespmem:$0x1FCC0] =	vst v1;
	v1 =	vsel vm0, $0x108E, v2  }
0x14d: {  	v9 =	vsel vm4, $0x120A, v21;
	v10 =	vsel vm2, $0x130B, v10;
	[tilespmem:$0x1FCD0] =	vst v1;
	v1 =	vsel vm0, $0x110E, v3  }
0x14e: {  	v11 =	vsel vm1, $0x148D, v11;
	v9 =	vsel vm2, $0x128B, v9;
	[tilespmem:$0x1FCE0] =	vst v1;
	v1 =	vsel vm0, $0x118E, v4  }
0x14f: {  	v10 =	vsel vm3, $0x138C, v10;
	v9 =	vsel vm3, $0x130C, v9;
	[tilespmem:$0x1FCF0] =	vst v1;
	v1 =	vsel vm0, $0x120E, v5  }
0x150: {  	v10 =	vsel vm1, $0x140D, v10;
	v14 =	vsel vm4, $0x148A, v26;
	[tilespmem:$0x1FD00] =	vst v1;
	v1 =	vsel vm0, $0x128E, v6  }
0x151: {  	v9 =	vsel vm1, $0x138D, v9;
	v14 =	vsel vm2, $0x150B, v14;
	[tilespmem:$0x1FD10] =	vst v1;
	v1 =	vsel vm0, $0x130E, v7  }
0x152: {  	v0 =	vsel vm4, $0x158A, v12;
	v12 =	vsel vm4, $0x138A, v24;
	[tilespmem:$0x1FD20] =	vst v1;
	v1 =	vsel vm0, $0x138E, v8  }
0x153: {  	v13 =	vsel vm4, $0x140A, v25;
	v12 =	vsel vm2, $0x140B, v12;
	[tilespmem:$0x1FD30] =	vst v1;
	v1 =	vsel vm0, $0x140E, v9  }
0x154: {  	v13 =	vsel vm2, $0x148B, v13;
	v12 =	vsel vm3, $0x148C, v12;
	[tilespmem:$0x1FD40] =	vst v1;
	v1 =	vsel vm0, $0x148E, v10  }
0x155: {  	v13 =	vsel vm3, $0x150C, v13;
	v12 =	vsel vm1, $0x150D, v12;
	[tilespmem:$0x1FD50] =	vst v1;
	v1 =	vsel vm0, $0x150E, v11  }
0x156: {  	v14 =	vsel vm3, $0x158C, v14;
	v13 =	vsel vm1, $0x158D, v13;
	[tilespmem:$0x1FD60] =	vst v1;
	v1 =	vsel vm0, $0x158E, v12  }
0x157: {  	v20 =	vsel vm2, $0x188B, v63;
	v14 =	vsel vm1, $0x160D, v14;
	[tilespmem:$0x1FD70] =	vst v1;
	v1 =	vsel vm0, $0x160E, v13  }
0x158: {  	v15 =	vsel vm1, $0x1F0D, v15;
	v20 =	vsel vm3, $0x190C, v20;
	[tilespmem:$0x1FD80] =	vst v1;
	v1 =	vsel vm0, $0x168E, v14  }
0x159: {  	v19 =	vsel vm4, $0x1F8A, v31;
	v18 =	vsel vm2, $0x1F8B, v18;
	[tilespmem:$0x1FD90] =	vst v1;
	v1 =	vsel vm0, $0x1F8E, v15  }
0x15a: {  	v19 =	vsel vm2, $0x180B, v19;
	v18 =	vsel vm3, $0x180C, v18;
	[tilespmem:$0x1FDA0] =	vst v1;
	v1 =	vsel vm0, $0x180E, v16  }
0x15b: {  	v19 =	vsel vm3, $0x188C, v19;
	v18 =	vsel vm1, $0x188D, v18;
	[tilespmem:$0x1FDB0] =	vst v1;
	v1 =	vsel vm0, $0x188E, v17  }
0x15c: {  	v31 =	vimm.s32 $0x24232221;
	v19 =	vsel vm1, $0x190D, v19;
	[tilespmem:$0x1FDC0] =	vst v1;
	v1 =	vsel vm0, $0x190E, v18  }
0x15d: {  	v30 =	vunpack.c.0.s8.s32 v31;
	v31 =	vsel vm1, $0x198D, v20;
	[tilespmem:$0x1FDD0] =	vst v1;
	v1 =	vsel vm0, $0x198E, v19  }
0x15e: {  	v27 =	vsel vm3, $0x1C8C, v27;
	v59 =	vsel vm1, $0x1D8D, v28;
	[tilespmem:$0x1FDE0] =	vst v1;
	v1 =	vsel vm0, $0x1A0E, v31  }
0x15f: {  	v21 =	vsel vm2, $0x190B, v33;
	v26 =	vsel vm4, $0x1B0A, v38;
	[tilespmem:$0x1FDF0] =	vst v1;
	v1 =	vimm.s32 $0x2D2C2B2A  }
0x160: {  	v38 =	vsel vm1, $0x1D0D, v27;
	v31 =	vunpack.c.0.s8.s32 v1;
	v1 =	vimm.s32 $0x25242322  }
0x161: {  	v2 =	vimm.s32 $0x21202F2E;
	v33 =	vunpack.c.0.s8.s32 v1;
	v1 =	vimm.s32 $0x29282726  }
0x162: {  	v17 =	vsel vm0, $0x1D8E, v38;
	v38 =	vunpack.c.0.s8.s32 v1;
	v1 =	vimm.s32 $0x2221202F  }
0x163: {  	v10 =	vmovc v51;
	v51 =	vunpack.c.0.s8.s32 v2;
	v16 =	vmovc v57;
	v57 =	vunpack.c.0.s8.s32 v1;
	v1 =	vimm.s32 $0x26252423  }
0x164: {  	v18 =	vsel vm0, $0x1E0E, v59;
	v59 =	vunpack.c.0.s8.s32 v1;
	v1 =	vimm.s32 $0x2F2E2D2C  }
0x165: {  	v2 =	vimm.s32 $0x2E2D2C2B;
	v14 =	vmovc v58;
	v58 =	vunpack.c.0.s8.s32 v1;
	v1 =	vimm.s32 $0x23222120  }
0x166: {  	v15 =	vmovc v56;
	v56 =	vunpack.c.0.s8.s32 v2;
	v2 =	vimm.s32 $0x2A292827;
	v1 =	vunpack.c.0.s8.s32 v1  }
0x167: {  	v6 =	vsel vm0, $0x1E8E, v60;
	v60 =	vunpack.c.0.s8.s32 v2;
	v2 =	vimm.s32 $0x27262524  }
0x168: {  	v0 =	vsel vm2, $0x160B, v0;
	[tilespmem:$0x1FE00] =	vst v1;
	v1 =	vunpack.c.0.s8.s32 v2  }
0x169: {  	[tilespmem:$0x1FCA0] =	vst v30;
	v0 =	vsel vm3, $0x168C, v0  }
0x16a: {  	s3 =	stileid.u32;
	v30 =	vsel vm1, $0x170D, v0;
	[tilespmem:$0x1FE10] =	vst v1;
	v1 =	vimm.s32 $0x2B2A2928  }
0x16b: {  	s0 =	rddreg [dreg:$0x0];
	s4 =	sshll.u32 s3, $0x1;
	s3 =	simm.s32 $0x0;
	v63 =	vsel vm0, $0x178E, v30;
	v1 =	vunpack.c.0.s8.s32 v1  }
0x16c: {  	[smem:$0x7FF] =	sst s3;
	[tilespmem:$0x1FCB0] =	vst v63  }
0x16d: {  	s2 =	rddreg [dreg:$0x1];
	_ =	strace $0x80000047;
	[tilespmem:$0x1FE20] =	vst v1;
	v1 =	vimm.s32 $0x3C3B3A39  }
0x16e: {  	v1 =	vunpack.c.0.s8.s32 v1  }
0x16f: {  	v2 =	vimm.s32 $0x303F3E3D  }
0x170: {  	[tilespmem:$0x1FE30] =	vst v1;
	v1 =	vunpack.c.0.s8.s32 v2;
	_ =	sdelay $0x1  }
0x171: {  	[tilespmem:$0x1FE40] =	vst v1;
	v1 =	vimm.s32 $0x34333231  }
0x172: {  	v1 =	vunpack.c.0.s8.s32 v1;
	_ =	sdelay $0x1  }
0x173: {  	[tilespmem:$0x1FE50] =	vst v1;
	v1 =	vimm.s32 $0x38373635  }
0x174: {  	v1 =	vunpack.c.0.s8.s32 v1  }
0x175: {  	v2 =	vimm.s32 $0x3D3C3B3A  }
0x176: {  	[tilespmem:$0x1FE60] =	vst v1;
	v1 =	vunpack.c.0.s8.s32 v2;
	_ =	sdelay $0x1  }
0x177: {  	[tilespmem:$0x1FE70] =	vst v1;
	v1 =	vimm.s32 $0x31303F3E  }
0x178: {  	v1 =	vunpack.c.0.s8.s32 v1;
	_ =	sdelay $0x1  }
0x179: {  	[tilespmem:$0x1FE80] =	vst v1;
	v1 =	vimm.s32 $0x35343332  }
0x17a: {  	v1 =	vunpack.c.0.s8.s32 v1  }
0x17b: {  	[tilespmem:$0x1FF30] =	vst v43;
	v2 =	vimm.s32 $0x39383736  }
0x17c: {  	v8 =	vmov v50;
	[tilespmem:$0x1FE90] =	vst v1;
	v1 =	vunpack.c.0.s8.s32 v2  }
0x17d: {  	v37 =	vsel vm6, $0x1A09, v37;
	v34 =	vsel vm5, $0x1808, v34;
	v35 =	vsel vm5, $0x1888, v35;
	[tilespmem:$0x1FF40] =	vst v8  }
0x17e: {  	v36 =	vsel vm6, $0x1989, v36;
	v35 =	vsel vm6, $0x1909, v35;
	[tilespmem:$0x1FEA0] =	vst v1;
	v1 =	vimm.s32 $0x3E3D3C3B  }
0x17f: {  	v34 =	vsel vm6, $0x1889, v34;
	v47 =	vsel vm4, $0x198A, v35;
	[tilespmem:$0x1FF50] =	vst v10;
	v1 =	vunpack.c.0.s8.s32 v1  }
0x180: {  	v34 =	vsel vm4, $0x190A, v34;
	v23 =	vsel vm2, $0x1A0B, v47;
	v24 =	vsel vm4, $0x1A0A, v36;
	[tilespmem:$0x1FF60] =	vst v48  }
0x181: {  	v23 =	vsel vm3, $0x1A8C, v23;
	v24 =	vsel vm2, $0x1A8B, v24;
	[tilespmem:$0x1FEB0] =	vst v1;
	v1 =	vimm.s32 $0x3231303F  }
0x182: {  	v25 =	vsel vm4, $0x1A8A, v37;
	v24 =	vsel vm3, $0x1B0C, v24;
	[tilespmem:$0x1FF70] =	vst v18;
	v1 =	vunpack.c.0.s8.s32 v1  }
0x183: {  	s1 =	srdreg.scid;
	v25 =	vsel vm2, $0x1B0B, v25;
	v35 =	vsel vm1, $0x1B8D, v24;
	[tilespmem:$0x1FF80] =	vst v6;
	v2 =	vimm.s32 $0x36353433  }
0x184: {  	s1 =	sand.u32 $0x1, s1;
	v25 =	vsel vm3, $0x1B8C, v25;
	v20 =	vsel vm0, $0x1C0E, v35;
	[tilespmem:$0x1FEC0] =	vst v1;
	v1 =	vunpack.c.0.s8.s32 v2  }
0x185: {  	s6 =	sor.u32 s1, s4;
	v22 =	vsel vm2, $0x198B, v34;
	v36 =	vsel vm1, $0x1C0D, v25;
	[tilespmem:$0x1FF90] =	vst v20;
	v2 =	vimm.s32 $0x3A393837  }
0x186: {  	s19 =	simm.s32 $0x80;
	s1 =	ssub.s32 $0x2, s1;
	s4 =	smul.u32 $0xC8, s6;
	v49 =	vsel vm1, $0x1B0D, v23;
	v23 =	vsel vm0, $0x1C8E, v36;
	[tilespmem:$0x1FED0] =	vst v1;
	v1 =	vunpack.c.0.s8.s32 v2  }
0x187: {  	s21 =	simm.s32 $0x100;
	s6 =	sshll.u32 s6, $0xA;
	s9 =	sshrl.u32 s1, $0x1;
	v22 =	vsel vm3, $0x1A0C, v22;
	v26 =	vsel vm2, $0x1B8B, v26;
	v3 =	vimm.s32 $0x3F3E3D3C;
	[tilespmem:$0x1FFA0] =	vst v23  }
0x188: {  	s5 =	sadd.s32 $0x19600, s0;
	s6 =	sand.u32 $0xC00, s6;
	s26 =	ssub.s32 s1, s9;
	v49 =	vsel vm0, $0x1B8E, v49;
	v26 =	vsel vm3, $0x1C0C, v26;
	[tilespmem:$0x1FEE0] =	vst v1;
	v1 =	vunpack.c.0.s8.s32 v3  }
0x189: {  	s1 =	simm.s32 $0x8000;
	s7 =	sshll.u32 s4, $0x4;
	s8 =	sshrl.u32 s4, $0x1;
	v21 =	vsel vm3, $0x198C, v21;
	v47 =	vsel vm1, $0x1C8D, v26;
	v4 =	vimm.s32 $0x33323130;
	[tilespmem:$0x1FFB0] =	vst v41  }
0x18a: {  	s17 =	smax.u32 s26, $0x1;
	s26 =	simm.s32 $0x400;
	s7 =	sand.u32 $0x1F000, s7;
	v32 =	vsel vm1, $0x1A0D, v21;
	v47 =	vsel vm0, $0x1D0E, v47;
	[tilespmem:$0x1FEF0] =	vst v1;
	v1 =	vunpack.c.0.s8.s32 v4  }
0x18b: {  	s25 =	simm.s32 $0x1;
	s8 =	sand.u32 $0x70, s8;
	s7 =	sor.u32 s6, s7;
	v55 =	vsel vm1, $0x1A8D, v22;
	v30 =	vsel vm0, $0x1A8E, v32;
	v5 =	vimm.s32 $0x37363534;
	[tilespmem:$0x1FFC0] =	vst v47  }
0x18c: {  	s6 =	sadd.s32 $0x600, s0;
	s12 =	sor.u32 s8, s7;
	s7 =	sadd.s32 $0xF74A00, s0;
	v13 =	vmovc v54;
	v54 =	vsel vm0, $0x1B0E, v55;
	vm0 =	vcmask $0x1F10;
	[tilespmem:$0x1FF00] =	vst v1;
	v1 =	vunpack.c.0.s8.s32 v5  }
0x18d: {  	s30 =	simm.s32 $0x2;
	s31 =	simm.s32 $0x3;
	s16 =	sor.u32 $0x4, s4;
	v0 =	vimm.s32 $0x28272625;
	v7 =	vimm.s32 $0x3B3A3938;
	v9 =	vsel vm0, v16, v15;
	[tilespmem:$0x1FFD0] =	vst v40  }
0x18e: {  	s0 =	simm.s32 $0x0;
	s28 =	sor.u32 $0x80, s12;
	s8 =	sadd.s32 s5, s12;
	v2 =	vlaneseq.u32;
	[tilespmem:$0x1FF10] =	vst v1;
	v1 =	vunpack.c.0.s8.s32 v7;
	v7 =	vsel vm0, v14, v13  }
0x18f: {  	s9 =	sadd.s32 s6, s12;
	s29 =	sor.u32 $0x100, s12;
	s15 =	sor.u32 $0x180, s12;
	v0 =	vunpack.c.0.s8.s32 v0;
	[tilespmem:$0x1FFE0] =	vst v17;
	v37 =	vmul.u32 $0x81, v2;
	v24 =	vcombine.low v9, v7  }
0x190: {  	s10 =	sadd.s32 s5, s28;
	s11 =	sadd.s32 s6, s28;
	s12 =	sadd.s32 s5, s29;
	v63 =	vmul.u32 $0x80, v2;
	v4 =	vsel vm0, v10, v50;
	v50 =	vsel vm0, v53, v52;
	[tilespmem:$0x1FF20] =	vst v1  }
0x191: {  	s13 =	sadd.s32 s6, s29;
	s14 =	sadd.s32 s5, s15;
	s15 =	sadd.s32 s6, s15;
	v11 =	vmovc v52;
	v12 =	vmovc v53;
	v3 =	vor.u32 $0x10, v2;
	v53 =	vcombine.low v50, v4;
	v1 =	vor.u32 $0x800, v37;
	[tilespmem:$0x1FFF0] =	vst v24  }
.LBB2_1:
0x192: {  	[tilespmem:s3], [sflag:$0x1] =	stream.linear.gather [hbm4b:s8+s3], $0x80, $0x38;
	[tilespmem:$0x18400] =	vst v63  }
0x193: {  	s18 =	simm.s32 $0x200  }
0x194: {  	[tilespmem:s18], [sflag:$0x1] =	stream.linear.gather [hbm4b:s9+s3], $0x80, $0x38;
	[tilespmem:$0x18400] =	vst v63  }
0x195: {  	_ = 	snop  }
0x196: {  	[tilespmem:s19], [sflag:$0x1] =	stream.linear.gather [hbm4b:s10+s3], $0x80, $0x38;
	[tilespmem:$0x18400] =	vst v63  }
0x197: {  	s20 =	simm.s32 $0x280  }
0x198: {  	[tilespmem:s20], [sflag:$0x1] =	stream.linear.gather [hbm4b:s11+s3], $0x80, $0x38;
	[tilespmem:$0x18400] =	vst v63  }
0x199: {  	_ = 	snop  }
0x19a: {  	[tilespmem:s21], [sflag:$0x1] =	stream.linear.gather [hbm4b:s12+s3], $0x80, $0x38;
	[tilespmem:$0x18400] =	vst v63  }
0x19b: {  	s22 =	simm.s32 $0x300  }
0x19c: {  	[tilespmem:s22], [sflag:$0x1] =	stream.linear.gather [hbm4b:s13+s3], $0x80, $0x38;
	[tilespmem:$0x18400] =	vst v63  }
0x19d: {  	s23 =	simm.s32 $0x180  }
0x19e: {  	[tilespmem:s23], [sflag:$0x1] =	stream.linear.gather [hbm4b:s14+s3], $0x80, $0x38;
	[tilespmem:$0x18400] =	vst v63  }
0x19f: {  	s24 =	simm.s32 $0x380  }
0x1a0: {  	[tilespmem:s24], [sflag:$0x1] =	stream.linear.gather [hbm4b:s15+s3], $0x80, $0x38;
	[tilespmem:$0x18400] =	vst v63  }
0x1a1: {  	_ =	swait.ge [sflag:s25], $0x80  }
0x1a2: {  	[sflag:s25] =	ssyncset.done $0x0  }
0x1a3: {  	[sflag:s25] =	ssyncadd.s32 $0xFFFFFF80  }
0x1a4: {  	_ =	swait.ge [sflag:s25], $0x80  }
0x1a5: {  	[sflag:s25] =	ssyncset.done $0x0  }
0x1a6: {  	[sflag:s25] =	ssyncadd.s32 $0xFFFFFF80  }
0x1a7: {  	[tilespmem:s26], [sflag:$0x2] =	stream.indirect.gather [hbm4b:s7+s19], $0x80, s3, s19, $0xb8;
	[tilespmem:$0x18400] =	vst v63  }
0x1a8: {  	_ =	swait.ge [sflag:s25], $0x80  }
0x1a9: {  	[sflag:s25] =	ssyncset.done $0x0  }
0x1aa: {  	[sflag:s25] =	ssyncadd.s32 $0xFFFFFF80  }
0x1ab: {  	_ =	swait.ge [sflag:s25], $0x80  }
0x1ac: {  	[sflag:s25] =	ssyncset.done $0x0  }
0x1ad: {  	s28 =	simm.s32 $0x4400;
	[sflag:s25] =	ssyncadd.s32 $0xFFFFFF80  }
0x1ae: {  	[tilespmem:s28], [sflag:$0x2] =	stream.indirect.gather [hbm4b:s7+s19], $0x80, s19, s19, $0xb8;
	[tilespmem:$0x18400] =	vst v63  }
0x1af: {  	_ =	swait.ge [sflag:s25], $0x80  }
0x1b0: {  	[sflag:s25] =	ssyncset.done $0x0  }
0x1b1: {  	[sflag:s25] =	ssyncadd.s32 $0xFFFFFF80  }
0x1b2: {  	_ =	swait.ge [sflag:s25], $0x80  }
0x1b3: {  	s29 =	simm.s32 $0x8400;
	[sflag:s25] =	ssyncset.done $0x0  }
0x1b4: {  	s18 =	simm.s32 $0x0;
	s20 =	simm.s32 $0x0;
	[sflag:s25] =	ssyncadd.s32 $0xFFFFFF80  }
0x1b5: {  	[tilespmem:s29], [sflag:$0x2] =	stream.indirect.gather [hbm4b:s7+s19], $0x80, s21, s19, $0xb8;
	[tilespmem:$0x18400] =	vst v63  }
.LBB2_2:
0x1b6: {  	_ =	swait.ge [sflag:s30], $0x4000  }
0x1b7: {  	p0 =	sgt.u32 s20, $0xC4;
	[sflag:s30] =	ssyncset.done $0x0  }
0x1b8: {  	s22 =	simm.s32 @!p0 $0x1;
	[sflag:s30] =	ssyncadd.s32 $0xFFFFC000  }
0x1b9: {  	_ =	swait.ge @!p0 [sflag:s22], $0x80  }
0x1ba: {  	[sflag:s22] =	ssyncset.done @!p0 $0x0  }
0x1bb: {  	s23 =	sadd.s32 @!p0 $0xFFFFFFFF, s20;
	[sflag:s22] =	ssyncadd.s32 @!p0 $0xFFFFFF80  }
0x1bc: {  	p1 =	slt.u32 @!p0 s20, $0x4;
	s23 =	sand.u32 @!p0 $0x3, s23;
	_ =	swait.ge @!p0 [sflag:s22], $0x80  }
0x1bd: {  	s24 =	sshll.u32 @!p0 s23, $0x7;
	s23 =	sshll.u32 @!p0 s23, $0xE;
	[sflag:s22] =	ssyncset.done @!p0 $0x0  }
0x1be: {  	[sflag:s22] =	ssyncadd.s32 @!p0 $0xFFFFFF80;
	s22 =	sor.u32 @!p0 $0x400, s23;
	s23 =	simm.s32 @!p0 $0x80  }
0x1bf: {  	[tilespmem:s22], [sflag:$0x2] =	stream.indirect.gather @!p0 [hbm4b:s7+s23], $0x80, s24, s23, $0xb8;
	[tilespmem:$0x18400] =	vst v63  }
0x1c0: {  	p0 =	por p0, !p1  }
0x1c1: {  	s24 =	sand.u32 $0x3, s18;
	s23 =	sand.u32 $0x3, s20;
	_ =	swait.ge @p0 [sflag:s31], $0x2000  }
0x1c2: {  	s22 =	sshll.u32 s24, $0x7;
	s29 =	sshll.u32 s23, $0xD;
	[sflag:s31] =	ssyncset.done @p0 $0x0  }
0x1c3: {  	s24 =	sor.u32 $0x200, s22;
	s22 =	sshll.u32 s23, $0xE;
	[sflag:s31] =	ssyncadd.s32 @p0 $0xFFFFE000  }
0x1c4: {  	s28 =	sor.u32 $0x400, s22;
	s22 =	sor.u32 $0x10400, s29;
	s29 =	simm.s32 $0x0  }
.LBB2_3:
0x1c5: {  	v18 =	vld [tilespmem:s24+$0x0];
	_ =	sdelay $0x3  }
0x1c6: {  	v19 =	vmov s29  }
0x1c7: {  	v19 =	vshll.u32 v19, $0x7;
	v20 =	vadd.s32 v2, v18  }
0x1c8: {  	v19 =	vor.u32 v63, v19;
	v21 =	vand.u32 $0xFFFFFF80, v20  }
0x1c9: {  	v20 =	vand.u32 $0x7F, v20;
	v21 =	vadd.s32 v19, v21  }
0x1ca: {  	v34 =	vld [tilespmem:$0x1F9D0];
	v20 =	vor.u32 v20, v21;
	_ =	sdelay $0x4  }
0x1cb: {  	v21 =	vadd.s32 v34, v18;
	v20 =	vld.idx.msk [tilespmem:v20+s28+$0x0], $0xffff  }
0x1cc: {  	v22 =	vand.u32 $0xFFFFFF80, v21  }
0x1cd: {  	v23 =	vor.u32 s29, v37;
	v21 =	vand.u32 $0x7F, v21;
	v22 =	vadd.s32 v19, v22  }
0x1ce: {  	v35 =	vld [tilespmem:$0x1F9F0];
	v21 =	vor.u32 v21, v22;
	_ =	sdelay $0x1  }
0x1cf: {  	v39 =	vld [tilespmem:$0x1F9E0];
	v20 =	vmul.f32 $8.000000000e+00, v20;
	_ =	sdelay $0x1  }
0x1d0: {  	[tilespmem:v23+s22+$0x0] =	vst.idx.msk $0xffff, v20  }
0x1d1: {  	v20 =	vld.idx.msk [tilespmem:v21+s28+$0x0], $0xffff;
	v21 =	vadd.s32 v35, v18  }
0x1d2: {  	v36 =	vand.u32 $0xFFFFFF80, v21  }
0x1d3: {  	v23 =	vor.u32 s29, v39;
	v21 =	vand.u32 $0x7F, v21;
	v22 =	vadd.s32 v19, v36  }
0x1d4: {  	v47 =	vld [tilespmem:$0x1FA10];
	v21 =	vor.u32 v21, v22;
	_ =	sdelay $0x1  }
0x1d5: {  	v55 =	vld [tilespmem:$0x1FA00];
	v20 =	vmul.f32 $8.000000000e+00, v20;
	_ =	sdelay $0x1  }
0x1d6: {  	[tilespmem:v23+s22+$0x0] =	vst.idx.msk $0xffff, v20  }
0x1d7: {  	v20 =	vld.idx.msk [tilespmem:v21+s28+$0x0], $0xffff;
	v21 =	vadd.s32 v47, v18  }
0x1d8: {  	v52 =	vand.u32 $0xFFFFFF80, v21  }
0x1d9: {  	v23 =	vor.u32 s29, v55;
	v21 =	vand.u32 $0x7F, v21;
	v22 =	vadd.s32 v19, v52  }
0x1da: {  	v32 =	vld [tilespmem:$0x1FA30];
	v21 =	vor.u32 v21, v22;
	_ =	sdelay $0x1  }
0x1db: {  	v35 =	vld [tilespmem:$0x1FA20];
	v20 =	vmul.f32 $8.000000000e+00, v20;
	_ =	sdelay $0x1  }
0x1dc: {  	[tilespmem:v23+s22+$0x0] =	vst.idx.msk $0xffff, v20  }
0x1dd: {  	v20 =	vld.idx.msk [tilespmem:v21+s28+$0x0], $0xffff;
	v21 =	vadd.s32 v32, v18  }
0x1de: {  	v34 =	vand.u32 $0xFFFFFF80, v21  }
0x1df: {  	v23 =	vor.u32 s29, v35;
	v21 =	vand.u32 $0x7F, v21;
	v22 =	vadd.s32 v19, v34  }
0x1e0: {  	v36 =	vld [tilespmem:$0x1FA50];
	v21 =	vor.u32 v21, v22;
	_ =	sdelay $0x1  }
0x1e1: {  	v47 =	vld [tilespmem:$0x1FA40];
	v20 =	vmul.f32 $8.000000000e+00, v20;
	_ =	sdelay $0x1  }
0x1e2: {  	[tilespmem:v23+s22+$0x0] =	vst.idx.msk $0xffff, v20  }
0x1e3: {  	v20 =	vld.idx.msk [tilespmem:v21+s28+$0x0], $0xffff;
	v21 =	vadd.s32 v36, v18  }
0x1e4: {  	v39 =	vand.u32 $0xFFFFFF80, v21  }
0x1e5: {  	v23 =	vor.u32 s29, v47;
	v21 =	vand.u32 $0x7F, v21;
	v22 =	vadd.s32 v19, v39  }
0x1e6: {  	v52 =	vld [tilespmem:$0x1FA70];
	v21 =	vor.u32 v21, v22;
	_ =	sdelay $0x1  }
0x1e7: {  	v32 =	vld [tilespmem:$0x1FA60];
	v20 =	vmul.f32 $8.000000000e+00, v20;
	_ =	sdelay $0x1  }
0x1e8: {  	[tilespmem:v23+s22+$0x0] =	vst.idx.msk $0xffff, v20  }
0x1e9: {  	v20 =	vld.idx.msk [tilespmem:v21+s28+$0x0], $0xffff;
	v21 =	vadd.s32 v52, v18  }
0x1ea: {  	v55 =	vand.u32 $0xFFFFFF80, v21  }
0x1eb: {  	v23 =	vor.u32 s29, v32;
	v21 =	vand.u32 $0x7F, v21;
	v22 =	vadd.s32 v19, v55  }
0x1ec: {  	v34 =	vld [tilespmem:$0x1FA90];
	v21 =	vor.u32 v21, v22;
	_ =	sdelay $0x1  }
0x1ed: {  	v36 =	vld [tilespmem:$0x1FA80];
	v20 =	vmul.f32 $8.000000000e+00, v20;
	_ =	sdelay $0x1  }
0x1ee: {  	[tilespmem:v23+s22+$0x0] =	vst.idx.msk $0xffff, v20  }
0x1ef: {  	v20 =	vld.idx.msk [tilespmem:v21+s28+$0x0], $0xffff;
	v21 =	vadd.s32 v34, v18  }
0x1f0: {  	v35 =	vand.u32 $0xFFFFFF80, v21  }
0x1f1: {  	v23 =	vor.u32 s29, v36;
	v21 =	vand.u32 $0x7F, v21;
	v22 =	vadd.s32 v19, v35  }
0x1f2: {  	v39 =	vld [tilespmem:$0x1FAB0];
	v21 =	vor.u32 v21, v22;
	_ =	sdelay $0x1  }
0x1f3: {  	v52 =	vld [tilespmem:$0x1FAA0];
	v20 =	vmul.f32 $8.000000000e+00, v20;
	_ =	sdelay $0x1  }
0x1f4: {  	[tilespmem:v23+s22+$0x0] =	vst.idx.msk $0xffff, v20  }
0x1f5: {  	v20 =	vld.idx.msk [tilespmem:v21+s28+$0x0], $0xffff;
	v21 =	vadd.s32 v39, v18  }
0x1f6: {  	v47 =	vand.u32 $0xFFFFFF80, v21  }
0x1f7: {  	v23 =	vor.u32 s29, v52;
	v21 =	vand.u32 $0x7F, v21;
	v22 =	vadd.s32 v19, v47  }
0x1f8: {  	v55 =	vld [tilespmem:$0x1FAD0];
	v21 =	vor.u32 v21, v22;
	_ =	sdelay $0x1  }
0x1f9: {  	v34 =	vld [tilespmem:$0x1FAC0];
	v20 =	vmul.f32 $8.000000000e+00, v20;
	_ =	sdelay $0x1  }
0x1fa: {  	[tilespmem:v23+s22+$0x0] =	vst.idx.msk $0xffff, v20  }
0x1fb: {  	v20 =	vld.idx.msk [tilespmem:v21+s28+$0x0], $0xffff;
	v21 =	vadd.s32 v55, v18  }
0x1fc: {  	v32 =	vand.u32 $0xFFFFFF80, v21  }
0x1fd: {  	v23 =	vor.u32 s29, v34;
	v21 =	vand.u32 $0x7F, v21;
	v22 =	vadd.s32 v19, v32  }
0x1fe: {  	v35 =	vld [tilespmem:$0x1FAF0];
	v21 =	vor.u32 v21, v22;
	_ =	sdelay $0x1  }
0x1ff: {  	v39 =	vld [tilespmem:$0x1FAE0];
	v20 =	vmul.f32 $8.000000000e+00, v20;
	_ =	sdelay $0x1  }
0x200: {  	[tilespmem:v23+s22+$0x0] =	vst.idx.msk $0xffff, v20  }
0x201: {  	v20 =	vld.idx.msk [tilespmem:v21+s28+$0x0], $0xffff;
	v21 =	vadd.s32 v35, v18  }
0x202: {  	v36 =	vand.u32 $0xFFFFFF80, v21  }
0x203: {  	v23 =	vor.u32 s29, v39;
	v21 =	vand.u32 $0x7F, v21;
	v22 =	vadd.s32 v19, v36  }
0x204: {  	v47 =	vld [tilespmem:$0x1FB10];
	v21 =	vor.u32 v21, v22;
	_ =	sdelay $0x1  }
0x205: {  	v55 =	vld [tilespmem:$0x1FB00];
	v20 =	vmul.f32 $8.000000000e+00, v20;
	_ =	sdelay $0x1  }
0x206: {  	[tilespmem:v23+s22+$0x0] =	vst.idx.msk $0xffff, v20  }
0x207: {  	v20 =	vld.idx.msk [tilespmem:v21+s28+$0x0], $0xffff;
	v21 =	vadd.s32 v47, v18  }
0x208: {  	v52 =	vand.u32 $0xFFFFFF80, v21  }
0x209: {  	v23 =	vor.u32 s29, v55;
	v21 =	vand.u32 $0x7F, v21;
	v22 =	vadd.s32 v19, v52  }
0x20a: {  	v32 =	vld [tilespmem:$0x1FB30];
	v21 =	vor.u32 v21, v22;
	_ =	sdelay $0x1  }
0x20b: {  	v35 =	vld [tilespmem:$0x1FB20];
	v20 =	vmul.f32 $8.000000000e+00, v20;
	_ =	sdelay $0x1  }
0x20c: {  	[tilespmem:v23+s22+$0x0] =	vst.idx.msk $0xffff, v20  }
0x20d: {  	v20 =	vld.idx.msk [tilespmem:v21+s28+$0x0], $0xffff;
	v21 =	vadd.s32 v32, v18  }
0x20e: {  	v34 =	vand.u32 $0xFFFFFF80, v21  }
0x20f: {  	v23 =	vor.u32 s29, v35;
	v21 =	vand.u32 $0x7F, v21;
	v22 =	vadd.s32 v19, v34  }
0x210: {  	v36 =	vld [tilespmem:$0x1FB50];
	v21 =	vor.u32 v21, v22;
	_ =	sdelay $0x1  }
0x211: {  	v47 =	vld [tilespmem:$0x1FB40];
	v20 =	vmul.f32 $8.000000000e+00, v20;
	_ =	sdelay $0x1  }
0x212: {  	[tilespmem:v23+s22+$0x0] =	vst.idx.msk $0xffff, v20  }
0x213: {  	v20 =	vld.idx.msk [tilespmem:v21+s28+$0x0], $0xffff;
	v21 =	vadd.s32 v36, v18  }
0x214: {  	v39 =	vand.u32 $0xFFFFFF80, v21  }
0x215: {  	v23 =	vor.u32 s29, v47;
	v21 =	vand.u32 $0x7F, v21;
	v22 =	vadd.s32 v19, v39  }
0x216: {  	v52 =	vld [tilespmem:$0x1FB70];
	v21 =	vor.u32 v21, v22;
	_ =	sdelay $0x1  }
0x217: {  	v32 =	vld [tilespmem:$0x1FB60];
	v20 =	vmul.f32 $8.000000000e+00, v20;
	_ =	sdelay $0x1  }
0x218: {  	[tilespmem:v23+s22+$0x0] =	vst.idx.msk $0xffff, v20  }
0x219: {  	v20 =	vld.idx.msk [tilespmem:v21+s28+$0x0], $0xffff;
	v21 =	vadd.s32 v52, v18  }
0x21a: {  	v55 =	vand.u32 $0xFFFFFF80, v21  }
0x21b: {  	v23 =	vor.u32 s29, v32;
	v21 =	vand.u32 $0x7F, v21;
	v22 =	vadd.s32 v19, v55  }
0x21c: {  	v34 =	vld [tilespmem:$0x1FB90];
	v21 =	vor.u32 v21, v22;
	_ =	sdelay $0x1  }
0x21d: {  	v36 =	vld [tilespmem:$0x1FB80];
	v20 =	vmul.f32 $8.000000000e+00, v20;
	_ =	sdelay $0x1  }
0x21e: {  	[tilespmem:v23+s22+$0x0] =	vst.idx.msk $0xffff, v20  }
0x21f: {  	v20 =	vld.idx.msk [tilespmem:v21+s28+$0x0], $0xffff;
	v21 =	vadd.s32 v34, v18  }
0x220: {  	v35 =	vand.u32 $0xFFFFFF80, v21  }
0x221: {  	v23 =	vor.u32 s29, v36;
	v21 =	vand.u32 $0x7F, v21;
	v22 =	vadd.s32 v19, v35  }
0x222: {  	v21 =	vor.u32 v21, v22;
	_ =	sdelay $0x1  }
0x223: {  	v52 =	vld [tilespmem:$0x1FBA0];
	v20 =	vmul.f32 $8.000000000e+00, v20;
	_ =	sdelay $0x1  }
0x224: {  	[tilespmem:v23+s22+$0x0] =	vst.idx.msk $0xffff, v20  }
0x225: {  	v39 =	vadd.s32 v3, v18;
	v20 =	vld.idx.msk [tilespmem:v21+s28+$0x0], $0xffff  }
0x226: {  	v47 =	vand.u32 $0xFFFFFF80, v39  }
0x227: {  	v22 =	vadd.s32 v19, v47;
	v23 =	vor.u32 s29, v52;
	v21 =	vand.u32 $0x7F, v39  }
0x228: {  	v21 =	vor.u32 v21, v22;
	_ =	sdelay $0x1  }
0x229: {  	v20 =	vmul.f32 $8.000000000e+00, v20;
	_ =	sdelay $0x1  }
0x22a: {  	[tilespmem:v23+s22+$0x0] =	vst.idx.msk $0xffff, v20  }
0x22b: {  	v55 =	vadd.s32 v53, v18;
	v20 =	vld.idx.msk [tilespmem:v21+s28+$0x0], $0xffff  }
0x22c: {  	v32 =	vand.u32 $0xFFFFFF80, v55  }
0x22d: {  	v34 =	vor.u32 s29, v1;
	v22 =	vadd.s32 v19, v32;
	v21 =	vand.u32 $0x7F, v55  }
0x22e: {  	v21 =	vor.u32 v21, v22;
	_ =	sdelay $0x1  }
0x22f: {  	v39 =	vld [tilespmem:$0x1FBB0];
	v20 =	vmul.f32 $8.000000000e+00, v20;
	_ =	sdelay $0x1  }
0x230: {  	v35 =	vadd.s32 v24, v18;
	[tilespmem:v34+s22+$0x0] =	vst.idx.msk $0xffff, v20  }
0x231: {  	v36 =	vand.u32 $0xFFFFFF80, v35;
	v20 =	vld.idx.msk [tilespmem:v21+s28+$0x0], $0xffff  }
0x232: {  	v24 =	vsel vm0, v61, v42;
	v22 =	vadd.s32 v19, v36;
	v21 =	vand.u32 $0x7F, v35  }
0x233: {  	v23 =	vor.u32 s29, v39;
	v21 =	vor.u32 v21, v22;
	v22 =	vsel vm0, v41, v40  }
0x234: {  	v25 =	vcombine.low v24, v22;
	_ =	sdelay $0x1  }
0x235: {  	v47 =	vadd.s32 v25, v18;
	v25 =	vld [tilespmem:$0x1FBC0];
	v20 =	vmul.f32 $8.000000000e+00, v20;
	_ =	sdelay $0x1  }
0x236: {  	[tilespmem:v23+s22+$0x0] =	vst.idx.msk $0xffff, v20  }
0x237: {  	v20 =	vld.idx.msk [tilespmem:v21+s28+$0x0], $0xffff  }
0x238: {  	v52 =	vand.u32 $0xFFFFFF80, v47  }
0x239: {  	v23 =	vadd.s32 v19, v52;
	v21 =	vand.u32 $0x7F, v47;
	v25 =	vor.u32 s29, v25  }
0x23a: {  	v21 =	vor.u32 v21, v23;
	_ =	sdelay $0x1  }
0x23b: {  	v26 =	vsel vm0, v62, v44;
	v23 =	vsel vm0, v46, v45;
	v20 =	vmul.f32 $8.000000000e+00, v20  }
0x23c: {  	v27 =	vcombine.low v26, v23  }
0x23d: {  	[tilespmem:v25+s22+$0x0] =	vst.idx.msk $0xffff, v20  }
0x23e: {  	v55 =	vadd.s32 v27, v18;
	v20 =	vld.idx.msk [tilespmem:v21+s28+$0x0], $0xffff  }
0x23f: {  	v25 =	vand.u32 $0xFFFFFF80, v55  }
0x240: {  	v27 =	vor.u32 s29, v43;
	v21 =	vand.u32 $0x7F, v55;
	v25 =	vadd.s32 v19, v25  }
0x241: {  	v21 =	vor.u32 v21, v25;
	_ =	sdelay $0x1  }
0x242: {  	v28 =	vsel vm0, v8, v12;
	v25 =	vsel vm0, v11, v10;
	v20 =	vmul.f32 $8.000000000e+00, v20  }
0x243: {  	v29 =	vcombine.low v28, v25  }
0x244: {  	[tilespmem:v27+s22+$0x0] =	vst.idx.msk $0xffff, v20  }
0x245: {  	v32 =	vadd.s32 v29, v18;
	v20 =	vld.idx.msk [tilespmem:v21+s28+$0x0], $0xffff  }
0x246: {  	v27 =	vand.u32 $0xFFFFFF80, v32  }
0x247: {  	v29 =	vor.u32 s29, v48;
	v21 =	vand.u32 $0x7F, v32;
	v27 =	vadd.s32 v19, v27  }
0x248: {  	v21 =	vor.u32 v21, v27;
	_ =	sdelay $0x1  }
0x249: {  	v10 =	vld [tilespmem:$0x1FBD0];
	v20 =	vmul.f32 $8.000000000e+00, v20;
	_ =	sdelay $0x1  }
0x24a: {  	v43 =	vmov v30;
	v30 =	vsel vm0, v13, v16;
	v27 =	vsel vm0, v15, v14;
	[tilespmem:v29+s22+$0x0] =	vst.idx.msk $0xffff, v20  }
0x24b: {  	v8 =	vcombine.low v30, v27;
	v20 =	vld.idx.msk [tilespmem:v21+s28+$0x0], $0xffff;
	_ =	sdelay $0x1  }
0x24c: {  	v8 =	vadd.s32 v8, v18;
	v29 =	vor.u32 s29, v10  }
0x24d: {  	v34 =	vand.u32 $0xFFFFFF80, v8  }
0x24e: {  	v8 =	vand.u32 $0x7F, v8;
	v21 =	vadd.s32 v19, v34  }
0x24f: {  	v8 =	vor.u32 v8, v21;
	v20 =	vmul.f32 $8.000000000e+00, v20;
	_ =	sdelay $0x1  }
0x250: {  	v10 =	vsel vm0, v40, v61;
	v21 =	vsel vm0, v42, v41;
	[tilespmem:v29+s22+$0x0] =	vst.idx.msk $0xffff, v20;
	v29 =	vld [tilespmem:$0x1FBE0]  }
0x251: {  	v48 =	vmov v11;
	v11 =	vcombine.low v10, v21;
	_ =	sdelay $0x1  }
0x252: {  	v11 =	vadd.s32 v11, v18;
	v8 =	vld.idx.msk [tilespmem:v8+s28+$0x0], $0xffff  }
0x253: {  	v35 =	vand.u32 $0xFFFFFF80, v11  }
0x254: {  	v11 =	vand.u32 $0x7F, v11;
	v20 =	vadd.s32 v19, v35;
	v29 =	vor.u32 s29, v29  }
0x255: {  	v11 =	vor.u32 v11, v20;
	_ =	sdelay $0x1  }
0x256: {  	v6 =	vld [tilespmem:$0x1FBF0];
	v36 =	vsel vm0, v44, v46;
	v41 =	vmovc v12;
	v12 =	vsel vm0, v45, v62;
	v8 =	vmul.f32 $8.000000000e+00, v8  }
0x257: {  	v12 =	vcombine.low v12, v36  }
0x258: {  	[tilespmem:v29+s22+$0x0] =	vst.idx.msk $0xffff, v8  }
0x259: {  	v8 =	vld.idx.msk [tilespmem:v11+s28+$0x0], $0xffff;
	v11 =	vadd.s32 v12, v18  }
0x25a: {  	v12 =	vand.u32 $0xFFFFFF80, v11  }
0x25b: {  	v40 =	vor.u32 s29, v6;
	v11 =	vand.u32 $0x7F, v11;
	v12 =	vadd.s32 v19, v12  }
0x25c: {  	v11 =	vor.u32 v11, v12;
	_ =	sdelay $0x1  }
0x25d: {  	v6 =	vld [tilespmem:$0x1FC00];
	v8 =	vmul.f32 $8.000000000e+00, v8  }
0x25e: {  	v12 =	vcombine.low v4, v50  }
0x25f: {  	[tilespmem:v40+s22+$0x0] =	vst.idx.msk $0xffff, v8  }
0x260: {  	v8 =	vld.idx.msk [tilespmem:v11+s28+$0x0], $0xffff;
	v11 =	vadd.s32 v12, v18  }
0x261: {  	v12 =	vand.u32 $0xFFFFFF80, v11  }
0x262: {  	v47 =	vor.u32 s29, v6;
	v11 =	vand.u32 $0x7F, v11;
	v12 =	vadd.s32 v19, v12  }
0x263: {  	v11 =	vor.u32 v11, v12;
	_ =	sdelay $0x1  }
0x264: {  	v6 =	vld [tilespmem:$0x1FC10];
	v8 =	vmul.f32 $8.000000000e+00, v8  }
0x265: {  	v12 =	vcombine.low v7, v9  }
0x266: {  	[tilespmem:v47+s22+$0x0] =	vst.idx.msk $0xffff, v8  }
0x267: {  	v8 =	vld.idx.msk [tilespmem:v11+s28+$0x0], $0xffff;
	v11 =	vadd.s32 v12, v18  }
0x268: {  	v12 =	vand.u32 $0xFFFFFF80, v11  }
0x269: {  	v52 =	vor.u32 s29, v6;
	v11 =	vand.u32 $0x7F, v11;
	v12 =	vadd.s32 v19, v12  }
0x26a: {  	v11 =	vor.u32 v11, v12;
	_ =	sdelay $0x1  }
0x26b: {  	v6 =	vld [tilespmem:$0x1FC20];
	v8 =	vmul.f32 $8.000000000e+00, v8  }
0x26c: {  	v12 =	vcombine.low v22, v24  }
0x26d: {  	[tilespmem:v52+s22+$0x0] =	vst.idx.msk $0xffff, v8  }
0x26e: {  	v8 =	vld.idx.msk [tilespmem:v11+s28+$0x0], $0xffff;
	v11 =	vadd.s32 v12, v18  }
0x26f: {  	v12 =	vand.u32 $0xFFFFFF80, v11  }
0x270: {  	v55 =	vor.u32 s29, v6;
	v11 =	vand.u32 $0x7F, v11;
	v12 =	vadd.s32 v19, v12  }
0x271: {  	v11 =	vor.u32 v11, v12;
	_ =	sdelay $0x1  }
0x272: {  	v6 =	vld [tilespmem:$0x1FC30];
	v8 =	vmul.f32 $8.000000000e+00, v8  }
0x273: {  	v12 =	vcombine.low v23, v26  }
0x274: {  	[tilespmem:v55+s22+$0x0] =	vst.idx.msk $0xffff, v8  }
0x275: {  	v8 =	vld.idx.msk [tilespmem:v11+s28+$0x0], $0xffff;
	v11 =	vadd.s32 v12, v18  }
0x276: {  	v12 =	vand.u32 $0xFFFFFF80, v11  }
0x277: {  	v32 =	vor.u32 s29, v6;
	v11 =	vand.u32 $0x7F, v11;
	v12 =	vadd.s32 v19, v12  }
0x278: {  	v11 =	vor.u32 v11, v12;
	_ =	sdelay $0x1  }
0x279: {  	v6 =	vld [tilespmem:$0x1FC40];
	v8 =	vmul.f32 $8.000000000e+00, v8  }
0x27a: {  	v12 =	vcombine.low v25, v28  }
0x27b: {  	[tilespmem:v32+s22+$0x0] =	vst.idx.msk $0xffff, v8  }
0x27c: {  	v8 =	vld.idx.msk [tilespmem:v11+s28+$0x0], $0xffff;
	v11 =	vadd.s32 v12, v18  }
0x27d: {  	v12 =	vand.u32 $0xFFFFFF80, v11  }
0x27e: {  	v34 =	vor.u32 s29, v6;
	v11 =	vand.u32 $0x7F, v11;
	v12 =	vadd.s32 v19, v12  }
0x27f: {  	v11 =	vor.u32 v11, v12;
	_ =	sdelay $0x1  }
0x280: {  	v6 =	vld [tilespmem:$0x1FC50];
	v8 =	vmul.f32 $8.000000000e+00, v8  }
0x281: {  	v12 =	vcombine.low v27, v30  }
0x282: {  	[tilespmem:v34+s22+$0x0] =	vst.idx.msk $0xffff, v8  }
0x283: {  	v8 =	vld.idx.msk [tilespmem:v11+s28+$0x0], $0xffff;
	v11 =	vadd.s32 v12, v18  }
0x284: {  	v12 =	vand.u32 $0xFFFFFF80, v11  }
0x285: {  	v35 =	vor.u32 s29, v6;
	v11 =	vand.u32 $0x7F, v11;
	v12 =	vadd.s32 v19, v12  }
0x286: {  	v11 =	vor.u32 v11, v12;
	_ =	sdelay $0x1  }
0x287: {  	v6 =	vld [tilespmem:$0x1FC60];
	v8 =	vmul.f32 $8.000000000e+00, v8;
	_ =	sdelay $0x1  }
0x288: {  	[tilespmem:v35+s22+$0x0] =	vst.idx.msk $0xffff, v8  }
0x289: {  	v8 =	vld.idx.msk [tilespmem:v11+s28+$0x0], $0xffff  }
0x28a: {  	v10 =	vcombine.low v21, v10  }
0x28b: {  	v12 =	vor.u32 s29, v6  }
0x28c: {  	v10 =	vadd.s32 v10, v18  }
0x28d: {  	v11 =	vand.u32 $0xFFFFFF80, v10  }
0x28e: {  	v10 =	vand.u32 $0x7F, v10;
	v11 =	vadd.s32 v19, v11;
	v8 =	vmul.f32 $8.000000000e+00, v8  }
0x28f: {  	v10 =	vor.u32 v10, v11  }
0x290: {  	[tilespmem:v12+s22+$0x0] =	vst.idx.msk $0xffff, v8;
	v8 =	vor.u32 $0x20, v2;
	v2 =	vld [tilespmem:$0x1FC70];
	_ =	sdelay $0x1  }
0x291: {  	v28 =	vld [tilespmem:$0x1FCA0]  }
0x292: {  	v6 =	vld [tilespmem:$0x1FC90]  }
0x293: {  	v10 =	vld.idx.msk [tilespmem:v10+s28+$0x0], $0xffff  }
0x294: {  	v8 =	vadd.s32 v8, v18;
	v12 =	vor.u32 s29, v2;
	v2 =	vld [tilespmem:$0x1FC80]  }
0x295: {  	v11 =	vand.u32 $0xFFFFFF80, v8  }
0x296: {  	v8 =	vand.u32 $0x7F, v8;
	v11 =	vadd.s32 v19, v11  }
0x297: {  	v8 =	vor.u32 v8, v11;
	_ =	sdelay $0x1  }
0x298: {  	v20 =	vsel vm0, v0, v28;
	v10 =	vmul.f32 $8.000000000e+00, v10;
	v11 =	vsel vm0, v6, v2  }
0x299: {  	v36 =	vcombine.low v20, v11  }
0x29a: {  	[tilespmem:v12+s22+$0x0] =	vst.idx.msk $0xffff, v10  }
0x29b: {  	v8 =	vld.idx.msk [tilespmem:v8+s28+$0x0], $0xffff;
	v10 =	vadd.s32 v36, v18  }
0x29c: {  	v12 =	vor.u32 $0x1000, v37;
	v21 =	vand.u32 $0xFFFFFF80, v10  }
0x29d: {  	v12 =	vor.u32 s29, v12;
	v10 =	vand.u32 $0x7F, v10;
	v21 =	vadd.s32 v19, v21  }
0x29e: {  	v10 =	vor.u32 v10, v21;
	_ =	sdelay $0x1  }
0x29f: {  	v40 =	vld [tilespmem:$0x1FCB0];
	v22 =	vsel vm0, v38, v33;
	v8 =	vmul.f32 $8.000000000e+00, v8;
	v21 =	vsel vm0, v51, v31  }
0x2a0: {  	v39 =	vcombine.low v22, v21  }
0x2a1: {  	[tilespmem:v12+s22+$0x0] =	vst.idx.msk $0xffff, v8  }
0x2a2: {  	v8 =	vld.idx.msk [tilespmem:v10+s28+$0x0], $0xffff;
	v10 =	vadd.s32 v39, v18  }
0x2a3: {  	v12 =	vand.u32 $0xFFFFFF80, v10  }
0x2a4: {  	v23 =	vor.u32 s29, v40;
	v10 =	vand.u32 $0x7F, v10;
	v12 =	vadd.s32 v19, v12  }
0x2a5: {  	v10 =	vor.u32 v10, v12;
	_ =	sdelay $0x1  }
0x2a6: {  	v8 =	vmul.f32 $8.000000000e+00, v8  }
0x2a7: {  	v24 =	vsel vm0, v60, v59;
	v12 =	vsel vm0, v57, v56  }
0x2a8: {  	v25 =	vcombine.low v24, v12;
	[tilespmem:v23+s22+$0x0] =	vst.idx.msk $0xffff, v8  }
0x2a9: {  	v8 =	vld.idx.msk [tilespmem:v10+s28+$0x0], $0xffff  }
0x2aa: {  	v10 =	vadd.s32 v25, v18;
	v25 =	vld [tilespmem:$0x1FCC0];
	_ =	sdelay $0x1  }
0x2ab: {  	v55 =	vld [tilespmem:$0x1FE20]  }
0x2ac: {  	v36 =	vld [tilespmem:$0x1FE00];
	v47 =	vand.u32 $0xFFFFFF80, v10  }
0x2ad: {  	v23 =	vadd.s32 v19, v47;
	v47 =	vld [tilespmem:$0x1FE10]  }
0x2ae: {  	v10 =	vand.u32 $0x7F, v10;
	v25 =	vor.u32 s29, v25  }
0x2af: {  	v10 =	vor.u32 v10, v23;
	_ =	sdelay $0x1  }
0x2b0: {  	v8 =	vmul.f32 $8.000000000e+00, v8  }
0x2b1: {  	v23 =	vsel vm0, v36, v58;
	v26 =	vsel vm0, v55, v47  }
0x2b2: {  	v27 =	vcombine.low v26, v23;
	[tilespmem:v25+s22+$0x0] =	vst.idx.msk $0xffff, v8  }
0x2b3: {  	v8 =	vld.idx.msk [tilespmem:v10+s28+$0x0], $0xffff  }
0x2b4: {  	v10 =	vadd.s32 v27, v18;
	v27 =	vld [tilespmem:$0x1FCD0];
	_ =	sdelay $0x3  }
0x2b5: {  	v25 =	vand.u32 $0xFFFFFF80, v10  }
0x2b6: {  	v10 =	vand.u32 $0x7F, v10;
	v25 =	vadd.s32 v19, v25;
	v27 =	vor.u32 s29, v27  }
0x2b7: {  	v10 =	vor.u32 v10, v25;
	_ =	sdelay $0x1  }
0x2b8: {  	v25 =	vsel vm0, v28, v6;
	v28 =	vsel vm0, v2, v0;
	v2 =	vld [tilespmem:$0x1FCE0];
	v8 =	vmul.f32 $8.000000000e+00, v8  }
0x2b9: {  	v29 =	vcombine.low v28, v25  }
0x2ba: {  	[tilespmem:v27+s22+$0x0] =	vst.idx.msk $0xffff, v8  }
0x2bb: {  	v8 =	vld.idx.msk [tilespmem:v10+s28+$0x0], $0xffff;
	v10 =	vadd.s32 v29, v18  }
0x2bc: {  	v27 =	vand.u32 $0xFFFFFF80, v10  }
0x2bd: {  	v29 =	vor.u32 s29, v2;
	v10 =	vand.u32 $0x7F, v10;
	v27 =	vadd.s32 v19, v27  }
0x2be: {  	v10 =	vor.u32 v10, v27;
	_ =	sdelay $0x1  }
0x2bf: {  	v2 =	vld [tilespmem:$0x1FCF0];
	v8 =	vmul.f32 $8.000000000e+00, v8;
	_ =	sdelay $0x1  }
0x2c0: {  	v30 =	vsel vm0, v31, v38;
	v27 =	vsel vm0, v33, v51;
	[tilespmem:v29+s22+$0x0] =	vst.idx.msk $0xffff, v8  }
0x2c1: {  	v39 =	vmovc v62;
	v62 =	vmovc v61;
	v61 =	vmov v42;
	v42 =	vmov v13;
	v13 =	vcombine.low v30, v27;
	v8 =	vld.idx.msk [tilespmem:v10+s28+$0x0], $0xffff;
	_ =	sdelay $0x1  }
0x2c2: {  	v29 =	vor.u32 s29, v2;
	v10 =	vadd.s32 v13, v18  }
0x2c3: {  	v13 =	vand.u32 $0xFFFFFF80, v10  }
0x2c4: {  	v10 =	vand.u32 $0x7F, v10;
	v13 =	vadd.s32 v19, v13  }
0x2c5: {  	v10 =	vor.u32 v10, v13;
	v8 =	vmul.f32 $8.000000000e+00, v8  }
0x2c6: {  	v5 =	vmov v45  }
0x2c7: {  	v45 =	vmov v14;
	v14 =	vsel vm0, v56, v60;
	v13 =	vsel vm0, v59, v57;
	[tilespmem:v29+s22+$0x0] =	vst.idx.msk $0xffff, v8;
	v29 =	vld [tilespmem:$0x1FD00]  }
0x2c8: {  	v35 =	vmov v46;
	v46 =	vmov v15;
	v15 =	vcombine.low v14, v13;
	_ =	sdelay $0x1  }
0x2c9: {  	v8 =	vld.idx.msk [tilespmem:v10+s28+$0x0], $0xffff;
	v10 =	vadd.s32 v15, v18  }
0x2ca: {  	v15 =	vand.u32 $0xFFFFFF80, v10  }
0x2cb: {  	v10 =	vand.u32 $0x7F, v10;
	v15 =	vadd.s32 v19, v15;
	v29 =	vor.u32 s29, v29  }
0x2cc: {  	v10 =	vor.u32 v10, v15  }
0x2cd: {  	v15 =	vsel vm0, v47, v36;
	v47 =	vmov v16;
	v16 =	vsel vm0, v58, v55  }
0x2ce: {  	v15 =	vcombine.low v16, v15;
	v16 =	vld [tilespmem:$0x1FD10];
	v8 =	vmul.f32 $8.000000000e+00, v8;
	_ =	sdelay $0x1  }
0x2cf: {  	[tilespmem:v29+s22+$0x0] =	vst.idx.msk $0xffff, v8  }
0x2d0: {  	v8 =	vld.idx.msk [tilespmem:v10+s28+$0x0], $0xffff;
	v10 =	vadd.s32 v15, v18  }
0x2d1: {  	v15 =	vand.u32 $0xFFFFFF80, v10  }
0x2d2: {  	v16 =	vor.u32 s29, v16;
	v10 =	vand.u32 $0x7F, v10;
	v15 =	vadd.s32 v19, v15  }
0x2d3: {  	v10 =	vor.u32 v10, v15;
	_ =	sdelay $0x1  }
0x2d4: {  	v15 =	vld [tilespmem:$0x1FD20];
	v8 =	vmul.f32 $8.000000000e+00, v8;
	_ =	sdelay $0x1  }
0x2d5: {  	[tilespmem:v16+s22+$0x0] =	vst.idx.msk $0xffff, v8  }
0x2d6: {  	v11 =	vcombine.low v11, v20;
	v8 =	vld.idx.msk [tilespmem:v10+s28+$0x0], $0xffff;
	_ =	sdelay $0x1  }
0x2d7: {  	v10 =	vadd.s32 v11, v18;
	v15 =	vor.u32 s29, v15  }
0x2d8: {  	v11 =	vand.u32 $0xFFFFFF80, v10  }
0x2d9: {  	v10 =	vand.u32 $0x7F, v10;
	v11 =	vadd.s32 v19, v11  }
0x2da: {  	v10 =	vor.u32 v10, v11;
	v8 =	vmul.f32 $8.000000000e+00, v8;
	_ =	sdelay $0x1  }
0x2db: {  	[tilespmem:v15+s22+$0x0] =	vst.idx.msk $0xffff, v8;
	v15 =	vld [tilespmem:$0x1FD30]  }
0x2dc: {  	v11 =	vcombine.low v21, v22;
	_ =	sdelay $0x1  }
0x2dd: {  	v8 =	vld.idx.msk [tilespmem:v10+s28+$0x0], $0xffff;
	v10 =	vadd.s32 v11, v18  }
0x2de: {  	v11 =	vand.u32 $0xFFFFFF80, v10  }
0x2df: {  	v10 =	vand.u32 $0x7F, v10;
	v11 =	vadd.s32 v19, v11;
	v15 =	vor.u32 s29, v15  }
0x2e0: {  	v10 =	vor.u32 v10, v11;
	_ =	sdelay $0x1  }
0x2e1: {  	v11 =	vcombine.low v12, v24;
	v12 =	vld [tilespmem:$0x1FD40];
	v8 =	vmul.f32 $8.000000000e+00, v8;
	_ =	sdelay $0x1  }
0x2e2: {  	[tilespmem:v15+s22+$0x0] =	vst.idx.msk $0xffff, v8  }
0x2e3: {  	v8 =	vld.idx.msk [tilespmem:v10+s28+$0x0], $0xffff;
	_ =	sdelay $0x1  }
0x2e4: {  	v12 =	vor.u32 s29, v12;
	v10 =	vadd.s32 v11, v18  }
0x2e5: {  	v11 =	vand.u32 $0xFFFFFF80, v10  }
0x2e6: {  	v10 =	vand.u32 $0x7F, v10;
	v11 =	vadd.s32 v19, v11  }
0x2e7: {  	v10 =	vor.u32 v10, v11;
	v8 =	vmul.f32 $8.000000000e+00, v8;
	_ =	sdelay $0x1  }
0x2e8: {  	[tilespmem:v12+s22+$0x0] =	vst.idx.msk $0xffff, v8;
	v12 =	vld [tilespmem:$0x1FD50];
	_ =	sdelay $0x2  }
0x2e9: {  	v11 =	vcombine.low v23, v26;
	v8 =	vld.idx.msk [tilespmem:v10+s28+$0x0], $0xffff;
	_ =	sdelay $0x1  }
0x2ea: {  	v10 =	vadd.s32 v11, v18;
	v12 =	vor.u32 s29, v12  }
0x2eb: {  	v11 =	vand.u32 $0xFFFFFF80, v10  }
0x2ec: {  	v10 =	vand.u32 $0x7F, v10;
	v11 =	vadd.s32 v19, v11  }
0x2ed: {  	v10 =	vor.u32 v10, v11;
	v8 =	vmul.f32 $8.000000000e+00, v8;
	_ =	sdelay $0x1  }
0x2ee: {  	[tilespmem:v12+s22+$0x0] =	vst.idx.msk $0xffff, v8;
	v12 =	vld [tilespmem:$0x1FD60];
	_ =	sdelay $0x2  }
0x2ef: {  	v11 =	vcombine.low v25, v28;
	v8 =	vld.idx.msk [tilespmem:v10+s28+$0x0], $0xffff;
	_ =	sdelay $0x1  }
0x2f0: {  	v10 =	vadd.s32 v11, v18;
	v12 =	vor.u32 s29, v12  }
0x2f1: {  	v11 =	vand.u32 $0xFFFFFF80, v10  }
0x2f2: {  	v10 =	vand.u32 $0x7F, v10;
	v11 =	vadd.s32 v19, v11  }
0x2f3: {  	v10 =	vor.u32 v10, v11;
	v8 =	vmul.f32 $8.000000000e+00, v8;
	_ =	sdelay $0x1  }
0x2f4: {  	[tilespmem:v12+s22+$0x0] =	vst.idx.msk $0xffff, v8;
	v12 =	vld [tilespmem:$0x1FD70];
	_ =	sdelay $0x2  }
0x2f5: {  	v11 =	vcombine.low v27, v30;
	v8 =	vld.idx.msk [tilespmem:v10+s28+$0x0], $0xffff;
	_ =	sdelay $0x1  }
0x2f6: {  	v10 =	vadd.s32 v11, v18;
	v12 =	vor.u32 s29, v12  }
0x2f7: {  	v11 =	vand.u32 $0xFFFFFF80, v10  }
0x2f8: {  	v10 =	vand.u32 $0x7F, v10;
	v11 =	vadd.s32 v19, v11  }
0x2f9: {  	v10 =	vor.u32 v10, v11;
	v8 =	vmul.f32 $8.000000000e+00, v8;
	_ =	sdelay $0x1  }
0x2fa: {  	[tilespmem:v12+s22+$0x0] =	vst.idx.msk $0xffff, v8;
	v12 =	vld [tilespmem:$0x1FD80];
	_ =	sdelay $0x2  }
0x2fb: {  	v11 =	vcombine.low v13, v14;
	v8 =	vld.idx.msk [tilespmem:v10+s28+$0x0], $0xffff;
	_ =	sdelay $0x1  }
0x2fc: {  	v10 =	vadd.s32 v11, v18;
	v12 =	vor.u32 s29, v12  }
0x2fd: {  	v11 =	vand.u32 $0xFFFFFF80, v10  }
0x2fe: {  	v10 =	vand.u32 $0x7F, v10;
	v11 =	vadd.s32 v19, v11  }
0x2ff: {  	v24 =	vld [tilespmem:$0x1FE30];
	v10 =	vor.u32 v10, v11;
	v8 =	vmul.f32 $8.000000000e+00, v8  }
0x300: {  	v26 =	vld [tilespmem:$0x1FE50]  }
0x301: {  	[tilespmem:v12+s22+$0x0] =	vst.idx.msk $0xffff, v8;
	v12 =	vld [tilespmem:$0x1FD90]  }
0x302: {  	v34 =	vlaneseq.u32;
	v25 =	vld [tilespmem:$0x1FE40]  }
0x303: {  	v27 =	vld [tilespmem:$0x1FE60];
	v8 =	vor.u32 $0x30, v34  }
0x304: {  	v10 =	vld.idx.msk [tilespmem:v10+s28+$0x0], $0xffff;
	v8 =	vadd.s32 v8, v18  }
0x305: {  	v11 =	vand.u32 $0xFFFFFF80, v8  }
0x306: {  	v8 =	vand.u32 $0x7F, v8;
	v11 =	vadd.s32 v19, v11;
	v12 =	vor.u32 s29, v12  }
0x307: {  	v8 =	vor.u32 v8, v11;
	_ =	sdelay $0x1  }
0x308: {  	v29 =	vld [tilespmem:$0x1FE80];
	v13 =	vsel vm0, v27, v26;
	v11 =	vsel vm0, v25, v24;
	v10 =	vmul.f32 $8.000000000e+00, v10  }
0x309: {  	v28 =	vld [tilespmem:$0x1FE70];
	v14 =	vcombine.low v13, v11  }
0x30a: {  	v30 =	vld [tilespmem:$0x1FE90];
	[tilespmem:v12+s22+$0x0] =	vst.idx.msk $0xffff, v10  }
0x30b: {  	v10 =	vadd.s32 v14, v18;
	v8 =	vld.idx.msk [tilespmem:v8+s28+$0x0], $0xffff  }
0x30c: {  	v34 =	vld [tilespmem:$0x1FEA0];
	v12 =	vor.u32 $0x1800, v37;
	v14 =	vand.u32 $0xFFFFFF80, v10  }
0x30d: {  	v12 =	vor.u32 s29, v12;
	v10 =	vand.u32 $0x7F, v10;
	v14 =	vadd.s32 v19, v14  }
0x30e: {  	v10 =	vor.u32 v10, v14;
	_ =	sdelay $0x1  }
0x30f: {  	v8 =	vmul.f32 $8.000000000e+00, v8  }
0x310: {  	v15 =	vsel vm0, v34, v30;
	v14 =	vsel vm0, v29, v28  }
0x311: {  	v16 =	vcombine.low v15, v14;
	[tilespmem:v12+s22+$0x0] =	vst.idx.msk $0xffff, v8  }
0x312: {  	v8 =	vld.idx.msk [tilespmem:v10+s28+$0x0], $0xffff  }
0x313: {  	v10 =	vadd.s32 v16, v18;
	v16 =	vld [tilespmem:$0x1FDA0]  }
0x314: {  	v32 =	vmov v9;
	v9 =	vmov v7;
	v7 =	vmov v3;
	v3 =	vld [tilespmem:$0x1FEE0]  }
0x315: {  	v6 =	vmov v59;
	v59 =	vmov v38;
	v38 =	vmov v0;
	v0 =	vld [tilespmem:$0x1FED0]  }
0x316: {  	v36 =	vmovc v50;
	v50 =	vmovc v63;
	v63 =	vmov v57;
	v57 =	vmov v51;
	v51 =	vmov v44;
	v44 =	vld [tilespmem:$0x1FEB0]  }
0x317: {  	v55 =	vld [tilespmem:$0x1FEC0];
	v12 =	vand.u32 $0xFFFFFF80, v10  }
0x318: {  	v10 =	vand.u32 $0x7F, v10;
	v12 =	vadd.s32 v19, v12;
	v16 =	vor.u32 s29, v16  }
0x319: {  	v10 =	vor.u32 v10, v12;
	_ =	sdelay $0x1  }
0x31a: {  	v8 =	vmul.f32 $8.000000000e+00, v8  }
0x31b: {  	v20 =	vsel vm0, v3, v0;
	v12 =	vsel vm0, v55, v44  }
0x31c: {  	v52 =	vcombine.low v20, v12;
	[tilespmem:v16+s22+$0x0] =	vst.idx.msk $0xffff, v8  }
0x31d: {  	v8 =	vld.idx.msk [tilespmem:v10+s28+$0x0], $0xffff  }
0x31e: {  	v10 =	vadd.s32 v52, v18;
	v52 =	vld [tilespmem:$0x1FDB0];
	_ =	sdelay $0x1  }
0x31f: {  	v17 =	vld [tilespmem:$0x1FEF0]  }
0x320: {  	v40 =	vmov v33;
	v33 =	vmov v1;
	v1 =	vld [tilespmem:$0x1FF10]  }
0x321: {  	v2 =	vld [tilespmem:$0x1FF00]  }
0x322: {  	v16 =	vand.u32 $0xFFFFFF80, v10;
	v21 =	vor.u32 s29, v52;
	v52 =	vld [tilespmem:$0x1FF20]  }
0x323: {  	v10 =	vand.u32 $0x7F, v10;
	v16 =	vadd.s32 v19, v16  }
0x324: {  	v10 =	vor.u32 v10, v16;
	_ =	sdelay $0x1  }
0x325: {  	v8 =	vmul.f32 $8.000000000e+00, v8  }
0x326: {  	v16 =	vsel vm0, v2, v17;
	v22 =	vsel vm0, v52, v1  }
0x327: {  	[tilespmem:v21+s22+$0x0] =	vst.idx.msk $0xffff, v8;
	v23 =	vcombine.low v22, v16  }
0x328: {  	v8 =	vld.idx.msk [tilespmem:v10+s28+$0x0], $0xffff  }
0x329: {  	v10 =	vadd.s32 v23, v18;
	v23 =	vld [tilespmem:$0x1FDC0];
	_ =	sdelay $0x3  }
0x32a: {  	v21 =	vand.u32 $0xFFFFFF80, v10  }
0x32b: {  	v10 =	vand.u32 $0x7F, v10;
	v21 =	vadd.s32 v19, v21;
	v23 =	vor.u32 s29, v23  }
0x32c: {  	v10 =	vor.u32 v10, v21;
	_ =	sdelay $0x1  }
0x32d: {  	v8 =	vmul.f32 $8.000000000e+00, v8  }
0x32e: {  	v24 =	vsel vm0, v24, v27;
	v21 =	vsel vm0, v26, v25  }
0x32f: {  	v25 =	vcombine.low v24, v21;
	[tilespmem:v23+s22+$0x0] =	vst.idx.msk $0xffff, v8  }
0x330: {  	v8 =	vld.idx.msk [tilespmem:v10+s28+$0x0], $0xffff  }
0x331: {  	v10 =	vadd.s32 v25, v18;
	v25 =	vld [tilespmem:$0x1FDD0];
	_ =	sdelay $0x3  }
0x332: {  	v23 =	vand.u32 $0xFFFFFF80, v10  }
0x333: {  	v10 =	vand.u32 $0x7F, v10;
	v23 =	vadd.s32 v19, v23;
	v25 =	vor.u32 s29, v25  }
0x334: {  	v10 =	vor.u32 v10, v23;
	_ =	sdelay $0x1  }
0x335: {  	v8 =	vmul.f32 $8.000000000e+00, v8  }
0x336: {  	v26 =	vsel vm0, v28, v34;
	v23 =	vsel vm0, v30, v29  }
0x337: {  	v27 =	vcombine.low v26, v23;
	[tilespmem:v25+s22+$0x0] =	vst.idx.msk $0xffff, v8  }
0x338: {  	v8 =	vld.idx.msk [tilespmem:v10+s28+$0x0], $0xffff  }
0x339: {  	v10 =	vadd.s32 v27, v18;
	v27 =	vld [tilespmem:$0x1FDE0];
	_ =	sdelay $0x3  }
0x33a: {  	v25 =	vand.u32 $0xFFFFFF80, v10  }
0x33b: {  	v10 =	vand.u32 $0x7F, v10;
	v25 =	vadd.s32 v19, v25;
	v27 =	vor.u32 s29, v27  }
0x33c: {  	v10 =	vor.u32 v10, v25;
	_ =	sdelay $0x1  }
0x33d: {  	v8 =	vmul.f32 $8.000000000e+00, v8  }
0x33e: {  	v28 =	vsel vm0, v44, v3;
	v25 =	vsel vm0, v0, v55  }
0x33f: {  	v29 =	vcombine.low v28, v25;
	[tilespmem:v27+s22+$0x0] =	vst.idx.msk $0xffff, v8  }
0x340: {  	v8 =	vld.idx.msk [tilespmem:v10+s28+$0x0], $0xffff  }
0x341: {  	v10 =	vadd.s32 v29, v18;
	v29 =	vld [tilespmem:$0x1FDF0];
	_ =	sdelay $0x3  }
0x342: {  	v27 =	vand.u32 $0xFFFFFF80, v10  }
0x343: {  	v10 =	vand.u32 $0x7F, v10;
	v27 =	vadd.s32 v19, v27;
	v29 =	vor.u32 s29, v29  }
0x344: {  	v10 =	vor.u32 v10, v27;
	_ =	sdelay $0x1  }
0x345: {  	v30 =	vsel vm0, v17, v52;
	v27 =	vsel vm0, v1, v2;
	v8 =	vmul.f32 $8.000000000e+00, v8  }
0x346: {  	v27 =	vcombine.low v30, v27  }
0x347: {  	[tilespmem:v29+s22+$0x0] =	vst.idx.msk $0xffff, v8  }
0x348: {  	v8 =	vld.idx.msk [tilespmem:v10+s28+$0x0], $0xffff;
	v10 =	vadd.s32 v27, v18  }
0x349: {  	v27 =	vand.u32 $0xFFFFFF80, v10  }
0x34a: {  	v29 =	vor.u32 s29, v43;
	v10 =	vand.u32 $0x7F, v10;
	v27 =	vadd.s32 v19, v27  }
0x34b: {  	v10 =	vor.u32 v10, v27;
	_ =	sdelay $0x1  }
0x34c: {  	v8 =	vmul.f32 $8.000000000e+00, v8  }
0x34d: {  	v11 =	vcombine.low v11, v13  }
0x34e: {  	[tilespmem:v29+s22+$0x0] =	vst.idx.msk $0xffff, v8  }
0x34f: {  	v8 =	vld.idx.msk [tilespmem:v10+s28+$0x0], $0xffff;
	v10 =	vadd.s32 v11, v18  }
0x350: {  	v11 =	vand.u32 $0xFFFFFF80, v10  }
0x351: {  	v13 =	vor.u32 s29, v54;
	v10 =	vand.u32 $0x7F, v10;
	v11 =	vadd.s32 v19, v11  }
0x352: {  	v10 =	vor.u32 v10, v11;
	_ =	sdelay $0x1  }
0x353: {  	v8 =	vmul.f32 $8.000000000e+00, v8  }
0x354: {  	v11 =	vcombine.low v14, v15  }
0x355: {  	[tilespmem:v13+s22+$0x0] =	vst.idx.msk $0xffff, v8  }
0x356: {  	v8 =	vld.idx.msk [tilespmem:v10+s28+$0x0], $0xffff;
	v10 =	vadd.s32 v11, v18  }
0x357: {  	v11 =	vand.u32 $0xFFFFFF80, v10  }
0x358: {  	v13 =	vor.u32 s29, v49;
	v10 =	vand.u32 $0x7F, v10;
	v11 =	vadd.s32 v19, v11  }
0x359: {  	v10 =	vor.u32 v10, v11;
	_ =	sdelay $0x1  }
0x35a: {  	v55 =	vld [tilespmem:$0x1FF90];
	v8 =	vmul.f32 $8.000000000e+00, v8  }
0x35b: {  	v11 =	vcombine.low v12, v20  }
0x35c: {  	[tilespmem:v13+s22+$0x0] =	vst.idx.msk $0xffff, v8  }
0x35d: {  	v8 =	vld.idx.msk [tilespmem:v10+s28+$0x0], $0xffff;
	v10 =	vadd.s32 v11, v18  }
0x35e: {  	v11 =	vand.u32 $0xFFFFFF80, v10  }
0x35f: {  	v12 =	vor.u32 s29, v55;
	v10 =	vand.u32 $0x7F, v10;
	v11 =	vadd.s32 v19, v11  }
0x360: {  	v10 =	vor.u32 v10, v11;
	_ =	sdelay $0x1  }
0x361: {  	v34 =	vld [tilespmem:$0x1FFA0];
	v8 =	vmul.f32 $8.000000000e+00, v8  }
0x362: {  	v11 =	vcombine.low v16, v22  }
0x363: {  	[tilespmem:v12+s22+$0x0] =	vst.idx.msk $0xffff, v8  }
0x364: {  	v8 =	vld.idx.msk [tilespmem:v10+s28+$0x0], $0xffff;
	v10 =	vadd.s32 v11, v18  }
0x365: {  	v11 =	vand.u32 $0xFFFFFF80, v10  }
0x366: {  	v12 =	vor.u32 s29, v34;
	v10 =	vand.u32 $0x7F, v10;
	v11 =	vadd.s32 v19, v11  }
0x367: {  	v10 =	vor.u32 v10, v11;
	_ =	sdelay $0x1  }
0x368: {  	v3 =	vmovc v7;
	v7 =	vmov v9;
	v9 =	vmov v32;
	v32 =	vld [tilespmem:$0x1FFC0];
	v8 =	vmul.f32 $8.000000000e+00, v8  }
0x369: {  	v11 =	vcombine.low v21, v24  }
0x36a: {  	[tilespmem:v12+s22+$0x0] =	vst.idx.msk $0xffff, v8  }
0x36b: {  	v8 =	vld.idx.msk [tilespmem:v10+s28+$0x0], $0xffff;
	v10 =	vadd.s32 v11, v18  }
0x36c: {  	v11 =	vand.u32 $0xFFFFFF80, v10  }
0x36d: {  	v12 =	vor.u32 s29, v32;
	v10 =	vand.u32 $0x7F, v10;
	v11 =	vadd.s32 v19, v11  }
0x36e: {  	v10 =	vor.u32 v10, v11;
	_ =	sdelay $0x1  }
0x36f: {  	v17 =	vld [tilespmem:$0x1FFE0];
	v8 =	vmul.f32 $8.000000000e+00, v8  }
0x370: {  	v11 =	vcombine.low v23, v26  }
0x371: {  	[tilespmem:v12+s22+$0x0] =	vst.idx.msk $0xffff, v8  }
0x372: {  	v8 =	vld.idx.msk [tilespmem:v10+s28+$0x0], $0xffff;
	v10 =	vadd.s32 v11, v18  }
0x373: {  	v11 =	vand.u32 $0xFFFFFF80, v10  }
0x374: {  	v12 =	vor.u32 s29, v17;
	v10 =	vand.u32 $0x7F, v10;
	v11 =	vadd.s32 v19, v11  }
0x375: {  	v10 =	vor.u32 v10, v11;
	_ =	sdelay $0x1  }
0x376: {  	v8 =	vmul.f32 $8.000000000e+00, v8;
	_ =	sdelay $0x1  }
0x377: {  	v11 =	vcombine.low v25, v28;
	[tilespmem:v12+s22+$0x0] =	vst.idx.msk $0xffff, v8  }
0x378: {  	v8 =	vld.idx.msk [tilespmem:v10+s28+$0x0], $0xffff  }
0x379: {  	v10 =	vadd.s32 v11, v18;
	v18 =	vld [tilespmem:$0x1FF70];
	_ =	sdelay $0x3  }
0x37a: {  	v11 =	vand.u32 $0xFFFFFF80, v10  }
0x37b: {  	v10 =	vand.u32 $0x7F, v10;
	v11 =	vadd.s32 v19, v11;
	v12 =	vor.u32 s29, v18  }
0x37c: {  	v10 =	vor.u32 v10, v11;
	_ =	sdelay $0x1  }
0x37d: {  	v0 =	vmovc v38;
	v38 =	vmov v59;
	v59 =	vmov v6;
	v6 =	vld [tilespmem:$0x1FF80];
	v8 =	vmul.f32 $8.000000000e+00, v8;
	_ =	sdelay $0x1  }
0x37e: {  	[tilespmem:v12+s22+$0x0] =	vst.idx.msk $0xffff, v8  }
0x37f: {  	v8 =	vld.idx.msk [tilespmem:v10+s28+$0x0], $0xffff;
	_ =	sdelay $0x1  }
0x380: {  	v1 =	vmov v33;
	v33 =	vmov v40;
	v40 =	vld [tilespmem:$0x1FFD0];
	v10 =	vor.u32 s29, v6  }
0x381: {  	p0 =	sne.s32 s29, $0x70;
	v30 =	vmov v43;
	v43 =	vld [tilespmem:$0x1FF30]  }
.Ltmp0:
0x382: {  	v24 =	vld [tilespmem:$0x1FFF0];
	(pc) =	sbr.rel @p0 .LBB2_3-.Ltmp0, $4  }
0x383: {  	v44 =	vmov v51;
	v11 =	vmov v48;
	v48 =	vld [tilespmem:$0x1FF60];
	v8 =	vmul.f32 $8.000000000e+00, v8  }
0x384: {  	v51 =	vmovc v57;
	v57 =	vmovc v63;
	v63 =	vmov v50;
	v50 =	vmov v36;
	v12 =	vmov v41;
	v41 =	vld [tilespmem:$0x1FFB0]  }
0x385: {  	v2 =	vlaneseq.u32;
	v15 =	vmovc v46;
	v46 =	vmovc v35;
	v14 =	vmov v45;
	v45 =	vmov v5;
	[tilespmem:v10+s22+$0x0] =	vst.idx.msk $0xffff, v8;
	v10 =	vld [tilespmem:$0x1FF50]  }
0x386: {  	s24 =	sadd.s32 $0x10, s24;
	v13 =	vmovc v42;
	v42 =	vmovc v61;
	v61 =	vmov v62;
	v62 =	vmov v39;
	v16 =	vmov v47;
	s29 =	sadd.s32 $0x10, s29;
	v8 =	vld [tilespmem:$0x1FF40]  }
0x387: {  	p0 =	sgt.u32 s20, $0xC3  }
0x388: {  	s24 =	sadd.s32 @!p0 s20, s16  }
0x389: {  	s28 =	sshll.u32 @!p0 s24, $0x4;
	s29 =	sshll.u32 @!p0 s24, $0x7  }
0x38a: {  	s24 =	sshrl.u32 @!p0 s24, $0x1;
	s28 =	sand.u32 @!p0 $0xFFFF000, s28;
	s29 =	sand.u32 @!p0 $0xF80, s29  }
0x38b: {  	s24 =	sand.u32 @!p0 $0x70, s24;
	s28 =	sor.u32 @!p0 s29, s28  }
0x38c: {  	s23 =	sshll.u32 @!p0 s23, $0x7;
	s24 =	sor.u32 @!p0 s24, s28  }
0x38d: {  	s29 =	simm.s32 @!p0 $0x0;
	s28 =	sadd.s32 @!p0 s5, s24;
	s24 =	sadd.s32 @!p0 s6, s24  }
0x38e: {  	[tilespmem:s23], [sflag:$0x1] =	stream.linear.gather @!p0 [hbm4b:s28+s29], $0x80, $0x38;
	[tilespmem:$0x18400] =	vst v63  }
0x38f: {  	s23 =	sor.u32 @!p0 $0x200, s23;
	s28 =	sadd.s32 s4, s20;
	s20 =	sadd.s32 $0x1, s20  }
0x390: {  	[tilespmem:s23], [sflag:$0x1] =	stream.linear.gather @!p0 [hbm4b:s24+s29], $0x80, $0x38;
	[tilespmem:$0x18400] =	vst v63  }
0x391: {  	p0 =	sne.s32 s20, $0xC8  }
.Ltmp1:
0x392: {  	s29 =	sshll.u32 s28, $0x7;
	(pc) =	sbr.rel @p0 .LBB2_2-.Ltmp1, $4  }
0x393: {  	s23 =	sshll.u32 s28, $0xA;
	s24 =	sand.u32 $0xF80, s29  }
0x394: {  	s23 =	sand.u32 $0xFFF8000, s23;
	s24 =	sadd.s32 s2, s24  }
0x395: {  	s18 =	sadd.s32 $0x1, s18;
	s23 =	sadd.s32 s23, s24  }
0x396: {  	[hbm4b:s23+s26] =	stream.strided.scatter [tilespmem:s22], [sflag:$0x3], $0x2000, s1, s26, $0x38;
	[tilespmem:$0x18400] =	vst v63  }
0x397: {  	_ =	swait.ge [sflag:s31], $0x2000  }
0x398: {  	[sflag:s31] =	ssyncset.done $0x0  }
0x399: {  	[sflag:s31] =	ssyncadd.s32 $0xFFFFE000  }
0x39a: {  	_ =	swait.ge [sflag:s31], $0x2000  }
0x39b: {  	[sflag:s31] =	ssyncset.done $0x0  }
0x39c: {  	s0 =	sadd.s32 $0x1, s0;
	[sflag:s31] =	ssyncadd.s32 $0xFFFFE000  }
0x39d: {  	p0 =	sne.s32 s0, s17;
	_ =	swait.ge [sflag:s31], $0x2000  }
.Ltmp2:
0x39e: {  	[sflag:s31] =	ssyncset.done $0x0;
	(pc) =	sbr.rel @p0 .LBB2_1-.Ltmp2, $4  }
0x39f: {  	[sflag:s31] =	ssyncadd.s32 $0xFFFFE000  }
0x3a0: {  	_ =	swait.ge [sflag:s31], $0x2000  }
0x3a1: {  	[sflag:s31] =	ssyncset.done $0x0  }
0x3a2: {  	[sflag:s31] =	ssyncadd.s32 $0xFFFFE000  }
0x3a3: {  	_ =	sfence.sel $0x180000  }
0x3a4: {  	[bflag:$0x0] =	sbarrier.arrive $0xFFFF  }
0x3a5: {  	_ =	strace $0x90000047  }
0x3a6: {  	s0 =	stileid.u32;
	[bflag:$0x2] =	sbarrier.arrive $0xFFFF  }
0x3a7: {  	p0 =	sne.s32 s0, $0x0;
	s0 =	rddreg [dreg:$0x2]  }
0x3a8: {  	s0 =	sadd.s32 @!p0 $0x100000, s0  }
0x3a9: {  	[sflag:s0] =	ssyncadd.tile.s32 @!p0 $0x1;
	_ =	shalt  }
.Lfunc_end2:
_tile_overlayer_lowered:
.L_overlay_start_2:
0x3aa: {  	(tag) =	ssettag $0x2  }
0x3ab: {  	s0 =	rddreg [dreg:$0x0];
	s2 =	stileid.u32  }
0x3ac: {  	s1 =	rddreg [dreg:$0x1];
	p0 =	sne.s32 s2, $0x0  }
0x3ad: {  	s3 =	rddreg [dreg:$0x2];
	[bflag:$0x3] =	sbarrier.arrive $0xFFFF;
	s2 =	simm.s32 @!p0 $0x1C04  }
0x3ae: {  	[timem:s3], [sflag:s2] =	dma.local @!p0 [hbm:s0], s1  }
0x3af: {  	s0 =	simm.s32 @!p0 $0x4  }
0x3b0: {  	_ =	swait.ge @!p0 [sflag:s0], s1  }
0x3b1: {  	s1 =	ssub.s32 @!p0 $0x0, s1;
	[sflag:s0] =	ssyncset.done @!p0 $0x0  }
0x3b2: {  	[sflag:s0] =	ssyncadd.s32 @!p0 s1  }
0x3b3: {  	[bflag:$0x3] =	sbarrier.arrive $0xFFFF  }
0x3b4: {  	_ =	shalt  }

</sc_bundles>
